<compile_context>
chip_gen: v7x
topology: tpu7x:2x2x1
jax: 0.10.2.dev20260603
libtpu: 0.0.44.dev20260713+nightly
codegen_flags: <defaults>
</compile_context>

<pallas_src>
import functools

import jax
import jax.numpy as jnp
from jax import lax
from jax.experimental import pallas as pl
from jax.experimental.pallas import tpu as pltpu
from jax.experimental.pallas import tpu_sc as plsc

PAD = 0


_ROW_BLK = 2000


def _blend_body(b_ref, o_ref, m_ref, out_ref):
    b = b_ref[...]
    o = o_ref[...]
    m = m_ref[...]
    out_ref[...] = b * (1.0 - m) + o * m


def _blend_table(base_weight, over_weight, override_mask):
    V, D = base_weight.shape
    grid = V // _ROW_BLK
    return pl.pallas_call(
        _blend_body,
        grid=(grid,),
        in_specs=[
            pl.BlockSpec((_ROW_BLK, D), lambda i: (i, 0)),
            pl.BlockSpec((_ROW_BLK, D), lambda i: (i, 0)),
            pl.BlockSpec((_ROW_BLK, 1), lambda i: (i, 0)),
        ],
        out_specs=pl.BlockSpec((_ROW_BLK, D), lambda i: (i, 0)),
        out_shape=jax.ShapeDtypeStruct((V, D), jnp.float32),
    )(base_weight, over_weight, override_mask.reshape(V, 1))



_SLAB = 128


def _make_transpose(B, L, D):
    LD = L * D

    def tr_body(in_hbm, out_ref, buf, sem):
        j = pl.program_id(0)
        for r in range(_SLAB):
            pltpu.make_async_copy(
                in_hbm.at[pl.ds((j * _SLAB + r) * LD, LD)], buf.at[r], sem
            ).start()
        for r in range(_SLAB):
            pltpu.make_async_copy(
                in_hbm.at[pl.ds((j * _SLAB + r) * LD, LD)], buf.at[r], sem
            ).wait()
        out_ref[...] = jnp.transpose(buf[...], (1, 0))

    return pl.pallas_call(
        tr_body,
        grid=(B // _SLAB,),
        in_specs=[pl.BlockSpec(memory_space=pl.ANY)],
        out_specs=pl.BlockSpec((LD, _SLAB), lambda j: (0, j)),
        out_shape=jax.ShapeDtypeStruct((LD, B), jnp.float32),
        scratch_shapes=[
            pltpu.VMEM((_SLAB, LD), jnp.float32),
            pltpu.SemaphoreType.DMA,
        ],
    )


def _transpose_out(emb_lin, B, L, D):
    embT2d = _make_transpose(B, L, D)(emb_lin.reshape(-1))
    return jnp.transpose(embT2d.reshape(L, D, B), (2, 0, 1))



_NC, _NS, _LANES = 2, 16, 16
_NW = _NC * _NS
_CHUNK = 1024
_SUB = 128


def _make_gather(N, V, D):
    per_w = N // _NW
    n_blk = per_w // _CHUNK
    mesh = plsc.VectorSubcoreMesh(core_axis_name="c", subcore_axis_name="s")

    @functools.partial(
        pl.kernel,
        mesh=mesh,
        compiler_params=pltpu.CompilerParams(use_tc_tiling_on_sc=False),
        out_type=[
            jax.ShapeDtypeStruct((N, D), jnp.float32),
            jax.ShapeDtypeStruct((N,), jnp.int32),
        ],
        scratch_types=[
            pltpu.VMEM((_CHUNK,), jnp.int32),
            pltpu.VMEM((_CHUNK, D), jnp.float32),
            pltpu.VMEM((_CHUNK,), jnp.int32),
            pltpu.SemaphoreType.DMA,
        ],
    )
    def gather_kernel(x_hbm, tbl_hbm, emb_hbm, msk_hbm, idx_v, rows_v, msk_v, dsem):
        wid = lax.axis_index("s") * _NC + lax.axis_index("c")
        base = wid * per_w

        def blk(i, carry):
            off = base + i * _CHUNK
            pltpu.sync_copy(x_hbm.at[pl.ds(off, _CHUNK)], idx_v)
            copies = [
                pltpu.async_copy(
                    tbl_hbm.at[idx_v.at[pl.ds(j * _SUB, _SUB)]],
                    rows_v.at[pl.ds(j * _SUB, _SUB)],
                    dsem,
                )
                for j in range(_CHUNK // _SUB)
            ]
            for j in range(_CHUNK // _LANES):
                iv = idx_v[pl.ds(j * _LANES, _LANES)]
                msk_v[pl.ds(j * _LANES, _LANES)] = jnp.minimum(iv, 1)
            pltpu.sync_copy(msk_v, msk_hbm.at[pl.ds(off, _CHUNK)])
            for c in copies:
                c.wait()
            pltpu.sync_copy(rows_v, emb_hbm.at[pl.ds(off, _CHUNK)])
            return carry

        lax.fori_loop(0, n_blk, blk, 0)

    return gather_kernel


def kernel(x, base_weight, over_weight, override_mask):
    B, L = x.shape
    V, D = base_weight.shape
    N = B * L
    xf = x.reshape(-1).astype(jnp.int32)
    tbl = _blend_table(base_weight, over_weight, override_mask)
    emb_flat, msk_flat = _make_gather(N, V, D)(xf, tbl)
    emb = _transpose_out(emb_flat, B, L, D)
    return emb, msk_flat.reshape(B, L)

# --- scband reference (transcript-rebuilt; emitter-appended) ---
"""Pipeline reference for scband-overridden-word-emb-61598420959670 (READ-ONLY COPY).

The authoritative reference and input builder live on the scoring server;
editing this copy changes nothing except your own understanding.
"""

import jax, jax.numpy as jnp
import numpy as np

V = 100000   # vocab size (max(worddic.values())+1)
D = 64       # embedding dim
PAD = 0      # padding_idx (maskid for '<MASK>' token)
B, L = 4096, 200


def setup_inputs(seed: int = 0) -> dict:
    key = jax.random.key(seed)
    k1, k2, k3, k4 = jax.random.split(key, 4)
    x = jax.random.randint(k1, (B, L), 0, V, dtype=jnp.int64) if jax.config.jax_enable_x64 else jax.random.randint(k1, (B, L), 0, V, dtype=jnp.int32)
    # WordEmb.reset_parameters: uniform(-0.1, 0.1), padding row zeroed
    base_weight = jax.random.uniform(k2, (V, D), minval=-0.1, maxval=0.1, dtype=jnp.float32)
    base_weight = base_weight.at[PAD].set(0.0)
    over_weight = jax.random.uniform(k3, (V, D), minval=-0.1, maxval=0.1, dtype=jnp.float32)
    over_weight = over_weight.at[PAD].set(0.0)
    # overridemask: 1.0 where word exists in override dict (~30% of vocab here)
    override_mask = jax.random.bernoulli(k4, 0.3, (V,)).astype(jnp.float32)
    override_mask = override_mask.at[PAD].set(0.0)
    return {"x": x, "base_weight": base_weight, "over_weight": over_weight, "override_mask": override_mask}


def reference(x, base_weight, over_weight, override_mask):
    xshape = x.shape
    xf = x.reshape(-1)
    # base WordEmb forward: embedding lookup + mask (x != padding_idx)
    base_emb = jnp.take(base_weight, xf, axis=0)
    base_msk = (xf != PAD).astype(jnp.int32)
    # override WordEmb forward (adapted to base dict): plain lookup
    over_emb = jnp.take(over_weight, xf, axis=0)
    # gather override mask per token
    over_msk_select = jnp.take(override_mask, xf, axis=0)
    m = over_msk_select[:, None]
    emb = base_emb * (1.0 - m) + over_emb * m
    emb = emb.reshape(xshape + (D,))
    msk = base_msk.reshape(xshape)
    return (emb, msk)

if __name__ == "__main__":
    import jax
    _d = setup_inputs()
    print(jax.jit(kernel)(*tuple(_d.values())))

</pallas_src>

<mosaic_0001>
#map = affine_map<(d0, d1) -> (0)>
#map1 = affine_map<(d0, d1) -> (0, 0)>
module attributes {stable_mosaic.version = 14 : i64} {
  func.func @gather_kernel(%arg0: i32, %arg1: i32, %arg2: memref<819200xi32, #tpu.memory_space<hbm>>, %arg3: memref<100000x64xf32, #tpu.memory_space<hbm>>, %arg4: memref<819200x64xf32, #tpu.memory_space<hbm>>, %arg5: memref<819200xi32, #tpu.memory_space<hbm>>, %arg6: memref<1024xi32, #tpu.memory_space<vmem>>, %arg7: memref<1024x64xf32, #tpu.memory_space<vmem>>, %arg8: memref<1024xi32, #tpu.memory_space<vmem>>, %arg9: memref<!tpu.dma_semaphore, #tpu.memory_space<semaphore_mem>>) attributes {dimension_semantics = [#tpu.dimension_semantics<core_parallel>, #tpu.dimension_semantics<subcore_parallel>], iteration_bounds = array<i64: 2, 16>, scalar_prefetch = 0 : i64, scratch_operands = 4 : i64, tpu.core_type = #tpu.core_type<sc_vector_subcore>, window_params = [{transform_indices = #map}, {transform_indices = #map1}, {transform_indices = #map1}, {transform_indices = #map}]} {
    %mul3A = arith.constant 2 : i32
    %mul3A_0 = arith.muli %arg1, %mul3A : i32
    %add3A = arith.addi %mul3A_0, %arg0 : i32
    %mul3A_1 = arith.constant 25600 : i32
    %mul3A_2 = arith.muli %add3A, %mul3A_1 : i32
    %scan3A = arith.constant 0 : i32
    %scan3A_3 = arith.constant 0 : i32
    %scan3A_4 = arith.constant 25 : i32
    %scan3A_5 = arith.addi %scan3A_3, %scan3A_4 : i32
    %scan3A_6 = arith.constant 1 : i32
    scf.for %scan3A_8 = %scan3A_3 to %scan3A_5 step %scan3A_6  : i32 {
      %mul3A_9 = arith.constant 1024 : i32
      %mul3A_10 = arith.muli %scan3A_8, %mul3A_9 : i32
      %add3A_11 = arith.addi %mul3A_2, %mul3A_10 : i32
      "tpu.region"() ({
        %run_scoped3A = tpu.sem_alloc : memref<!tpu.dma_semaphore, #tpu.memory_space<semaphore_mem>>
        %dma_start3A_775 = tpu.memref_slice %arg2[%add3A_11] : memref<819200xi32, #tpu.memory_space<hbm>> -> memref<1024xi32, #tpu.memory_space<hbm>>
        %dma_start3A_776 = tpu.memref_slice %arg2[%add3A_11] : memref<819200xi32, #tpu.memory_space<hbm>> -> memref<1024xi32, #tpu.memory_space<hbm>>
        tpu.enqueue_dma source(%dma_start3A_776 : memref<1024xi32, #tpu.memory_space<hbm>>) target(%arg6 : memref<1024xi32, #tpu.memory_space<vmem>>) target_semaphore(%run_scoped3A : memref<!tpu.dma_semaphore, #tpu.memory_space<semaphore_mem>>)
        %dma_wait3A_777 = tpu.memref_slice %arg2[%add3A_11] : memref<819200xi32, #tpu.memory_space<hbm>> -> memref<1024xi32, #tpu.memory_space<hbm>>
        %dma_wait3A_778 = tpu.memref_slice %arg2[%add3A_11] : memref<819200xi32, #tpu.memory_space<hbm>> -> memref<1024xi32, #tpu.memory_space<hbm>>
        tpu.wait_dma2 semaphore(%run_scoped3A : memref<!tpu.dma_semaphore, #tpu.memory_space<semaphore_mem>>) src(%dma_wait3A_778 : memref<1024xi32, #tpu.memory_space<hbm>>) dst(%arg6 : memref<1024xi32, #tpu.memory_space<vmem>>)
        tpu.yield
      }) : () -> ()
      %dma_start3A = arith.constant 0 : i32
      %dma_start3A_12 = arith.constant 0 : i32
      %dma_start3A_13 = tpu.memref_slice %arg7[%dma_start3A, %dma_start3A_12] : memref<1024x64xf32, #tpu.memory_space<vmem>> -> memref<128x64xf32, #tpu.memory_space<vmem>>
      %dma_start3A_14 = arith.constant 0 : i32
      %dma_start3A_15 = tpu.memref_slice %arg6[%dma_start3A_14] : memref<1024xi32, #tpu.memory_space<vmem>> -> memref<128xi32, #tpu.memory_space<vmem>>
      %dma_start3A_16 = arith.constant 0 : i32
      %dma_start3A_17 = arith.constant 0 : i32
      %dma_start3A_18 = tpu.memref_slice %arg3[%dma_start3A_16, %dma_start3A_17] : memref<100000x64xf32, #tpu.memory_space<hbm>> -> memref<100000x64xf32, #tpu.memory_space<hbm>>
      tpu.enqueue_indirect_dma source(%dma_start3A_18 : memref<100000x64xf32, #tpu.memory_space<hbm>>) target(%dma_start3A_13 : memref<128x64xf32, #tpu.memory_space<vmem>>) offsets(%dma_start3A_15 : memref<128xi32, #tpu.memory_space<vmem>>) semaphore(%arg9 : memref<!tpu.dma_semaphore, #tpu.memory_space<semaphore_mem>>)
      %dma_start3A_19 = arith.constant 128 : i32
      %dma_start3A_20 = arith.constant 0 : i32
      %dma_start3A_21 = tpu.memref_slice %arg7[%dma_start3A_19, %dma_start3A_20] : memref<1024x64xf32, #tpu.memory_space<vmem>> -> memref<128x64xf32, #tpu.memory_space<vmem>>
      %dma_start3A_22 = arith.constant 128 : i32
      %dma_start3A_23 = tpu.memref_slice %arg6[%dma_start3A_22] : memref<1024xi32, #tpu.memory_space<vmem>> -> memref<128xi32, #tpu.memory_space<vmem>>
      %dma_start3A_24 = arith.constant 0 : i32
      %dma_start3A_25 = arith.constant 0 : i32
      %dma_start3A_26 = tpu.memref_slice %arg3[%dma_start3A_24, %dma_start3A_25] : memref<100000x64xf32, #tpu.memory_space<hbm>> -> memref<100000x64xf32, #tpu.memory_space<hbm>>
      tpu.enqueue_indirect_dma source(%dma_start3A_26 : memref<100000x64xf32, #tpu.memory_space<hbm>>) target(%dma_start3A_21 : memref<128x64xf32, #tpu.memory_space<vmem>>) offsets(%dma_start3A_23 : memref<128xi32, #tpu.memory_space<vmem>>) semaphore(%arg9 : memref<!tpu.dma_semaphore, #tpu.memory_space<semaphore_mem>>)
      %dma_start3A_27 = arith.constant 256 : i32
      %dma_start3A_28 = arith.constant 0 : i32
      %dma_start3A_29 = tpu.memref_slice %arg7[%dma_start3A_27, %dma_start3A_28] : memref<1024x64xf32, #tpu.memory_space<vmem>> -> memref<128x64xf32, #tpu.memory_space<vmem>>
      %dma_start3A_30 = arith.constant 256 : i32
      %dma_start3A_31 = tpu.memref_slice %arg6[%dma_start3A_30] : memref<1024xi32, #tpu.memory_space<vmem>> -> memref<128xi32, #tpu.memory_space<vmem>>
      %dma_start3A_32 = arith.constant 0 : i32
      %dma_start3A_33 = arith.constant 0 : i32
      %dma_start3A_34 = tpu.memref_slice %arg3[%dma_start3A_32, %dma_start3A_33] : memref<100000x64xf32, #tpu.memory_space<hbm>> -> memref<100000x64xf32, #tpu.memory_space<hbm>>
      tpu.enqueue_indirect_dma source(%dma_start3A_34 : memref<100000x64xf32, #tpu.memory_space<hbm>>) target(%dma_start3A_29 : memref<128x64xf32, #tpu.memory_space<vmem>>) offsets(%dma_start3A_31 : memref<128xi32, #tpu.memory_space<vmem>>) semaphore(%arg9 : memref<!tpu.dma_semaphore, #tpu.memory_space<semaphore_mem>>)
      %dma_start3A_35 = arith.constant 384 : i32
      %dma_start3A_36 = arith.constant 0 : i32
      %dma_start3A_37 = tpu.memref_slice %arg7[%dma_start3A_35, %dma_start3A_36] : memref<1024x64xf32, #tpu.memory_space<vmem>> -> memref<128x64xf32, #tpu.memory_space<vmem>>
      %dma_start3A_38 = arith.constant 384 : i32
      %dma_start3A_39 = tpu.memref_slice %arg6[%dma_start3A_38] : memref<1024xi32, #tpu.memory_space<vmem>> -> memref<128xi32, #tpu.memory_space<vmem>>
      %dma_start3A_40 = arith.constant 0 : i32
      %dma_start3A_41 = arith.constant 0 : i32
      %dma_start3A_42 = tpu.memref_slice %arg3[%dma_start3A_40, %dma_start3A_41] : memref<100000x64xf32, #tpu.memory_space<hbm>> -> memref<100000x64xf32, #tpu.memory_space<hbm>>
      tpu.enqueue_indirect_dma source(%dma_start3A_42 : memref<100000x64xf32, #tpu.memory_space<hbm>>) target(%dma_start3A_37 : memref<128x64xf32, #tpu.memory_space<vmem>>) offsets(%dma_start3A_39 : memref<128xi32, #tpu.memory_space<vmem>>) semaphore(%arg9 : memref<!tpu.dma_semaphore, #tpu.memory_space<semaphore_mem>>)
      %dma_start3A_43 = arith.constant 512 : i32
      %dma_start3A_44 = arith.constant 0 : i32
      %dma_start3A_45 = tpu.memref_slice %arg7[%dma_start3A_43, %dma_start3A_44] : memref<1024x64xf32, #tpu.memory_space<vmem>> -> memref<128x64xf32, #tpu.memory_space<vmem>>
      %dma_start3A_46 = arith.constant 512 : i32
      %dma_start3A_47 = tpu.memref_slice %arg6[%dma_start3A_46] : memref<1024xi32, #tpu.memory_space<vmem>> -> memref<128xi32, #tpu.memory_space<vmem>>
      %dma_start3A_48 = arith.constant 0 : i32
      %dma_start3A_49 = arith.constant 0 : i32
      %dma_start3A_50 = tpu.memref_slice %arg3[%dma_start3A_48, %dma_start3A_49] : memref<100000x64xf32, #tpu.memory_space<hbm>> -> memref<100000x64xf32, #tpu.memory_space<hbm>>
      tpu.enqueue_indirect_dma source(%dma_start3A_50 : memref<100000x64xf32, #tpu.memory_space<hbm>>) target(%dma_start3A_45 : memref<128x64xf32, #tpu.memory_space<vmem>>) offsets(%dma_start3A_47 : memref<128xi32, #tpu.memory_space<vmem>>) semaphore(%arg9 : memref<!tpu.dma_semaphore, #tpu.memory_space<semaphore_mem>>)
      %dma_start3A_51 = arith.constant 640 : i32
      %dma_start3A_52 = arith.constant 0 : i32
      %dma_start3A_53 = tpu.memref_slice %arg7[%dma_start3A_51, %dma_start3A_52] : memref<1024x64xf32, #tpu.memory_space<vmem>> -> memref<128x64xf32, #tpu.memory_space<vmem>>
      %dma_start3A_54 = arith.constant 640 : i32
      %dma_start3A_55 = tpu.memref_slice %arg6[%dma_start3A_54] : memref<1024xi32, #tpu.memory_space<vmem>> -> memref<128xi32, #tpu.memory_space<vmem>>
      %dma_start3A_56 = arith.constant 0 : i32
      %dma_start3A_57 = arith.constant 0 : i32
      %dma_start3A_58 = tpu.memref_slice %arg3[%dma_start3A_56, %dma_start3A_57] : memref<100000x64xf32, #tpu.memory_space<hbm>> -> memref<100000x64xf32, #tpu.memory_space<hbm>>
      tpu.enqueue_indirect_dma source(%dma_start3A_58 : memref<100000x64xf32, #tpu.memory_space<hbm>>) target(%dma_start3A_53 : memref<128x64xf32, #tpu.memory_space<vmem>>) offsets(%dma_start3A_55 : memref<128xi32, #tpu.memory_space<vmem>>) semaphore(%arg9 : memref<!tpu.dma_semaphore, #tpu.memory_space<semaphore_mem>>)
      %dma_start3A_59 = arith.constant 768 : i32
      %dma_start3A_60 = arith.constant 0 : i32
      %dma_start3A_61 = tpu.memref_slice %arg7[%dma_start3A_59, %dma_start3A_60] : memref<1024x64xf32, #tpu.memory_space<vmem>> -> memref<128x64xf32, #tpu.memory_space<vmem>>
      %dma_start3A_62 = arith.constant 768 : i32
      %dma_start3A_63 = tpu.memref_slice %arg6[%dma_start3A_62] : memref<1024xi32, #tpu.memory_space<vmem>> -> memref<128xi32, #tpu.memory_space<vmem>>
      %dma_start3A_64 = arith.constant 0 : i32
      %dma_start3A_65 = arith.constant 0 : i32
      %dma_start3A_66 = tpu.memref_slice %arg3[%dma_start3A_64, %dma_start3A_65] : memref<100000x64xf32, #tpu.memory_space<hbm>> -> memref<100000x64xf32, #tpu.memory_space<hbm>>
      tpu.enqueue_indirect_dma source(%dma_start3A_66 : memref<100000x64xf32, #tpu.memory_space<hbm>>) target(%dma_start3A_61 : memref<128x64xf32, #tpu.memory_space<vmem>>) offsets(%dma_start3A_63 : memref<128xi32, #tpu.memory_space<vmem>>) semaphore(%arg9 : memref<!tpu.dma_semaphore, #tpu.memory_space<semaphore_mem>>)
      %dma_start3A_67 = arith.constant 896 : i32
      %dma_start3A_68 = arith.constant 0 : i32
      %dma_start3A_69 = tpu.memref_slice %arg7[%dma_start3A_67, %dma_start3A_68] : memref<1024x64xf32, #tpu.memory_space<vmem>> -> memref<128x64xf32, #tpu.memory_space<vmem>>
      %dma_start3A_70 = arith.constant 896 : i32
      %dma_start3A_71 = tpu.memref_slice %arg6[%dma_start3A_70] : memref<1024xi32, #tpu.memory_space<vmem>> -> memref<128xi32, #tpu.memory_space<vmem>>
      %dma_start3A_72 = arith.constant 0 : i32
      %dma_start3A_73 = arith.constant 0 : i32
      %dma_start3A_74 = tpu.memref_slice %arg3[%dma_start3A_72, %dma_start3A_73] : memref<100000x64xf32, #tpu.memory_space<hbm>> -> memref<100000x64xf32, #tpu.memory_space<hbm>>
      tpu.enqueue_indirect_dma source(%dma_start3A_74 : memref<100000x64xf32, #tpu.memory_space<hbm>>) target(%dma_start3A_69 : memref<128x64xf32, #tpu.memory_space<vmem>>) offsets(%dma_start3A_71 : memref<128xi32, #tpu.memory_space<vmem>>) semaphore(%arg9 : memref<!tpu.dma_semaphore, #tpu.memory_space<semaphore_mem>>)
      %get3A = arith.constant 0 : index
      %get3A_75 = tpu.vector_load %arg6[%get3A] {strides = array<i32>} : memref<1024xi32, #tpu.memory_space<vmem>>, vector<16xi32>,
      %get3A_76 = vector.shape_cast %get3A_75 : vector<16xi32> to vector<16xi32>
      %min3A = arith.constant 1 : i32
      %min3A_77 = vector.broadcast %min3A : i32 to vector<16xi32>
      %min3A_78 = arith.minsi %get3A_76, %min3A_77 : vector<16xi32>
      %swap3A = arith.constant 0 : index
      %swap3A_79 = tpu.vector_load %arg8[%swap3A] {strides = array<i32>} : memref<1024xi32, #tpu.memory_space<vmem>>, vector<16xi32>,
      %swap3A_80 = vector.shape_cast %swap3A_79 : vector<16xi32> to vector<16xi32>
      %swap3A_81 = vector.shape_cast %min3A_78 : vector<16xi32> to vector<16xi32>
      tpu.vector_store %arg8[%swap3A], %swap3A_81 {strides = array<i32>} : memref<1024xi32, #tpu.memory_space<vmem>>, vector<16xi32>,
      %get3A_82 = arith.constant 16 : index
      %get3A_83 = tpu.vector_load %arg6[%get3A_82] {strides = array<i32>} : memref<1024xi32, #tpu.memory_space<vmem>>, vector<16xi32>,
      %get3A_84 = vector.shape_cast %get3A_83 : vector<16xi32> to vector<16xi32>
      %min3A_85 = arith.constant 1 : i32
      %min3A_86 = vector.broadcast %min3A_85 : i32 to vector<16xi32>
      %min3A_87 = arith.minsi %get3A_84, %min3A_86 : vector<16xi32>
      %swap3A_88 = arith.constant 16 : index
      %swap3A_89 = tpu.vector_load %arg8[%swap3A_88] {strides = array<i32>} : memref<1024xi32, #tpu.memory_space<vmem>>, vector<16xi32>,
      %swap3A_90 = vector.shape_cast %swap3A_89 : vector<16xi32> to vector<16xi32>
      %swap3A_91 = vector.shape_cast %min3A_87 : vector<16xi32> to vector<16xi32>
      tpu.vector_store %arg8[%swap3A_88], %swap3A_91 {strides = array<i32>} : memref<1024xi32, #tpu.memory_space<vmem>>, vector<16xi32>,
      %get3A_92 = arith.constant 32 : index
      %get3A_93 = tpu.vector_load %arg6[%get3A_92] {strides = array<i32>} : memref<1024xi32, #tpu.memory_space<vmem>>, vector<16xi32>,
      %get3A_94 = vector.shape_cast %get3A_93 : vector<16xi32> to vector<16xi32>
      %min3A_95 = arith.constant 1 : i32
      %min3A_96 = vector.broadcast %min3A_95 : i32 to vector<16xi32>
      %min3A_97 = arith.minsi %get3A_94, %min3A_96 : vector<16xi32>
      %swap3A_98 = arith.constant 32 : index
      %swap3A_99 = tpu.vector_load %arg8[%swap3A_98] {strides = array<i32>} : memref<1024xi32, #tpu.memory_space<vmem>>, vector<16xi32>,
      %swap3A_100 = vector.shape_cast %swap3A_99 : vector<16xi32> to vector<16xi32>
      %swap3A_101 = vector.shape_cast %min3A_97 : vector<16xi32> to vector<16xi32>
      tpu.vector_store %arg8[%swap3A_98], %swap3A_101 {strides = array<i32>} : memref<1024xi32, #tpu.memory_space<vmem>>, vector<16xi32>,
      %get3A_102 = arith.constant 48 : index
      %get3A_103 = tpu.vector_load %arg6[%get3A_102] {strides = array<i32>} : memref<1024xi32, #tpu.memory_space<vmem>>, vector<16xi32>,
      %get3A_104 = vector.shape_cast %get3A_103 : vector<16xi32> to vector<16xi32>
      %min3A_105 = arith.constant 1 : i32
      %min3A_106 = vector.broadcast %min3A_105 : i32 to vector<16xi32>
      %min3A_107 = arith.minsi %get3A_104, %min3A_106 : vector<16xi32>
      %swap3A_108 = arith.constant 48 : index
      %swap3A_109 = tpu.vector_load %arg8[%swap3A_108] {strides = array<i32>} : memref<1024xi32, #tpu.memory_space<vmem>>, vector<16xi32>,
      %swap3A_110 = vector.shape_cast %swap3A_109 : vector<16xi32> to vector<16xi32>
      %swap3A_111 = vector.shape_cast %min3A_107 : vector<16xi32> to vector<16xi32>
      tpu.vector_store %arg8[%swap3A_108], %swap3A_111 {strides = array<i32>} : memref<1024xi32, #tpu.memory_space<vmem>>, vector<16xi32>,
      %get3A_112 = arith.constant 64 : index
      %get3A_113 = tpu.vector_load %arg6[%get3A_112] {strides = array<i32>} : memref<1024xi32, #tpu.memory_space<vmem>>, vector<16xi32>,
      %get3A_114 = vector.shape_cast %get3A_113 : vector<16xi32> to vector<16xi32>
      %min3A_115 = arith.constant 1 : i32
      %min3A_116 = vector.broadcast %min3A_115 : i32 to vector<16xi32>
      %min3A_117 = arith.minsi %get3A_114, %min3A_116 : vector<16xi32>
      %swap3A_118 = arith.constant 64 : index
      %swap3A_119 = tpu.vector_load %arg8[%swap3A_118] {strides = array<i32>} : memref<1024xi32, #tpu.memory_space<vmem>>, vector<16xi32>,
      %swap3A_120 = vector.shape_cast %swap3A_119 : vector<16xi32> to vector<16xi32>
      %swap3A_121 = vector.shape_cast %min3A_117 : vector<16xi32> to vector<16xi32>
      tpu.vector_store %arg8[%swap3A_118], %swap3A_121 {strides = array<i32>} : memref<1024xi32, #tpu.memory_space<vmem>>, vector<16xi32>,
      %get3A_122 = arith.constant 80 : index
      %get3A_123 = tpu.vector_load %arg6[%get3A_122] {strides = array<i32>} : memref<1024xi32, #tpu.memory_space<vmem>>, vector<16xi32>,
      %get3A_124 = vector.shape_cast %get3A_123 : vector<16xi32> to vector<16xi32>
      %min3A_125 = arith.constant 1 : i32
      %min3A_126 = vector.broadcast %min3A_125 : i32 to vector<16xi32>
      %min3A_127 = arith.minsi %get3A_124, %min3A_126 : vector<16xi32>
      %swap3A_128 = arith.constant 80 : index
      %swap3A_129 = tpu.vector_load %arg8[%swap3A_128] {strides = array<i32>} : memref<1024xi32, #tpu.memory_space<vmem>>, vector<16xi32>,
      %swap3A_130 = vector.shape_cast %swap3A_129 : vector<16xi32> to vector<16xi32>
      %swap3A_131 = vector.shape_cast %min3A_127 : vector<16xi32> to vector<16xi32>
      tpu.vector_store %arg8[%swap3A_128], %swap3A_131 {strides = array<i32>} : memref<1024xi32, #tpu.memory_space<vmem>>, vector<16xi32>,
      %get3A_132 = arith.constant 96 : index
      %get3A_133 = tpu.vector_load %arg6[%get3A_132] {strides = array<i32>} : memref<1024xi32, #tpu.memory_space<vmem>>, vector<16xi32>,
      %get3A_134 = vector.shape_cast %get3A_133 : vector<16xi32> to vector<16xi32>
      %min3A_135 = arith.constant 1 : i32
      %min3A_136 = vector.broadcast %min3A_135 : i32 to vector<16xi32>
      %min3A_137 = arith.minsi %get3A_134, %min3A_136 : vector<16xi32>
      %swap3A_138 = arith.constant 96 : index
      %swap3A_139 = tpu.vector_load %arg8[%swap3A_138] {strides = array<i32>} : memref<1024xi32, #tpu.memory_space<vmem>>, vector<16xi32>,
      %swap3A_140 = vector.shape_cast %swap3A_139 : vector<16xi32> to vector<16xi32>
      %swap3A_141 = vector.shape_cast %min3A_137 : vector<16xi32> to vector<16xi32>
      tpu.vector_store %arg8[%swap3A_138], %swap3A_141 {strides = array<i32>} : memref<1024xi32, #tpu.memory_space<vmem>>, vector<16xi32>,
      %get3A_142 = arith.constant 112 : index
      %get3A_143 = tpu.vector_load %arg6[%get3A_142] {strides = array<i32>} : memref<1024xi32, #tpu.memory_space<vmem>>, vector<16xi32>,
      %get3A_144 = vector.shape_cast %get3A_143 : vector<16xi32> to vector<16xi32>
      %min3A_145 = arith.constant 1 : i32
      %min3A_146 = vector.broadcast %min3A_145 : i32 to vector<16xi32>
      %min3A_147 = arith.minsi %get3A_144, %min3A_146 : vector<16xi32>
      %swap3A_148 = arith.constant 112 : index
      %swap3A_149 = tpu.vector_load %arg8[%swap3A_148] {strides = array<i32>} : memref<1024xi32, #tpu.memory_space<vmem>>, vector<16xi32>,
      %swap3A_150 = vector.shape_cast %swap3A_149 : vector<16xi32> to vector<16xi32>
      %swap3A_151 = vector.shape_cast %min3A_147 : vector<16xi32> to vector<16xi32>
      tpu.vector_store %arg8[%swap3A_148], %swap3A_151 {strides = array<i32>} : memref<1024xi32, #tpu.memory_space<vmem>>, vector<16xi32>,
      %get3A_152 = arith.constant 128 : index
      %get3A_153 = tpu.vector_load %arg6[%get3A_152] {strides = array<i32>} : memref<1024xi32, #tpu.memory_space<vmem>>, vector<16xi32>,
      %get3A_154 = vector.shape_cast %get3A_153 : vector<16xi32> to vector<16xi32>
      %min3A_155 = arith.constant 1 : i32
      %min3A_156 = vector.broadcast %min3A_155 : i32 to vector<16xi32>
      %min3A_157 = arith.minsi %get3A_154, %min3A_156 : vector<16xi32>
      %swap3A_158 = arith.constant 128 : index
      %swap3A_159 = tpu.vector_load %arg8[%swap3A_158] {strides = array<i32>} : memref<1024xi32, #tpu.memory_space<vmem>>, vector<16xi32>,
      %swap3A_160 = vector.shape_cast %swap3A_159 : vector<16xi32> to vector<16xi32>
      %swap3A_161 = vector.shape_cast %min3A_157 : vector<16xi32> to vector<16xi32>
      tpu.vector_store %arg8[%swap3A_158], %swap3A_161 {strides = array<i32>} : memref<1024xi32, #tpu.memory_space<vmem>>, vector<16xi32>,
      %get3A_162 = arith.constant 144 : index
      %get3A_163 = tpu.vector_load %arg6[%get3A_162] {strides = array<i32>} : memref<1024xi32, #tpu.memory_space<vmem>>, vector<16xi32>,
      %get3A_164 = vector.shape_cast %get3A_163 : vector<16xi32> to vector<16xi32>
      %min3A_165 = arith.constant 1 : i32
      %min3A_166 = vector.broadcast %min3A_165 : i32 to vector<16xi32>
      %min3A_167 = arith.minsi %get3A_164, %min3A_166 : vector<16xi32>
      %swap3A_168 = arith.constant 144 : index
      %swap3A_169 = tpu.vector_load %arg8[%swap3A_168] {strides = array<i32>} : memref<1024xi32, #tpu.memory_space<vmem>>, vector<16xi32>,
      %swap3A_170 = vector.shape_cast %swap3A_169 : vector<16xi32> to vector<16xi32>
      %swap3A_171 = vector.shape_cast %min3A_167 : vector<16xi32> to vector<16xi32>
      tpu.vector_store %arg8[%swap3A_168], %swap3A_171 {strides = array<i32>} : memref<1024xi32, #tpu.memory_space<vmem>>, vector<16xi32>,
      %get3A_172 = arith.constant 160 : index
      %get3A_173 = tpu.vector_load %arg6[%get3A_172] {strides = array<i32>} : memref<1024xi32, #tpu.memory_space<vmem>>, vector<16xi32>,
      %get3A_174 = vector.shape_cast %get3A_173 : vector<16xi32> to vector<16xi32>
      %min3A_175 = arith.constant 1 : i32
      %min3A_176 = vector.broadcast %min3A_175 : i32 to vector<16xi32>
      %min3A_177 = arith.minsi %get3A_174, %min3A_176 : vector<16xi32>
      %swap3A_178 = arith.constant 160 : index
      %swap3A_179 = tpu.vector_load %arg8[%swap3A_178] {strides = array<i32>} : memref<1024xi32, #tpu.memory_space<vmem>>, vector<16xi32>,
      %swap3A_180 = vector.shape_cast %swap3A_179 : vector<16xi32> to vector<16xi32>
      %swap3A_181 = vector.shape_cast %min3A_177 : vector<16xi32> to vector<16xi32>
      tpu.vector_store %arg8[%swap3A_178], %swap3A_181 {strides = array<i32>} : memref<1024xi32, #tpu.memory_space<vmem>>, vector<16xi32>,
      %get3A_182 = arith.constant 176 : index
      %get3A_183 = tpu.vector_load %arg6[%get3A_182] {strides = array<i32>} : memref<1024xi32, #tpu.memory_space<vmem>>, vector<16xi32>,
      %get3A_184 = vector.shape_cast %get3A_183 : vector<16xi32> to vector<16xi32>
      %min3A_185 = arith.constant 1 : i32
      %min3A_186 = vector.broadcast %min3A_185 : i32 to vector<16xi32>
      %min3A_187 = arith.minsi %get3A_184, %min3A_186 : vector<16xi32>
      %swap3A_188 = arith.constant 176 : index
      %swap3A_189 = tpu.vector_load %arg8[%swap3A_188] {strides = array<i32>} : memref<1024xi32, #tpu.memory_space<vmem>>, vector<16xi32>,
      %swap3A_190 = vector.shape_cast %swap3A_189 : vector<16xi32> to vector<16xi32>
      %swap3A_191 = vector.shape_cast %min3A_187 : vector<16xi32> to vector<16xi32>
      tpu.vector_store %arg8[%swap3A_188], %swap3A_191 {strides = array<i32>} : memref<1024xi32, #tpu.memory_space<vmem>>, vector<16xi32>,
      %get3A_192 = arith.constant 192 : index
      %get3A_193 = tpu.vector_load %arg6[%get3A_192] {strides = array<i32>} : memref<1024xi32, #tpu.memory_space<vmem>>, vector<16xi32>,
      %get3A_194 = vector.shape_cast %get3A_193 : vector<16xi32> to vector<16xi32>
      %min3A_195 = arith.constant 1 : i32
      %min3A_196 = vector.broadcast %min3A_195 : i32 to vector<16xi32>
      %min3A_197 = arith.minsi %get3A_194, %min3A_196 : vector<16xi32>
      %swap3A_198 = arith.constant 192 : index
      %swap3A_199 = tpu.vector_load %arg8[%swap3A_198] {strides = array<i32>} : memref<1024xi32, #tpu.memory_space<vmem>>, vector<16xi32>,
      %swap3A_200 = vector.shape_cast %swap3A_199 : vector<16xi32> to vector<16xi32>
      %swap3A_201 = vector.shape_cast %min3A_197 : vector<16xi32> to vector<16xi32>
      tpu.vector_store %arg8[%swap3A_198], %swap3A_201 {strides = array<i32>} : memref<1024xi32, #tpu.memory_space<vmem>>, vector<16xi32>,
      %get3A_202 = arith.constant 208 : index
      %get3A_203 = tpu.vector_load %arg6[%get3A_202] {strides = array<i32>} : memref<1024xi32, #tpu.memory_space<vmem>>, vector<16xi32>,
      %get3A_204 = vector.shape_cast %get3A_203 : vector<16xi32> to vector<16xi32>
      %min3A_205 = arith.constant 1 : i32
      %min3A_206 = vector.broadcast %min3A_205 : i32 to vector<16xi32>
      %min3A_207 = arith.minsi %get3A_204, %min3A_206 : vector<16xi32>
      %swap3A_208 = arith.constant 208 : index
      %swap3A_209 = tpu.vector_load %arg8[%swap3A_208] {strides = array<i32>} : memref<1024xi32, #tpu.memory_space<vmem>>, vector<16xi32>,
      %swap3A_210 = vector.shape_cast %swap3A_209 : vector<16xi32> to vector<16xi32>
      %swap3A_211 = vector.shape_cast %min3A_207 : vector<16xi32> to vector<16xi32>
      tpu.vector_store %arg8[%swap3A_208], %swap3A_211 {strides = array<i32>} : memref<1024xi32, #tpu.memory_space<vmem>>, vector<16xi32>,
      %get3A_212 = arith.constant 224 : index
      %get3A_213 = tpu.vector_load %arg6[%get3A_212] {strides = array<i32>} : memref<1024xi32, #tpu.memory_space<vmem>>, vector<16xi32>,
      %get3A_214 = vector.shape_cast %get3A_213 : vector<16xi32> to vector<16xi32>
      %min3A_215 = arith.constant 1 : i32
      %min3A_216 = vector.broadcast %min3A_215 : i32 to vector<16xi32>
      %min3A_217 = arith.minsi %get3A_214, %min3A_216 : vector<16xi32>
      %swap3A_218 = arith.constant 224 : index
      %swap3A_219 = tpu.vector_load %arg8[%swap3A_218] {strides = array<i32>} : memref<1024xi32, #tpu.memory_space<vmem>>, vector<16xi32>,
      %swap3A_220 = vector.shape_cast %swap3A_219 : vector<16xi32> to vector<16xi32>
      %swap3A_221 = vector.shape_cast %min3A_217 : vector<16xi32> to vector<16xi32>
      tpu.vector_store %arg8[%swap3A_218], %swap3A_221 {strides = array<i32>} : memref<1024xi32, #tpu.memory_space<vmem>>, vector<16xi32>,
      %get3A_222 = arith.constant 240 : index
      %get3A_223 = tpu.vector_load %arg6[%get3A_222] {strides = array<i32>} : memref<1024xi32, #tpu.memory_space<vmem>>, vector<16xi32>,
      %get3A_224 = vector.shape_cast %get3A_223 : vector<16xi32> to vector<16xi32>
      %min3A_225 = arith.constant 1 : i32
      %min3A_226 = vector.broadcast %min3A_225 : i32 to vector<16xi32>
      %min3A_227 = arith.minsi %get3A_224, %min3A_226 : vector<16xi32>
      %swap3A_228 = arith.constant 240 : index
      %swap3A_229 = tpu.vector_load %arg8[%swap3A_228] {strides = array<i32>} : memref<1024xi32, #tpu.memory_space<vmem>>, vector<16xi32>,
      %swap3A_230 = vector.shape_cast %swap3A_229 : vector<16xi32> to vector<16xi32>
      %swap3A_231 = vector.shape_cast %min3A_227 : vector<16xi32> to vector<16xi32>
      tpu.vector_store %arg8[%swap3A_228], %swap3A_231 {strides = array<i32>} : memref<1024xi32, #tpu.memory_space<vmem>>, vector<16xi32>,
      %get3A_232 = arith.constant 256 : index
      %get3A_233 = tpu.vector_load %arg6[%get3A_232] {strides = array<i32>} : memref<1024xi32, #tpu.memory_space<vmem>>, vector<16xi32>,
      %get3A_234 = vector.shape_cast %get3A_233 : vector<16xi32> to vector<16xi32>
      %min3A_235 = arith.constant 1 : i32
      %min3A_236 = vector.broadcast %min3A_235 : i32 to vector<16xi32>
      %min3A_237 = arith.minsi %get3A_234, %min3A_236 : vector<16xi32>
      %swap3A_238 = arith.constant 256 : index
      %swap3A_239 = tpu.vector_load %arg8[%swap3A_238] {strides = array<i32>} : memref<1024xi32, #tpu.memory_space<vmem>>, vector<16xi32>,
      %swap3A_240 = vector.shape_cast %swap3A_239 : vector<16xi32> to vector<16xi32>
      %swap3A_241 = vector.shape_cast %min3A_237 : vector<16xi32> to vector<16xi32>
      tpu.vector_store %arg8[%swap3A_238], %swap3A_241 {strides = array<i32>} : memref<1024xi32, #tpu.memory_space<vmem>>, vector<16xi32>,
      %get3A_242 = arith.constant 272 : index
      %get3A_243 = tpu.vector_load %arg6[%get3A_242] {strides = array<i32>} : memref<1024xi32, #tpu.memory_space<vmem>>, vector<16xi32>,
      %get3A_244 = vector.shape_cast %get3A_243 : vector<16xi32> to vector<16xi32>
      %min3A_245 = arith.constant 1 : i32
      %min3A_246 = vector.broadcast %min3A_245 : i32 to vector<16xi32>
      %min3A_247 = arith.minsi %get3A_244, %min3A_246 : vector<16xi32>
      %swap3A_248 = arith.constant 272 : index
      %swap3A_249 = tpu.vector_load %arg8[%swap3A_248] {strides = array<i32>} : memref<1024xi32, #tpu.memory_space<vmem>>, vector<16xi32>,
      %swap3A_250 = vector.shape_cast %swap3A_249 : vector<16xi32> to vector<16xi32>
      %swap3A_251 = vector.shape_cast %min3A_247 : vector<16xi32> to vector<16xi32>
      tpu.vector_store %arg8[%swap3A_248], %swap3A_251 {strides = array<i32>} : memref<1024xi32, #tpu.memory_space<vmem>>, vector<16xi32>,
      %get3A_252 = arith.constant 288 : index
      %get3A_253 = tpu.vector_load %arg6[%get3A_252] {strides = array<i32>} : memref<1024xi32, #tpu.memory_space<vmem>>, vector<16xi32>,
      %get3A_254 = vector.shape_cast %get3A_253 : vector<16xi32> to vector<16xi32>
      %min3A_255 = arith.constant 1 : i32
      %min3A_256 = vector.broadcast %min3A_255 : i32 to vector<16xi32>
      %min3A_257 = arith.minsi %get3A_254, %min3A_256 : vector<16xi32>
      %swap3A_258 = arith.constant 288 : index
      %swap3A_259 = tpu.vector_load %arg8[%swap3A_258] {strides = array<i32>} : memref<1024xi32, #tpu.memory_space<vmem>>, vector<16xi32>,
      %swap3A_260 = vector.shape_cast %swap3A_259 : vector<16xi32> to vector<16xi32>
      %swap3A_261 = vector.shape_cast %min3A_257 : vector<16xi32> to vector<16xi32>
      tpu.vector_store %arg8[%swap3A_258], %swap3A_261 {strides = array<i32>} : memref<1024xi32, #tpu.memory_space<vmem>>, vector<16xi32>,
      %get3A_262 = arith.constant 304 : index
      %get3A_263 = tpu.vector_load %arg6[%get3A_262] {strides = array<i32>} : memref<1024xi32, #tpu.memory_space<vmem>>, vector<16xi32>,
      %get3A_264 = vector.shape_cast %get3A_263 : vector<16xi32> to vector<16xi32>
      %min3A_265 = arith.constant 1 : i32
      %min3A_266 = vector.broadcast %min3A_265 : i32 to vector<16xi32>
      %min3A_267 = arith.minsi %get3A_264, %min3A_266 : vector<16xi32>
      %swap3A_268 = arith.constant 304 : index
      %swap3A_269 = tpu.vector_load %arg8[%swap3A_268] {strides = array<i32>} : memref<1024xi32, #tpu.memory_space<vmem>>, vector<16xi32>,
      %swap3A_270 = vector.shape_cast %swap3A_269 : vector<16xi32> to vector<16xi32>
      %swap3A_271 = vector.shape_cast %min3A_267 : vector<16xi32> to vector<16xi32>
      tpu.vector_store %arg8[%swap3A_268], %swap3A_271 {strides = array<i32>} : memref<1024xi32, #tpu.memory_space<vmem>>, vector<16xi32>,
      %get3A_272 = arith.constant 320 : index
      %get3A_273 = tpu.vector_load %arg6[%get3A_272] {strides = array<i32>} : memref<1024xi32, #tpu.memory_space<vmem>>, vector<16xi32>,
      %get3A_274 = vector.shape_cast %get3A_273 : vector<16xi32> to vector<16xi32>
      %min3A_275 = arith.constant 1 : i32
      %min3A_276 = vector.broadcast %min3A_275 : i32 to vector<16xi32>
      %min3A_277 = arith.minsi %get3A_274, %min3A_276 : vector<16xi32>
      %swap3A_278 = arith.constant 320 : index
      %swap3A_279 = tpu.vector_load %arg8[%swap3A_278] {strides = array<i32>} : memref<1024xi32, #tpu.memory_space<vmem>>, vector<16xi32>,
      %swap3A_280 = vector.shape_cast %swap3A_279 : vector<16xi32> to vector<16xi32>
      %swap3A_281 = vector.shape_cast %min3A_277 : vector<16xi32> to vector<16xi32>
      tpu.vector_store %arg8[%swap3A_278], %swap3A_281 {strides = array<i32>} : memref<1024xi32, #tpu.memory_space<vmem>>, vector<16xi32>,
      %get3A_282 = arith.constant 336 : index
      %get3A_283 = tpu.vector_load %arg6[%get3A_282] {strides = array<i32>} : memref<1024xi32, #tpu.memory_space<vmem>>, vector<16xi32>,
      %get3A_284 = vector.shape_cast %get3A_283 : vector<16xi32> to vector<16xi32>
      %min3A_285 = arith.constant 1 : i32
      %min3A_286 = vector.broadcast %min3A_285 : i32 to vector<16xi32>
      %min3A_287 = arith.minsi %get3A_284, %min3A_286 : vector<16xi32>
      %swap3A_288 = arith.constant 336 : index
      %swap3A_289 = tpu.vector_load %arg8[%swap3A_288] {strides = array<i32>} : memref<1024xi32, #tpu.memory_space<vmem>>, vector<16xi32>,
      %swap3A_290 = vector.shape_cast %swap3A_289 : vector<16xi32> to vector<16xi32>
      %swap3A_291 = vector.shape_cast %min3A_287 : vector<16xi32> to vector<16xi32>
      tpu.vector_store %arg8[%swap3A_288], %swap3A_291 {strides = array<i32>} : memref<1024xi32, #tpu.memory_space<vmem>>, vector<16xi32>,
      %get3A_292 = arith.constant 352 : index
      %get3A_293 = tpu.vector_load %arg6[%get3A_292] {strides = array<i32>} : memref<1024xi32, #tpu.memory_space<vmem>>, vector<16xi32>,
      %get3A_294 = vector.shape_cast %get3A_293 : vector<16xi32> to vector<16xi32>
      %min3A_295 = arith.constant 1 : i32
      %min3A_296 = vector.broadcast %min3A_295 : i32 to vector<16xi32>
      %min3A_297 = arith.minsi %get3A_294, %min3A_296 : vector<16xi32>
      %swap3A_298 = arith.constant 352 : index
      %swap3A_299 = tpu.vector_load %arg8[%swap3A_298] {strides = array<i32>} : memref<1024xi32, #tpu.memory_space<vmem>>, vector<16xi32>,
      %swap3A_300 = vector.shape_cast %swap3A_299 : vector<16xi32> to vector<16xi32>
      %swap3A_301 = vector.shape_cast %min3A_297 : vector<16xi32> to vector<16xi32>
      tpu.vector_store %arg8[%swap3A_298], %swap3A_301 {strides = array<i32>} : memref<1024xi32, #tpu.memory_space<vmem>>, vector<16xi32>,
      %get3A_302 = arith.constant 368 : index
      %get3A_303 = tpu.vector_load %arg6[%get3A_302] {strides = array<i32>} : memref<1024xi32, #tpu.memory_space<vmem>>, vector<16xi32>,
      %get3A_304 = vector.shape_cast %get3A_303 : vector<16xi32> to vector<16xi32>
      %min3A_305 = arith.constant 1 : i32
      %min3A_306 = vector.broadcast %min3A_305 : i32 to vector<16xi32>
      %min3A_307 = arith.minsi %get3A_304, %min3A_306 : vector<16xi32>
      %swap3A_308 = arith.constant 368 : index
      %swap3A_309 = tpu.vector_load %arg8[%swap3A_308] {strides = array<i32>} : memref<1024xi32, #tpu.memory_space<vmem>>, vector<16xi32>,
      %swap3A_310 = vector.shape_cast %swap3A_309 : vector<16xi32> to vector<16xi32>
      %swap3A_311 = vector.shape_cast %min3A_307 : vector<16xi32> to vector<16xi32>
      tpu.vector_store %arg8[%swap3A_308], %swap3A_311 {strides = array<i32>} : memref<1024xi32, #tpu.memory_space<vmem>>, vector<16xi32>,
      %get3A_312 = arith.constant 384 : index
      %get3A_313 = tpu.vector_load %arg6[%get3A_312] {strides = array<i32>} : memref<1024xi32, #tpu.memory_space<vmem>>, vector<16xi32>,
      %get3A_314 = vector.shape_cast %get3A_313 : vector<16xi32> to vector<16xi32>
      %min3A_315 = arith.constant 1 : i32
      %min3A_316 = vector.broadcast %min3A_315 : i32 to vector<16xi32>
      %min3A_317 = arith.minsi %get3A_314, %min3A_316 : vector<16xi32>
      %swap3A_318 = arith.constant 384 : index
      %swap3A_319 = tpu.vector_load %arg8[%swap3A_318] {strides = array<i32>} : memref<1024xi32, #tpu.memory_space<vmem>>, vector<16xi32>,
      %swap3A_320 = vector.shape_cast %swap3A_319 : vector<16xi32> to vector<16xi32>
      %swap3A_321 = vector.shape_cast %min3A_317 : vector<16xi32> to vector<16xi32>
      tpu.vector_store %arg8[%swap3A_318], %swap3A_321 {strides = array<i32>} : memref<1024xi32, #tpu.memory_space<vmem>>, vector<16xi32>,
      %get3A_322 = arith.constant 400 : index
      %get3A_323 = tpu.vector_load %arg6[%get3A_322] {strides = array<i32>} : memref<1024xi32, #tpu.memory_space<vmem>>, vector<16xi32>,
      %get3A_324 = vector.shape_cast %get3A_323 : vector<16xi32> to vector<16xi32>
      %min3A_325 = arith.constant 1 : i32
      %min3A_326 = vector.broadcast %min3A_325 : i32 to vector<16xi32>
      %min3A_327 = arith.minsi %get3A_324, %min3A_326 : vector<16xi32>
      %swap3A_328 = arith.constant 400 : index
      %swap3A_329 = tpu.vector_load %arg8[%swap3A_328] {strides = array<i32>} : memref<1024xi32, #tpu.memory_space<vmem>>, vector<16xi32>,
      %swap3A_330 = vector.shape_cast %swap3A_329 : vector<16xi32> to vector<16xi32>
      %swap3A_331 = vector.shape_cast %min3A_327 : vector<16xi32> to vector<16xi32>
      tpu.vector_store %arg8[%swap3A_328], %swap3A_331 {strides = array<i32>} : memref<1024xi32, #tpu.memory_space<vmem>>, vector<16xi32>,
      %get3A_332 = arith.constant 416 : index
      %get3A_333 = tpu.vector_load %arg6[%get3A_332] {strides = array<i32>} : memref<1024xi32, #tpu.memory_space<vmem>>, vector<16xi32>,
      %get3A_334 = vector.shape_cast %get3A_333 : vector<16xi32> to vector<16xi32>
      %min3A_335 = arith.constant 1 : i32
      %min3A_336 = vector.broadcast %min3A_335 : i32 to vector<16xi32>
      %min3A_337 = arith.minsi %get3A_334, %min3A_336 : vector<16xi32>
      %swap3A_338 = arith.constant 416 : index
      %swap3A_339 = tpu.vector_load %arg8[%swap3A_338] {strides = array<i32>} : memref<1024xi32, #tpu.memory_space<vmem>>, vector<16xi32>,
      %swap3A_340 = vector.shape_cast %swap3A_339 : vector<16xi32> to vector<16xi32>
      %swap3A_341 = vector.shape_cast %min3A_337 : vector<16xi32> to vector<16xi32>
      tpu.vector_store %arg8[%swap3A_338], %swap3A_341 {strides = array<i32>} : memref<1024xi32, #tpu.memory_space<vmem>>, vector<16xi32>,
      %get3A_342 = arith.constant 432 : index
      %get3A_343 = tpu.vector_load %arg6[%get3A_342] {strides = array<i32>} : memref<1024xi32, #tpu.memory_space<vmem>>, vector<16xi32>,
      %get3A_344 = vector.shape_cast %get3A_343 : vector<16xi32> to vector<16xi32>
      %min3A_345 = arith.constant 1 : i32
      %min3A_346 = vector.broadcast %min3A_345 : i32 to vector<16xi32>
      %min3A_347 = arith.minsi %get3A_344, %min3A_346 : vector<16xi32>
      %swap3A_348 = arith.constant 432 : index
      %swap3A_349 = tpu.vector_load %arg8[%swap3A_348] {strides = array<i32>} : memref<1024xi32, #tpu.memory_space<vmem>>, vector<16xi32>,
      %swap3A_350 = vector.shape_cast %swap3A_349 : vector<16xi32> to vector<16xi32>
      %swap3A_351 = vector.shape_cast %min3A_347 : vector<16xi32> to vector<16xi32>
      tpu.vector_store %arg8[%swap3A_348], %swap3A_351 {strides = array<i32>} : memref<1024xi32, #tpu.memory_space<vmem>>, vector<16xi32>,
      %get3A_352 = arith.constant 448 : index
      %get3A_353 = tpu.vector_load %arg6[%get3A_352] {strides = array<i32>} : memref<1024xi32, #tpu.memory_space<vmem>>, vector<16xi32>,
      %get3A_354 = vector.shape_cast %get3A_353 : vector<16xi32> to vector<16xi32>
      %min3A_355 = arith.constant 1 : i32
      %min3A_356 = vector.broadcast %min3A_355 : i32 to vector<16xi32>
      %min3A_357 = arith.minsi %get3A_354, %min3A_356 : vector<16xi32>
      %swap3A_358 = arith.constant 448 : index
      %swap3A_359 = tpu.vector_load %arg8[%swap3A_358] {strides = array<i32>} : memref<1024xi32, #tpu.memory_space<vmem>>, vector<16xi32>,
      %swap3A_360 = vector.shape_cast %swap3A_359 : vector<16xi32> to vector<16xi32>
      %swap3A_361 = vector.shape_cast %min3A_357 : vector<16xi32> to vector<16xi32>
      tpu.vector_store %arg8[%swap3A_358], %swap3A_361 {strides = array<i32>} : memref<1024xi32, #tpu.memory_space<vmem>>, vector<16xi32>,
      %get3A_362 = arith.constant 464 : index
      %get3A_363 = tpu.vector_load %arg6[%get3A_362] {strides = array<i32>} : memref<1024xi32, #tpu.memory_space<vmem>>, vector<16xi32>,
      %get3A_364 = vector.shape_cast %get3A_363 : vector<16xi32> to vector<16xi32>
      %min3A_365 = arith.constant 1 : i32
      %min3A_366 = vector.broadcast %min3A_365 : i32 to vector<16xi32>
      %min3A_367 = arith.minsi %get3A_364, %min3A_366 : vector<16xi32>
      %swap3A_368 = arith.constant 464 : index
      %swap3A_369 = tpu.vector_load %arg8[%swap3A_368] {strides = array<i32>} : memref<1024xi32, #tpu.memory_space<vmem>>, vector<16xi32>,
      %swap3A_370 = vector.shape_cast %swap3A_369 : vector<16xi32> to vector<16xi32>
      %swap3A_371 = vector.shape_cast %min3A_367 : vector<16xi32> to vector<16xi32>
      tpu.vector_store %arg8[%swap3A_368], %swap3A_371 {strides = array<i32>} : memref<1024xi32, #tpu.memory_space<vmem>>, vector<16xi32>,
      %get3A_372 = arith.constant 480 : index
      %get3A_373 = tpu.vector_load %arg6[%get3A_372] {strides = array<i32>} : memref<1024xi32, #tpu.memory_space<vmem>>, vector<16xi32>,
      %get3A_374 = vector.shape_cast %get3A_373 : vector<16xi32> to vector<16xi32>
      %min3A_375 = arith.constant 1 : i32
      %min3A_376 = vector.broadcast %min3A_375 : i32 to vector<16xi32>
      %min3A_377 = arith.minsi %get3A_374, %min3A_376 : vector<16xi32>
      %swap3A_378 = arith.constant 480 : index
      %swap3A_379 = tpu.vector_load %arg8[%swap3A_378] {strides = array<i32>} : memref<1024xi32, #tpu.memory_space<vmem>>, vector<16xi32>,
      %swap3A_380 = vector.shape_cast %swap3A_379 : vector<16xi32> to vector<16xi32>
      %swap3A_381 = vector.shape_cast %min3A_377 : vector<16xi32> to vector<16xi32>
      tpu.vector_store %arg8[%swap3A_378], %swap3A_381 {strides = array<i32>} : memref<1024xi32, #tpu.memory_space<vmem>>, vector<16xi32>,
      %get3A_382 = arith.constant 496 : index
      %get3A_383 = tpu.vector_load %arg6[%get3A_382] {strides = array<i32>} : memref<1024xi32, #tpu.memory_space<vmem>>, vector<16xi32>,
      %get3A_384 = vector.shape_cast %get3A_383 : vector<16xi32> to vector<16xi32>
      %min3A_385 = arith.constant 1 : i32
      %min3A_386 = vector.broadcast %min3A_385 : i32 to vector<16xi32>
      %min3A_387 = arith.minsi %get3A_384, %min3A_386 : vector<16xi32>
      %swap3A_388 = arith.constant 496 : index
      %swap3A_389 = tpu.vector_load %arg8[%swap3A_388] {strides = array<i32>} : memref<1024xi32, #tpu.memory_space<vmem>>, vector<16xi32>,
      %swap3A_390 = vector.shape_cast %swap3A_389 : vector<16xi32> to vector<16xi32>
      %swap3A_391 = vector.shape_cast %min3A_387 : vector<16xi32> to vector<16xi32>
      tpu.vector_store %arg8[%swap3A_388], %swap3A_391 {strides = array<i32>} : memref<1024xi32, #tpu.memory_space<vmem>>, vector<16xi32>,
      %get3A_392 = arith.constant 512 : index
      %get3A_393 = tpu.vector_load %arg6[%get3A_392] {strides = array<i32>} : memref<1024xi32, #tpu.memory_space<vmem>>, vector<16xi32>,
      %get3A_394 = vector.shape_cast %get3A_393 : vector<16xi32> to vector<16xi32>
      %min3A_395 = arith.constant 1 : i32
      %min3A_396 = vector.broadcast %min3A_395 : i32 to vector<16xi32>
      %min3A_397 = arith.minsi %get3A_394, %min3A_396 : vector<16xi32>
      %swap3A_398 = arith.constant 512 : index
      %swap3A_399 = tpu.vector_load %arg8[%swap3A_398] {strides = array<i32>} : memref<1024xi32, #tpu.memory_space<vmem>>, vector<16xi32>,
      %swap3A_400 = vector.shape_cast %swap3A_399 : vector<16xi32> to vector<16xi32>
      %swap3A_401 = vector.shape_cast %min3A_397 : vector<16xi32> to vector<16xi32>
      tpu.vector_store %arg8[%swap3A_398], %swap3A_401 {strides = array<i32>} : memref<1024xi32, #tpu.memory_space<vmem>>, vector<16xi32>,
      %get3A_402 = arith.constant 528 : index
      %get3A_403 = tpu.vector_load %arg6[%get3A_402] {strides = array<i32>} : memref<1024xi32, #tpu.memory_space<vmem>>, vector<16xi32>,
      %get3A_404 = vector.shape_cast %get3A_403 : vector<16xi32> to vector<16xi32>
      %min3A_405 = arith.constant 1 : i32
      %min3A_406 = vector.broadcast %min3A_405 : i32 to vector<16xi32>
      %min3A_407 = arith.minsi %get3A_404, %min3A_406 : vector<16xi32>
      %swap3A_408 = arith.constant 528 : index
      %swap3A_409 = tpu.vector_load %arg8[%swap3A_408] {strides = array<i32>} : memref<1024xi32, #tpu.memory_space<vmem>>, vector<16xi32>,
      %swap3A_410 = vector.shape_cast %swap3A_409 : vector<16xi32> to vector<16xi32>
      %swap3A_411 = vector.shape_cast %min3A_407 : vector<16xi32> to vector<16xi32>
      tpu.vector_store %arg8[%swap3A_408], %swap3A_411 {strides = array<i32>} : memref<1024xi32, #tpu.memory_space<vmem>>, vector<16xi32>,
      %get3A_412 = arith.constant 544 : index
      %get3A_413 = tpu.vector_load %arg6[%get3A_412] {strides = array<i32>} : memref<1024xi32, #tpu.memory_space<vmem>>, vector<16xi32>,
      %get3A_414 = vector.shape_cast %get3A_413 : vector<16xi32> to vector<16xi32>
      %min3A_415 = arith.constant 1 : i32
      %min3A_416 = vector.broadcast %min3A_415 : i32 to vector<16xi32>
      %min3A_417 = arith.minsi %get3A_414, %min3A_416 : vector<16xi32>
      %swap3A_418 = arith.constant 544 : index
      %swap3A_419 = tpu.vector_load %arg8[%swap3A_418] {strides = array<i32>} : memref<1024xi32, #tpu.memory_space<vmem>>, vector<16xi32>,
      %swap3A_420 = vector.shape_cast %swap3A_419 : vector<16xi32> to vector<16xi32>
      %swap3A_421 = vector.shape_cast %min3A_417 : vector<16xi32> to vector<16xi32>
      tpu.vector_store %arg8[%swap3A_418], %swap3A_421 {strides = array<i32>} : memref<1024xi32, #tpu.memory_space<vmem>>, vector<16xi32>,
      %get3A_422 = arith.constant 560 : index
      %get3A_423 = tpu.vector_load %arg6[%get3A_422] {strides = array<i32>} : memref<1024xi32, #tpu.memory_space<vmem>>, vector<16xi32>,
      %get3A_424 = vector.shape_cast %get3A_423 : vector<16xi32> to vector<16xi32>
      %min3A_425 = arith.constant 1 : i32
      %min3A_426 = vector.broadcast %min3A_425 : i32 to vector<16xi32>
      %min3A_427 = arith.minsi %get3A_424, %min3A_426 : vector<16xi32>
      %swap3A_428 = arith.constant 560 : index
      %swap3A_429 = tpu.vector_load %arg8[%swap3A_428] {strides = array<i32>} : memref<1024xi32, #tpu.memory_space<vmem>>, vector<16xi32>,
      %swap3A_430 = vector.shape_cast %swap3A_429 : vector<16xi32> to vector<16xi32>
      %swap3A_431 = vector.shape_cast %min3A_427 : vector<16xi32> to vector<16xi32>
      tpu.vector_store %arg8[%swap3A_428], %swap3A_431 {strides = array<i32>} : memref<1024xi32, #tpu.memory_space<vmem>>, vector<16xi32>,
      %get3A_432 = arith.constant 576 : index
      %get3A_433 = tpu.vector_load %arg6[%get3A_432] {strides = array<i32>} : memref<1024xi32, #tpu.memory_space<vmem>>, vector<16xi32>,
      %get3A_434 = vector.shape_cast %get3A_433 : vector<16xi32> to vector<16xi32>
      %min3A_435 = arith.constant 1 : i32
      %min3A_436 = vector.broadcast %min3A_435 : i32 to vector<16xi32>
      %min3A_437 = arith.minsi %get3A_434, %min3A_436 : vector<16xi32>
      %swap3A_438 = arith.constant 576 : index
      %swap3A_439 = tpu.vector_load %arg8[%swap3A_438] {strides = array<i32>} : memref<1024xi32, #tpu.memory_space<vmem>>, vector<16xi32>,
      %swap3A_440 = vector.shape_cast %swap3A_439 : vector<16xi32> to vector<16xi32>
      %swap3A_441 = vector.shape_cast %min3A_437 : vector<16xi32> to vector<16xi32>
      tpu.vector_store %arg8[%swap3A_438], %swap3A_441 {strides = array<i32>} : memref<1024xi32, #tpu.memory_space<vmem>>, vector<16xi32>,
      %get3A_442 = arith.constant 592 : index
      %get3A_443 = tpu.vector_load %arg6[%get3A_442] {strides = array<i32>} : memref<1024xi32, #tpu.memory_space<vmem>>, vector<16xi32>,
      %get3A_444 = vector.shape_cast %get3A_443 : vector<16xi32> to vector<16xi32>
      %min3A_445 = arith.constant 1 : i32
      %min3A_446 = vector.broadcast %min3A_445 : i32 to vector<16xi32>
      %min3A_447 = arith.minsi %get3A_444, %min3A_446 : vector<16xi32>
      %swap3A_448 = arith.constant 592 : index
      %swap3A_449 = tpu.vector_load %arg8[%swap3A_448] {strides = array<i32>} : memref<1024xi32, #tpu.memory_space<vmem>>, vector<16xi32>,
      %swap3A_450 = vector.shape_cast %swap3A_449 : vector<16xi32> to vector<16xi32>
      %swap3A_451 = vector.shape_cast %min3A_447 : vector<16xi32> to vector<16xi32>
      tpu.vector_store %arg8[%swap3A_448], %swap3A_451 {strides = array<i32>} : memref<1024xi32, #tpu.memory_space<vmem>>, vector<16xi32>,
      %get3A_452 = arith.constant 608 : index
      %get3A_453 = tpu.vector_load %arg6[%get3A_452] {strides = array<i32>} : memref<1024xi32, #tpu.memory_space<vmem>>, vector<16xi32>,
      %get3A_454 = vector.shape_cast %get3A_453 : vector<16xi32> to vector<16xi32>
      %min3A_455 = arith.constant 1 : i32
      %min3A_456 = vector.broadcast %min3A_455 : i32 to vector<16xi32>
      %min3A_457 = arith.minsi %get3A_454, %min3A_456 : vector<16xi32>
      %swap3A_458 = arith.constant 608 : index
      %swap3A_459 = tpu.vector_load %arg8[%swap3A_458] {strides = array<i32>} : memref<1024xi32, #tpu.memory_space<vmem>>, vector<16xi32>,
      %swap3A_460 = vector.shape_cast %swap3A_459 : vector<16xi32> to vector<16xi32>
      %swap3A_461 = vector.shape_cast %min3A_457 : vector<16xi32> to vector<16xi32>
      tpu.vector_store %arg8[%swap3A_458], %swap3A_461 {strides = array<i32>} : memref<1024xi32, #tpu.memory_space<vmem>>, vector<16xi32>,
      %get3A_462 = arith.constant 624 : index
      %get3A_463 = tpu.vector_load %arg6[%get3A_462] {strides = array<i32>} : memref<1024xi32, #tpu.memory_space<vmem>>, vector<16xi32>,
      %get3A_464 = vector.shape_cast %get3A_463 : vector<16xi32> to vector<16xi32>
      %min3A_465 = arith.constant 1 : i32
      %min3A_466 = vector.broadcast %min3A_465 : i32 to vector<16xi32>
      %min3A_467 = arith.minsi %get3A_464, %min3A_466 : vector<16xi32>
      %swap3A_468 = arith.constant 624 : index
      %swap3A_469 = tpu.vector_load %arg8[%swap3A_468] {strides = array<i32>} : memref<1024xi32, #tpu.memory_space<vmem>>, vector<16xi32>,
      %swap3A_470 = vector.shape_cast %swap3A_469 : vector<16xi32> to vector<16xi32>
      %swap3A_471 = vector.shape_cast %min3A_467 : vector<16xi32> to vector<16xi32>
      tpu.vector_store %arg8[%swap3A_468], %swap3A_471 {strides = array<i32>} : memref<1024xi32, #tpu.memory_space<vmem>>, vector<16xi32>,
      %get3A_472 = arith.constant 640 : index
      %get3A_473 = tpu.vector_load %arg6[%get3A_472] {strides = array<i32>} : memref<1024xi32, #tpu.memory_space<vmem>>, vector<16xi32>,
      %get3A_474 = vector.shape_cast %get3A_473 : vector<16xi32> to vector<16xi32>
      %min3A_475 = arith.constant 1 : i32
      %min3A_476 = vector.broadcast %min3A_475 : i32 to vector<16xi32>
      %min3A_477 = arith.minsi %get3A_474, %min3A_476 : vector<16xi32>
      %swap3A_478 = arith.constant 640 : index
      %swap3A_479 = tpu.vector_load %arg8[%swap3A_478] {strides = array<i32>} : memref<1024xi32, #tpu.memory_space<vmem>>, vector<16xi32>,
      %swap3A_480 = vector.shape_cast %swap3A_479 : vector<16xi32> to vector<16xi32>
      %swap3A_481 = vector.shape_cast %min3A_477 : vector<16xi32> to vector<16xi32>
      tpu.vector_store %arg8[%swap3A_478], %swap3A_481 {strides = array<i32>} : memref<1024xi32, #tpu.memory_space<vmem>>, vector<16xi32>,
      %get3A_482 = arith.constant 656 : index
      %get3A_483 = tpu.vector_load %arg6[%get3A_482] {strides = array<i32>} : memref<1024xi32, #tpu.memory_space<vmem>>, vector<16xi32>,
      %get3A_484 = vector.shape_cast %get3A_483 : vector<16xi32> to vector<16xi32>
      %min3A_485 = arith.constant 1 : i32
      %min3A_486 = vector.broadcast %min3A_485 : i32 to vector<16xi32>
      %min3A_487 = arith.minsi %get3A_484, %min3A_486 : vector<16xi32>
      %swap3A_488 = arith.constant 656 : index
      %swap3A_489 = tpu.vector_load %arg8[%swap3A_488] {strides = array<i32>} : memref<1024xi32, #tpu.memory_space<vmem>>, vector<16xi32>,
      %swap3A_490 = vector.shape_cast %swap3A_489 : vector<16xi32> to vector<16xi32>
      %swap3A_491 = vector.shape_cast %min3A_487 : vector<16xi32> to vector<16xi32>
      tpu.vector_store %arg8[%swap3A_488], %swap3A_491 {strides = array<i32>} : memref<1024xi32, #tpu.memory_space<vmem>>, vector<16xi32>,
      %get3A_492 = arith.constant 672 : index
      %get3A_493 = tpu.vector_load %arg6[%get3A_492] {strides = array<i32>} : memref<1024xi32, #tpu.memory_space<vmem>>, vector<16xi32>,
      %get3A_494 = vector.shape_cast %get3A_493 : vector<16xi32> to vector<16xi32>
      %min3A_495 = arith.constant 1 : i32
      %min3A_496 = vector.broadcast %min3A_495 : i32 to vector<16xi32>
      %min3A_497 = arith.minsi %get3A_494, %min3A_496 : vector<16xi32>
      %swap3A_498 = arith.constant 672 : index
      %swap3A_499 = tpu.vector_load %arg8[%swap3A_498] {strides = array<i32>} : memref<1024xi32, #tpu.memory_space<vmem>>, vector<16xi32>,
      %swap3A_500 = vector.shape_cast %swap3A_499 : vector<16xi32> to vector<16xi32>
      %swap3A_501 = vector.shape_cast %min3A_497 : vector<16xi32> to vector<16xi32>
      tpu.vector_store %arg8[%swap3A_498], %swap3A_501 {strides = array<i32>} : memref<1024xi32, #tpu.memory_space<vmem>>, vector<16xi32>,
      %get3A_502 = arith.constant 688 : index
      %get3A_503 = tpu.vector_load %arg6[%get3A_502] {strides = array<i32>} : memref<1024xi32, #tpu.memory_space<vmem>>, vector<16xi32>,
      %get3A_504 = vector.shape_cast %get3A_503 : vector<16xi32> to vector<16xi32>
      %min3A_505 = arith.constant 1 : i32
      %min3A_506 = vector.broadcast %min3A_505 : i32 to vector<16xi32>
      %min3A_507 = arith.minsi %get3A_504, %min3A_506 : vector<16xi32>
      %swap3A_508 = arith.constant 688 : index
      %swap3A_509 = tpu.vector_load %arg8[%swap3A_508] {strides = array<i32>} : memref<1024xi32, #tpu.memory_space<vmem>>, vector<16xi32>,
      %swap3A_510 = vector.shape_cast %swap3A_509 : vector<16xi32> to vector<16xi32>
      %swap3A_511 = vector.shape_cast %min3A_507 : vector<16xi32> to vector<16xi32>
      tpu.vector_store %arg8[%swap3A_508], %swap3A_511 {strides = array<i32>} : memref<1024xi32, #tpu.memory_space<vmem>>, vector<16xi32>,
      %get3A_512 = arith.constant 704 : index
      %get3A_513 = tpu.vector_load %arg6[%get3A_512] {strides = array<i32>} : memref<1024xi32, #tpu.memory_space<vmem>>, vector<16xi32>,
      %get3A_514 = vector.shape_cast %get3A_513 : vector<16xi32> to vector<16xi32>
      %min3A_515 = arith.constant 1 : i32
      %min3A_516 = vector.broadcast %min3A_515 : i32 to vector<16xi32>
      %min3A_517 = arith.minsi %get3A_514, %min3A_516 : vector<16xi32>
      %swap3A_518 = arith.constant 704 : index
      %swap3A_519 = tpu.vector_load %arg8[%swap3A_518] {strides = array<i32>} : memref<1024xi32, #tpu.memory_space<vmem>>, vector<16xi32>,
      %swap3A_520 = vector.shape_cast %swap3A_519 : vector<16xi32> to vector<16xi32>
      %swap3A_521 = vector.shape_cast %min3A_517 : vector<16xi32> to vector<16xi32>
      tpu.vector_store %arg8[%swap3A_518], %swap3A_521 {strides = array<i32>} : memref<1024xi32, #tpu.memory_space<vmem>>, vector<16xi32>,
      %get3A_522 = arith.constant 720 : index
      %get3A_523 = tpu.vector_load %arg6[%get3A_522] {strides = array<i32>} : memref<1024xi32, #tpu.memory_space<vmem>>, vector<16xi32>,
      %get3A_524 = vector.shape_cast %get3A_523 : vector<16xi32> to vector<16xi32>
      %min3A_525 = arith.constant 1 : i32
      %min3A_526 = vector.broadcast %min3A_525 : i32 to vector<16xi32>
      %min3A_527 = arith.minsi %get3A_524, %min3A_526 : vector<16xi32>
      %swap3A_528 = arith.constant 720 : index
      %swap3A_529 = tpu.vector_load %arg8[%swap3A_528] {strides = array<i32>} : memref<1024xi32, #tpu.memory_space<vmem>>, vector<16xi32>,
      %swap3A_530 = vector.shape_cast %swap3A_529 : vector<16xi32> to vector<16xi32>
      %swap3A_531 = vector.shape_cast %min3A_527 : vector<16xi32> to vector<16xi32>
      tpu.vector_store %arg8[%swap3A_528], %swap3A_531 {strides = array<i32>} : memref<1024xi32, #tpu.memory_space<vmem>>, vector<16xi32>,
      %get3A_532 = arith.constant 736 : index
      %get3A_533 = tpu.vector_load %arg6[%get3A_532] {strides = array<i32>} : memref<1024xi32, #tpu.memory_space<vmem>>, vector<16xi32>,
      %get3A_534 = vector.shape_cast %get3A_533 : vector<16xi32> to vector<16xi32>
      %min3A_535 = arith.constant 1 : i32
      %min3A_536 = vector.broadcast %min3A_535 : i32 to vector<16xi32>
      %min3A_537 = arith.minsi %get3A_534, %min3A_536 : vector<16xi32>
      %swap3A_538 = arith.constant 736 : index
      %swap3A_539 = tpu.vector_load %arg8[%swap3A_538] {strides = array<i32>} : memref<1024xi32, #tpu.memory_space<vmem>>, vector<16xi32>,
      %swap3A_540 = vector.shape_cast %swap3A_539 : vector<16xi32> to vector<16xi32>
      %swap3A_541 = vector.shape_cast %min3A_537 : vector<16xi32> to vector<16xi32>
      tpu.vector_store %arg8[%swap3A_538], %swap3A_541 {strides = array<i32>} : memref<1024xi32, #tpu.memory_space<vmem>>, vector<16xi32>,
      %get3A_542 = arith.constant 752 : index
      %get3A_543 = tpu.vector_load %arg6[%get3A_542] {strides = array<i32>} : memref<1024xi32, #tpu.memory_space<vmem>>, vector<16xi32>,
      %get3A_544 = vector.shape_cast %get3A_543 : vector<16xi32> to vector<16xi32>
      %min3A_545 = arith.constant 1 : i32
      %min3A_546 = vector.broadcast %min3A_545 : i32 to vector<16xi32>
      %min3A_547 = arith.minsi %get3A_544, %min3A_546 : vector<16xi32>
      %swap3A_548 = arith.constant 752 : index
      %swap3A_549 = tpu.vector_load %arg8[%swap3A_548] {strides = array<i32>} : memref<1024xi32, #tpu.memory_space<vmem>>, vector<16xi32>,
      %swap3A_550 = vector.shape_cast %swap3A_549 : vector<16xi32> to vector<16xi32>
      %swap3A_551 = vector.shape_cast %min3A_547 : vector<16xi32> to vector<16xi32>
      tpu.vector_store %arg8[%swap3A_548], %swap3A_551 {strides = array<i32>} : memref<1024xi32, #tpu.memory_space<vmem>>, vector<16xi32>,
      %get3A_552 = arith.constant 768 : index
      %get3A_553 = tpu.vector_load %arg6[%get3A_552] {strides = array<i32>} : memref<1024xi32, #tpu.memory_space<vmem>>, vector<16xi32>,
      %get3A_554 = vector.shape_cast %get3A_553 : vector<16xi32> to vector<16xi32>
      %min3A_555 = arith.constant 1 : i32
      %min3A_556 = vector.broadcast %min3A_555 : i32 to vector<16xi32>
      %min3A_557 = arith.minsi %get3A_554, %min3A_556 : vector<16xi32>
      %swap3A_558 = arith.constant 768 : index
      %swap3A_559 = tpu.vector_load %arg8[%swap3A_558] {strides = array<i32>} : memref<1024xi32, #tpu.memory_space<vmem>>, vector<16xi32>,
      %swap3A_560 = vector.shape_cast %swap3A_559 : vector<16xi32> to vector<16xi32>
      %swap3A_561 = vector.shape_cast %min3A_557 : vector<16xi32> to vector<16xi32>
      tpu.vector_store %arg8[%swap3A_558], %swap3A_561 {strides = array<i32>} : memref<1024xi32, #tpu.memory_space<vmem>>, vector<16xi32>,
      %get3A_562 = arith.constant 784 : index
      %get3A_563 = tpu.vector_load %arg6[%get3A_562] {strides = array<i32>} : memref<1024xi32, #tpu.memory_space<vmem>>, vector<16xi32>,
      %get3A_564 = vector.shape_cast %get3A_563 : vector<16xi32> to vector<16xi32>
      %min3A_565 = arith.constant 1 : i32
      %min3A_566 = vector.broadcast %min3A_565 : i32 to vector<16xi32>
      %min3A_567 = arith.minsi %get3A_564, %min3A_566 : vector<16xi32>
      %swap3A_568 = arith.constant 784 : index
      %swap3A_569 = tpu.vector_load %arg8[%swap3A_568] {strides = array<i32>} : memref<1024xi32, #tpu.memory_space<vmem>>, vector<16xi32>,
      %swap3A_570 = vector.shape_cast %swap3A_569 : vector<16xi32> to vector<16xi32>
      %swap3A_571 = vector.shape_cast %min3A_567 : vector<16xi32> to vector<16xi32>
      tpu.vector_store %arg8[%swap3A_568], %swap3A_571 {strides = array<i32>} : memref<1024xi32, #tpu.memory_space<vmem>>, vector<16xi32>,
      %get3A_572 = arith.constant 800 : index
      %get3A_573 = tpu.vector_load %arg6[%get3A_572] {strides = array<i32>} : memref<1024xi32, #tpu.memory_space<vmem>>, vector<16xi32>,
      %get3A_574 = vector.shape_cast %get3A_573 : vector<16xi32> to vector<16xi32>
      %min3A_575 = arith.constant 1 : i32
      %min3A_576 = vector.broadcast %min3A_575 : i32 to vector<16xi32>
      %min3A_577 = arith.minsi %get3A_574, %min3A_576 : vector<16xi32>
      %swap3A_578 = arith.constant 800 : index
      %swap3A_579 = tpu.vector_load %arg8[%swap3A_578] {strides = array<i32>} : memref<1024xi32, #tpu.memory_space<vmem>>, vector<16xi32>,
      %swap3A_580 = vector.shape_cast %swap3A_579 : vector<16xi32> to vector<16xi32>
      %swap3A_581 = vector.shape_cast %min3A_577 : vector<16xi32> to vector<16xi32>
      tpu.vector_store %arg8[%swap3A_578], %swap3A_581 {strides = array<i32>} : memref<1024xi32, #tpu.memory_space<vmem>>, vector<16xi32>,
      %get3A_582 = arith.constant 816 : index
      %get3A_583 = tpu.vector_load %arg6[%get3A_582] {strides = array<i32>} : memref<1024xi32, #tpu.memory_space<vmem>>, vector<16xi32>,
      %get3A_584 = vector.shape_cast %get3A_583 : vector<16xi32> to vector<16xi32>
      %min3A_585 = arith.constant 1 : i32
      %min3A_586 = vector.broadcast %min3A_585 : i32 to vector<16xi32>
      %min3A_587 = arith.minsi %get3A_584, %min3A_586 : vector<16xi32>
      %swap3A_588 = arith.constant 816 : index
      %swap3A_589 = tpu.vector_load %arg8[%swap3A_588] {strides = array<i32>} : memref<1024xi32, #tpu.memory_space<vmem>>, vector<16xi32>,
      %swap3A_590 = vector.shape_cast %swap3A_589 : vector<16xi32> to vector<16xi32>
      %swap3A_591 = vector.shape_cast %min3A_587 : vector<16xi32> to vector<16xi32>
      tpu.vector_store %arg8[%swap3A_588], %swap3A_591 {strides = array<i32>} : memref<1024xi32, #tpu.memory_space<vmem>>, vector<16xi32>,
      %get3A_592 = arith.constant 832 : index
      %get3A_593 = tpu.vector_load %arg6[%get3A_592] {strides = array<i32>} : memref<1024xi32, #tpu.memory_space<vmem>>, vector<16xi32>,
      %get3A_594 = vector.shape_cast %get3A_593 : vector<16xi32> to vector<16xi32>
      %min3A_595 = arith.constant 1 : i32
      %min3A_596 = vector.broadcast %min3A_595 : i32 to vector<16xi32>
      %min3A_597 = arith.minsi %get3A_594, %min3A_596 : vector<16xi32>
      %swap3A_598 = arith.constant 832 : index
      %swap3A_599 = tpu.vector_load %arg8[%swap3A_598] {strides = array<i32>} : memref<1024xi32, #tpu.memory_space<vmem>>, vector<16xi32>,
      %swap3A_600 = vector.shape_cast %swap3A_599 : vector<16xi32> to vector<16xi32>
      %swap3A_601 = vector.shape_cast %min3A_597 : vector<16xi32> to vector<16xi32>
      tpu.vector_store %arg8[%swap3A_598], %swap3A_601 {strides = array<i32>} : memref<1024xi32, #tpu.memory_space<vmem>>, vector<16xi32>,
      %get3A_602 = arith.constant 848 : index
      %get3A_603 = tpu.vector_load %arg6[%get3A_602] {strides = array<i32>} : memref<1024xi32, #tpu.memory_space<vmem>>, vector<16xi32>,
      %get3A_604 = vector.shape_cast %get3A_603 : vector<16xi32> to vector<16xi32>
      %min3A_605 = arith.constant 1 : i32
      %min3A_606 = vector.broadcast %min3A_605 : i32 to vector<16xi32>
      %min3A_607 = arith.minsi %get3A_604, %min3A_606 : vector<16xi32>
      %swap3A_608 = arith.constant 848 : index
      %swap3A_609 = tpu.vector_load %arg8[%swap3A_608] {strides = array<i32>} : memref<1024xi32, #tpu.memory_space<vmem>>, vector<16xi32>,
      %swap3A_610 = vector.shape_cast %swap3A_609 : vector<16xi32> to vector<16xi32>
      %swap3A_611 = vector.shape_cast %min3A_607 : vector<16xi32> to vector<16xi32>
      tpu.vector_store %arg8[%swap3A_608], %swap3A_611 {strides = array<i32>} : memref<1024xi32, #tpu.memory_space<vmem>>, vector<16xi32>,
      %get3A_612 = arith.constant 864 : index
      %get3A_613 = tpu.vector_load %arg6[%get3A_612] {strides = array<i32>} : memref<1024xi32, #tpu.memory_space<vmem>>, vector<16xi32>,
      %get3A_614 = vector.shape_cast %get3A_613 : vector<16xi32> to vector<16xi32>
      %min3A_615 = arith.constant 1 : i32
      %min3A_616 = vector.broadcast %min3A_615 : i32 to vector<16xi32>
      %min3A_617 = arith.minsi %get3A_614, %min3A_616 : vector<16xi32>
      %swap3A_618 = arith.constant 864 : index
      %swap3A_619 = tpu.vector_load %arg8[%swap3A_618] {strides = array<i32>} : memref<1024xi32, #tpu.memory_space<vmem>>, vector<16xi32>,
      %swap3A_620 = vector.shape_cast %swap3A_619 : vector<16xi32> to vector<16xi32>
      %swap3A_621 = vector.shape_cast %min3A_617 : vector<16xi32> to vector<16xi32>
      tpu.vector_store %arg8[%swap3A_618], %swap3A_621 {strides = array<i32>} : memref<1024xi32, #tpu.memory_space<vmem>>, vector<16xi32>,
      %get3A_622 = arith.constant 880 : index
      %get3A_623 = tpu.vector_load %arg6[%get3A_622] {strides = array<i32>} : memref<1024xi32, #tpu.memory_space<vmem>>, vector<16xi32>,
      %get3A_624 = vector.shape_cast %get3A_623 : vector<16xi32> to vector<16xi32>
      %min3A_625 = arith.constant 1 : i32
      %min3A_626 = vector.broadcast %min3A_625 : i32 to vector<16xi32>
      %min3A_627 = arith.minsi %get3A_624, %min3A_626 : vector<16xi32>
      %swap3A_628 = arith.constant 880 : index
      %swap3A_629 = tpu.vector_load %arg8[%swap3A_628] {strides = array<i32>} : memref<1024xi32, #tpu.memory_space<vmem>>, vector<16xi32>,
      %swap3A_630 = vector.shape_cast %swap3A_629 : vector<16xi32> to vector<16xi32>
      %swap3A_631 = vector.shape_cast %min3A_627 : vector<16xi32> to vector<16xi32>
      tpu.vector_store %arg8[%swap3A_628], %swap3A_631 {strides = array<i32>} : memref<1024xi32, #tpu.memory_space<vmem>>, vector<16xi32>,
      %get3A_632 = arith.constant 896 : index
      %get3A_633 = tpu.vector_load %arg6[%get3A_632] {strides = array<i32>} : memref<1024xi32, #tpu.memory_space<vmem>>, vector<16xi32>,
      %get3A_634 = vector.shape_cast %get3A_633 : vector<16xi32> to vector<16xi32>
      %min3A_635 = arith.constant 1 : i32
      %min3A_636 = vector.broadcast %min3A_635 : i32 to vector<16xi32>
      %min3A_637 = arith.minsi %get3A_634, %min3A_636 : vector<16xi32>
      %swap3A_638 = arith.constant 896 : index
      %swap3A_639 = tpu.vector_load %arg8[%swap3A_638] {strides = array<i32>} : memref<1024xi32, #tpu.memory_space<vmem>>, vector<16xi32>,
      %swap3A_640 = vector.shape_cast %swap3A_639 : vector<16xi32> to vector<16xi32>
      %swap3A_641 = vector.shape_cast %min3A_637 : vector<16xi32> to vector<16xi32>
      tpu.vector_store %arg8[%swap3A_638], %swap3A_641 {strides = array<i32>} : memref<1024xi32, #tpu.memory_space<vmem>>, vector<16xi32>,
      %get3A_642 = arith.constant 912 : index
      %get3A_643 = tpu.vector_load %arg6[%get3A_642] {strides = array<i32>} : memref<1024xi32, #tpu.memory_space<vmem>>, vector<16xi32>,
      %get3A_644 = vector.shape_cast %get3A_643 : vector<16xi32> to vector<16xi32>
      %min3A_645 = arith.constant 1 : i32
      %min3A_646 = vector.broadcast %min3A_645 : i32 to vector<16xi32>
      %min3A_647 = arith.minsi %get3A_644, %min3A_646 : vector<16xi32>
      %swap3A_648 = arith.constant 912 : index
      %swap3A_649 = tpu.vector_load %arg8[%swap3A_648] {strides = array<i32>} : memref<1024xi32, #tpu.memory_space<vmem>>, vector<16xi32>,
      %swap3A_650 = vector.shape_cast %swap3A_649 : vector<16xi32> to vector<16xi32>
      %swap3A_651 = vector.shape_cast %min3A_647 : vector<16xi32> to vector<16xi32>
      tpu.vector_store %arg8[%swap3A_648], %swap3A_651 {strides = array<i32>} : memref<1024xi32, #tpu.memory_space<vmem>>, vector<16xi32>,
      %get3A_652 = arith.constant 928 : index
      %get3A_653 = tpu.vector_load %arg6[%get3A_652] {strides = array<i32>} : memref<1024xi32, #tpu.memory_space<vmem>>, vector<16xi32>,
      %get3A_654 = vector.shape_cast %get3A_653 : vector<16xi32> to vector<16xi32>
      %min3A_655 = arith.constant 1 : i32
      %min3A_656 = vector.broadcast %min3A_655 : i32 to vector<16xi32>
      %min3A_657 = arith.minsi %get3A_654, %min3A_656 : vector<16xi32>
      %swap3A_658 = arith.constant 928 : index
      %swap3A_659 = tpu.vector_load %arg8[%swap3A_658] {strides = array<i32>} : memref<1024xi32, #tpu.memory_space<vmem>>, vector<16xi32>,
      %swap3A_660 = vector.shape_cast %swap3A_659 : vector<16xi32> to vector<16xi32>
      %swap3A_661 = vector.shape_cast %min3A_657 : vector<16xi32> to vector<16xi32>
      tpu.vector_store %arg8[%swap3A_658], %swap3A_661 {strides = array<i32>} : memref<1024xi32, #tpu.memory_space<vmem>>, vector<16xi32>,
      %get3A_662 = arith.constant 944 : index
      %get3A_663 = tpu.vector_load %arg6[%get3A_662] {strides = array<i32>} : memref<1024xi32, #tpu.memory_space<vmem>>, vector<16xi32>,
      %get3A_664 = vector.shape_cast %get3A_663 : vector<16xi32> to vector<16xi32>
      %min3A_665 = arith.constant 1 : i32
      %min3A_666 = vector.broadcast %min3A_665 : i32 to vector<16xi32>
      %min3A_667 = arith.minsi %get3A_664, %min3A_666 : vector<16xi32>
      %swap3A_668 = arith.constant 944 : index
      %swap3A_669 = tpu.vector_load %arg8[%swap3A_668] {strides = array<i32>} : memref<1024xi32, #tpu.memory_space<vmem>>, vector<16xi32>,
      %swap3A_670 = vector.shape_cast %swap3A_669 : vector<16xi32> to vector<16xi32>
      %swap3A_671 = vector.shape_cast %min3A_667 : vector<16xi32> to vector<16xi32>
      tpu.vector_store %arg8[%swap3A_668], %swap3A_671 {strides = array<i32>} : memref<1024xi32, #tpu.memory_space<vmem>>, vector<16xi32>,
      %get3A_672 = arith.constant 960 : index
      %get3A_673 = tpu.vector_load %arg6[%get3A_672] {strides = array<i32>} : memref<1024xi32, #tpu.memory_space<vmem>>, vector<16xi32>,
      %get3A_674 = vector.shape_cast %get3A_673 : vector<16xi32> to vector<16xi32>
      %min3A_675 = arith.constant 1 : i32
      %min3A_676 = vector.broadcast %min3A_675 : i32 to vector<16xi32>
      %min3A_677 = arith.minsi %get3A_674, %min3A_676 : vector<16xi32>
      %swap3A_678 = arith.constant 960 : index
      %swap3A_679 = tpu.vector_load %arg8[%swap3A_678] {strides = array<i32>} : memref<1024xi32, #tpu.memory_space<vmem>>, vector<16xi32>,
      %swap3A_680 = vector.shape_cast %swap3A_679 : vector<16xi32> to vector<16xi32>
      %swap3A_681 = vector.shape_cast %min3A_677 : vector<16xi32> to vector<16xi32>
      tpu.vector_store %arg8[%swap3A_678], %swap3A_681 {strides = array<i32>} : memref<1024xi32, #tpu.memory_space<vmem>>, vector<16xi32>,
      %get3A_682 = arith.constant 976 : index
      %get3A_683 = tpu.vector_load %arg6[%get3A_682] {strides = array<i32>} : memref<1024xi32, #tpu.memory_space<vmem>>, vector<16xi32>,
      %get3A_684 = vector.shape_cast %get3A_683 : vector<16xi32> to vector<16xi32>
      %min3A_685 = arith.constant 1 : i32
      %min3A_686 = vector.broadcast %min3A_685 : i32 to vector<16xi32>
      %min3A_687 = arith.minsi %get3A_684, %min3A_686 : vector<16xi32>
      %swap3A_688 = arith.constant 976 : index
      %swap3A_689 = tpu.vector_load %arg8[%swap3A_688] {strides = array<i32>} : memref<1024xi32, #tpu.memory_space<vmem>>, vector<16xi32>,
      %swap3A_690 = vector.shape_cast %swap3A_689 : vector<16xi32> to vector<16xi32>
      %swap3A_691 = vector.shape_cast %min3A_687 : vector<16xi32> to vector<16xi32>
      tpu.vector_store %arg8[%swap3A_688], %swap3A_691 {strides = array<i32>} : memref<1024xi32, #tpu.memory_space<vmem>>, vector<16xi32>,
      %get3A_692 = arith.constant 992 : index
      %get3A_693 = tpu.vector_load %arg6[%get3A_692] {strides = array<i32>} : memref<1024xi32, #tpu.memory_space<vmem>>, vector<16xi32>,
      %get3A_694 = vector.shape_cast %get3A_693 : vector<16xi32> to vector<16xi32>
      %min3A_695 = arith.constant 1 : i32
      %min3A_696 = vector.broadcast %min3A_695 : i32 to vector<16xi32>
      %min3A_697 = arith.minsi %get3A_694, %min3A_696 : vector<16xi32>
      %swap3A_698 = arith.constant 992 : index
      %swap3A_699 = tpu.vector_load %arg8[%swap3A_698] {strides = array<i32>} : memref<1024xi32, #tpu.memory_space<vmem>>, vector<16xi32>,
      %swap3A_700 = vector.shape_cast %swap3A_699 : vector<16xi32> to vector<16xi32>
      %swap3A_701 = vector.shape_cast %min3A_697 : vector<16xi32> to vector<16xi32>
      tpu.vector_store %arg8[%swap3A_698], %swap3A_701 {strides = array<i32>} : memref<1024xi32, #tpu.memory_space<vmem>>, vector<16xi32>,
      %get3A_702 = arith.constant 1008 : index
      %get3A_703 = tpu.vector_load %arg6[%get3A_702] {strides = array<i32>} : memref<1024xi32, #tpu.memory_space<vmem>>, vector<16xi32>,
      %get3A_704 = vector.shape_cast %get3A_703 : vector<16xi32> to vector<16xi32>
      %min3A_705 = arith.constant 1 : i32
      %min3A_706 = vector.broadcast %min3A_705 : i32 to vector<16xi32>
      %min3A_707 = arith.minsi %get3A_704, %min3A_706 : vector<16xi32>
      %swap3A_708 = arith.constant 1008 : index
      %swap3A_709 = tpu.vector_load %arg8[%swap3A_708] {strides = array<i32>} : memref<1024xi32, #tpu.memory_space<vmem>>, vector<16xi32>,
      %swap3A_710 = vector.shape_cast %swap3A_709 : vector<16xi32> to vector<16xi32>
      %swap3A_711 = vector.shape_cast %min3A_707 : vector<16xi32> to vector<16xi32>
      tpu.vector_store %arg8[%swap3A_708], %swap3A_711 {strides = array<i32>} : memref<1024xi32, #tpu.memory_space<vmem>>, vector<16xi32>,
      "tpu.region"() ({
        %run_scoped3A = tpu.sem_alloc : memref<!tpu.dma_semaphore, #tpu.memory_space<semaphore_mem>>
        %dma_start3A_775 = tpu.memref_slice %arg5[%add3A_11] : memref<819200xi32, #tpu.memory_space<hbm>> -> memref<1024xi32, #tpu.memory_space<hbm>>
        %dma_start3A_776 = tpu.memref_slice %arg5[%add3A_11] : memref<819200xi32, #tpu.memory_space<hbm>> -> memref<1024xi32, #tpu.memory_space<hbm>>
        tpu.enqueue_dma source(%arg8 : memref<1024xi32, #tpu.memory_space<vmem>>) target(%dma_start3A_776 : memref<1024xi32, #tpu.memory_space<hbm>>) target_semaphore(%run_scoped3A : memref<!tpu.dma_semaphore, #tpu.memory_space<semaphore_mem>>)
        %dma_wait3A_777 = tpu.memref_slice %arg5[%add3A_11] : memref<819200xi32, #tpu.memory_space<hbm>> -> memref<1024xi32, #tpu.memory_space<hbm>>
        %dma_wait3A_778 = tpu.memref_slice %arg5[%add3A_11] : memref<819200xi32, #tpu.memory_space<hbm>> -> memref<1024xi32, #tpu.memory_space<hbm>>
        tpu.wait_dma2 semaphore(%run_scoped3A : memref<!tpu.dma_semaphore, #tpu.memory_space<semaphore_mem>>) src(%arg8 : memref<1024xi32, #tpu.memory_space<vmem>>) dst(%dma_wait3A_778 : memref<1024xi32, #tpu.memory_space<hbm>>)
        tpu.yield
      }) : () -> ()
      %dma_wait3A = arith.constant 0 : i32
      %dma_wait3A_712 = arith.constant 0 : i32
      %dma_wait3A_713 = tpu.memref_slice %arg7[%dma_wait3A, %dma_wait3A_712] : memref<1024x64xf32, #tpu.memory_space<vmem>> -> memref<128x64xf32, #tpu.memory_space<vmem>>
      %dma_wait3A_714 = arith.constant 0 : i32
      %dma_wait3A_715 = tpu.memref_slice %arg6[%dma_wait3A_714] : memref<1024xi32, #tpu.memory_space<vmem>> -> memref<128xi32, #tpu.memory_space<vmem>>
      %dma_wait3A_716 = arith.constant 0 : i32
      %dma_wait3A_717 = arith.constant 0 : i32
      %dma_wait3A_718 = tpu.memref_slice %arg3[%dma_wait3A_716, %dma_wait3A_717] : memref<100000x64xf32, #tpu.memory_space<hbm>> -> memref<100000x64xf32, #tpu.memory_space<hbm>>
      tpu.wait_indirect_dma semaphore(%arg9 : memref<!tpu.dma_semaphore, #tpu.memory_space<semaphore_mem>>) src(%dma_wait3A_718 : memref<100000x64xf32, #tpu.memory_space<hbm>>) dst(%dma_wait3A_713 : memref<128x64xf32, #tpu.memory_space<vmem>>)
      %dma_wait3A_719 = arith.constant 128 : i32
      %dma_wait3A_720 = arith.constant 0 : i32
      %dma_wait3A_721 = tpu.memref_slice %arg7[%dma_wait3A_719, %dma_wait3A_720] : memref<1024x64xf32, #tpu.memory_space<vmem>> -> memref<128x64xf32, #tpu.memory_space<vmem>>
      %dma_wait3A_722 = arith.constant 128 : i32
      %dma_wait3A_723 = tpu.memref_slice %arg6[%dma_wait3A_722] : memref<1024xi32, #tpu.memory_space<vmem>> -> memref<128xi32, #tpu.memory_space<vmem>>
      %dma_wait3A_724 = arith.constant 0 : i32
      %dma_wait3A_725 = arith.constant 0 : i32
      %dma_wait3A_726 = tpu.memref_slice %arg3[%dma_wait3A_724, %dma_wait3A_725] : memref<100000x64xf32, #tpu.memory_space<hbm>> -> memref<100000x64xf32, #tpu.memory_space<hbm>>
      tpu.wait_indirect_dma semaphore(%arg9 : memref<!tpu.dma_semaphore, #tpu.memory_space<semaphore_mem>>) src(%dma_wait3A_726 : memref<100000x64xf32, #tpu.memory_space<hbm>>) dst(%dma_wait3A_721 : memref<128x64xf32, #tpu.memory_space<vmem>>)
      %dma_wait3A_727 = arith.constant 256 : i32
      %dma_wait3A_728 = arith.constant 0 : i32
      %dma_wait3A_729 = tpu.memref_slice %arg7[%dma_wait3A_727, %dma_wait3A_728] : memref<1024x64xf32, #tpu.memory_space<vmem>> -> memref<128x64xf32, #tpu.memory_space<vmem>>
      %dma_wait3A_730 = arith.constant 256 : i32
      %dma_wait3A_731 = tpu.memref_slice %arg6[%dma_wait3A_730] : memref<1024xi32, #tpu.memory_space<vmem>> -> memref<128xi32, #tpu.memory_space<vmem>>
      %dma_wait3A_732 = arith.constant 0 : i32
      %dma_wait3A_733 = arith.constant 0 : i32
      %dma_wait3A_734 = tpu.memref_slice %arg3[%dma_wait3A_732, %dma_wait3A_733] : memref<100000x64xf32, #tpu.memory_space<hbm>> -> memref<100000x64xf32, #tpu.memory_space<hbm>>
      tpu.wait_indirect_dma semaphore(%arg9 : memref<!tpu.dma_semaphore, #tpu.memory_space<semaphore_mem>>) src(%dma_wait3A_734 : memref<100000x64xf32, #tpu.memory_space<hbm>>) dst(%dma_wait3A_729 : memref<128x64xf32, #tpu.memory_space<vmem>>)
      %dma_wait3A_735 = arith.constant 384 : i32
      %dma_wait3A_736 = arith.constant 0 : i32
      %dma_wait3A_737 = tpu.memref_slice %arg7[%dma_wait3A_735, %dma_wait3A_736] : memref<1024x64xf32, #tpu.memory_space<vmem>> -> memref<128x64xf32, #tpu.memory_space<vmem>>
      %dma_wait3A_738 = arith.constant 384 : i32
      %dma_wait3A_739 = tpu.memref_slice %arg6[%dma_wait3A_738] : memref<1024xi32, #tpu.memory_space<vmem>> -> memref<128xi32, #tpu.memory_space<vmem>>
      %dma_wait3A_740 = arith.constant 0 : i32
      %dma_wait3A_741 = arith.constant 0 : i32
      %dma_wait3A_742 = tpu.memref_slice %arg3[%dma_wait3A_740, %dma_wait3A_741] : memref<100000x64xf32, #tpu.memory_space<hbm>> -> memref<100000x64xf32, #tpu.memory_space<hbm>>
      tpu.wait_indirect_dma semaphore(%arg9 : memref<!tpu.dma_semaphore, #tpu.memory_space<semaphore_mem>>) src(%dma_wait3A_742 : memref<100000x64xf32, #tpu.memory_space<hbm>>) dst(%dma_wait3A_737 : memref<128x64xf32, #tpu.memory_space<vmem>>)
      %dma_wait3A_743 = arith.constant 512 : i32
      %dma_wait3A_744 = arith.constant 0 : i32
      %dma_wait3A_745 = tpu.memref_slice %arg7[%dma_wait3A_743, %dma_wait3A_744] : memref<1024x64xf32, #tpu.memory_space<vmem>> -> memref<128x64xf32, #tpu.memory_space<vmem>>
      %dma_wait3A_746 = arith.constant 512 : i32
      %dma_wait3A_747 = tpu.memref_slice %arg6[%dma_wait3A_746] : memref<1024xi32, #tpu.memory_space<vmem>> -> memref<128xi32, #tpu.memory_space<vmem>>
      %dma_wait3A_748 = arith.constant 0 : i32
      %dma_wait3A_749 = arith.constant 0 : i32
      %dma_wait3A_750 = tpu.memref_slice %arg3[%dma_wait3A_748, %dma_wait3A_749] : memref<100000x64xf32, #tpu.memory_space<hbm>> -> memref<100000x64xf32, #tpu.memory_space<hbm>>
      tpu.wait_indirect_dma semaphore(%arg9 : memref<!tpu.dma_semaphore, #tpu.memory_space<semaphore_mem>>) src(%dma_wait3A_750 : memref<100000x64xf32, #tpu.memory_space<hbm>>) dst(%dma_wait3A_745 : memref<128x64xf32, #tpu.memory_space<vmem>>)
      %dma_wait3A_751 = arith.constant 640 : i32
      %dma_wait3A_752 = arith.constant 0 : i32
      %dma_wait3A_753 = tpu.memref_slice %arg7[%dma_wait3A_751, %dma_wait3A_752] : memref<1024x64xf32, #tpu.memory_space<vmem>> -> memref<128x64xf32, #tpu.memory_space<vmem>>
      %dma_wait3A_754 = arith.constant 640 : i32
      %dma_wait3A_755 = tpu.memref_slice %arg6[%dma_wait3A_754] : memref<1024xi32, #tpu.memory_space<vmem>> -> memref<128xi32, #tpu.memory_space<vmem>>
      %dma_wait3A_756 = arith.constant 0 : i32
      %dma_wait3A_757 = arith.constant 0 : i32
      %dma_wait3A_758 = tpu.memref_slice %arg3[%dma_wait3A_756, %dma_wait3A_757] : memref<100000x64xf32, #tpu.memory_space<hbm>> -> memref<100000x64xf32, #tpu.memory_space<hbm>>
      tpu.wait_indirect_dma semaphore(%arg9 : memref<!tpu.dma_semaphore, #tpu.memory_space<semaphore_mem>>) src(%dma_wait3A_758 : memref<100000x64xf32, #tpu.memory_space<hbm>>) dst(%dma_wait3A_753 : memref<128x64xf32, #tpu.memory_space<vmem>>)
      %dma_wait3A_759 = arith.constant 768 : i32
      %dma_wait3A_760 = arith.constant 0 : i32
      %dma_wait3A_761 = tpu.memref_slice %arg7[%dma_wait3A_759, %dma_wait3A_760] : memref<1024x64xf32, #tpu.memory_space<vmem>> -> memref<128x64xf32, #tpu.memory_space<vmem>>
      %dma_wait3A_762 = arith.constant 768 : i32
      %dma_wait3A_763 = tpu.memref_slice %arg6[%dma_wait3A_762] : memref<1024xi32, #tpu.memory_space<vmem>> -> memref<128xi32, #tpu.memory_space<vmem>>
      %dma_wait3A_764 = arith.constant 0 : i32
      %dma_wait3A_765 = arith.constant 0 : i32
      %dma_wait3A_766 = tpu.memref_slice %arg3[%dma_wait3A_764, %dma_wait3A_765] : memref<100000x64xf32, #tpu.memory_space<hbm>> -> memref<100000x64xf32, #tpu.memory_space<hbm>>
      tpu.wait_indirect_dma semaphore(%arg9 : memref<!tpu.dma_semaphore, #tpu.memory_space<semaphore_mem>>) src(%dma_wait3A_766 : memref<100000x64xf32, #tpu.memory_space<hbm>>) dst(%dma_wait3A_761 : memref<128x64xf32, #tpu.memory_space<vmem>>)
      %dma_wait3A_767 = arith.constant 896 : i32
      %dma_wait3A_768 = arith.constant 0 : i32
      %dma_wait3A_769 = tpu.memref_slice %arg7[%dma_wait3A_767, %dma_wait3A_768] : memref<1024x64xf32, #tpu.memory_space<vmem>> -> memref<128x64xf32, #tpu.memory_space<vmem>>
      %dma_wait3A_770 = arith.constant 896 : i32
      %dma_wait3A_771 = tpu.memref_slice %arg6[%dma_wait3A_770] : memref<1024xi32, #tpu.memory_space<vmem>> -> memref<128xi32, #tpu.memory_space<vmem>>
      %dma_wait3A_772 = arith.constant 0 : i32
      %dma_wait3A_773 = arith.constant 0 : i32
      %dma_wait3A_774 = tpu.memref_slice %arg3[%dma_wait3A_772, %dma_wait3A_773] : memref<100000x64xf32, #tpu.memory_space<hbm>> -> memref<100000x64xf32, #tpu.memory_space<hbm>>
      tpu.wait_indirect_dma semaphore(%arg9 : memref<!tpu.dma_semaphore, #tpu.memory_space<semaphore_mem>>) src(%dma_wait3A_774 : memref<100000x64xf32, #tpu.memory_space<hbm>>) dst(%dma_wait3A_769 : memref<128x64xf32, #tpu.memory_space<vmem>>)
      "tpu.region"() ({
        %run_scoped3A = tpu.sem_alloc : memref<!tpu.dma_semaphore, #tpu.memory_space<semaphore_mem>>
        %dma_start3A_775 = arith.constant 0 : i32
        %dma_start3A_776 = tpu.memref_slice %arg4[%add3A_11, %dma_start3A_775] : memref<819200x64xf32, #tpu.memory_space<hbm>> -> memref<1024x64xf32, #tpu.memory_space<hbm>>
        %dma_start3A_777 = arith.constant 0 : i32
        %dma_start3A_778 = tpu.memref_slice %arg4[%add3A_11, %dma_start3A_777] : memref<819200x64xf32, #tpu.memory_space<hbm>> -> memref<1024x64xf32, #tpu.memory_space<hbm>>
        tpu.enqueue_dma source(%arg7 : memref<1024x64xf32, #tpu.memory_space<vmem>>) target(%dma_start3A_778 : memref<1024x64xf32, #tpu.memory_space<hbm>>) target_semaphore(%run_scoped3A : memref<!tpu.dma_semaphore, #tpu.memory_space<semaphore_mem>>)
        %dma_wait3A_779 = arith.constant 0 : i32
        %dma_wait3A_780 = tpu.memref_slice %arg4[%add3A_11, %dma_wait3A_779] : memref<819200x64xf32, #tpu.memory_space<hbm>> -> memref<1024x64xf32, #tpu.memory_space<hbm>>
        %dma_wait3A_781 = arith.constant 0 : i32
        %dma_wait3A_782 = tpu.memref_slice %arg4[%add3A_11, %dma_wait3A_781] : memref<819200x64xf32, #tpu.memory_space<hbm>> -> memref<1024x64xf32, #tpu.memory_space<hbm>>
        tpu.wait_dma2 semaphore(%run_scoped3A : memref<!tpu.dma_semaphore, #tpu.memory_space<semaphore_mem>>) src(%arg7 : memref<1024x64xf32, #tpu.memory_space<vmem>>) dst(%dma_wait3A_782 : memref<1024x64xf32, #tpu.memory_space<hbm>>)
        tpu.yield
      }) : () -> ()
    }
    %scan3A_7 = arith.constant 25 : i32
    return
  }
}

module attributes {stable_mosaic.version = 14 : i64} {
  func.func @_blend_body(%arg0: i32, %arg1: memref<2000x64xf32, #tpu.memory_space<vmem>>, %arg2: memref<2000x64xf32, #tpu.memory_space<vmem>>, %arg3: memref<2000x1xf32, #tpu.memory_space<vmem>>, %arg4: memref<2000x64xf32, #tpu.memory_space<vmem>>) attributes {dimension_semantics = [#tpu.dimension_semantics<arbitrary>], iteration_bounds = array<i64: 50>, scalar_prefetch = 0 : i64, scratch_operands = 0 : i64, tpu.core_type = #tpu.core_type<tc>, window_params = [{transform_indices = @transform_0, window_bounds = array<i64: 2000, 64>}, {transform_indices = @transform_1, window_bounds = array<i64: 2000, 64>}, {transform_indices = @transform_2, window_bounds = array<i64: 2000, 1>}, {transform_indices = @transform_3, window_bounds = array<i64: 2000, 64>}]} {
    %get3A = arith.constant 0 : index
    %get3A_0 = arith.constant 0 : index
    %get3A_1 = vector.load %arg1[%get3A, %get3A_0] : memref<2000x64xf32, #tpu.memory_space<vmem>>, vector<2000x64xf32>
    %get3A_2 = arith.constant 0 : index
    %get3A_3 = arith.constant 0 : index
    %get3A_4 = vector.load %arg2[%get3A_2, %get3A_3] : memref<2000x64xf32, #tpu.memory_space<vmem>>, vector<2000x64xf32>
    %get3A_5 = arith.constant 0 : index
    %get3A_6 = arith.constant 0 : index
    %get3A_7 = vector.load %arg3[%get3A_5, %get3A_6] : memref<2000x1xf32, #tpu.memory_space<vmem>>, vector<2000x1xf32>
    %sub3A = arith.constant 1.000000e+00 : f32
    %sub3A_8 = vector.broadcast %sub3A : f32 to vector<2000x1xf32>
    %sub3A_9 = arith.subf %sub3A_8, %get3A_7 : vector<2000x1xf32>
    %mul3A = vector.broadcast %sub3A_9 : vector<2000x1xf32> to vector<2000x64xf32>
    %mul3A_10 = arith.mulf %get3A_1, %mul3A : vector<2000x64xf32>
    %mul3A_11 = vector.broadcast %get3A_7 : vector<2000x1xf32> to vector<2000x64xf32>
    %mul3A_12 = arith.mulf %get3A_4, %mul3A_11 : vector<2000x64xf32>
    %add3A = arith.addf %mul3A_10, %mul3A_12 : vector<2000x64xf32>
    %swap3A = arith.constant 0 : index
    %swap3A_13 = arith.constant 0 : index
    %swap3A_14 = vector.load %arg4[%swap3A, %swap3A_13] : memref<2000x64xf32, #tpu.memory_space<vmem>>, vector<2000x64xf32>
    tpu.vector_store %arg4[%swap3A, %swap3A_13], %add3A {strides = array<i32>} : memref<2000x64xf32, #tpu.memory_space<vmem>>, vector<2000x64xf32>,
    return
  }
  func.func @transform_0(%arg0: i32) -> (i32, i32) {
    %c0_i32 = arith.constant 0 : i32
    %c0_i32_0 = arith.constant 0 : i32
    return %arg0, %c0_i32 : i32, i32
  }
  func.func @transform_1(%arg0: i32) -> (i32, i32) {
    %c0_i32 = arith.constant 0 : i32
    %c0_i32_0 = arith.constant 0 : i32
    return %arg0, %c0_i32 : i32, i32
  }
  func.func @transform_2(%arg0: i32) -> (i32, i32) {
    %c0_i32 = arith.constant 0 : i32
    %c0_i32_0 = arith.constant 0 : i32
    return %arg0, %c0_i32 : i32, i32
  }
  func.func @transform_3(%arg0: i32) -> (i32, i32) {
    %c0_i32 = arith.constant 0 : i32
    %c0_i32_0 = arith.constant 0 : i32
    return %arg0, %c0_i32 : i32, i32
  }
}

module attributes {stable_mosaic.version = 14 : i64} {
  func.func @tr_body(%arg0: i32, %arg1: memref<52428800xf32, #tpu.memory_space<any>>, %arg2: memref<12800x128xf32, #tpu.memory_space<vmem>>, %arg3: memref<128x12800xf32, #tpu.memory_space<vmem>>, %arg4: memref<!tpu.dma_semaphore, #tpu.memory_space<semaphore_mem>>) attributes {dimension_semantics = [#tpu.dimension_semantics<arbitrary>], iteration_bounds = array<i64: 32>, scalar_prefetch = 0 : i64, scratch_operands = 2 : i64, tpu.core_type = #tpu.core_type<tc>, window_params = [{}, {transform_indices = @transform_1, window_bounds = array<i64: 12800, 128>}]} {
    %mul3A = arith.constant 128 : i32
    %mul3A_0 = arith.muli %arg0, %mul3A : i32
    %add3A = arith.constant 0 : i32
    %add3A_1 = arith.addi %mul3A_0, %add3A : i32
    %mul3A_2 = arith.constant 12800 : i32
    %mul3A_3 = arith.muli %add3A_1, %mul3A_2 : i32
    %dma_start3A = arith.constant 0 : i32
    %dma_start3A_4 = arith.constant 0 : i32
    %dma_start3A_5 = tpu.memref_slice %arg3[%dma_start3A, %dma_start3A_4] : memref<128x12800xf32, #tpu.memory_space<vmem>> -> memref<1x12800xf32, #tpu.memory_space<vmem>>
    %dma_start3A_6 = tpu.memref_squeeze %dma_start3A_5 : memref<1x12800xf32, #tpu.memory_space<vmem>> -> memref<12800xf32, #tpu.memory_space<vmem>>
    %dma_start3A_7 = tpu.memref_slice %arg1[%mul3A_3] : memref<52428800xf32, #tpu.memory_space<any>> -> memref<12800xf32, #tpu.memory_space<any>>
    tpu.enqueue_dma source(%dma_start3A_7 : memref<12800xf32, #tpu.memory_space<any>>) target(%dma_start3A_6 : memref<12800xf32, #tpu.memory_space<vmem>>) target_semaphore(%arg4 : memref<!tpu.dma_semaphore, #tpu.memory_space<semaphore_mem>>)
    %mul3A_8 = arith.constant 128 : i32
    %mul3A_9 = arith.muli %arg0, %mul3A_8 : i32
    %add3A_10 = arith.constant 1 : i32
    %add3A_11 = arith.addi %mul3A_9, %add3A_10 : i32
    %mul3A_12 = arith.constant 12800 : i32
    %mul3A_13 = arith.muli %add3A_11, %mul3A_12 : i32
    %dma_start3A_14 = arith.constant 1 : i32
    %dma_start3A_15 = arith.constant 0 : i32
    %dma_start3A_16 = tpu.memref_slice %arg3[%dma_start3A_14, %dma_start3A_15] : memref<128x12800xf32, #tpu.memory_space<vmem>> -> memref<1x12800xf32, #tpu.memory_space<vmem>>
    %dma_start3A_17 = tpu.memref_squeeze %dma_start3A_16 : memref<1x12800xf32, #tpu.memory_space<vmem>> -> memref<12800xf32, #tpu.memory_space<vmem>>
    %dma_start3A_18 = tpu.memref_slice %arg1[%mul3A_13] : memref<52428800xf32, #tpu.memory_space<any>> -> memref<12800xf32, #tpu.memory_space<any>>
    tpu.enqueue_dma source(%dma_start3A_18 : memref<12800xf32, #tpu.memory_space<any>>) target(%dma_start3A_17 : memref<12800xf32, #tpu.memory_space<vmem>>) target_semaphore(%arg4 : memref<!tpu.dma_semaphore, #tpu.memory_space<semaphore_mem>>)
    %mul3A_19 = arith.constant 128 : i32
    %mul3A_20 = arith.muli %arg0, %mul3A_19 : i32
    %add3A_21 = arith.constant 2 : i32
    %add3A_22 = arith.addi %mul3A_20, %add3A_21 : i32
    %mul3A_23 = arith.constant 12800 : i32
    %mul3A_24 = arith.muli %add3A_22, %mul3A_23 : i32
    %dma_start3A_25 = arith.constant 2 : i32
    %dma_start3A_26 = arith.constant 0 : i32
    %dma_start3A_27 = tpu.memref_slice %arg3[%dma_start3A_25, %dma_start3A_26] : memref<128x12800xf32, #tpu.memory_space<vmem>> -> memref<1x12800xf32, #tpu.memory_space<vmem>>
    %dma_start3A_28 = tpu.memref_squeeze %dma_start3A_27 : memref<1x12800xf32, #tpu.memory_space<vmem>> -> memref<12800xf32, #tpu.memory_space<vmem>>
    %dma_start3A_29 = tpu.memref_slice %arg1[%mul3A_24] : memref<52428800xf32, #tpu.memory_space<any>> -> memref<12800xf32, #tpu.memory_space<any>>
    tpu.enqueue_dma source(%dma_start3A_29 : memref<12800xf32, #tpu.memory_space<any>>) target(%dma_start3A_28 : memref<12800xf32, #tpu.memory_space<vmem>>) target_semaphore(%arg4 : memref<!tpu.dma_semaphore, #tpu.memory_space<semaphore_mem>>)
    %mul3A_30 = arith.constant 128 : i32
    %mul3A_31 = arith.muli %arg0, %mul3A_30 : i32
    %add3A_32 = arith.constant 3 : i32
    %add3A_33 = arith.addi %mul3A_31, %add3A_32 : i32
    %mul3A_34 = arith.constant 12800 : i32
    %mul3A_35 = arith.muli %add3A_33, %mul3A_34 : i32
    %dma_start3A_36 = arith.constant 3 : i32
    %dma_start3A_37 = arith.constant 0 : i32
    %dma_start3A_38 = tpu.memref_slice %arg3[%dma_start3A_36, %dma_start3A_37] : memref<128x12800xf32, #tpu.memory_space<vmem>> -> memref<1x12800xf32, #tpu.memory_space<vmem>>
    %dma_start3A_39 = tpu.memref_squeeze %dma_start3A_38 : memref<1x12800xf32, #tpu.memory_space<vmem>> -> memref<12800xf32, #tpu.memory_space<vmem>>
    %dma_start3A_40 = tpu.memref_slice %arg1[%mul3A_35] : memref<52428800xf32, #tpu.memory_space<any>> -> memref<12800xf32, #tpu.memory_space<any>>
    tpu.enqueue_dma source(%dma_start3A_40 : memref<12800xf32, #tpu.memory_space<any>>) target(%dma_start3A_39 : memref<12800xf32, #tpu.memory_space<vmem>>) target_semaphore(%arg4 : memref<!tpu.dma_semaphore, #tpu.memory_space<semaphore_mem>>)
    %mul3A_41 = arith.constant 128 : i32
    %mul3A_42 = arith.muli %arg0, %mul3A_41 : i32
    %add3A_43 = arith.constant 4 : i32
    %add3A_44 = arith.addi %mul3A_42, %add3A_43 : i32
    %mul3A_45 = arith.constant 12800 : i32
    %mul3A_46 = arith.muli %add3A_44, %mul3A_45 : i32
    %dma_start3A_47 = arith.constant 4 : i32
    %dma_start3A_48 = arith.constant 0 : i32
    %dma_start3A_49 = tpu.memref_slice %arg3[%dma_start3A_47, %dma_start3A_48] : memref<128x12800xf32, #tpu.memory_space<vmem>> -> memref<1x12800xf32, #tpu.memory_space<vmem>>
    %dma_start3A_50 = tpu.memref_squeeze %dma_start3A_49 : memref<1x12800xf32, #tpu.memory_space<vmem>> -> memref<12800xf32, #tpu.memory_space<vmem>>
    %dma_start3A_51 = tpu.memref_slice %arg1[%mul3A_46] : memref<52428800xf32, #tpu.memory_space<any>> -> memref<12800xf32, #tpu.memory_space<any>>
    tpu.enqueue_dma source(%dma_start3A_51 : memref<12800xf32, #tpu.memory_space<any>>) target(%dma_start3A_50 : memref<12800xf32, #tpu.memory_space<vmem>>) target_semaphore(%arg4 : memref<!tpu.dma_semaphore, #tpu.memory_space<semaphore_mem>>)
    %mul3A_52 = arith.constant 128 : i32
    %mul3A_53 = arith.muli %arg0, %mul3A_52 : i32
    %add3A_54 = arith.constant 5 : i32
    %add3A_55 = arith.addi %mul3A_53, %add3A_54 : i32
    %mul3A_56 = arith.constant 12800 : i32
    %mul3A_57 = arith.muli %add3A_55, %mul3A_56 : i32
    %dma_start3A_58 = arith.constant 5 : i32
    %dma_start3A_59 = arith.constant 0 : i32
    %dma_start3A_60 = tpu.memref_slice %arg3[%dma_start3A_58, %dma_start3A_59] : memref<128x12800xf32, #tpu.memory_space<vmem>> -> memref<1x12800xf32, #tpu.memory_space<vmem>>
    %dma_start3A_61 = tpu.memref_squeeze %dma_start3A_60 : memref<1x12800xf32, #tpu.memory_space<vmem>> -> memref<12800xf32, #tpu.memory_space<vmem>>
    %dma_start3A_62 = tpu.memref_slice %arg1[%mul3A_57] : memref<52428800xf32, #tpu.memory_space<any>> -> memref<12800xf32, #tpu.memory_space<any>>
    tpu.enqueue_dma source(%dma_start3A_62 : memref<12800xf32, #tpu.memory_space<any>>) target(%dma_start3A_61 : memref<12800xf32, #tpu.memory_space<vmem>>) target_semaphore(%arg4 : memref<!tpu.dma_semaphore, #tpu.memory_space<semaphore_mem>>)
    %mul3A_63 = arith.constant 128 : i32
    %mul3A_64 = arith.muli %arg0, %mul3A_63 : i32
    %add3A_65 = arith.constant 6 : i32
    %add3A_66 = arith.addi %mul3A_64, %add3A_65 : i32
    %mul3A_67 = arith.constant 12800 : i32
    %mul3A_68 = arith.muli %add3A_66, %mul3A_67 : i32
    %dma_start3A_69 = arith.constant 6 : i32
    %dma_start3A_70 = arith.constant 0 : i32
    %dma_start3A_71 = tpu.memref_slice %arg3[%dma_start3A_69, %dma_start3A_70] : memref<128x12800xf32, #tpu.memory_space<vmem>> -> memref<1x12800xf32, #tpu.memory_space<vmem>>
    %dma_start3A_72 = tpu.memref_squeeze %dma_start3A_71 : memref<1x12800xf32, #tpu.memory_space<vmem>> -> memref<12800xf32, #tpu.memory_space<vmem>>
    %dma_start3A_73 = tpu.memref_slice %arg1[%mul3A_68] : memref<52428800xf32, #tpu.memory_space<any>> -> memref<12800xf32, #tpu.memory_space<any>>
    tpu.enqueue_dma source(%dma_start3A_73 : memref<12800xf32, #tpu.memory_space<any>>) target(%dma_start3A_72 : memref<12800xf32, #tpu.memory_space<vmem>>) target_semaphore(%arg4 : memref<!tpu.dma_semaphore, #tpu.memory_space<semaphore_mem>>)
    %mul3A_74 = arith.constant 128 : i32
    %mul3A_75 = arith.muli %arg0, %mul3A_74 : i32
    %add3A_76 = arith.constant 7 : i32
    %add3A_77 = arith.addi %mul3A_75, %add3A_76 : i32
    %mul3A_78 = arith.constant 12800 : i32
    %mul3A_79 = arith.muli %add3A_77, %mul3A_78 : i32
    %dma_start3A_80 = arith.constant 7 : i32
    %dma_start3A_81 = arith.constant 0 : i32
    %dma_start3A_82 = tpu.memref_slice %arg3[%dma_start3A_80, %dma_start3A_81] : memref<128x12800xf32, #tpu.memory_space<vmem>> -> memref<1x12800xf32, #tpu.memory_space<vmem>>
    %dma_start3A_83 = tpu.memref_squeeze %dma_start3A_82 : memref<1x12800xf32, #tpu.memory_space<vmem>> -> memref<12800xf32, #tpu.memory_space<vmem>>
    %dma_start3A_84 = tpu.memref_slice %arg1[%mul3A_79] : memref<52428800xf32, #tpu.memory_space<any>> -> memref<12800xf32, #tpu.memory_space<any>>
    tpu.enqueue_dma source(%dma_start3A_84 : memref<12800xf32, #tpu.memory_space<any>>) target(%dma_start3A_83 : memref<12800xf32, #tpu.memory_space<vmem>>) target_semaphore(%arg4 : memref<!tpu.dma_semaphore, #tpu.memory_space<semaphore_mem>>)
    %mul3A_85 = arith.constant 128 : i32
    %mul3A_86 = arith.muli %arg0, %mul3A_85 : i32
    %add3A_87 = arith.constant 8 : i32
    %add3A_88 = arith.addi %mul3A_86, %add3A_87 : i32
    %mul3A_89 = arith.constant 12800 : i32
    %mul3A_90 = arith.muli %add3A_88, %mul3A_89 : i32
    %dma_start3A_91 = arith.constant 8 : i32
    %dma_start3A_92 = arith.constant 0 : i32
    %dma_start3A_93 = tpu.memref_slice %arg3[%dma_start3A_91, %dma_start3A_92] : memref<128x12800xf32, #tpu.memory_space<vmem>> -> memref<1x12800xf32, #tpu.memory_space<vmem>>
    %dma_start3A_94 = tpu.memref_squeeze %dma_start3A_93 : memref<1x12800xf32, #tpu.memory_space<vmem>> -> memref<12800xf32, #tpu.memory_space<vmem>>
    %dma_start3A_95 = tpu.memref_slice %arg1[%mul3A_90] : memref<52428800xf32, #tpu.memory_space<any>> -> memref<12800xf32, #tpu.memory_space<any>>
    tpu.enqueue_dma source(%dma_start3A_95 : memref<12800xf32, #tpu.memory_space<any>>) target(%dma_start3A_94 : memref<12800xf32, #tpu.memory_space<vmem>>) target_semaphore(%arg4 : memref<!tpu.dma_semaphore, #tpu.memory_space<semaphore_mem>>)
    %mul3A_96 = arith.constant 128 : i32
    %mul3A_97 = arith.muli %arg0, %mul3A_96 : i32
    %add3A_98 = arith.constant 9 : i32
    %add3A_99 = arith.addi %mul3A_97, %add3A_98 : i32
    %mul3A_100 = arith.constant 12800 : i32
    %mul3A_101 = arith.muli %add3A_99, %mul3A_100 : i32
    %dma_start3A_102 = arith.constant 9 : i32
    %dma_start3A_103 = arith.constant 0 : i32
    %dma_start3A_104 = tpu.memref_slice %arg3[%dma_start3A_102, %dma_start3A_103] : memref<128x12800xf32, #tpu.memory_space<vmem>> -> memref<1x12800xf32, #tpu.memory_space<vmem>>
    %dma_start3A_105 = tpu.memref_squeeze %dma_start3A_104 : memref<1x12800xf32, #tpu.memory_space<vmem>> -> memref<12800xf32, #tpu.memory_space<vmem>>
    %dma_start3A_106 = tpu.memref_slice %arg1[%mul3A_101] : memref<52428800xf32, #tpu.memory_space<any>> -> memref<12800xf32, #tpu.memory_space<any>>
    tpu.enqueue_dma source(%dma_start3A_106 : memref<12800xf32, #tpu.memory_space<any>>) target(%dma_start3A_105 : memref<12800xf32, #tpu.memory_space<vmem>>) target_semaphore(%arg4 : memref<!tpu.dma_semaphore, #tpu.memory_space<semaphore_mem>>)
    %mul3A_107 = arith.constant 128 : i32
    %mul3A_108 = arith.muli %arg0, %mul3A_107 : i32
    %add3A_109 = arith.constant 10 : i32
    %add3A_110 = arith.addi %mul3A_108, %add3A_109 : i32
    %mul3A_111 = arith.constant 12800 : i32
    %mul3A_112 = arith.muli %add3A_110, %mul3A_111 : i32
    %dma_start3A_113 = arith.constant 10 : i32
    %dma_start3A_114 = arith.constant 0 : i32
    %dma_start3A_115 = tpu.memref_slice %arg3[%dma_start3A_113, %dma_start3A_114] : memref<128x12800xf32, #tpu.memory_space<vmem>> -> memref<1x12800xf32, #tpu.memory_space<vmem>>
    %dma_start3A_116 = tpu.memref_squeeze %dma_start3A_115 : memref<1x12800xf32, #tpu.memory_space<vmem>> -> memref<12800xf32, #tpu.memory_space<vmem>>
    %dma_start3A_117 = tpu.memref_slice %arg1[%mul3A_112] : memref<52428800xf32, #tpu.memory_space<any>> -> memref<12800xf32, #tpu.memory_space<any>>
    tpu.enqueue_dma source(%dma_start3A_117 : memref<12800xf32, #tpu.memory_space<any>>) target(%dma_start3A_116 : memref<12800xf32, #tpu.memory_space<vmem>>) target_semaphore(%arg4 : memref<!tpu.dma_semaphore, #tpu.memory_space<semaphore_mem>>)
    %mul3A_118 = arith.constant 128 : i32
    %mul3A_119 = arith.muli %arg0, %mul3A_118 : i32
    %add3A_120 = arith.constant 11 : i32
    %add3A_121 = arith.addi %mul3A_119, %add3A_120 : i32
    %mul3A_122 = arith.constant 12800 : i32
    %mul3A_123 = arith.muli %add3A_121, %mul3A_122 : i32
    %dma_start3A_124 = arith.constant 11 : i32
    %dma_start3A_125 = arith.constant 0 : i32
    %dma_start3A_126 = tpu.memref_slice %arg3[%dma_start3A_124, %dma_start3A_125] : memref<128x12800xf32, #tpu.memory_space<vmem>> -> memref<1x12800xf32, #tpu.memory_space<vmem>>
    %dma_start3A_127 = tpu.memref_squeeze %dma_start3A_126 : memref<1x12800xf32, #tpu.memory_space<vmem>> -> memref<12800xf32, #tpu.memory_space<vmem>>
    %dma_start3A_128 = tpu.memref_slice %arg1[%mul3A_123] : memref<52428800xf32, #tpu.memory_space<any>> -> memref<12800xf32, #tpu.memory_space<any>>
    tpu.enqueue_dma source(%dma_start3A_128 : memref<12800xf32, #tpu.memory_space<any>>) target(%dma_start3A_127 : memref<12800xf32, #tpu.memory_space<vmem>>) target_semaphore(%arg4 : memref<!tpu.dma_semaphore, #tpu.memory_space<semaphore_mem>>)
    %mul3A_129 = arith.constant 128 : i32
    %mul3A_130 = arith.muli %arg0, %mul3A_129 : i32
    %add3A_131 = arith.constant 12 : i32
    %add3A_132 = arith.addi %mul3A_130, %add3A_131 : i32
    %mul3A_133 = arith.constant 12800 : i32
    %mul3A_134 = arith.muli %add3A_132, %mul3A_133 : i32
    %dma_start3A_135 = arith.constant 12 : i32
    %dma_start3A_136 = arith.constant 0 : i32
    %dma_start3A_137 = tpu.memref_slice %arg3[%dma_start3A_135, %dma_start3A_136] : memref<128x12800xf32, #tpu.memory_space<vmem>> -> memref<1x12800xf32, #tpu.memory_space<vmem>>
    %dma_start3A_138 = tpu.memref_squeeze %dma_start3A_137 : memref<1x12800xf32, #tpu.memory_space<vmem>> -> memref<12800xf32, #tpu.memory_space<vmem>>
    %dma_start3A_139 = tpu.memref_slice %arg1[%mul3A_134] : memref<52428800xf32, #tpu.memory_space<any>> -> memref<12800xf32, #tpu.memory_space<any>>
    tpu.enqueue_dma source(%dma_start3A_139 : memref<12800xf32, #tpu.memory_space<any>>) target(%dma_start3A_138 : memref<12800xf32, #tpu.memory_space<vmem>>) target_semaphore(%arg4 : memref<!tpu.dma_semaphore, #tpu.memory_space<semaphore_mem>>)
    %mul3A_140 = arith.constant 128 : i32
    %mul3A_141 = arith.muli %arg0, %mul3A_140 : i32
    %add3A_142 = arith.constant 13 : i32
    %add3A_143 = arith.addi %mul3A_141, %add3A_142 : i32
    %mul3A_144 = arith.constant 12800 : i32
    %mul3A_145 = arith.muli %add3A_143, %mul3A_144 : i32
    %dma_start3A_146 = arith.constant 13 : i32
    %dma_start3A_147 = arith.constant 0 : i32
    %dma_start3A_148 = tpu.memref_slice %arg3[%dma_start3A_146, %dma_start3A_147] : memref<128x12800xf32, #tpu.memory_space<vmem>> -> memref<1x12800xf32, #tpu.memory_space<vmem>>
    %dma_start3A_149 = tpu.memref_squeeze %dma_start3A_148 : memref<1x12800xf32, #tpu.memory_space<vmem>> -> memref<12800xf32, #tpu.memory_space<vmem>>
    %dma_start3A_150 = tpu.memref_slice %arg1[%mul3A_145] : memref<52428800xf32, #tpu.memory_space<any>> -> memref<12800xf32, #tpu.memory_space<any>>
    tpu.enqueue_dma source(%dma_start3A_150 : memref<12800xf32, #tpu.memory_space<any>>) target(%dma_start3A_149 : memref<12800xf32, #tpu.memory_space<vmem>>) target_semaphore(%arg4 : memref<!tpu.dma_semaphore, #tpu.memory_space<semaphore_mem>>)
    %mul3A_151 = arith.constant 128 : i32
    %mul3A_152 = arith.muli %arg0, %mul3A_151 : i32
    %add3A_153 = arith.constant 14 : i32
    %add3A_154 = arith.addi %mul3A_152, %add3A_153 : i32
    %mul3A_155 = arith.constant 12800 : i32
    %mul3A_156 = arith.muli %add3A_154, %mul3A_155 : i32
    %dma_start3A_157 = arith.constant 14 : i32
    %dma_start3A_158 = arith.constant 0 : i32
    %dma_start3A_159 = tpu.memref_slice %arg3[%dma_start3A_157, %dma_start3A_158] : memref<128x12800xf32, #tpu.memory_space<vmem>> -> memref<1x12800xf32, #tpu.memory_space<vmem>>
    %dma_start3A_160 = tpu.memref_squeeze %dma_start3A_159 : memref<1x12800xf32, #tpu.memory_space<vmem>> -> memref<12800xf32, #tpu.memory_space<vmem>>
    %dma_start3A_161 = tpu.memref_slice %arg1[%mul3A_156] : memref<52428800xf32, #tpu.memory_space<any>> -> memref<12800xf32, #tpu.memory_space<any>>
    tpu.enqueue_dma source(%dma_start3A_161 : memref<12800xf32, #tpu.memory_space<any>>) target(%dma_start3A_160 : memref<12800xf32, #tpu.memory_space<vmem>>) target_semaphore(%arg4 : memref<!tpu.dma_semaphore, #tpu.memory_space<semaphore_mem>>)
    %mul3A_162 = arith.constant 128 : i32
    %mul3A_163 = arith.muli %arg0, %mul3A_162 : i32
    %add3A_164 = arith.constant 15 : i32
    %add3A_165 = arith.addi %mul3A_163, %add3A_164 : i32
    %mul3A_166 = arith.constant 12800 : i32
    %mul3A_167 = arith.muli %add3A_165, %mul3A_166 : i32
    %dma_start3A_168 = arith.constant 15 : i32
    %dma_start3A_169 = arith.constant 0 : i32
    %dma_start3A_170 = tpu.memref_slice %arg3[%dma_start3A_168, %dma_start3A_169] : memref<128x12800xf32, #tpu.memory_space<vmem>> -> memref<1x12800xf32, #tpu.memory_space<vmem>>
    %dma_start3A_171 = tpu.memref_squeeze %dma_start3A_170 : memref<1x12800xf32, #tpu.memory_space<vmem>> -> memref<12800xf32, #tpu.memory_space<vmem>>
    %dma_start3A_172 = tpu.memref_slice %arg1[%mul3A_167] : memref<52428800xf32, #tpu.memory_space<any>> -> memref<12800xf32, #tpu.memory_space<any>>
    tpu.enqueue_dma source(%dma_start3A_172 : memref<12800xf32, #tpu.memory_space<any>>) target(%dma_start3A_171 : memref<12800xf32, #tpu.memory_space<vmem>>) target_semaphore(%arg4 : memref<!tpu.dma_semaphore, #tpu.memory_space<semaphore_mem>>)
    %mul3A_173 = arith.constant 128 : i32
    %mul3A_174 = arith.muli %arg0, %mul3A_173 : i32
    %add3A_175 = arith.constant 16 : i32
    %add3A_176 = arith.addi %mul3A_174, %add3A_175 : i32
    %mul3A_177 = arith.constant 12800 : i32
    %mul3A_178 = arith.muli %add3A_176, %mul3A_177 : i32
    %dma_start3A_179 = arith.constant 16 : i32
    %dma_start3A_180 = arith.constant 0 : i32
    %dma_start3A_181 = tpu.memref_slice %arg3[%dma_start3A_179, %dma_start3A_180] : memref<128x12800xf32, #tpu.memory_space<vmem>> -> memref<1x12800xf32, #tpu.memory_space<vmem>>
    %dma_start3A_182 = tpu.memref_squeeze %dma_start3A_181 : memref<1x12800xf32, #tpu.memory_space<vmem>> -> memref<12800xf32, #tpu.memory_space<vmem>>
    %dma_start3A_183 = tpu.memref_slice %arg1[%mul3A_178] : memref<52428800xf32, #tpu.memory_space<any>> -> memref<12800xf32, #tpu.memory_space<any>>
    tpu.enqueue_dma source(%dma_start3A_183 : memref<12800xf32, #tpu.memory_space<any>>) target(%dma_start3A_182 : memref<12800xf32, #tpu.memory_space<vmem>>) target_semaphore(%arg4 : memref<!tpu.dma_semaphore, #tpu.memory_space<semaphore_mem>>)
    %mul3A_184 = arith.constant 128 : i32
    %mul3A_185 = arith.muli %arg0, %mul3A_184 : i32
    %add3A_186 = arith.constant 17 : i32
    %add3A_187 = arith.addi %mul3A_185, %add3A_186 : i32
    %mul3A_188 = arith.constant 12800 : i32
    %mul3A_189 = arith.muli %add3A_187, %mul3A_188 : i32
    %dma_start3A_190 = arith.constant 17 : i32
    %dma_start3A_191 = arith.constant 0 : i32
    %dma_start3A_192 = tpu.memref_slice %arg3[%dma_start3A_190, %dma_start3A_191] : memref<128x12800xf32, #tpu.memory_space<vmem>> -> memref<1x12800xf32, #tpu.memory_space<vmem>>
    %dma_start3A_193 = tpu.memref_squeeze %dma_start3A_192 : memref<1x12800xf32, #tpu.memory_space<vmem>> -> memref<12800xf32, #tpu.memory_space<vmem>>
    %dma_start3A_194 = tpu.memref_slice %arg1[%mul3A_189] : memref<52428800xf32, #tpu.memory_space<any>> -> memref<12800xf32, #tpu.memory_space<any>>
    tpu.enqueue_dma source(%dma_start3A_194 : memref<12800xf32, #tpu.memory_space<any>>) target(%dma_start3A_193 : memref<12800xf32, #tpu.memory_space<vmem>>) target_semaphore(%arg4 : memref<!tpu.dma_semaphore, #tpu.memory_space<semaphore_mem>>)
    %mul3A_195 = arith.constant 128 : i32
    %mul3A_196 = arith.muli %arg0, %mul3A_195 : i32
    %add3A_197 = arith.constant 18 : i32
    %add3A_198 = arith.addi %mul3A_196, %add3A_197 : i32
    %mul3A_199 = arith.constant 12800 : i32
    %mul3A_200 = arith.muli %add3A_198, %mul3A_199 : i32
    %dma_start3A_201 = arith.constant 18 : i32
    %dma_start3A_202 = arith.constant 0 : i32
    %dma_start3A_203 = tpu.memref_slice %arg3[%dma_start3A_201, %dma_start3A_202] : memref<128x12800xf32, #tpu.memory_space<vmem>> -> memref<1x12800xf32, #tpu.memory_space<vmem>>
    %dma_start3A_204 = tpu.memref_squeeze %dma_start3A_203 : memref<1x12800xf32, #tpu.memory_space<vmem>> -> memref<12800xf32, #tpu.memory_space<vmem>>
    %dma_start3A_205 = tpu.memref_slice %arg1[%mul3A_200] : memref<52428800xf32, #tpu.memory_space<any>> -> memref<12800xf32, #tpu.memory_space<any>>
    tpu.enqueue_dma source(%dma_start3A_205 : memref<12800xf32, #tpu.memory_space<any>>) target(%dma_start3A_204 : memref<12800xf32, #tpu.memory_space<vmem>>) target_semaphore(%arg4 : memref<!tpu.dma_semaphore, #tpu.memory_space<semaphore_mem>>)
    %mul3A_206 = arith.constant 128 : i32
    %mul3A_207 = arith.muli %arg0, %mul3A_206 : i32
    %add3A_208 = arith.constant 19 : i32
    %add3A_209 = arith.addi %mul3A_207, %add3A_208 : i32
    %mul3A_210 = arith.constant 12800 : i32
    %mul3A_211 = arith.muli %add3A_209, %mul3A_210 : i32
    %dma_start3A_212 = arith.constant 19 : i32
    %dma_start3A_213 = arith.constant 0 : i32
    %dma_start3A_214 = tpu.memref_slice %arg3[%dma_start3A_212, %dma_start3A_213] : memref<128x12800xf32, #tpu.memory_space<vmem>> -> memref<1x12800xf32, #tpu.memory_space<vmem>>
    %dma_start3A_215 = tpu.memref_squeeze %dma_start3A_214 : memref<1x12800xf32, #tpu.memory_space<vmem>> -> memref<12800xf32, #tpu.memory_space<vmem>>
    %dma_start3A_216 = tpu.memref_slice %arg1[%mul3A_211] : memref<52428800xf32, #tpu.memory_space<any>> -> memref<12800xf32, #tpu.memory_space<any>>
    tpu.enqueue_dma source(%dma_start3A_216 : memref<12800xf32, #tpu.memory_space<any>>) target(%dma_start3A_215 : memref<12800xf32, #tpu.memory_space<vmem>>) target_semaphore(%arg4 : memref<!tpu.dma_semaphore, #tpu.memory_space<semaphore_mem>>)
    %mul3A_217 = arith.constant 128 : i32
    %mul3A_218 = arith.muli %arg0, %mul3A_217 : i32
    %add3A_219 = arith.constant 20 : i32
    %add3A_220 = arith.addi %mul3A_218, %add3A_219 : i32
    %mul3A_221 = arith.constant 12800 : i32
    %mul3A_222 = arith.muli %add3A_220, %mul3A_221 : i32
    %dma_start3A_223 = arith.constant 20 : i32
    %dma_start3A_224 = arith.constant 0 : i32
    %dma_start3A_225 = tpu.memref_slice %arg3[%dma_start3A_223, %dma_start3A_224] : memref<128x12800xf32, #tpu.memory_space<vmem>> -> memref<1x12800xf32, #tpu.memory_space<vmem>>
    %dma_start3A_226 = tpu.memref_squeeze %dma_start3A_225 : memref<1x12800xf32, #tpu.memory_space<vmem>> -> memref<12800xf32, #tpu.memory_space<vmem>>
    %dma_start3A_227 = tpu.memref_slice %arg1[%mul3A_222] : memref<52428800xf32, #tpu.memory_space<any>> -> memref<12800xf32, #tpu.memory_space<any>>
    tpu.enqueue_dma source(%dma_start3A_227 : memref<12800xf32, #tpu.memory_space<any>>) target(%dma_start3A_226 : memref<12800xf32, #tpu.memory_space<vmem>>) target_semaphore(%arg4 : memref<!tpu.dma_semaphore, #tpu.memory_space<semaphore_mem>>)
    %mul3A_228 = arith.constant 128 : i32
    %mul3A_229 = arith.muli %arg0, %mul3A_228 : i32
    %add3A_230 = arith.constant 21 : i32
    %add3A_231 = arith.addi %mul3A_229, %add3A_230 : i32
    %mul3A_232 = arith.constant 12800 : i32
    %mul3A_233 = arith.muli %add3A_231, %mul3A_232 : i32
    %dma_start3A_234 = arith.constant 21 : i32
    %dma_start3A_235 = arith.constant 0 : i32
    %dma_start3A_236 = tpu.memref_slice %arg3[%dma_start3A_234, %dma_start3A_235] : memref<128x12800xf32, #tpu.memory_space<vmem>> -> memref<1x12800xf32, #tpu.memory_space<vmem>>
    %dma_start3A_237 = tpu.memref_squeeze %dma_start3A_236 : memref<1x12800xf32, #tpu.memory_space<vmem>> -> memref<12800xf32, #tpu.memory_space<vmem>>
    %dma_start3A_238 = tpu.memref_slice %arg1[%mul3A_233] : memref<52428800xf32, #tpu.memory_space<any>> -> memref<12800xf32, #tpu.memory_space<any>>
    tpu.enqueue_dma source(%dma_start3A_238 : memref<12800xf32, #tpu.memory_space<any>>) target(%dma_start3A_237 : memref<12800xf32, #tpu.memory_space<vmem>>) target_semaphore(%arg4 : memref<!tpu.dma_semaphore, #tpu.memory_space<semaphore_mem>>)
    %mul3A_239 = arith.constant 128 : i32
    %mul3A_240 = arith.muli %arg0, %mul3A_239 : i32
    %add3A_241 = arith.constant 22 : i32
    %add3A_242 = arith.addi %mul3A_240, %add3A_241 : i32
    %mul3A_243 = arith.constant 12800 : i32
    %mul3A_244 = arith.muli %add3A_242, %mul3A_243 : i32
    %dma_start3A_245 = arith.constant 22 : i32
    %dma_start3A_246 = arith.constant 0 : i32
    %dma_start3A_247 = tpu.memref_slice %arg3[%dma_start3A_245, %dma_start3A_246] : memref<128x12800xf32, #tpu.memory_space<vmem>> -> memref<1x12800xf32, #tpu.memory_space<vmem>>
    %dma_start3A_248 = tpu.memref_squeeze %dma_start3A_247 : memref<1x12800xf32, #tpu.memory_space<vmem>> -> memref<12800xf32, #tpu.memory_space<vmem>>
    %dma_start3A_249 = tpu.memref_slice %arg1[%mul3A_244] : memref<52428800xf32, #tpu.memory_space<any>> -> memref<12800xf32, #tpu.memory_space<any>>
    tpu.enqueue_dma source(%dma_start3A_249 : memref<12800xf32, #tpu.memory_space<any>>) target(%dma_start3A_248 : memref<12800xf32, #tpu.memory_space<vmem>>) target_semaphore(%arg4 : memref<!tpu.dma_semaphore, #tpu.memory_space<semaphore_mem>>)
    %mul3A_250 = arith.constant 128 : i32
    %mul3A_251 = arith.muli %arg0, %mul3A_250 : i32
    %add3A_252 = arith.constant 23 : i32
    %add3A_253 = arith.addi %mul3A_251, %add3A_252 : i32
    %mul3A_254 = arith.constant 12800 : i32
    %mul3A_255 = arith.muli %add3A_253, %mul3A_254 : i32
    %dma_start3A_256 = arith.constant 23 : i32
    %dma_start3A_257 = arith.constant 0 : i32
    %dma_start3A_258 = tpu.memref_slice %arg3[%dma_start3A_256, %dma_start3A_257] : memref<128x12800xf32, #tpu.memory_space<vmem>> -> memref<1x12800xf32, #tpu.memory_space<vmem>>
    %dma_start3A_259 = tpu.memref_squeeze %dma_start3A_258 : memref<1x12800xf32, #tpu.memory_space<vmem>> -> memref<12800xf32, #tpu.memory_space<vmem>>
    %dma_start3A_260 = tpu.memref_slice %arg1[%mul3A_255] : memref<52428800xf32, #tpu.memory_space<any>> -> memref<12800xf32, #tpu.memory_space<any>>
    tpu.enqueue_dma source(%dma_start3A_260 : memref<12800xf32, #tpu.memory_space<any>>) target(%dma_start3A_259 : memref<12800xf32, #tpu.memory_space<vmem>>) target_semaphore(%arg4 : memref<!tpu.dma_semaphore, #tpu.memory_space<semaphore_mem>>)
    %mul3A_261 = arith.constant 128 : i32
    %mul3A_262 = arith.muli %arg0, %mul3A_261 : i32
    %add3A_263 = arith.constant 24 : i32
    %add3A_264 = arith.addi %mul3A_262, %add3A_263 : i32
    %mul3A_265 = arith.constant 12800 : i32
    %mul3A_266 = arith.muli %add3A_264, %mul3A_265 : i32
    %dma_start3A_267 = arith.constant 24 : i32
    %dma_start3A_268 = arith.constant 0 : i32
    %dma_start3A_269 = tpu.memref_slice %arg3[%dma_start3A_267, %dma_start3A_268] : memref<128x12800xf32, #tpu.memory_space<vmem>> -> memref<1x12800xf32, #tpu.memory_space<vmem>>
    %dma_start3A_270 = tpu.memref_squeeze %dma_start3A_269 : memref<1x12800xf32, #tpu.memory_space<vmem>> -> memref<12800xf32, #tpu.memory_space<vmem>>
    %dma_start3A_271 = tpu.memref_slice %arg1[%mul3A_266] : memref<52428800xf32, #tpu.memory_space<any>> -> memref<12800xf32, #tpu.memory_space<any>>
    tpu.enqueue_dma source(%dma_start3A_271 : memref<12800xf32, #tpu.memory_space<any>>) target(%dma_start3A_270 : memref<12800xf32, #tpu.memory_space<vmem>>) target_semaphore(%arg4 : memref<!tpu.dma_semaphore, #tpu.memory_space<semaphore_mem>>)
    %mul3A_272 = arith.constant 128 : i32
    %mul3A_273 = arith.muli %arg0, %mul3A_272 : i32
    %add3A_274 = arith.constant 25 : i32
    %add3A_275 = arith.addi %mul3A_273, %add3A_274 : i32
    %mul3A_276 = arith.constant 12800 : i32
    %mul3A_277 = arith.muli %add3A_275, %mul3A_276 : i32
    %dma_start3A_278 = arith.constant 25 : i32
    %dma_start3A_279 = arith.constant 0 : i32
    %dma_start3A_280 = tpu.memref_slice %arg3[%dma_start3A_278, %dma_start3A_279] : memref<128x12800xf32, #tpu.memory_space<vmem>> -> memref<1x12800xf32, #tpu.memory_space<vmem>>
    %dma_start3A_281 = tpu.memref_squeeze %dma_start3A_280 : memref<1x12800xf32, #tpu.memory_space<vmem>> -> memref<12800xf32, #tpu.memory_space<vmem>>
    %dma_start3A_282 = tpu.memref_slice %arg1[%mul3A_277] : memref<52428800xf32, #tpu.memory_space<any>> -> memref<12800xf32, #tpu.memory_space<any>>
    tpu.enqueue_dma source(%dma_start3A_282 : memref<12800xf32, #tpu.memory_space<any>>) target(%dma_start3A_281 : memref<12800xf32, #tpu.memory_space<vmem>>) target_semaphore(%arg4 : memref<!tpu.dma_semaphore, #tpu.memory_space<semaphore_mem>>)
    %mul3A_283 = arith.constant 128 : i32
    %mul3A_284 = arith.muli %arg0, %mul3A_283 : i32
    %add3A_285 = arith.constant 26 : i32
    %add3A_286 = arith.addi %mul3A_284, %add3A_285 : i32
    %mul3A_287 = arith.constant 12800 : i32
    %mul3A_288 = arith.muli %add3A_286, %mul3A_287 : i32
    %dma_start3A_289 = arith.constant 26 : i32
    %dma_start3A_290 = arith.constant 0 : i32
    %dma_start3A_291 = tpu.memref_slice %arg3[%dma_start3A_289, %dma_start3A_290] : memref<128x12800xf32, #tpu.memory_space<vmem>> -> memref<1x12800xf32, #tpu.memory_space<vmem>>
    %dma_start3A_292 = tpu.memref_squeeze %dma_start3A_291 : memref<1x12800xf32, #tpu.memory_space<vmem>> -> memref<12800xf32, #tpu.memory_space<vmem>>
    %dma_start3A_293 = tpu.memref_slice %arg1[%mul3A_288] : memref<52428800xf32, #tpu.memory_space<any>> -> memref<12800xf32, #tpu.memory_space<any>>
    tpu.enqueue_dma source(%dma_start3A_293 : memref<12800xf32, #tpu.memory_space<any>>) target(%dma_start3A_292 : memref<12800xf32, #tpu.memory_space<vmem>>) target_semaphore(%arg4 : memref<!tpu.dma_semaphore, #tpu.memory_space<semaphore_mem>>)
    %mul3A_294 = arith.constant 128 : i32
    %mul3A_295 = arith.muli %arg0, %mul3A_294 : i32
    %add3A_296 = arith.constant 27 : i32
    %add3A_297 = arith.addi %mul3A_295, %add3A_296 : i32
    %mul3A_298 = arith.constant 12800 : i32
    %mul3A_299 = arith.muli %add3A_297, %mul3A_298 : i32
    %dma_start3A_300 = arith.constant 27 : i32
    %dma_start3A_301 = arith.constant 0 : i32
    %dma_start3A_302 = tpu.memref_slice %arg3[%dma_start3A_300, %dma_start3A_301] : memref<128x12800xf32, #tpu.memory_space<vmem>> -> memref<1x12800xf32, #tpu.memory_space<vmem>>
    %dma_start3A_303 = tpu.memref_squeeze %dma_start3A_302 : memref<1x12800xf32, #tpu.memory_space<vmem>> -> memref<12800xf32, #tpu.memory_space<vmem>>
    %dma_start3A_304 = tpu.memref_slice %arg1[%mul3A_299] : memref<52428800xf32, #tpu.memory_space<any>> -> memref<12800xf32, #tpu.memory_space<any>>
    tpu.enqueue_dma source(%dma_start3A_304 : memref<12800xf32, #tpu.memory_space<any>>) target(%dma_start3A_303 : memref<12800xf32, #tpu.memory_space<vmem>>) target_semaphore(%arg4 : memref<!tpu.dma_semaphore, #tpu.memory_space<semaphore_mem>>)
    %mul3A_305 = arith.constant 128 : i32
    %mul3A_306 = arith.muli %arg0, %mul3A_305 : i32
    %add3A_307 = arith.constant 28 : i32
    %add3A_308 = arith.addi %mul3A_306, %add3A_307 : i32
    %mul3A_309 = arith.constant 12800 : i32
    %mul3A_310 = arith.muli %add3A_308, %mul3A_309 : i32
    %dma_start3A_311 = arith.constant 28 : i32
    %dma_start3A_312 = arith.constant 0 : i32
    %dma_start3A_313 = tpu.memref_slice %arg3[%dma_start3A_311, %dma_start3A_312] : memref<128x12800xf32, #tpu.memory_space<vmem>> -> memref<1x12800xf32, #tpu.memory_space<vmem>>
    %dma_start3A_314 = tpu.memref_squeeze %dma_start3A_313 : memref<1x12800xf32, #tpu.memory_space<vmem>> -> memref<12800xf32, #tpu.memory_space<vmem>>
    %dma_start3A_315 = tpu.memref_slice %arg1[%mul3A_310] : memref<52428800xf32, #tpu.memory_space<any>> -> memref<12800xf32, #tpu.memory_space<any>>
    tpu.enqueue_dma source(%dma_start3A_315 : memref<12800xf32, #tpu.memory_space<any>>) target(%dma_start3A_314 : memref<12800xf32, #tpu.memory_space<vmem>>) target_semaphore(%arg4 : memref<!tpu.dma_semaphore, #tpu.memory_space<semaphore_mem>>)
    %mul3A_316 = arith.constant 128 : i32
    %mul3A_317 = arith.muli %arg0, %mul3A_316 : i32
    %add3A_318 = arith.constant 29 : i32
    %add3A_319 = arith.addi %mul3A_317, %add3A_318 : i32
    %mul3A_320 = arith.constant 12800 : i32
    %mul3A_321 = arith.muli %add3A_319, %mul3A_320 : i32
    %dma_start3A_322 = arith.constant 29 : i32
    %dma_start3A_323 = arith.constant 0 : i32
    %dma_start3A_324 = tpu.memref_slice %arg3[%dma_start3A_322, %dma_start3A_323] : memref<128x12800xf32, #tpu.memory_space<vmem>> -> memref<1x12800xf32, #tpu.memory_space<vmem>>
    %dma_start3A_325 = tpu.memref_squeeze %dma_start3A_324 : memref<1x12800xf32, #tpu.memory_space<vmem>> -> memref<12800xf32, #tpu.memory_space<vmem>>
    %dma_start3A_326 = tpu.memref_slice %arg1[%mul3A_321] : memref<52428800xf32, #tpu.memory_space<any>> -> memref<12800xf32, #tpu.memory_space<any>>
    tpu.enqueue_dma source(%dma_start3A_326 : memref<12800xf32, #tpu.memory_space<any>>) target(%dma_start3A_325 : memref<12800xf32, #tpu.memory_space<vmem>>) target_semaphore(%arg4 : memref<!tpu.dma_semaphore, #tpu.memory_space<semaphore_mem>>)
    %mul3A_327 = arith.constant 128 : i32
    %mul3A_328 = arith.muli %arg0, %mul3A_327 : i32
    %add3A_329 = arith.constant 30 : i32
    %add3A_330 = arith.addi %mul3A_328, %add3A_329 : i32
    %mul3A_331 = arith.constant 12800 : i32
    %mul3A_332 = arith.muli %add3A_330, %mul3A_331 : i32
    %dma_start3A_333 = arith.constant 30 : i32
    %dma_start3A_334 = arith.constant 0 : i32
    %dma_start3A_335 = tpu.memref_slice %arg3[%dma_start3A_333, %dma_start3A_334] : memref<128x12800xf32, #tpu.memory_space<vmem>> -> memref<1x12800xf32, #tpu.memory_space<vmem>>
    %dma_start3A_336 = tpu.memref_squeeze %dma_start3A_335 : memref<1x12800xf32, #tpu.memory_space<vmem>> -> memref<12800xf32, #tpu.memory_space<vmem>>
    %dma_start3A_337 = tpu.memref_slice %arg1[%mul3A_332] : memref<52428800xf32, #tpu.memory_space<any>> -> memref<12800xf32, #tpu.memory_space<any>>
    tpu.enqueue_dma source(%dma_start3A_337 : memref<12800xf32, #tpu.memory_space<any>>) target(%dma_start3A_336 : memref<12800xf32, #tpu.memory_space<vmem>>) target_semaphore(%arg4 : memref<!tpu.dma_semaphore, #tpu.memory_space<semaphore_mem>>)
    %mul3A_338 = arith.constant 128 : i32
    %mul3A_339 = arith.muli %arg0, %mul3A_338 : i32
    %add3A_340 = arith.constant 31 : i32
    %add3A_341 = arith.addi %mul3A_339, %add3A_340 : i32
    %mul3A_342 = arith.constant 12800 : i32
    %mul3A_343 = arith.muli %add3A_341, %mul3A_342 : i32
    %dma_start3A_344 = arith.constant 31 : i32
    %dma_start3A_345 = arith.constant 0 : i32
    %dma_start3A_346 = tpu.memref_slice %arg3[%dma_start3A_344, %dma_start3A_345] : memref<128x12800xf32, #tpu.memory_space<vmem>> -> memref<1x12800xf32, #tpu.memory_space<vmem>>
    %dma_start3A_347 = tpu.memref_squeeze %dma_start3A_346 : memref<1x12800xf32, #tpu.memory_space<vmem>> -> memref<12800xf32, #tpu.memory_space<vmem>>
    %dma_start3A_348 = tpu.memref_slice %arg1[%mul3A_343] : memref<52428800xf32, #tpu.memory_space<any>> -> memref<12800xf32, #tpu.memory_space<any>>
    tpu.enqueue_dma source(%dma_start3A_348 : memref<12800xf32, #tpu.memory_space<any>>) target(%dma_start3A_347 : memref<12800xf32, #tpu.memory_space<vmem>>) target_semaphore(%arg4 : memref<!tpu.dma_semaphore, #tpu.memory_space<semaphore_mem>>)
    %mul3A_349 = arith.constant 128 : i32
    %mul3A_350 = arith.muli %arg0, %mul3A_349 : i32
    %add3A_351 = arith.constant 32 : i32
    %add3A_352 = arith.addi %mul3A_350, %add3A_351 : i32
    %mul3A_353 = arith.constant 12800 : i32
    %mul3A_354 = arith.muli %add3A_352, %mul3A_353 : i32
    %dma_start3A_355 = arith.constant 32 : i32
    %dma_start3A_356 = arith.constant 0 : i32
    %dma_start3A_357 = tpu.memref_slice %arg3[%dma_start3A_355, %dma_start3A_356] : memref<128x12800xf32, #tpu.memory_space<vmem>> -> memref<1x12800xf32, #tpu.memory_space<vmem>>
    %dma_start3A_358 = tpu.memref_squeeze %dma_start3A_357 : memref<1x12800xf32, #tpu.memory_space<vmem>> -> memref<12800xf32, #tpu.memory_space<vmem>>
    %dma_start3A_359 = tpu.memref_slice %arg1[%mul3A_354] : memref<52428800xf32, #tpu.memory_space<any>> -> memref<12800xf32, #tpu.memory_space<any>>
    tpu.enqueue_dma source(%dma_start3A_359 : memref<12800xf32, #tpu.memory_space<any>>) target(%dma_start3A_358 : memref<12800xf32, #tpu.memory_space<vmem>>) target_semaphore(%arg4 : memref<!tpu.dma_semaphore, #tpu.memory_space<semaphore_mem>>)
    %mul3A_360 = arith.constant 128 : i32
    %mul3A_361 = arith.muli %arg0, %mul3A_360 : i32
    %add3A_362 = arith.constant 33 : i32
    %add3A_363 = arith.addi %mul3A_361, %add3A_362 : i32
    %mul3A_364 = arith.constant 12800 : i32
    %mul3A_365 = arith.muli %add3A_363, %mul3A_364 : i32
    %dma_start3A_366 = arith.constant 33 : i32
    %dma_start3A_367 = arith.constant 0 : i32
    %dma_start3A_368 = tpu.memref_slice %arg3[%dma_start3A_366, %dma_start3A_367] : memref<128x12800xf32, #tpu.memory_space<vmem>> -> memref<1x12800xf32, #tpu.memory_space<vmem>>
    %dma_start3A_369 = tpu.memref_squeeze %dma_start3A_368 : memref<1x12800xf32, #tpu.memory_space<vmem>> -> memref<12800xf32, #tpu.memory_space<vmem>>
    %dma_start3A_370 = tpu.memref_slice %arg1[%mul3A_365] : memref<52428800xf32, #tpu.memory_space<any>> -> memref<12800xf32, #tpu.memory_space<any>>
    tpu.enqueue_dma source(%dma_start3A_370 : memref<12800xf32, #tpu.memory_space<any>>) target(%dma_start3A_369 : memref<12800xf32, #tpu.memory_space<vmem>>) target_semaphore(%arg4 : memref<!tpu.dma_semaphore, #tpu.memory_space<semaphore_mem>>)
    %mul3A_371 = arith.constant 128 : i32
    %mul3A_372 = arith.muli %arg0, %mul3A_371 : i32
    %add3A_373 = arith.constant 34 : i32
    %add3A_374 = arith.addi %mul3A_372, %add3A_373 : i32
    %mul3A_375 = arith.constant 12800 : i32
    %mul3A_376 = arith.muli %add3A_374, %mul3A_375 : i32
    %dma_start3A_377 = arith.constant 34 : i32
    %dma_start3A_378 = arith.constant 0 : i32
    %dma_start3A_379 = tpu.memref_slice %arg3[%dma_start3A_377, %dma_start3A_378] : memref<128x12800xf32, #tpu.memory_space<vmem>> -> memref<1x12800xf32, #tpu.memory_space<vmem>>
    %dma_start3A_380 = tpu.memref_squeeze %dma_start3A_379 : memref<1x12800xf32, #tpu.memory_space<vmem>> -> memref<12800xf32, #tpu.memory_space<vmem>>
    %dma_start3A_381 = tpu.memref_slice %arg1[%mul3A_376] : memref<52428800xf32, #tpu.memory_space<any>> -> memref<12800xf32, #tpu.memory_space<any>>
    tpu.enqueue_dma source(%dma_start3A_381 : memref<12800xf32, #tpu.memory_space<any>>) target(%dma_start3A_380 : memref<12800xf32, #tpu.memory_space<vmem>>) target_semaphore(%arg4 : memref<!tpu.dma_semaphore, #tpu.memory_space<semaphore_mem>>)
    %mul3A_382 = arith.constant 128 : i32
    %mul3A_383 = arith.muli %arg0, %mul3A_382 : i32
    %add3A_384 = arith.constant 35 : i32
    %add3A_385 = arith.addi %mul3A_383, %add3A_384 : i32
    %mul3A_386 = arith.constant 12800 : i32
    %mul3A_387 = arith.muli %add3A_385, %mul3A_386 : i32
    %dma_start3A_388 = arith.constant 35 : i32
    %dma_start3A_389 = arith.constant 0 : i32
    %dma_start3A_390 = tpu.memref_slice %arg3[%dma_start3A_388, %dma_start3A_389] : memref<128x12800xf32, #tpu.memory_space<vmem>> -> memref<1x12800xf32, #tpu.memory_space<vmem>>
    %dma_start3A_391 = tpu.memref_squeeze %dma_start3A_390 : memref<1x12800xf32, #tpu.memory_space<vmem>> -> memref<12800xf32, #tpu.memory_space<vmem>>
    %dma_start3A_392 = tpu.memref_slice %arg1[%mul3A_387] : memref<52428800xf32, #tpu.memory_space<any>> -> memref<12800xf32, #tpu.memory_space<any>>
    tpu.enqueue_dma source(%dma_start3A_392 : memref<12800xf32, #tpu.memory_space<any>>) target(%dma_start3A_391 : memref<12800xf32, #tpu.memory_space<vmem>>) target_semaphore(%arg4 : memref<!tpu.dma_semaphore, #tpu.memory_space<semaphore_mem>>)
    %mul3A_393 = arith.constant 128 : i32
    %mul3A_394 = arith.muli %arg0, %mul3A_393 : i32
    %add3A_395 = arith.constant 36 : i32
    %add3A_396 = arith.addi %mul3A_394, %add3A_395 : i32
    %mul3A_397 = arith.constant 12800 : i32
    %mul3A_398 = arith.muli %add3A_396, %mul3A_397 : i32
    %dma_start3A_399 = arith.constant 36 : i32
    %dma_start3A_400 = arith.constant 0 : i32
    %dma_start3A_401 = tpu.memref_slice %arg3[%dma_start3A_399, %dma_start3A_400] : memref<128x12800xf32, #tpu.memory_space<vmem>> -> memref<1x12800xf32, #tpu.memory_space<vmem>>
    %dma_start3A_402 = tpu.memref_squeeze %dma_start3A_401 : memref<1x12800xf32, #tpu.memory_space<vmem>> -> memref<12800xf32, #tpu.memory_space<vmem>>
    %dma_start3A_403 = tpu.memref_slice %arg1[%mul3A_398] : memref<52428800xf32, #tpu.memory_space<any>> -> memref<12800xf32, #tpu.memory_space<any>>
    tpu.enqueue_dma source(%dma_start3A_403 : memref<12800xf32, #tpu.memory_space<any>>) target(%dma_start3A_402 : memref<12800xf32, #tpu.memory_space<vmem>>) target_semaphore(%arg4 : memref<!tpu.dma_semaphore, #tpu.memory_space<semaphore_mem>>)
    %mul3A_404 = arith.constant 128 : i32
    %mul3A_405 = arith.muli %arg0, %mul3A_404 : i32
    %add3A_406 = arith.constant 37 : i32
    %add3A_407 = arith.addi %mul3A_405, %add3A_406 : i32
    %mul3A_408 = arith.constant 12800 : i32
    %mul3A_409 = arith.muli %add3A_407, %mul3A_408 : i32
    %dma_start3A_410 = arith.constant 37 : i32
    %dma_start3A_411 = arith.constant 0 : i32
    %dma_start3A_412 = tpu.memref_slice %arg3[%dma_start3A_410, %dma_start3A_411] : memref<128x12800xf32, #tpu.memory_space<vmem>> -> memref<1x12800xf32, #tpu.memory_space<vmem>>
    %dma_start3A_413 = tpu.memref_squeeze %dma_start3A_412 : memref<1x12800xf32, #tpu.memory_space<vmem>> -> memref<12800xf32, #tpu.memory_space<vmem>>
    %dma_start3A_414 = tpu.memref_slice %arg1[%mul3A_409] : memref<52428800xf32, #tpu.memory_space<any>> -> memref<12800xf32, #tpu.memory_space<any>>
    tpu.enqueue_dma source(%dma_start3A_414 : memref<12800xf32, #tpu.memory_space<any>>) target(%dma_start3A_413 : memref<12800xf32, #tpu.memory_space<vmem>>) target_semaphore(%arg4 : memref<!tpu.dma_semaphore, #tpu.memory_space<semaphore_mem>>)
    %mul3A_415 = arith.constant 128 : i32
    %mul3A_416 = arith.muli %arg0, %mul3A_415 : i32
    %add3A_417 = arith.constant 38 : i32
    %add3A_418 = arith.addi %mul3A_416, %add3A_417 : i32
    %mul3A_419 = arith.constant 12800 : i32
    %mul3A_420 = arith.muli %add3A_418, %mul3A_419 : i32
    %dma_start3A_421 = arith.constant 38 : i32
    %dma_start3A_422 = arith.constant 0 : i32
    %dma_start3A_423 = tpu.memref_slice %arg3[%dma_start3A_421, %dma_start3A_422] : memref<128x12800xf32, #tpu.memory_space<vmem>> -> memref<1x12800xf32, #tpu.memory_space<vmem>>
    %dma_start3A_424 = tpu.memref_squeeze %dma_start3A_423 : memref<1x12800xf32, #tpu.memory_space<vmem>> -> memref<12800xf32, #tpu.memory_space<vmem>>
    %dma_start3A_425 = tpu.memref_slice %arg1[%mul3A_420] : memref<52428800xf32, #tpu.memory_space<any>> -> memref<12800xf32, #tpu.memory_space<any>>
    tpu.enqueue_dma source(%dma_start3A_425 : memref<12800xf32, #tpu.memory_space<any>>) target(%dma_start3A_424 : memref<12800xf32, #tpu.memory_space<vmem>>) target_semaphore(%arg4 : memref<!tpu.dma_semaphore, #tpu.memory_space<semaphore_mem>>)
    %mul3A_426 = arith.constant 128 : i32
    %mul3A_427 = arith.muli %arg0, %mul3A_426 : i32
    %add3A_428 = arith.constant 39 : i32
    %add3A_429 = arith.addi %mul3A_427, %add3A_428 : i32
    %mul3A_430 = arith.constant 12800 : i32
    %mul3A_431 = arith.muli %add3A_429, %mul3A_430 : i32
    %dma_start3A_432 = arith.constant 39 : i32
    %dma_start3A_433 = arith.constant 0 : i32
    %dma_start3A_434 = tpu.memref_slice %arg3[%dma_start3A_432, %dma_start3A_433] : memref<128x12800xf32, #tpu.memory_space<vmem>> -> memref<1x12800xf32, #tpu.memory_space<vmem>>
    %dma_start3A_435 = tpu.memref_squeeze %dma_start3A_434 : memref<1x12800xf32, #tpu.memory_space<vmem>> -> memref<12800xf32, #tpu.memory_space<vmem>>
    %dma_start3A_436 = tpu.memref_slice %arg1[%mul3A_431] : memref<52428800xf32, #tpu.memory_space<any>> -> memref<12800xf32, #tpu.memory_space<any>>
    tpu.enqueue_dma source(%dma_start3A_436 : memref<12800xf32, #tpu.memory_space<any>>) target(%dma_start3A_435 : memref<12800xf32, #tpu.memory_space<vmem>>) target_semaphore(%arg4 : memref<!tpu.dma_semaphore, #tpu.memory_space<semaphore_mem>>)
    %mul3A_437 = arith.constant 128 : i32
    %mul3A_438 = arith.muli %arg0, %mul3A_437 : i32
    %add3A_439 = arith.constant 40 : i32
    %add3A_440 = arith.addi %mul3A_438, %add3A_439 : i32
    %mul3A_441 = arith.constant 12800 : i32
    %mul3A_442 = arith.muli %add3A_440, %mul3A_441 : i32
    %dma_start3A_443 = arith.constant 40 : i32
    %dma_start3A_444 = arith.constant 0 : i32
    %dma_start3A_445 = tpu.memref_slice %arg3[%dma_start3A_443, %dma_start3A_444] : memref<128x12800xf32, #tpu.memory_space<vmem>> -> memref<1x12800xf32, #tpu.memory_space<vmem>>
    %dma_start3A_446 = tpu.memref_squeeze %dma_start3A_445 : memref<1x12800xf32, #tpu.memory_space<vmem>> -> memref<12800xf32, #tpu.memory_space<vmem>>
    %dma_start3A_447 = tpu.memref_slice %arg1[%mul3A_442] : memref<52428800xf32, #tpu.memory_space<any>> -> memref<12800xf32, #tpu.memory_space<any>>
    tpu.enqueue_dma source(%dma_start3A_447 : memref<12800xf32, #tpu.memory_space<any>>) target(%dma_start3A_446 : memref<12800xf32, #tpu.memory_space<vmem>>) target_semaphore(%arg4 : memref<!tpu.dma_semaphore, #tpu.memory_space<semaphore_mem>>)
    %mul3A_448 = arith.constant 128 : i32
    %mul3A_449 = arith.muli %arg0, %mul3A_448 : i32
    %add3A_450 = arith.constant 41 : i32
    %add3A_451 = arith.addi %mul3A_449, %add3A_450 : i32
    %mul3A_452 = arith.constant 12800 : i32
    %mul3A_453 = arith.muli %add3A_451, %mul3A_452 : i32
    %dma_start3A_454 = arith.constant 41 : i32
    %dma_start3A_455 = arith.constant 0 : i32
    %dma_start3A_456 = tpu.memref_slice %arg3[%dma_start3A_454, %dma_start3A_455] : memref<128x12800xf32, #tpu.memory_space<vmem>> -> memref<1x12800xf32, #tpu.memory_space<vmem>>
    %dma_start3A_457 = tpu.memref_squeeze %dma_start3A_456 : memref<1x12800xf32, #tpu.memory_space<vmem>> -> memref<12800xf32, #tpu.memory_space<vmem>>
    %dma_start3A_458 = tpu.memref_slice %arg1[%mul3A_453] : memref<52428800xf32, #tpu.memory_space<any>> -> memref<12800xf32, #tpu.memory_space<any>>
    tpu.enqueue_dma source(%dma_start3A_458 : memref<12800xf32, #tpu.memory_space<any>>) target(%dma_start3A_457 : memref<12800xf32, #tpu.memory_space<vmem>>) target_semaphore(%arg4 : memref<!tpu.dma_semaphore, #tpu.memory_space<semaphore_mem>>)
    %mul3A_459 = arith.constant 128 : i32
    %mul3A_460 = arith.muli %arg0, %mul3A_459 : i32
    %add3A_461 = arith.constant 42 : i32
    %add3A_462 = arith.addi %mul3A_460, %add3A_461 : i32
    %mul3A_463 = arith.constant 12800 : i32
    %mul3A_464 = arith.muli %add3A_462, %mul3A_463 : i32
    %dma_start3A_465 = arith.constant 42 : i32
    %dma_start3A_466 = arith.constant 0 : i32
    %dma_start3A_467 = tpu.memref_slice %arg3[%dma_start3A_465, %dma_start3A_466] : memref<128x12800xf32, #tpu.memory_space<vmem>> -> memref<1x12800xf32, #tpu.memory_space<vmem>>
    %dma_start3A_468 = tpu.memref_squeeze %dma_start3A_467 : memref<1x12800xf32, #tpu.memory_space<vmem>> -> memref<12800xf32, #tpu.memory_space<vmem>>
    %dma_start3A_469 = tpu.memref_slice %arg1[%mul3A_464] : memref<52428800xf32, #tpu.memory_space<any>> -> memref<12800xf32, #tpu.memory_space<any>>
    tpu.enqueue_dma source(%dma_start3A_469 : memref<12800xf32, #tpu.memory_space<any>>) target(%dma_start3A_468 : memref<12800xf32, #tpu.memory_space<vmem>>) target_semaphore(%arg4 : memref<!tpu.dma_semaphore, #tpu.memory_space<semaphore_mem>>)
    %mul3A_470 = arith.constant 128 : i32
    %mul3A_471 = arith.muli %arg0, %mul3A_470 : i32
    %add3A_472 = arith.constant 43 : i32
    %add3A_473 = arith.addi %mul3A_471, %add3A_472 : i32
    %mul3A_474 = arith.constant 12800 : i32
    %mul3A_475 = arith.muli %add3A_473, %mul3A_474 : i32
    %dma_start3A_476 = arith.constant 43 : i32
    %dma_start3A_477 = arith.constant 0 : i32
    %dma_start3A_478 = tpu.memref_slice %arg3[%dma_start3A_476, %dma_start3A_477] : memref<128x12800xf32, #tpu.memory_space<vmem>> -> memref<1x12800xf32, #tpu.memory_space<vmem>>
    %dma_start3A_479 = tpu.memref_squeeze %dma_start3A_478 : memref<1x12800xf32, #tpu.memory_space<vmem>> -> memref<12800xf32, #tpu.memory_space<vmem>>
    %dma_start3A_480 = tpu.memref_slice %arg1[%mul3A_475] : memref<52428800xf32, #tpu.memory_space<any>> -> memref<12800xf32, #tpu.memory_space<any>>
    tpu.enqueue_dma source(%dma_start3A_480 : memref<12800xf32, #tpu.memory_space<any>>) target(%dma_start3A_479 : memref<12800xf32, #tpu.memory_space<vmem>>) target_semaphore(%arg4 : memref<!tpu.dma_semaphore, #tpu.memory_space<semaphore_mem>>)
    %mul3A_481 = arith.constant 128 : i32
    %mul3A_482 = arith.muli %arg0, %mul3A_481 : i32
    %add3A_483 = arith.constant 44 : i32
    %add3A_484 = arith.addi %mul3A_482, %add3A_483 : i32
    %mul3A_485 = arith.constant 12800 : i32
    %mul3A_486 = arith.muli %add3A_484, %mul3A_485 : i32
    %dma_start3A_487 = arith.constant 44 : i32
    %dma_start3A_488 = arith.constant 0 : i32
    %dma_start3A_489 = tpu.memref_slice %arg3[%dma_start3A_487, %dma_start3A_488] : memref<128x12800xf32, #tpu.memory_space<vmem>> -> memref<1x12800xf32, #tpu.memory_space<vmem>>
    %dma_start3A_490 = tpu.memref_squeeze %dma_start3A_489 : memref<1x12800xf32, #tpu.memory_space<vmem>> -> memref<12800xf32, #tpu.memory_space<vmem>>
    %dma_start3A_491 = tpu.memref_slice %arg1[%mul3A_486] : memref<52428800xf32, #tpu.memory_space<any>> -> memref<12800xf32, #tpu.memory_space<any>>
    tpu.enqueue_dma source(%dma_start3A_491 : memref<12800xf32, #tpu.memory_space<any>>) target(%dma_start3A_490 : memref<12800xf32, #tpu.memory_space<vmem>>) target_semaphore(%arg4 : memref<!tpu.dma_semaphore, #tpu.memory_space<semaphore_mem>>)
    %mul3A_492 = arith.constant 128 : i32
    %mul3A_493 = arith.muli %arg0, %mul3A_492 : i32
    %add3A_494 = arith.constant 45 : i32
    %add3A_495 = arith.addi %mul3A_493, %add3A_494 : i32
    %mul3A_496 = arith.constant 12800 : i32
    %mul3A_497 = arith.muli %add3A_495, %mul3A_496 : i32
    %dma_start3A_498 = arith.constant 45 : i32
    %dma_start3A_499 = arith.constant 0 : i32
    %dma_start3A_500 = tpu.memref_slice %arg3[%dma_start3A_498, %dma_start3A_499] : memref<128x12800xf32, #tpu.memory_space<vmem>> -> memref<1x12800xf32, #tpu.memory_space<vmem>>
    %dma_start3A_501 = tpu.memref_squeeze %dma_start3A_500 : memref<1x12800xf32, #tpu.memory_space<vmem>> -> memref<12800xf32, #tpu.memory_space<vmem>>
    %dma_start3A_502 = tpu.memref_slice %arg1[%mul3A_497] : memref<52428800xf32, #tpu.memory_space<any>> -> memref<12800xf32, #tpu.memory_space<any>>
    tpu.enqueue_dma source(%dma_start3A_502 : memref<12800xf32, #tpu.memory_space<any>>) target(%dma_start3A_501 : memref<12800xf32, #tpu.memory_space<vmem>>) target_semaphore(%arg4 : memref<!tpu.dma_semaphore, #tpu.memory_space<semaphore_mem>>)
    %mul3A_503 = arith.constant 128 : i32
    %mul3A_504 = arith.muli %arg0, %mul3A_503 : i32
    %add3A_505 = arith.constant 46 : i32
    %add3A_506 = arith.addi %mul3A_504, %add3A_505 : i32
    %mul3A_507 = arith.constant 12800 : i32
    %mul3A_508 = arith.muli %add3A_506, %mul3A_507 : i32
    %dma_start3A_509 = arith.constant 46 : i32
    %dma_start3A_510 = arith.constant 0 : i32
    %dma_start3A_511 = tpu.memref_slice %arg3[%dma_start3A_509, %dma_start3A_510] : memref<128x12800xf32, #tpu.memory_space<vmem>> -> memref<1x12800xf32, #tpu.memory_space<vmem>>
    %dma_start3A_512 = tpu.memref_squeeze %dma_start3A_511 : memref<1x12800xf32, #tpu.memory_space<vmem>> -> memref<12800xf32, #tpu.memory_space<vmem>>
    %dma_start3A_513 = tpu.memref_slice %arg1[%mul3A_508] : memref<52428800xf32, #tpu.memory_space<any>> -> memref<12800xf32, #tpu.memory_space<any>>
    tpu.enqueue_dma source(%dma_start3A_513 : memref<12800xf32, #tpu.memory_space<any>>) target(%dma_start3A_512 : memref<12800xf32, #tpu.memory_space<vmem>>) target_semaphore(%arg4 : memref<!tpu.dma_semaphore, #tpu.memory_space<semaphore_mem>>)
    %mul3A_514 = arith.constant 128 : i32
    %mul3A_515 = arith.muli %arg0, %mul3A_514 : i32
    %add3A_516 = arith.constant 47 : i32
    %add3A_517 = arith.addi %mul3A_515, %add3A_516 : i32
    %mul3A_518 = arith.constant 12800 : i32
    %mul3A_519 = arith.muli %add3A_517, %mul3A_518 : i32
    %dma_start3A_520 = arith.constant 47 : i32
    %dma_start3A_521 = arith.constant 0 : i32
    %dma_start3A_522 = tpu.memref_slice %arg3[%dma_start3A_520, %dma_start3A_521] : memref<128x12800xf32, #tpu.memory_space<vmem>> -> memref<1x12800xf32, #tpu.memory_space<vmem>>
    %dma_start3A_523 = tpu.memref_squeeze %dma_start3A_522 : memref<1x12800xf32, #tpu.memory_space<vmem>> -> memref<12800xf32, #tpu.memory_space<vmem>>
    %dma_start3A_524 = tpu.memref_slice %arg1[%mul3A_519] : memref<52428800xf32, #tpu.memory_space<any>> -> memref<12800xf32, #tpu.memory_space<any>>
    tpu.enqueue_dma source(%dma_start3A_524 : memref<12800xf32, #tpu.memory_space<any>>) target(%dma_start3A_523 : memref<12800xf32, #tpu.memory_space<vmem>>) target_semaphore(%arg4 : memref<!tpu.dma_semaphore, #tpu.memory_space<semaphore_mem>>)
    %mul3A_525 = arith.constant 128 : i32
    %mul3A_526 = arith.muli %arg0, %mul3A_525 : i32
    %add3A_527 = arith.constant 48 : i32
    %add3A_528 = arith.addi %mul3A_526, %add3A_527 : i32
    %mul3A_529 = arith.constant 12800 : i32
    %mul3A_530 = arith.muli %add3A_528, %mul3A_529 : i32
    %dma_start3A_531 = arith.constant 48 : i32
    %dma_start3A_532 = arith.constant 0 : i32
    %dma_start3A_533 = tpu.memref_slice %arg3[%dma_start3A_531, %dma_start3A_532] : memref<128x12800xf32, #tpu.memory_space<vmem>> -> memref<1x12800xf32, #tpu.memory_space<vmem>>
    %dma_start3A_534 = tpu.memref_squeeze %dma_start3A_533 : memref<1x12800xf32, #tpu.memory_space<vmem>> -> memref<12800xf32, #tpu.memory_space<vmem>>
    %dma_start3A_535 = tpu.memref_slice %arg1[%mul3A_530] : memref<52428800xf32, #tpu.memory_space<any>> -> memref<12800xf32, #tpu.memory_space<any>>
    tpu.enqueue_dma source(%dma_start3A_535 : memref<12800xf32, #tpu.memory_space<any>>) target(%dma_start3A_534 : memref<12800xf32, #tpu.memory_space<vmem>>) target_semaphore(%arg4 : memref<!tpu.dma_semaphore, #tpu.memory_space<semaphore_mem>>)
    %mul3A_536 = arith.constant 128 : i32
    %mul3A_537 = arith.muli %arg0, %mul3A_536 : i32
    %add3A_538 = arith.constant 49 : i32
    %add3A_539 = arith.addi %mul3A_537, %add3A_538 : i32
    %mul3A_540 = arith.constant 12800 : i32
    %mul3A_541 = arith.muli %add3A_539, %mul3A_540 : i32
    %dma_start3A_542 = arith.constant 49 : i32
    %dma_start3A_543 = arith.constant 0 : i32
    %dma_start3A_544 = tpu.memref_slice %arg3[%dma_start3A_542, %dma_start3A_543] : memref<128x12800xf32, #tpu.memory_space<vmem>> -> memref<1x12800xf32, #tpu.memory_space<vmem>>
    %dma_start3A_545 = tpu.memref_squeeze %dma_start3A_544 : memref<1x12800xf32, #tpu.memory_space<vmem>> -> memref<12800xf32, #tpu.memory_space<vmem>>
    %dma_start3A_546 = tpu.memref_slice %arg1[%mul3A_541] : memref<52428800xf32, #tpu.memory_space<any>> -> memref<12800xf32, #tpu.memory_space<any>>
    tpu.enqueue_dma source(%dma_start3A_546 : memref<12800xf32, #tpu.memory_space<any>>) target(%dma_start3A_545 : memref<12800xf32, #tpu.memory_space<vmem>>) target_semaphore(%arg4 : memref<!tpu.dma_semaphore, #tpu.memory_space<semaphore_mem>>)
    %mul3A_547 = arith.constant 128 : i32
    %mul3A_548 = arith.muli %arg0, %mul3A_547 : i32
    %add3A_549 = arith.constant 50 : i32
    %add3A_550 = arith.addi %mul3A_548, %add3A_549 : i32
    %mul3A_551 = arith.constant 12800 : i32
    %mul3A_552 = arith.muli %add3A_550, %mul3A_551 : i32
    %dma_start3A_553 = arith.constant 50 : i32
    %dma_start3A_554 = arith.constant 0 : i32
    %dma_start3A_555 = tpu.memref_slice %arg3[%dma_start3A_553, %dma_start3A_554] : memref<128x12800xf32, #tpu.memory_space<vmem>> -> memref<1x12800xf32, #tpu.memory_space<vmem>>
    %dma_start3A_556 = tpu.memref_squeeze %dma_start3A_555 : memref<1x12800xf32, #tpu.memory_space<vmem>> -> memref<12800xf32, #tpu.memory_space<vmem>>
    %dma_start3A_557 = tpu.memref_slice %arg1[%mul3A_552] : memref<52428800xf32, #tpu.memory_space<any>> -> memref<12800xf32, #tpu.memory_space<any>>
    tpu.enqueue_dma source(%dma_start3A_557 : memref<12800xf32, #tpu.memory_space<any>>) target(%dma_start3A_556 : memref<12800xf32, #tpu.memory_space<vmem>>) target_semaphore(%arg4 : memref<!tpu.dma_semaphore, #tpu.memory_space<semaphore_mem>>)
    %mul3A_558 = arith.constant 128 : i32
    %mul3A_559 = arith.muli %arg0, %mul3A_558 : i32
    %add3A_560 = arith.constant 51 : i32
    %add3A_561 = arith.addi %mul3A_559, %add3A_560 : i32
    %mul3A_562 = arith.constant 12800 : i32
    %mul3A_563 = arith.muli %add3A_561, %mul3A_562 : i32
    %dma_start3A_564 = arith.constant 51 : i32
    %dma_start3A_565 = arith.constant 0 : i32
    %dma_start3A_566 = tpu.memref_slice %arg3[%dma_start3A_564, %dma_start3A_565] : memref<128x12800xf32, #tpu.memory_space<vmem>> -> memref<1x12800xf32, #tpu.memory_space<vmem>>
    %dma_start3A_567 = tpu.memref_squeeze %dma_start3A_566 : memref<1x12800xf32, #tpu.memory_space<vmem>> -> memref<12800xf32, #tpu.memory_space<vmem>>
    %dma_start3A_568 = tpu.memref_slice %arg1[%mul3A_563] : memref<52428800xf32, #tpu.memory_space<any>> -> memref<12800xf32, #tpu.memory_space<any>>
    tpu.enqueue_dma source(%dma_start3A_568 : memref<12800xf32, #tpu.memory_space<any>>) target(%dma_start3A_567 : memref<12800xf32, #tpu.memory_space<vmem>>) target_semaphore(%arg4 : memref<!tpu.dma_semaphore, #tpu.memory_space<semaphore_mem>>)
    %mul3A_569 = arith.constant 128 : i32
    %mul3A_570 = arith.muli %arg0, %mul3A_569 : i32
    %add3A_571 = arith.constant 52 : i32
    %add3A_572 = arith.addi %mul3A_570, %add3A_571 : i32
    %mul3A_573 = arith.constant 12800 : i32
    %mul3A_574 = arith.muli %add3A_572, %mul3A_573 : i32
    %dma_start3A_575 = arith.constant 52 : i32
    %dma_start3A_576 = arith.constant 0 : i32
    %dma_start3A_577 = tpu.memref_slice %arg3[%dma_start3A_575, %dma_start3A_576] : memref<128x12800xf32, #tpu.memory_space<vmem>> -> memref<1x12800xf32, #tpu.memory_space<vmem>>
    %dma_start3A_578 = tpu.memref_squeeze %dma_start3A_577 : memref<1x12800xf32, #tpu.memory_space<vmem>> -> memref<12800xf32, #tpu.memory_space<vmem>>
    %dma_start3A_579 = tpu.memref_slice %arg1[%mul3A_574] : memref<52428800xf32, #tpu.memory_space<any>> -> memref<12800xf32, #tpu.memory_space<any>>
    tpu.enqueue_dma source(%dma_start3A_579 : memref<12800xf32, #tpu.memory_space<any>>) target(%dma_start3A_578 : memref<12800xf32, #tpu.memory_space<vmem>>) target_semaphore(%arg4 : memref<!tpu.dma_semaphore, #tpu.memory_space<semaphore_mem>>)
    %mul3A_580 = arith.constant 128 : i32
    %mul3A_581 = arith.muli %arg0, %mul3A_580 : i32
    %add3A_582 = arith.constant 53 : i32
    %add3A_583 = arith.addi %mul3A_581, %add3A_582 : i32
    %mul3A_584 = arith.constant 12800 : i32
    %mul3A_585 = arith.muli %add3A_583, %mul3A_584 : i32
    %dma_start3A_586 = arith.constant 53 : i32
    %dma_start3A_587 = arith.constant 0 : i32
    %dma_start3A_588 = tpu.memref_slice %arg3[%dma_start3A_586, %dma_start3A_587] : memref<128x12800xf32, #tpu.memory_space<vmem>> -> memref<1x12800xf32, #tpu.memory_space<vmem>>
    %dma_start3A_589 = tpu.memref_squeeze %dma_start3A_588 : memref<1x12800xf32, #tpu.memory_space<vmem>> -> memref<12800xf32, #tpu.memory_space<vmem>>
    %dma_start3A_590 = tpu.memref_slice %arg1[%mul3A_585] : memref<52428800xf32, #tpu.memory_space<any>> -> memref<12800xf32, #tpu.memory_space<any>>
    tpu.enqueue_dma source(%dma_start3A_590 : memref<12800xf32, #tpu.memory_space<any>>) target(%dma_start3A_589 : memref<12800xf32, #tpu.memory_space<vmem>>) target_semaphore(%arg4 : memref<!tpu.dma_semaphore, #tpu.memory_space<semaphore_mem>>)
    %mul3A_591 = arith.constant 128 : i32
    %mul3A_592 = arith.muli %arg0, %mul3A_591 : i32
    %add3A_593 = arith.constant 54 : i32
    %add3A_594 = arith.addi %mul3A_592, %add3A_593 : i32
    %mul3A_595 = arith.constant 12800 : i32
    %mul3A_596 = arith.muli %add3A_594, %mul3A_595 : i32
    %dma_start3A_597 = arith.constant 54 : i32
    %dma_start3A_598 = arith.constant 0 : i32
    %dma_start3A_599 = tpu.memref_slice %arg3[%dma_start3A_597, %dma_start3A_598] : memref<128x12800xf32, #tpu.memory_space<vmem>> -> memref<1x12800xf32, #tpu.memory_space<vmem>>
    %dma_start3A_600 = tpu.memref_squeeze %dma_start3A_599 : memref<1x12800xf32, #tpu.memory_space<vmem>> -> memref<12800xf32, #tpu.memory_space<vmem>>
    %dma_start3A_601 = tpu.memref_slice %arg1[%mul3A_596] : memref<52428800xf32, #tpu.memory_space<any>> -> memref<12800xf32, #tpu.memory_space<any>>
    tpu.enqueue_dma source(%dma_start3A_601 : memref<12800xf32, #tpu.memory_space<any>>) target(%dma_start3A_600 : memref<12800xf32, #tpu.memory_space<vmem>>) target_semaphore(%arg4 : memref<!tpu.dma_semaphore, #tpu.memory_space<semaphore_mem>>)
    %mul3A_602 = arith.constant 128 : i32
    %mul3A_603 = arith.muli %arg0, %mul3A_602 : i32
    %add3A_604 = arith.constant 55 : i32
    %add3A_605 = arith.addi %mul3A_603, %add3A_604 : i32
    %mul3A_606 = arith.constant 12800 : i32
    %mul3A_607 = arith.muli %add3A_605, %mul3A_606 : i32
    %dma_start3A_608 = arith.constant 55 : i32
    %dma_start3A_609 = arith.constant 0 : i32
    %dma_start3A_610 = tpu.memref_slice %arg3[%dma_start3A_608, %dma_start3A_609] : memref<128x12800xf32, #tpu.memory_space<vmem>> -> memref<1x12800xf32, #tpu.memory_space<vmem>>
    %dma_start3A_611 = tpu.memref_squeeze %dma_start3A_610 : memref<1x12800xf32, #tpu.memory_space<vmem>> -> memref<12800xf32, #tpu.memory_space<vmem>>
    %dma_start3A_612 = tpu.memref_slice %arg1[%mul3A_607] : memref<52428800xf32, #tpu.memory_space<any>> -> memref<12800xf32, #tpu.memory_space<any>>
    tpu.enqueue_dma source(%dma_start3A_612 : memref<12800xf32, #tpu.memory_space<any>>) target(%dma_start3A_611 : memref<12800xf32, #tpu.memory_space<vmem>>) target_semaphore(%arg4 : memref<!tpu.dma_semaphore, #tpu.memory_space<semaphore_mem>>)
    %mul3A_613 = arith.constant 128 : i32
    %mul3A_614 = arith.muli %arg0, %mul3A_613 : i32
    %add3A_615 = arith.constant 56 : i32
    %add3A_616 = arith.addi %mul3A_614, %add3A_615 : i32
    %mul3A_617 = arith.constant 12800 : i32
    %mul3A_618 = arith.muli %add3A_616, %mul3A_617 : i32
    %dma_start3A_619 = arith.constant 56 : i32
    %dma_start3A_620 = arith.constant 0 : i32
    %dma_start3A_621 = tpu.memref_slice %arg3[%dma_start3A_619, %dma_start3A_620] : memref<128x12800xf32, #tpu.memory_space<vmem>> -> memref<1x12800xf32, #tpu.memory_space<vmem>>
    %dma_start3A_622 = tpu.memref_squeeze %dma_start3A_621 : memref<1x12800xf32, #tpu.memory_space<vmem>> -> memref<12800xf32, #tpu.memory_space<vmem>>
    %dma_start3A_623 = tpu.memref_slice %arg1[%mul3A_618] : memref<52428800xf32, #tpu.memory_space<any>> -> memref<12800xf32, #tpu.memory_space<any>>
    tpu.enqueue_dma source(%dma_start3A_623 : memref<12800xf32, #tpu.memory_space<any>>) target(%dma_start3A_622 : memref<12800xf32, #tpu.memory_space<vmem>>) target_semaphore(%arg4 : memref<!tpu.dma_semaphore, #tpu.memory_space<semaphore_mem>>)
    %mul3A_624 = arith.constant 128 : i32
    %mul3A_625 = arith.muli %arg0, %mul3A_624 : i32
    %add3A_626 = arith.constant 57 : i32
    %add3A_627 = arith.addi %mul3A_625, %add3A_626 : i32
    %mul3A_628 = arith.constant 12800 : i32
    %mul3A_629 = arith.muli %add3A_627, %mul3A_628 : i32
    %dma_start3A_630 = arith.constant 57 : i32
    %dma_start3A_631 = arith.constant 0 : i32
    %dma_start3A_632 = tpu.memref_slice %arg3[%dma_start3A_630, %dma_start3A_631] : memref<128x12800xf32, #tpu.memory_space<vmem>> -> memref<1x12800xf32, #tpu.memory_space<vmem>>
    %dma_start3A_633 = tpu.memref_squeeze %dma_start3A_632 : memref<1x12800xf32, #tpu.memory_space<vmem>> -> memref<12800xf32, #tpu.memory_space<vmem>>
    %dma_start3A_634 = tpu.memref_slice %arg1[%mul3A_629] : memref<52428800xf32, #tpu.memory_space<any>> -> memref<12800xf32, #tpu.memory_space<any>>
    tpu.enqueue_dma source(%dma_start3A_634 : memref<12800xf32, #tpu.memory_space<any>>) target(%dma_start3A_633 : memref<12800xf32, #tpu.memory_space<vmem>>) target_semaphore(%arg4 : memref<!tpu.dma_semaphore, #tpu.memory_space<semaphore_mem>>)
    %mul3A_635 = arith.constant 128 : i32
    %mul3A_636 = arith.muli %arg0, %mul3A_635 : i32
    %add3A_637 = arith.constant 58 : i32
    %add3A_638 = arith.addi %mul3A_636, %add3A_637 : i32
    %mul3A_639 = arith.constant 12800 : i32
    %mul3A_640 = arith.muli %add3A_638, %mul3A_639 : i32
    %dma_start3A_641 = arith.constant 58 : i32
    %dma_start3A_642 = arith.constant 0 : i32
    %dma_start3A_643 = tpu.memref_slice %arg3[%dma_start3A_641, %dma_start3A_642] : memref<128x12800xf32, #tpu.memory_space<vmem>> -> memref<1x12800xf32, #tpu.memory_space<vmem>>
    %dma_start3A_644 = tpu.memref_squeeze %dma_start3A_643 : memref<1x12800xf32, #tpu.memory_space<vmem>> -> memref<12800xf32, #tpu.memory_space<vmem>>
    %dma_start3A_645 = tpu.memref_slice %arg1[%mul3A_640] : memref<52428800xf32, #tpu.memory_space<any>> -> memref<12800xf32, #tpu.memory_space<any>>
    tpu.enqueue_dma source(%dma_start3A_645 : memref<12800xf32, #tpu.memory_space<any>>) target(%dma_start3A_644 : memref<12800xf32, #tpu.memory_space<vmem>>) target_semaphore(%arg4 : memref<!tpu.dma_semaphore, #tpu.memory_space<semaphore_mem>>)
    %mul3A_646 = arith.constant 128 : i32
    %mul3A_647 = arith.muli %arg0, %mul3A_646 : i32
    %add3A_648 = arith.constant 59 : i32
    %add3A_649 = arith.addi %mul3A_647, %add3A_648 : i32
    %mul3A_650 = arith.constant 12800 : i32
    %mul3A_651 = arith.muli %add3A_649, %mul3A_650 : i32
    %dma_start3A_652 = arith.constant 59 : i32
    %dma_start3A_653 = arith.constant 0 : i32
    %dma_start3A_654 = tpu.memref_slice %arg3[%dma_start3A_652, %dma_start3A_653] : memref<128x12800xf32, #tpu.memory_space<vmem>> -> memref<1x12800xf32, #tpu.memory_space<vmem>>
    %dma_start3A_655 = tpu.memref_squeeze %dma_start3A_654 : memref<1x12800xf32, #tpu.memory_space<vmem>> -> memref<12800xf32, #tpu.memory_space<vmem>>
    %dma_start3A_656 = tpu.memref_slice %arg1[%mul3A_651] : memref<52428800xf32, #tpu.memory_space<any>> -> memref<12800xf32, #tpu.memory_space<any>>
    tpu.enqueue_dma source(%dma_start3A_656 : memref<12800xf32, #tpu.memory_space<any>>) target(%dma_start3A_655 : memref<12800xf32, #tpu.memory_space<vmem>>) target_semaphore(%arg4 : memref<!tpu.dma_semaphore, #tpu.memory_space<semaphore_mem>>)
    %mul3A_657 = arith.constant 128 : i32
    %mul3A_658 = arith.muli %arg0, %mul3A_657 : i32
    %add3A_659 = arith.constant 60 : i32
    %add3A_660 = arith.addi %mul3A_658, %add3A_659 : i32
    %mul3A_661 = arith.constant 12800 : i32
    %mul3A_662 = arith.muli %add3A_660, %mul3A_661 : i32
    %dma_start3A_663 = arith.constant 60 : i32
    %dma_start3A_664 = arith.constant 0 : i32
    %dma_start3A_665 = tpu.memref_slice %arg3[%dma_start3A_663, %dma_start3A_664] : memref<128x12800xf32, #tpu.memory_space<vmem>> -> memref<1x12800xf32, #tpu.memory_space<vmem>>
    %dma_start3A_666 = tpu.memref_squeeze %dma_start3A_665 : memref<1x12800xf32, #tpu.memory_space<vmem>> -> memref<12800xf32, #tpu.memory_space<vmem>>
    %dma_start3A_667 = tpu.memref_slice %arg1[%mul3A_662] : memref<52428800xf32, #tpu.memory_space<any>> -> memref<12800xf32, #tpu.memory_space<any>>
    tpu.enqueue_dma source(%dma_start3A_667 : memref<12800xf32, #tpu.memory_space<any>>) target(%dma_start3A_666 : memref<12800xf32, #tpu.memory_space<vmem>>) target_semaphore(%arg4 : memref<!tpu.dma_semaphore, #tpu.memory_space<semaphore_mem>>)
    %mul3A_668 = arith.constant 128 : i32
    %mul3A_669 = arith.muli %arg0, %mul3A_668 : i32
    %add3A_670 = arith.constant 61 : i32
    %add3A_671 = arith.addi %mul3A_669, %add3A_670 : i32
    %mul3A_672 = arith.constant 12800 : i32
    %mul3A_673 = arith.muli %add3A_671, %mul3A_672 : i32
    %dma_start3A_674 = arith.constant 61 : i32
    %dma_start3A_675 = arith.constant 0 : i32
    %dma_start3A_676 = tpu.memref_slice %arg3[%dma_start3A_674, %dma_start3A_675] : memref<128x12800xf32, #tpu.memory_space<vmem>> -> memref<1x12800xf32, #tpu.memory_space<vmem>>
    %dma_start3A_677 = tpu.memref_squeeze %dma_start3A_676 : memref<1x12800xf32, #tpu.memory_space<vmem>> -> memref<12800xf32, #tpu.memory_space<vmem>>
    %dma_start3A_678 = tpu.memref_slice %arg1[%mul3A_673] : memref<52428800xf32, #tpu.memory_space<any>> -> memref<12800xf32, #tpu.memory_space<any>>
    tpu.enqueue_dma source(%dma_start3A_678 : memref<12800xf32, #tpu.memory_space<any>>) target(%dma_start3A_677 : memref<12800xf32, #tpu.memory_space<vmem>>) target_semaphore(%arg4 : memref<!tpu.dma_semaphore, #tpu.memory_space<semaphore_mem>>)
    %mul3A_679 = arith.constant 128 : i32
    %mul3A_680 = arith.muli %arg0, %mul3A_679 : i32
    %add3A_681 = arith.constant 62 : i32
    %add3A_682 = arith.addi %mul3A_680, %add3A_681 : i32
    %mul3A_683 = arith.constant 12800 : i32
    %mul3A_684 = arith.muli %add3A_682, %mul3A_683 : i32
    %dma_start3A_685 = arith.constant 62 : i32
    %dma_start3A_686 = arith.constant 0 : i32
    %dma_start3A_687 = tpu.memref_slice %arg3[%dma_start3A_685, %dma_start3A_686] : memref<128x12800xf32, #tpu.memory_space<vmem>> -> memref<1x12800xf32, #tpu.memory_space<vmem>>
    %dma_start3A_688 = tpu.memref_squeeze %dma_start3A_687 : memref<1x12800xf32, #tpu.memory_space<vmem>> -> memref<12800xf32, #tpu.memory_space<vmem>>
    %dma_start3A_689 = tpu.memref_slice %arg1[%mul3A_684] : memref<52428800xf32, #tpu.memory_space<any>> -> memref<12800xf32, #tpu.memory_space<any>>
    tpu.enqueue_dma source(%dma_start3A_689 : memref<12800xf32, #tpu.memory_space<any>>) target(%dma_start3A_688 : memref<12800xf32, #tpu.memory_space<vmem>>) target_semaphore(%arg4 : memref<!tpu.dma_semaphore, #tpu.memory_space<semaphore_mem>>)
    %mul3A_690 = arith.constant 128 : i32
    %mul3A_691 = arith.muli %arg0, %mul3A_690 : i32
    %add3A_692 = arith.constant 63 : i32
    %add3A_693 = arith.addi %mul3A_691, %add3A_692 : i32
    %mul3A_694 = arith.constant 12800 : i32
    %mul3A_695 = arith.muli %add3A_693, %mul3A_694 : i32
    %dma_start3A_696 = arith.constant 63 : i32
    %dma_start3A_697 = arith.constant 0 : i32
    %dma_start3A_698 = tpu.memref_slice %arg3[%dma_start3A_696, %dma_start3A_697] : memref<128x12800xf32, #tpu.memory_space<vmem>> -> memref<1x12800xf32, #tpu.memory_space<vmem>>
    %dma_start3A_699 = tpu.memref_squeeze %dma_start3A_698 : memref<1x12800xf32, #tpu.memory_space<vmem>> -> memref<12800xf32, #tpu.memory_space<vmem>>
    %dma_start3A_700 = tpu.memref_slice %arg1[%mul3A_695] : memref<52428800xf32, #tpu.memory_space<any>> -> memref<12800xf32, #tpu.memory_space<any>>
    tpu.enqueue_dma source(%dma_start3A_700 : memref<12800xf32, #tpu.memory_space<any>>) target(%dma_start3A_699 : memref<12800xf32, #tpu.memory_space<vmem>>) target_semaphore(%arg4 : memref<!tpu.dma_semaphore, #tpu.memory_space<semaphore_mem>>)
    %mul3A_701 = arith.constant 128 : i32
    %mul3A_702 = arith.muli %arg0, %mul3A_701 : i32
    %add3A_703 = arith.constant 64 : i32
    %add3A_704 = arith.addi %mul3A_702, %add3A_703 : i32
    %mul3A_705 = arith.constant 12800 : i32
    %mul3A_706 = arith.muli %add3A_704, %mul3A_705 : i32
    %dma_start3A_707 = arith.constant 64 : i32
    %dma_start3A_708 = arith.constant 0 : i32
    %dma_start3A_709 = tpu.memref_slice %arg3[%dma_start3A_707, %dma_start3A_708] : memref<128x12800xf32, #tpu.memory_space<vmem>> -> memref<1x12800xf32, #tpu.memory_space<vmem>>
    %dma_start3A_710 = tpu.memref_squeeze %dma_start3A_709 : memref<1x12800xf32, #tpu.memory_space<vmem>> -> memref<12800xf32, #tpu.memory_space<vmem>>
    %dma_start3A_711 = tpu.memref_slice %arg1[%mul3A_706] : memref<52428800xf32, #tpu.memory_space<any>> -> memref<12800xf32, #tpu.memory_space<any>>
    tpu.enqueue_dma source(%dma_start3A_711 : memref<12800xf32, #tpu.memory_space<any>>) target(%dma_start3A_710 : memref<12800xf32, #tpu.memory_space<vmem>>) target_semaphore(%arg4 : memref<!tpu.dma_semaphore, #tpu.memory_space<semaphore_mem>>)
    %mul3A_712 = arith.constant 128 : i32
    %mul3A_713 = arith.muli %arg0, %mul3A_712 : i32
    %add3A_714 = arith.constant 65 : i32
    %add3A_715 = arith.addi %mul3A_713, %add3A_714 : i32
    %mul3A_716 = arith.constant 12800 : i32
    %mul3A_717 = arith.muli %add3A_715, %mul3A_716 : i32
    %dma_start3A_718 = arith.constant 65 : i32
    %dma_start3A_719 = arith.constant 0 : i32
    %dma_start3A_720 = tpu.memref_slice %arg3[%dma_start3A_718, %dma_start3A_719] : memref<128x12800xf32, #tpu.memory_space<vmem>> -> memref<1x12800xf32, #tpu.memory_space<vmem>>
    %dma_start3A_721 = tpu.memref_squeeze %dma_start3A_720 : memref<1x12800xf32, #tpu.memory_space<vmem>> -> memref<12800xf32, #tpu.memory_space<vmem>>
    %dma_start3A_722 = tpu.memref_slice %arg1[%mul3A_717] : memref<52428800xf32, #tpu.memory_space<any>> -> memref<12800xf32, #tpu.memory_space<any>>
    tpu.enqueue_dma source(%dma_start3A_722 : memref<12800xf32, #tpu.memory_space<any>>) target(%dma_start3A_721 : memref<12800xf32, #tpu.memory_space<vmem>>) target_semaphore(%arg4 : memref<!tpu.dma_semaphore, #tpu.memory_space<semaphore_mem>>)
    %mul3A_723 = arith.constant 128 : i32
    %mul3A_724 = arith.muli %arg0, %mul3A_723 : i32
    %add3A_725 = arith.constant 66 : i32
    %add3A_726 = arith.addi %mul3A_724, %add3A_725 : i32
    %mul3A_727 = arith.constant 12800 : i32
    %mul3A_728 = arith.muli %add3A_726, %mul3A_727 : i32
    %dma_start3A_729 = arith.constant 66 : i32
    %dma_start3A_730 = arith.constant 0 : i32
    %dma_start3A_731 = tpu.memref_slice %arg3[%dma_start3A_729, %dma_start3A_730] : memref<128x12800xf32, #tpu.memory_space<vmem>> -> memref<1x12800xf32, #tpu.memory_space<vmem>>
    %dma_start3A_732 = tpu.memref_squeeze %dma_start3A_731 : memref<1x12800xf32, #tpu.memory_space<vmem>> -> memref<12800xf32, #tpu.memory_space<vmem>>
    %dma_start3A_733 = tpu.memref_slice %arg1[%mul3A_728] : memref<52428800xf32, #tpu.memory_space<any>> -> memref<12800xf32, #tpu.memory_space<any>>
    tpu.enqueue_dma source(%dma_start3A_733 : memref<12800xf32, #tpu.memory_space<any>>) target(%dma_start3A_732 : memref<12800xf32, #tpu.memory_space<vmem>>) target_semaphore(%arg4 : memref<!tpu.dma_semaphore, #tpu.memory_space<semaphore_mem>>)
    %mul3A_734 = arith.constant 128 : i32
    %mul3A_735 = arith.muli %arg0, %mul3A_734 : i32
    %add3A_736 = arith.constant 67 : i32
    %add3A_737 = arith.addi %mul3A_735, %add3A_736 : i32
    %mul3A_738 = arith.constant 12800 : i32
    %mul3A_739 = arith.muli %add3A_737, %mul3A_738 : i32
    %dma_start3A_740 = arith.constant 67 : i32
    %dma_start3A_741 = arith.constant 0 : i32
    %dma_start3A_742 = tpu.memref_slice %arg3[%dma_start3A_740, %dma_start3A_741] : memref<128x12800xf32, #tpu.memory_space<vmem>> -> memref<1x12800xf32, #tpu.memory_space<vmem>>
    %dma_start3A_743 = tpu.memref_squeeze %dma_start3A_742 : memref<1x12800xf32, #tpu.memory_space<vmem>> -> memref<12800xf32, #tpu.memory_space<vmem>>
    %dma_start3A_744 = tpu.memref_slice %arg1[%mul3A_739] : memref<52428800xf32, #tpu.memory_space<any>> -> memref<12800xf32, #tpu.memory_space<any>>
    tpu.enqueue_dma source(%dma_start3A_744 : memref<12800xf32, #tpu.memory_space<any>>) target(%dma_start3A_743 : memref<12800xf32, #tpu.memory_space<vmem>>) target_semaphore(%arg4 : memref<!tpu.dma_semaphore, #tpu.memory_space<semaphore_mem>>)
    %mul3A_745 = arith.constant 128 : i32
    %mul3A_746 = arith.muli %arg0, %mul3A_745 : i32
    %add3A_747 = arith.constant 68 : i32
    %add3A_748 = arith.addi %mul3A_746, %add3A_747 : i32
    %mul3A_749 = arith.constant 12800 : i32
    %mul3A_750 = arith.muli %add3A_748, %mul3A_749 : i32
    %dma_start3A_751 = arith.constant 68 : i32
    %dma_start3A_752 = arith.constant 0 : i32
    %dma_start3A_753 = tpu.memref_slice %arg3[%dma_start3A_751, %dma_start3A_752] : memref<128x12800xf32, #tpu.memory_space<vmem>> -> memref<1x12800xf32, #tpu.memory_space<vmem>>
    %dma_start3A_754 = tpu.memref_squeeze %dma_start3A_753 : memref<1x12800xf32, #tpu.memory_space<vmem>> -> memref<12800xf32, #tpu.memory_space<vmem>>
    %dma_start3A_755 = tpu.memref_slice %arg1[%mul3A_750] : memref<52428800xf32, #tpu.memory_space<any>> -> memref<12800xf32, #tpu.memory_space<any>>
    tpu.enqueue_dma source(%dma_start3A_755 : memref<12800xf32, #tpu.memory_space<any>>) target(%dma_start3A_754 : memref<12800xf32, #tpu.memory_space<vmem>>) target_semaphore(%arg4 : memref<!tpu.dma_semaphore, #tpu.memory_space<semaphore_mem>>)
    %mul3A_756 = arith.constant 128 : i32
    %mul3A_757 = arith.muli %arg0, %mul3A_756 : i32
    %add3A_758 = arith.constant 69 : i32
    %add3A_759 = arith.addi %mul3A_757, %add3A_758 : i32
    %mul3A_760 = arith.constant 12800 : i32
    %mul3A_761 = arith.muli %add3A_759, %mul3A_760 : i32
    %dma_start3A_762 = arith.constant 69 : i32
    %dma_start3A_763 = arith.constant 0 : i32
    %dma_start3A_764 = tpu.memref_slice %arg3[%dma_start3A_762, %dma_start3A_763] : memref<128x12800xf32, #tpu.memory_space<vmem>> -> memref<1x12800xf32, #tpu.memory_space<vmem>>
    %dma_start3A_765 = tpu.memref_squeeze %dma_start3A_764 : memref<1x12800xf32, #tpu.memory_space<vmem>> -> memref<12800xf32, #tpu.memory_space<vmem>>
    %dma_start3A_766 = tpu.memref_slice %arg1[%mul3A_761] : memref<52428800xf32, #tpu.memory_space<any>> -> memref<12800xf32, #tpu.memory_space<any>>
    tpu.enqueue_dma source(%dma_start3A_766 : memref<12800xf32, #tpu.memory_space<any>>) target(%dma_start3A_765 : memref<12800xf32, #tpu.memory_space<vmem>>) target_semaphore(%arg4 : memref<!tpu.dma_semaphore, #tpu.memory_space<semaphore_mem>>)
    %mul3A_767 = arith.constant 128 : i32
    %mul3A_768 = arith.muli %arg0, %mul3A_767 : i32
    %add3A_769 = arith.constant 70 : i32
    %add3A_770 = arith.addi %mul3A_768, %add3A_769 : i32
    %mul3A_771 = arith.constant 12800 : i32
    %mul3A_772 = arith.muli %add3A_770, %mul3A_771 : i32
    %dma_start3A_773 = arith.constant 70 : i32
    %dma_start3A_774 = arith.constant 0 : i32
    %dma_start3A_775 = tpu.memref_slice %arg3[%dma_start3A_773, %dma_start3A_774] : memref<128x12800xf32, #tpu.memory_space<vmem>> -> memref<1x12800xf32, #tpu.memory_space<vmem>>
    %dma_start3A_776 = tpu.memref_squeeze %dma_start3A_775 : memref<1x12800xf32, #tpu.memory_space<vmem>> -> memref<12800xf32, #tpu.memory_space<vmem>>
    %dma_start3A_777 = tpu.memref_slice %arg1[%mul3A_772] : memref<52428800xf32, #tpu.memory_space<any>> -> memref<12800xf32, #tpu.memory_space<any>>
    tpu.enqueue_dma source(%dma_start3A_777 : memref<12800xf32, #tpu.memory_space<any>>) target(%dma_start3A_776 : memref<12800xf32, #tpu.memory_space<vmem>>) target_semaphore(%arg4 : memref<!tpu.dma_semaphore, #tpu.memory_space<semaphore_mem>>)
    %mul3A_778 = arith.constant 128 : i32
    %mul3A_779 = arith.muli %arg0, %mul3A_778 : i32
    %add3A_780 = arith.constant 71 : i32
    %add3A_781 = arith.addi %mul3A_779, %add3A_780 : i32
    %mul3A_782 = arith.constant 12800 : i32
    %mul3A_783 = arith.muli %add3A_781, %mul3A_782 : i32
    %dma_start3A_784 = arith.constant 71 : i32
    %dma_start3A_785 = arith.constant 0 : i32
    %dma_start3A_786 = tpu.memref_slice %arg3[%dma_start3A_784, %dma_start3A_785] : memref<128x12800xf32, #tpu.memory_space<vmem>> -> memref<1x12800xf32, #tpu.memory_space<vmem>>
    %dma_start3A_787 = tpu.memref_squeeze %dma_start3A_786 : memref<1x12800xf32, #tpu.memory_space<vmem>> -> memref<12800xf32, #tpu.memory_space<vmem>>
    %dma_start3A_788 = tpu.memref_slice %arg1[%mul3A_783] : memref<52428800xf32, #tpu.memory_space<any>> -> memref<12800xf32, #tpu.memory_space<any>>
    tpu.enqueue_dma source(%dma_start3A_788 : memref<12800xf32, #tpu.memory_space<any>>) target(%dma_start3A_787 : memref<12800xf32, #tpu.memory_space<vmem>>) target_semaphore(%arg4 : memref<!tpu.dma_semaphore, #tpu.memory_space<semaphore_mem>>)
    %mul3A_789 = arith.constant 128 : i32
    %mul3A_790 = arith.muli %arg0, %mul3A_789 : i32
    %add3A_791 = arith.constant 72 : i32
    %add3A_792 = arith.addi %mul3A_790, %add3A_791 : i32
    %mul3A_793 = arith.constant 12800 : i32
    %mul3A_794 = arith.muli %add3A_792, %mul3A_793 : i32
    %dma_start3A_795 = arith.constant 72 : i32
    %dma_start3A_796 = arith.constant 0 : i32
    %dma_start3A_797 = tpu.memref_slice %arg3[%dma_start3A_795, %dma_start3A_796] : memref<128x12800xf32, #tpu.memory_space<vmem>> -> memref<1x12800xf32, #tpu.memory_space<vmem>>
    %dma_start3A_798 = tpu.memref_squeeze %dma_start3A_797 : memref<1x12800xf32, #tpu.memory_space<vmem>> -> memref<12800xf32, #tpu.memory_space<vmem>>
    %dma_start3A_799 = tpu.memref_slice %arg1[%mul3A_794] : memref<52428800xf32, #tpu.memory_space<any>> -> memref<12800xf32, #tpu.memory_space<any>>
    tpu.enqueue_dma source(%dma_start3A_799 : memref<12800xf32, #tpu.memory_space<any>>) target(%dma_start3A_798 : memref<12800xf32, #tpu.memory_space<vmem>>) target_semaphore(%arg4 : memref<!tpu.dma_semaphore, #tpu.memory_space<semaphore_mem>>)
    %mul3A_800 = arith.constant 128 : i32
    %mul3A_801 = arith.muli %arg0, %mul3A_800 : i32
    %add3A_802 = arith.constant 73 : i32
    %add3A_803 = arith.addi %mul3A_801, %add3A_802 : i32
    %mul3A_804 = arith.constant 12800 : i32
    %mul3A_805 = arith.muli %add3A_803, %mul3A_804 : i32
    %dma_start3A_806 = arith.constant 73 : i32
    %dma_start3A_807 = arith.constant 0 : i32
    %dma_start3A_808 = tpu.memref_slice %arg3[%dma_start3A_806, %dma_start3A_807] : memref<128x12800xf32, #tpu.memory_space<vmem>> -> memref<1x12800xf32, #tpu.memory_space<vmem>>
    %dma_start3A_809 = tpu.memref_squeeze %dma_start3A_808 : memref<1x12800xf32, #tpu.memory_space<vmem>> -> memref<12800xf32, #tpu.memory_space<vmem>>
    %dma_start3A_810 = tpu.memref_slice %arg1[%mul3A_805] : memref<52428800xf32, #tpu.memory_space<any>> -> memref<12800xf32, #tpu.memory_space<any>>
    tpu.enqueue_dma source(%dma_start3A_810 : memref<12800xf32, #tpu.memory_space<any>>) target(%dma_start3A_809 : memref<12800xf32, #tpu.memory_space<vmem>>) target_semaphore(%arg4 : memref<!tpu.dma_semaphore, #tpu.memory_space<semaphore_mem>>)
    %mul3A_811 = arith.constant 128 : i32
    %mul3A_812 = arith.muli %arg0, %mul3A_811 : i32
    %add3A_813 = arith.constant 74 : i32
    %add3A_814 = arith.addi %mul3A_812, %add3A_813 : i32
    %mul3A_815 = arith.constant 12800 : i32
    %mul3A_816 = arith.muli %add3A_814, %mul3A_815 : i32
    %dma_start3A_817 = arith.constant 74 : i32
    %dma_start3A_818 = arith.constant 0 : i32
    %dma_start3A_819 = tpu.memref_slice %arg3[%dma_start3A_817, %dma_start3A_818] : memref<128x12800xf32, #tpu.memory_space<vmem>> -> memref<1x12800xf32, #tpu.memory_space<vmem>>
    %dma_start3A_820 = tpu.memref_squeeze %dma_start3A_819 : memref<1x12800xf32, #tpu.memory_space<vmem>> -> memref<12800xf32, #tpu.memory_space<vmem>>
    %dma_start3A_821 = tpu.memref_slice %arg1[%mul3A_816] : memref<52428800xf32, #tpu.memory_space<any>> -> memref<12800xf32, #tpu.memory_space<any>>
    tpu.enqueue_dma source(%dma_start3A_821 : memref<12800xf32, #tpu.memory_space<any>>) target(%dma_start3A_820 : memref<12800xf32, #tpu.memory_space<vmem>>) target_semaphore(%arg4 : memref<!tpu.dma_semaphore, #tpu.memory_space<semaphore_mem>>)
    %mul3A_822 = arith.constant 128 : i32
    %mul3A_823 = arith.muli %arg0, %mul3A_822 : i32
    %add3A_824 = arith.constant 75 : i32
    %add3A_825 = arith.addi %mul3A_823, %add3A_824 : i32
    %mul3A_826 = arith.constant 12800 : i32
    %mul3A_827 = arith.muli %add3A_825, %mul3A_826 : i32
    %dma_start3A_828 = arith.constant 75 : i32
    %dma_start3A_829 = arith.constant 0 : i32
    %dma_start3A_830 = tpu.memref_slice %arg3[%dma_start3A_828, %dma_start3A_829] : memref<128x12800xf32, #tpu.memory_space<vmem>> -> memref<1x12800xf32, #tpu.memory_space<vmem>>
    %dma_start3A_831 = tpu.memref_squeeze %dma_start3A_830 : memref<1x12800xf32, #tpu.memory_space<vmem>> -> memref<12800xf32, #tpu.memory_space<vmem>>
    %dma_start3A_832 = tpu.memref_slice %arg1[%mul3A_827] : memref<52428800xf32, #tpu.memory_space<any>> -> memref<12800xf32, #tpu.memory_space<any>>
    tpu.enqueue_dma source(%dma_start3A_832 : memref<12800xf32, #tpu.memory_space<any>>) target(%dma_start3A_831 : memref<12800xf32, #tpu.memory_space<vmem>>) target_semaphore(%arg4 : memref<!tpu.dma_semaphore, #tpu.memory_space<semaphore_mem>>)
    %mul3A_833 = arith.constant 128 : i32
    %mul3A_834 = arith.muli %arg0, %mul3A_833 : i32
    %add3A_835 = arith.constant 76 : i32
    %add3A_836 = arith.addi %mul3A_834, %add3A_835 : i32
    %mul3A_837 = arith.constant 12800 : i32
    %mul3A_838 = arith.muli %add3A_836, %mul3A_837 : i32
    %dma_start3A_839 = arith.constant 76 : i32
    %dma_start3A_840 = arith.constant 0 : i32
    %dma_start3A_841 = tpu.memref_slice %arg3[%dma_start3A_839, %dma_start3A_840] : memref<128x12800xf32, #tpu.memory_space<vmem>> -> memref<1x12800xf32, #tpu.memory_space<vmem>>
    %dma_start3A_842 = tpu.memref_squeeze %dma_start3A_841 : memref<1x12800xf32, #tpu.memory_space<vmem>> -> memref<12800xf32, #tpu.memory_space<vmem>>
    %dma_start3A_843 = tpu.memref_slice %arg1[%mul3A_838] : memref<52428800xf32, #tpu.memory_space<any>> -> memref<12800xf32, #tpu.memory_space<any>>
    tpu.enqueue_dma source(%dma_start3A_843 : memref<12800xf32, #tpu.memory_space<any>>) target(%dma_start3A_842 : memref<12800xf32, #tpu.memory_space<vmem>>) target_semaphore(%arg4 : memref<!tpu.dma_semaphore, #tpu.memory_space<semaphore_mem>>)
    %mul3A_844 = arith.constant 128 : i32
    %mul3A_845 = arith.muli %arg0, %mul3A_844 : i32
    %add3A_846 = arith.constant 77 : i32
    %add3A_847 = arith.addi %mul3A_845, %add3A_846 : i32
    %mul3A_848 = arith.constant 12800 : i32
    %mul3A_849 = arith.muli %add3A_847, %mul3A_848 : i32
    %dma_start3A_850 = arith.constant 77 : i32
    %dma_start3A_851 = arith.constant 0 : i32
    %dma_start3A_852 = tpu.memref_slice %arg3[%dma_start3A_850, %dma_start3A_851] : memref<128x12800xf32, #tpu.memory_space<vmem>> -> memref<1x12800xf32, #tpu.memory_space<vmem>>
    %dma_start3A_853 = tpu.memref_squeeze %dma_start3A_852 : memref<1x12800xf32, #tpu.memory_space<vmem>> -> memref<12800xf32, #tpu.memory_space<vmem>>
    %dma_start3A_854 = tpu.memref_slice %arg1[%mul3A_849] : memref<52428800xf32, #tpu.memory_space<any>> -> memref<12800xf32, #tpu.memory_space<any>>
    tpu.enqueue_dma source(%dma_start3A_854 : memref<12800xf32, #tpu.memory_space<any>>) target(%dma_start3A_853 : memref<12800xf32, #tpu.memory_space<vmem>>) target_semaphore(%arg4 : memref<!tpu.dma_semaphore, #tpu.memory_space<semaphore_mem>>)
    %mul3A_855 = arith.constant 128 : i32
    %mul3A_856 = arith.muli %arg0, %mul3A_855 : i32
    %add3A_857 = arith.constant 78 : i32
    %add3A_858 = arith.addi %mul3A_856, %add3A_857 : i32
    %mul3A_859 = arith.constant 12800 : i32
    %mul3A_860 = arith.muli %add3A_858, %mul3A_859 : i32
    %dma_start3A_861 = arith.constant 78 : i32
    %dma_start3A_862 = arith.constant 0 : i32
    %dma_start3A_863 = tpu.memref_slice %arg3[%dma_start3A_861, %dma_start3A_862] : memref<128x12800xf32, #tpu.memory_space<vmem>> -> memref<1x12800xf32, #tpu.memory_space<vmem>>
    %dma_start3A_864 = tpu.memref_squeeze %dma_start3A_863 : memref<1x12800xf32, #tpu.memory_space<vmem>> -> memref<12800xf32, #tpu.memory_space<vmem>>
    %dma_start3A_865 = tpu.memref_slice %arg1[%mul3A_860] : memref<52428800xf32, #tpu.memory_space<any>> -> memref<12800xf32, #tpu.memory_space<any>>
    tpu.enqueue_dma source(%dma_start3A_865 : memref<12800xf32, #tpu.memory_space<any>>) target(%dma_start3A_864 : memref<12800xf32, #tpu.memory_space<vmem>>) target_semaphore(%arg4 : memref<!tpu.dma_semaphore, #tpu.memory_space<semaphore_mem>>)
    %mul3A_866 = arith.constant 128 : i32
    %mul3A_867 = arith.muli %arg0, %mul3A_866 : i32
    %add3A_868 = arith.constant 79 : i32
    %add3A_869 = arith.addi %mul3A_867, %add3A_868 : i32
    %mul3A_870 = arith.constant 12800 : i32
    %mul3A_871 = arith.muli %add3A_869, %mul3A_870 : i32
    %dma_start3A_872 = arith.constant 79 : i32
    %dma_start3A_873 = arith.constant 0 : i32
    %dma_start3A_874 = tpu.memref_slice %arg3[%dma_start3A_872, %dma_start3A_873] : memref<128x12800xf32, #tpu.memory_space<vmem>> -> memref<1x12800xf32, #tpu.memory_space<vmem>>
    %dma_start3A_875 = tpu.memref_squeeze %dma_start3A_874 : memref<1x12800xf32, #tpu.memory_space<vmem>> -> memref<12800xf32, #tpu.memory_space<vmem>>
    %dma_start3A_876 = tpu.memref_slice %arg1[%mul3A_871] : memref<52428800xf32, #tpu.memory_space<any>> -> memref<12800xf32, #tpu.memory_space<any>>
    tpu.enqueue_dma source(%dma_start3A_876 : memref<12800xf32, #tpu.memory_space<any>>) target(%dma_start3A_875 : memref<12800xf32, #tpu.memory_space<vmem>>) target_semaphore(%arg4 : memref<!tpu.dma_semaphore, #tpu.memory_space<semaphore_mem>>)
    %mul3A_877 = arith.constant 128 : i32
    %mul3A_878 = arith.muli %arg0, %mul3A_877 : i32
    %add3A_879 = arith.constant 80 : i32
    %add3A_880 = arith.addi %mul3A_878, %add3A_879 : i32
    %mul3A_881 = arith.constant 12800 : i32
    %mul3A_882 = arith.muli %add3A_880, %mul3A_881 : i32
    %dma_start3A_883 = arith.constant 80 : i32
    %dma_start3A_884 = arith.constant 0 : i32
    %dma_start3A_885 = tpu.memref_slice %arg3[%dma_start3A_883, %dma_start3A_884] : memref<128x12800xf32, #tpu.memory_space<vmem>> -> memref<1x12800xf32, #tpu.memory_space<vmem>>
    %dma_start3A_886 = tpu.memref_squeeze %dma_start3A_885 : memref<1x12800xf32, #tpu.memory_space<vmem>> -> memref<12800xf32, #tpu.memory_space<vmem>>
    %dma_start3A_887 = tpu.memref_slice %arg1[%mul3A_882] : memref<52428800xf32, #tpu.memory_space<any>> -> memref<12800xf32, #tpu.memory_space<any>>
    tpu.enqueue_dma source(%dma_start3A_887 : memref<12800xf32, #tpu.memory_space<any>>) target(%dma_start3A_886 : memref<12800xf32, #tpu.memory_space<vmem>>) target_semaphore(%arg4 : memref<!tpu.dma_semaphore, #tpu.memory_space<semaphore_mem>>)
    %mul3A_888 = arith.constant 128 : i32
    %mul3A_889 = arith.muli %arg0, %mul3A_888 : i32
    %add3A_890 = arith.constant 81 : i32
    %add3A_891 = arith.addi %mul3A_889, %add3A_890 : i32
    %mul3A_892 = arith.constant 12800 : i32
    %mul3A_893 = arith.muli %add3A_891, %mul3A_892 : i32
    %dma_start3A_894 = arith.constant 81 : i32
    %dma_start3A_895 = arith.constant 0 : i32
    %dma_start3A_896 = tpu.memref_slice %arg3[%dma_start3A_894, %dma_start3A_895] : memref<128x12800xf32, #tpu.memory_space<vmem>> -> memref<1x12800xf32, #tpu.memory_space<vmem>>
    %dma_start3A_897 = tpu.memref_squeeze %dma_start3A_896 : memref<1x12800xf32, #tpu.memory_space<vmem>> -> memref<12800xf32, #tpu.memory_space<vmem>>
    %dma_start3A_898 = tpu.memref_slice %arg1[%mul3A_893] : memref<52428800xf32, #tpu.memory_space<any>> -> memref<12800xf32, #tpu.memory_space<any>>
    tpu.enqueue_dma source(%dma_start3A_898 : memref<12800xf32, #tpu.memory_space<any>>) target(%dma_start3A_897 : memref<12800xf32, #tpu.memory_space<vmem>>) target_semaphore(%arg4 : memref<!tpu.dma_semaphore, #tpu.memory_space<semaphore_mem>>)
    %mul3A_899 = arith.constant 128 : i32
    %mul3A_900 = arith.muli %arg0, %mul3A_899 : i32
    %add3A_901 = arith.constant 82 : i32
    %add3A_902 = arith.addi %mul3A_900, %add3A_901 : i32
    %mul3A_903 = arith.constant 12800 : i32
    %mul3A_904 = arith.muli %add3A_902, %mul3A_903 : i32
    %dma_start3A_905 = arith.constant 82 : i32
    %dma_start3A_906 = arith.constant 0 : i32
    %dma_start3A_907 = tpu.memref_slice %arg3[%dma_start3A_905, %dma_start3A_906] : memref<128x12800xf32, #tpu.memory_space<vmem>> -> memref<1x12800xf32, #tpu.memory_space<vmem>>
    %dma_start3A_908 = tpu.memref_squeeze %dma_start3A_907 : memref<1x12800xf32, #tpu.memory_space<vmem>> -> memref<12800xf32, #tpu.memory_space<vmem>>
    %dma_start3A_909 = tpu.memref_slice %arg1[%mul3A_904] : memref<52428800xf32, #tpu.memory_space<any>> -> memref<12800xf32, #tpu.memory_space<any>>
    tpu.enqueue_dma source(%dma_start3A_909 : memref<12800xf32, #tpu.memory_space<any>>) target(%dma_start3A_908 : memref<12800xf32, #tpu.memory_space<vmem>>) target_semaphore(%arg4 : memref<!tpu.dma_semaphore, #tpu.memory_space<semaphore_mem>>)
    %mul3A_910 = arith.constant 128 : i32
    %mul3A_911 = arith.muli %arg0, %mul3A_910 : i32
    %add3A_912 = arith.constant 83 : i32
    %add3A_913 = arith.addi %mul3A_911, %add3A_912 : i32
    %mul3A_914 = arith.constant 12800 : i32
    %mul3A_915 = arith.muli %add3A_913, %mul3A_914 : i32
    %dma_start3A_916 = arith.constant 83 : i32
    %dma_start3A_917 = arith.constant 0 : i32
    %dma_start3A_918 = tpu.memref_slice %arg3[%dma_start3A_916, %dma_start3A_917] : memref<128x12800xf32, #tpu.memory_space<vmem>> -> memref<1x12800xf32, #tpu.memory_space<vmem>>
    %dma_start3A_919 = tpu.memref_squeeze %dma_start3A_918 : memref<1x12800xf32, #tpu.memory_space<vmem>> -> memref<12800xf32, #tpu.memory_space<vmem>>
    %dma_start3A_920 = tpu.memref_slice %arg1[%mul3A_915] : memref<52428800xf32, #tpu.memory_space<any>> -> memref<12800xf32, #tpu.memory_space<any>>
    tpu.enqueue_dma source(%dma_start3A_920 : memref<12800xf32, #tpu.memory_space<any>>) target(%dma_start3A_919 : memref<12800xf32, #tpu.memory_space<vmem>>) target_semaphore(%arg4 : memref<!tpu.dma_semaphore, #tpu.memory_space<semaphore_mem>>)
    %mul3A_921 = arith.constant 128 : i32
    %mul3A_922 = arith.muli %arg0, %mul3A_921 : i32
    %add3A_923 = arith.constant 84 : i32
    %add3A_924 = arith.addi %mul3A_922, %add3A_923 : i32
    %mul3A_925 = arith.constant 12800 : i32
    %mul3A_926 = arith.muli %add3A_924, %mul3A_925 : i32
    %dma_start3A_927 = arith.constant 84 : i32
    %dma_start3A_928 = arith.constant 0 : i32
    %dma_start3A_929 = tpu.memref_slice %arg3[%dma_start3A_927, %dma_start3A_928] : memref<128x12800xf32, #tpu.memory_space<vmem>> -> memref<1x12800xf32, #tpu.memory_space<vmem>>
    %dma_start3A_930 = tpu.memref_squeeze %dma_start3A_929 : memref<1x12800xf32, #tpu.memory_space<vmem>> -> memref<12800xf32, #tpu.memory_space<vmem>>
    %dma_start3A_931 = tpu.memref_slice %arg1[%mul3A_926] : memref<52428800xf32, #tpu.memory_space<any>> -> memref<12800xf32, #tpu.memory_space<any>>
    tpu.enqueue_dma source(%dma_start3A_931 : memref<12800xf32, #tpu.memory_space<any>>) target(%dma_start3A_930 : memref<12800xf32, #tpu.memory_space<vmem>>) target_semaphore(%arg4 : memref<!tpu.dma_semaphore, #tpu.memory_space<semaphore_mem>>)
    %mul3A_932 = arith.constant 128 : i32
    %mul3A_933 = arith.muli %arg0, %mul3A_932 : i32
    %add3A_934 = arith.constant 85 : i32
    %add3A_935 = arith.addi %mul3A_933, %add3A_934 : i32
    %mul3A_936 = arith.constant 12800 : i32
    %mul3A_937 = arith.muli %add3A_935, %mul3A_936 : i32
    %dma_start3A_938 = arith.constant 85 : i32
    %dma_start3A_939 = arith.constant 0 : i32
    %dma_start3A_940 = tpu.memref_slice %arg3[%dma_start3A_938, %dma_start3A_939] : memref<128x12800xf32, #tpu.memory_space<vmem>> -> memref<1x12800xf32, #tpu.memory_space<vmem>>
    %dma_start3A_941 = tpu.memref_squeeze %dma_start3A_940 : memref<1x12800xf32, #tpu.memory_space<vmem>> -> memref<12800xf32, #tpu.memory_space<vmem>>
    %dma_start3A_942 = tpu.memref_slice %arg1[%mul3A_937] : memref<52428800xf32, #tpu.memory_space<any>> -> memref<12800xf32, #tpu.memory_space<any>>
    tpu.enqueue_dma source(%dma_start3A_942 : memref<12800xf32, #tpu.memory_space<any>>) target(%dma_start3A_941 : memref<12800xf32, #tpu.memory_space<vmem>>) target_semaphore(%arg4 : memref<!tpu.dma_semaphore, #tpu.memory_space<semaphore_mem>>)
    %mul3A_943 = arith.constant 128 : i32
    %mul3A_944 = arith.muli %arg0, %mul3A_943 : i32
    %add3A_945 = arith.constant 86 : i32
    %add3A_946 = arith.addi %mul3A_944, %add3A_945 : i32
    %mul3A_947 = arith.constant 12800 : i32
    %mul3A_948 = arith.muli %add3A_946, %mul3A_947 : i32
    %dma_start3A_949 = arith.constant 86 : i32
    %dma_start3A_950 = arith.constant 0 : i32
    %dma_start3A_951 = tpu.memref_slice %arg3[%dma_start3A_949, %dma_start3A_950] : memref<128x12800xf32, #tpu.memory_space<vmem>> -> memref<1x12800xf32, #tpu.memory_space<vmem>>
    %dma_start3A_952 = tpu.memref_squeeze %dma_start3A_951 : memref<1x12800xf32, #tpu.memory_space<vmem>> -> memref<12800xf32, #tpu.memory_space<vmem>>
    %dma_start3A_953 = tpu.memref_slice %arg1[%mul3A_948] : memref<52428800xf32, #tpu.memory_space<any>> -> memref<12800xf32, #tpu.memory_space<any>>
    tpu.enqueue_dma source(%dma_start3A_953 : memref<12800xf32, #tpu.memory_space<any>>) target(%dma_start3A_952 : memref<12800xf32, #tpu.memory_space<vmem>>) target_semaphore(%arg4 : memref<!tpu.dma_semaphore, #tpu.memory_space<semaphore_mem>>)
    %mul3A_954 = arith.constant 128 : i32
    %mul3A_955 = arith.muli %arg0, %mul3A_954 : i32
    %add3A_956 = arith.constant 87 : i32
    %add3A_957 = arith.addi %mul3A_955, %add3A_956 : i32
    %mul3A_958 = arith.constant 12800 : i32
    %mul3A_959 = arith.muli %add3A_957, %mul3A_958 : i32
    %dma_start3A_960 = arith.constant 87 : i32
    %dma_start3A_961 = arith.constant 0 : i32
    %dma_start3A_962 = tpu.memref_slice %arg3[%dma_start3A_960, %dma_start3A_961] : memref<128x12800xf32, #tpu.memory_space<vmem>> -> memref<1x12800xf32, #tpu.memory_space<vmem>>
    %dma_start3A_963 = tpu.memref_squeeze %dma_start3A_962 : memref<1x12800xf32, #tpu.memory_space<vmem>> -> memref<12800xf32, #tpu.memory_space<vmem>>
    %dma_start3A_964 = tpu.memref_slice %arg1[%mul3A_959] : memref<52428800xf32, #tpu.memory_space<any>> -> memref<12800xf32, #tpu.memory_space<any>>
    tpu.enqueue_dma source(%dma_start3A_964 : memref<12800xf32, #tpu.memory_space<any>>) target(%dma_start3A_963 : memref<12800xf32, #tpu.memory_space<vmem>>) target_semaphore(%arg4 : memref<!tpu.dma_semaphore, #tpu.memory_space<semaphore_mem>>)
    %mul3A_965 = arith.constant 128 : i32
    %mul3A_966 = arith.muli %arg0, %mul3A_965 : i32
    %add3A_967 = arith.constant 88 : i32
    %add3A_968 = arith.addi %mul3A_966, %add3A_967 : i32
    %mul3A_969 = arith.constant 12800 : i32
    %mul3A_970 = arith.muli %add3A_968, %mul3A_969 : i32
    %dma_start3A_971 = arith.constant 88 : i32
    %dma_start3A_972 = arith.constant 0 : i32
    %dma_start3A_973 = tpu.memref_slice %arg3[%dma_start3A_971, %dma_start3A_972] : memref<128x12800xf32, #tpu.memory_space<vmem>> -> memref<1x12800xf32, #tpu.memory_space<vmem>>
    %dma_start3A_974 = tpu.memref_squeeze %dma_start3A_973 : memref<1x12800xf32, #tpu.memory_space<vmem>> -> memref<12800xf32, #tpu.memory_space<vmem>>
    %dma_start3A_975 = tpu.memref_slice %arg1[%mul3A_970] : memref<52428800xf32, #tpu.memory_space<any>> -> memref<12800xf32, #tpu.memory_space<any>>
    tpu.enqueue_dma source(%dma_start3A_975 : memref<12800xf32, #tpu.memory_space<any>>) target(%dma_start3A_974 : memref<12800xf32, #tpu.memory_space<vmem>>) target_semaphore(%arg4 : memref<!tpu.dma_semaphore, #tpu.memory_space<semaphore_mem>>)
    %mul3A_976 = arith.constant 128 : i32
    %mul3A_977 = arith.muli %arg0, %mul3A_976 : i32
    %add3A_978 = arith.constant 89 : i32
    %add3A_979 = arith.addi %mul3A_977, %add3A_978 : i32
    %mul3A_980 = arith.constant 12800 : i32
    %mul3A_981 = arith.muli %add3A_979, %mul3A_980 : i32
    %dma_start3A_982 = arith.constant 89 : i32
    %dma_start3A_983 = arith.constant 0 : i32
    %dma_start3A_984 = tpu.memref_slice %arg3[%dma_start3A_982, %dma_start3A_983] : memref<128x12800xf32, #tpu.memory_space<vmem>> -> memref<1x12800xf32, #tpu.memory_space<vmem>>
    %dma_start3A_985 = tpu.memref_squeeze %dma_start3A_984 : memref<1x12800xf32, #tpu.memory_space<vmem>> -> memref<12800xf32, #tpu.memory_space<vmem>>
    %dma_start3A_986 = tpu.memref_slice %arg1[%mul3A_981] : memref<52428800xf32, #tpu.memory_space<any>> -> memref<12800xf32, #tpu.memory_space<any>>
    tpu.enqueue_dma source(%dma_start3A_986 : memref<12800xf32, #tpu.memory_space<any>>) target(%dma_start3A_985 : memref<12800xf32, #tpu.memory_space<vmem>>) target_semaphore(%arg4 : memref<!tpu.dma_semaphore, #tpu.memory_space<semaphore_mem>>)
    %mul3A_987 = arith.constant 128 : i32
    %mul3A_988 = arith.muli %arg0, %mul3A_987 : i32
    %add3A_989 = arith.constant 90 : i32
    %add3A_990 = arith.addi %mul3A_988, %add3A_989 : i32
    %mul3A_991 = arith.constant 12800 : i32
    %mul3A_992 = arith.muli %add3A_990, %mul3A_991 : i32
    %dma_start3A_993 = arith.constant 90 : i32
    %dma_start3A_994 = arith.constant 0 : i32
    %dma_start3A_995 = tpu.memref_slice %arg3[%dma_start3A_993, %dma_start3A_994] : memref<128x12800xf32, #tpu.memory_space<vmem>> -> memref<1x12800xf32, #tpu.memory_space<vmem>>
    %dma_start3A_996 = tpu.memref_squeeze %dma_start3A_995 : memref<1x12800xf32, #tpu.memory_space<vmem>> -> memref<12800xf32, #tpu.memory_space<vmem>>
    %dma_start3A_997 = tpu.memref_slice %arg1[%mul3A_992] : memref<52428800xf32, #tpu.memory_space<any>> -> memref<12800xf32, #tpu.memory_space<any>>
    tpu.enqueue_dma source(%dma_start3A_997 : memref<12800xf32, #tpu.memory_space<any>>) target(%dma_start3A_996 : memref<12800xf32, #tpu.memory_space<vmem>>) target_semaphore(%arg4 : memref<!tpu.dma_semaphore, #tpu.memory_space<semaphore_mem>>)
    %mul3A_998 = arith.constant 128 : i32
    %mul3A_999 = arith.muli %arg0, %mul3A_998 : i32
    %add3A_1000 = arith.constant 91 : i32
    %add3A_1001 = arith.addi %mul3A_999, %add3A_1000 : i32
    %mul3A_1002 = arith.constant 12800 : i32
    %mul3A_1003 = arith.muli %add3A_1001, %mul3A_1002 : i32
    %dma_start3A_1004 = arith.constant 91 : i32
    %dma_start3A_1005 = arith.constant 0 : i32
    %dma_start3A_1006 = tpu.memref_slice %arg3[%dma_start3A_1004, %dma_start3A_1005] : memref<128x12800xf32, #tpu.memory_space<vmem>> -> memref<1x12800xf32, #tpu.memory_space<vmem>>
    %dma_start3A_1007 = tpu.memref_squeeze %dma_start3A_1006 : memref<1x12800xf32, #tpu.memory_space<vmem>> -> memref<12800xf32, #tpu.memory_space<vmem>>
    %dma_start3A_1008 = tpu.memref_slice %arg1[%mul3A_1003] : memref<52428800xf32, #tpu.memory_space<any>> -> memref<12800xf32, #tpu.memory_space<any>>
    tpu.enqueue_dma source(%dma_start3A_1008 : memref<12800xf32, #tpu.memory_space<any>>) target(%dma_start3A_1007 : memref<12800xf32, #tpu.memory_space<vmem>>) target_semaphore(%arg4 : memref<!tpu.dma_semaphore, #tpu.memory_space<semaphore_mem>>)
    %mul3A_1009 = arith.constant 128 : i32
    %mul3A_1010 = arith.muli %arg0, %mul3A_1009 : i32
    %add3A_1011 = arith.constant 92 : i32
    %add3A_1012 = arith.addi %mul3A_1010, %add3A_1011 : i32
    %mul3A_1013 = arith.constant 12800 : i32
    %mul3A_1014 = arith.muli %add3A_1012, %mul3A_1013 : i32
    %dma_start3A_1015 = arith.constant 92 : i32
    %dma_start3A_1016 = arith.constant 0 : i32
    %dma_start3A_1017 = tpu.memref_slice %arg3[%dma_start3A_1015, %dma_start3A_1016] : memref<128x12800xf32, #tpu.memory_space<vmem>> -> memref<1x12800xf32, #tpu.memory_space<vmem>>
    %dma_start3A_1018 = tpu.memref_squeeze %dma_start3A_1017 : memref<1x12800xf32, #tpu.memory_space<vmem>> -> memref<12800xf32, #tpu.memory_space<vmem>>
    %dma_start3A_1019 = tpu.memref_slice %arg1[%mul3A_1014] : memref<52428800xf32, #tpu.memory_space<any>> -> memref<12800xf32, #tpu.memory_space<any>>
    tpu.enqueue_dma source(%dma_start3A_1019 : memref<12800xf32, #tpu.memory_space<any>>) target(%dma_start3A_1018 : memref<12800xf32, #tpu.memory_space<vmem>>) target_semaphore(%arg4 : memref<!tpu.dma_semaphore, #tpu.memory_space<semaphore_mem>>)
    %mul3A_1020 = arith.constant 128 : i32
    %mul3A_1021 = arith.muli %arg0, %mul3A_1020 : i32
    %add3A_1022 = arith.constant 93 : i32
    %add3A_1023 = arith.addi %mul3A_1021, %add3A_1022 : i32
    %mul3A_1024 = arith.constant 12800 : i32
    %mul3A_1025 = arith.muli %add3A_1023, %mul3A_1024 : i32
    %dma_start3A_1026 = arith.constant 93 : i32
    %dma_start3A_1027 = arith.constant 0 : i32
    %dma_start3A_1028 = tpu.memref_slice %arg3[%dma_start3A_1026, %dma_start3A_1027] : memref<128x12800xf32, #tpu.memory_space<vmem>> -> memref<1x12800xf32, #tpu.memory_space<vmem>>
    %dma_start3A_1029 = tpu.memref_squeeze %dma_start3A_1028 : memref<1x12800xf32, #tpu.memory_space<vmem>> -> memref<12800xf32, #tpu.memory_space<vmem>>
    %dma_start3A_1030 = tpu.memref_slice %arg1[%mul3A_1025] : memref<52428800xf32, #tpu.memory_space<any>> -> memref<12800xf32, #tpu.memory_space<any>>
    tpu.enqueue_dma source(%dma_start3A_1030 : memref<12800xf32, #tpu.memory_space<any>>) target(%dma_start3A_1029 : memref<12800xf32, #tpu.memory_space<vmem>>) target_semaphore(%arg4 : memref<!tpu.dma_semaphore, #tpu.memory_space<semaphore_mem>>)
    %mul3A_1031 = arith.constant 128 : i32
    %mul3A_1032 = arith.muli %arg0, %mul3A_1031 : i32
    %add3A_1033 = arith.constant 94 : i32
    %add3A_1034 = arith.addi %mul3A_1032, %add3A_1033 : i32
    %mul3A_1035 = arith.constant 12800 : i32
    %mul3A_1036 = arith.muli %add3A_1034, %mul3A_1035 : i32
    %dma_start3A_1037 = arith.constant 94 : i32
    %dma_start3A_1038 = arith.constant 0 : i32
    %dma_start3A_1039 = tpu.memref_slice %arg3[%dma_start3A_1037, %dma_start3A_1038] : memref<128x12800xf32, #tpu.memory_space<vmem>> -> memref<1x12800xf32, #tpu.memory_space<vmem>>
    %dma_start3A_1040 = tpu.memref_squeeze %dma_start3A_1039 : memref<1x12800xf32, #tpu.memory_space<vmem>> -> memref<12800xf32, #tpu.memory_space<vmem>>
    %dma_start3A_1041 = tpu.memref_slice %arg1[%mul3A_1036] : memref<52428800xf32, #tpu.memory_space<any>> -> memref<12800xf32, #tpu.memory_space<any>>
    tpu.enqueue_dma source(%dma_start3A_1041 : memref<12800xf32, #tpu.memory_space<any>>) target(%dma_start3A_1040 : memref<12800xf32, #tpu.memory_space<vmem>>) target_semaphore(%arg4 : memref<!tpu.dma_semaphore, #tpu.memory_space<semaphore_mem>>)
    %mul3A_1042 = arith.constant 128 : i32
    %mul3A_1043 = arith.muli %arg0, %mul3A_1042 : i32
    %add3A_1044 = arith.constant 95 : i32
    %add3A_1045 = arith.addi %mul3A_1043, %add3A_1044 : i32
    %mul3A_1046 = arith.constant 12800 : i32
    %mul3A_1047 = arith.muli %add3A_1045, %mul3A_1046 : i32
    %dma_start3A_1048 = arith.constant 95 : i32
    %dma_start3A_1049 = arith.constant 0 : i32
    %dma_start3A_1050 = tpu.memref_slice %arg3[%dma_start3A_1048, %dma_start3A_1049] : memref<128x12800xf32, #tpu.memory_space<vmem>> -> memref<1x12800xf32, #tpu.memory_space<vmem>>
    %dma_start3A_1051 = tpu.memref_squeeze %dma_start3A_1050 : memref<1x12800xf32, #tpu.memory_space<vmem>> -> memref<12800xf32, #tpu.memory_space<vmem>>
    %dma_start3A_1052 = tpu.memref_slice %arg1[%mul3A_1047] : memref<52428800xf32, #tpu.memory_space<any>> -> memref<12800xf32, #tpu.memory_space<any>>
    tpu.enqueue_dma source(%dma_start3A_1052 : memref<12800xf32, #tpu.memory_space<any>>) target(%dma_start3A_1051 : memref<12800xf32, #tpu.memory_space<vmem>>) target_semaphore(%arg4 : memref<!tpu.dma_semaphore, #tpu.memory_space<semaphore_mem>>)
    %mul3A_1053 = arith.constant 128 : i32
    %mul3A_1054 = arith.muli %arg0, %mul3A_1053 : i32
    %add3A_1055 = arith.constant 96 : i32
    %add3A_1056 = arith.addi %mul3A_1054, %add3A_1055 : i32
    %mul3A_1057 = arith.constant 12800 : i32
    %mul3A_1058 = arith.muli %add3A_1056, %mul3A_1057 : i32
    %dma_start3A_1059 = arith.constant 96 : i32
    %dma_start3A_1060 = arith.constant 0 : i32
    %dma_start3A_1061 = tpu.memref_slice %arg3[%dma_start3A_1059, %dma_start3A_1060] : memref<128x12800xf32, #tpu.memory_space<vmem>> -> memref<1x12800xf32, #tpu.memory_space<vmem>>
    %dma_start3A_1062 = tpu.memref_squeeze %dma_start3A_1061 : memref<1x12800xf32, #tpu.memory_space<vmem>> -> memref<12800xf32, #tpu.memory_space<vmem>>
    %dma_start3A_1063 = tpu.memref_slice %arg1[%mul3A_1058] : memref<52428800xf32, #tpu.memory_space<any>> -> memref<12800xf32, #tpu.memory_space<any>>
    tpu.enqueue_dma source(%dma_start3A_1063 : memref<12800xf32, #tpu.memory_space<any>>) target(%dma_start3A_1062 : memref<12800xf32, #tpu.memory_space<vmem>>) target_semaphore(%arg4 : memref<!tpu.dma_semaphore, #tpu.memory_space<semaphore_mem>>)
    %mul3A_1064 = arith.constant 128 : i32
    %mul3A_1065 = arith.muli %arg0, %mul3A_1064 : i32
    %add3A_1066 = arith.constant 97 : i32
    %add3A_1067 = arith.addi %mul3A_1065, %add3A_1066 : i32
    %mul3A_1068 = arith.constant 12800 : i32
    %mul3A_1069 = arith.muli %add3A_1067, %mul3A_1068 : i32
    %dma_start3A_1070 = arith.constant 97 : i32
    %dma_start3A_1071 = arith.constant 0 : i32
    %dma_start3A_1072 = tpu.memref_slice %arg3[%dma_start3A_1070, %dma_start3A_1071] : memref<128x12800xf32, #tpu.memory_space<vmem>> -> memref<1x12800xf32, #tpu.memory_space<vmem>>
    %dma_start3A_1073 = tpu.memref_squeeze %dma_start3A_1072 : memref<1x12800xf32, #tpu.memory_space<vmem>> -> memref<12800xf32, #tpu.memory_space<vmem>>
    %dma_start3A_1074 = tpu.memref_slice %arg1[%mul3A_1069] : memref<52428800xf32, #tpu.memory_space<any>> -> memref<12800xf32, #tpu.memory_space<any>>
    tpu.enqueue_dma source(%dma_start3A_1074 : memref<12800xf32, #tpu.memory_space<any>>) target(%dma_start3A_1073 : memref<12800xf32, #tpu.memory_space<vmem>>) target_semaphore(%arg4 : memref<!tpu.dma_semaphore, #tpu.memory_space<semaphore_mem>>)
    %mul3A_1075 = arith.constant 128 : i32
    %mul3A_1076 = arith.muli %arg0, %mul3A_1075 : i32
    %add3A_1077 = arith.constant 98 : i32
    %add3A_1078 = arith.addi %mul3A_1076, %add3A_1077 : i32
    %mul3A_1079 = arith.constant 12800 : i32
    %mul3A_1080 = arith.muli %add3A_1078, %mul3A_1079 : i32
    %dma_start3A_1081 = arith.constant 98 : i32
    %dma_start3A_1082 = arith.constant 0 : i32
    %dma_start3A_1083 = tpu.memref_slice %arg3[%dma_start3A_1081, %dma_start3A_1082] : memref<128x12800xf32, #tpu.memory_space<vmem>> -> memref<1x12800xf32, #tpu.memory_space<vmem>>
    %dma_start3A_1084 = tpu.memref_squeeze %dma_start3A_1083 : memref<1x12800xf32, #tpu.memory_space<vmem>> -> memref<12800xf32, #tpu.memory_space<vmem>>
    %dma_start3A_1085 = tpu.memref_slice %arg1[%mul3A_1080] : memref<52428800xf32, #tpu.memory_space<any>> -> memref<12800xf32, #tpu.memory_space<any>>
    tpu.enqueue_dma source(%dma_start3A_1085 : memref<12800xf32, #tpu.memory_space<any>>) target(%dma_start3A_1084 : memref<12800xf32, #tpu.memory_space<vmem>>) target_semaphore(%arg4 : memref<!tpu.dma_semaphore, #tpu.memory_space<semaphore_mem>>)
    %mul3A_1086 = arith.constant 128 : i32
    %mul3A_1087 = arith.muli %arg0, %mul3A_1086 : i32
    %add3A_1088 = arith.constant 99 : i32
    %add3A_1089 = arith.addi %mul3A_1087, %add3A_1088 : i32
    %mul3A_1090 = arith.constant 12800 : i32
    %mul3A_1091 = arith.muli %add3A_1089, %mul3A_1090 : i32
    %dma_start3A_1092 = arith.constant 99 : i32
    %dma_start3A_1093 = arith.constant 0 : i32
    %dma_start3A_1094 = tpu.memref_slice %arg3[%dma_start3A_1092, %dma_start3A_1093] : memref<128x12800xf32, #tpu.memory_space<vmem>> -> memref<1x12800xf32, #tpu.memory_space<vmem>>
    %dma_start3A_1095 = tpu.memref_squeeze %dma_start3A_1094 : memref<1x12800xf32, #tpu.memory_space<vmem>> -> memref<12800xf32, #tpu.memory_space<vmem>>
    %dma_start3A_1096 = tpu.memref_slice %arg1[%mul3A_1091] : memref<52428800xf32, #tpu.memory_space<any>> -> memref<12800xf32, #tpu.memory_space<any>>
    tpu.enqueue_dma source(%dma_start3A_1096 : memref<12800xf32, #tpu.memory_space<any>>) target(%dma_start3A_1095 : memref<12800xf32, #tpu.memory_space<vmem>>) target_semaphore(%arg4 : memref<!tpu.dma_semaphore, #tpu.memory_space<semaphore_mem>>)
    %mul3A_1097 = arith.constant 128 : i32
    %mul3A_1098 = arith.muli %arg0, %mul3A_1097 : i32
    %add3A_1099 = arith.constant 100 : i32
    %add3A_1100 = arith.addi %mul3A_1098, %add3A_1099 : i32
    %mul3A_1101 = arith.constant 12800 : i32
    %mul3A_1102 = arith.muli %add3A_1100, %mul3A_1101 : i32
    %dma_start3A_1103 = arith.constant 100 : i32
    %dma_start3A_1104 = arith.constant 0 : i32
    %dma_start3A_1105 = tpu.memref_slice %arg3[%dma_start3A_1103, %dma_start3A_1104] : memref<128x12800xf32, #tpu.memory_space<vmem>> -> memref<1x12800xf32, #tpu.memory_space<vmem>>
    %dma_start3A_1106 = tpu.memref_squeeze %dma_start3A_1105 : memref<1x12800xf32, #tpu.memory_space<vmem>> -> memref<12800xf32, #tpu.memory_space<vmem>>
    %dma_start3A_1107 = tpu.memref_slice %arg1[%mul3A_1102] : memref<52428800xf32, #tpu.memory_space<any>> -> memref<12800xf32, #tpu.memory_space<any>>
    tpu.enqueue_dma source(%dma_start3A_1107 : memref<12800xf32, #tpu.memory_space<any>>) target(%dma_start3A_1106 : memref<12800xf32, #tpu.memory_space<vmem>>) target_semaphore(%arg4 : memref<!tpu.dma_semaphore, #tpu.memory_space<semaphore_mem>>)
    %mul3A_1108 = arith.constant 128 : i32
    %mul3A_1109 = arith.muli %arg0, %mul3A_1108 : i32
    %add3A_1110 = arith.constant 101 : i32
    %add3A_1111 = arith.addi %mul3A_1109, %add3A_1110 : i32
    %mul3A_1112 = arith.constant 12800 : i32
    %mul3A_1113 = arith.muli %add3A_1111, %mul3A_1112 : i32
    %dma_start3A_1114 = arith.constant 101 : i32
    %dma_start3A_1115 = arith.constant 0 : i32
    %dma_start3A_1116 = tpu.memref_slice %arg3[%dma_start3A_1114, %dma_start3A_1115] : memref<128x12800xf32, #tpu.memory_space<vmem>> -> memref<1x12800xf32, #tpu.memory_space<vmem>>
    %dma_start3A_1117 = tpu.memref_squeeze %dma_start3A_1116 : memref<1x12800xf32, #tpu.memory_space<vmem>> -> memref<12800xf32, #tpu.memory_space<vmem>>
    %dma_start3A_1118 = tpu.memref_slice %arg1[%mul3A_1113] : memref<52428800xf32, #tpu.memory_space<any>> -> memref<12800xf32, #tpu.memory_space<any>>
    tpu.enqueue_dma source(%dma_start3A_1118 : memref<12800xf32, #tpu.memory_space<any>>) target(%dma_start3A_1117 : memref<12800xf32, #tpu.memory_space<vmem>>) target_semaphore(%arg4 : memref<!tpu.dma_semaphore, #tpu.memory_space<semaphore_mem>>)
    %mul3A_1119 = arith.constant 128 : i32
    %mul3A_1120 = arith.muli %arg0, %mul3A_1119 : i32
    %add3A_1121 = arith.constant 102 : i32
    %add3A_1122 = arith.addi %mul3A_1120, %add3A_1121 : i32
    %mul3A_1123 = arith.constant 12800 : i32
    %mul3A_1124 = arith.muli %add3A_1122, %mul3A_1123 : i32
    %dma_start3A_1125 = arith.constant 102 : i32
    %dma_start3A_1126 = arith.constant 0 : i32
    %dma_start3A_1127 = tpu.memref_slice %arg3[%dma_start3A_1125, %dma_start3A_1126] : memref<128x12800xf32, #tpu.memory_space<vmem>> -> memref<1x12800xf32, #tpu.memory_space<vmem>>
    %dma_start3A_1128 = tpu.memref_squeeze %dma_start3A_1127 : memref<1x12800xf32, #tpu.memory_space<vmem>> -> memref<12800xf32, #tpu.memory_space<vmem>>
    %dma_start3A_1129 = tpu.memref_slice %arg1[%mul3A_1124] : memref<52428800xf32, #tpu.memory_space<any>> -> memref<12800xf32, #tpu.memory_space<any>>
    tpu.enqueue_dma source(%dma_start3A_1129 : memref<12800xf32, #tpu.memory_space<any>>) target(%dma_start3A_1128 : memref<12800xf32, #tpu.memory_space<vmem>>) target_semaphore(%arg4 : memref<!tpu.dma_semaphore, #tpu.memory_space<semaphore_mem>>)
    %mul3A_1130 = arith.constant 128 : i32
    %mul3A_1131 = arith.muli %arg0, %mul3A_1130 : i32
    %add3A_1132 = arith.constant 103 : i32
    %add3A_1133 = arith.addi %mul3A_1131, %add3A_1132 : i32
    %mul3A_1134 = arith.constant 12800 : i32
    %mul3A_1135 = arith.muli %add3A_1133, %mul3A_1134 : i32
    %dma_start3A_1136 = arith.constant 103 : i32
    %dma_start3A_1137 = arith.constant 0 : i32
    %dma_start3A_1138 = tpu.memref_slice %arg3[%dma_start3A_1136, %dma_start3A_1137] : memref<128x12800xf32, #tpu.memory_space<vmem>> -> memref<1x12800xf32, #tpu.memory_space<vmem>>
    %dma_start3A_1139 = tpu.memref_squeeze %dma_start3A_1138 : memref<1x12800xf32, #tpu.memory_space<vmem>> -> memref<12800xf32, #tpu.memory_space<vmem>>
    %dma_start3A_1140 = tpu.memref_slice %arg1[%mul3A_1135] : memref<52428800xf32, #tpu.memory_space<any>> -> memref<12800xf32, #tpu.memory_space<any>>
    tpu.enqueue_dma source(%dma_start3A_1140 : memref<12800xf32, #tpu.memory_space<any>>) target(%dma_start3A_1139 : memref<12800xf32, #tpu.memory_space<vmem>>) target_semaphore(%arg4 : memref<!tpu.dma_semaphore, #tpu.memory_space<semaphore_mem>>)
    %mul3A_1141 = arith.constant 128 : i32
    %mul3A_1142 = arith.muli %arg0, %mul3A_1141 : i32
    %add3A_1143 = arith.constant 104 : i32
    %add3A_1144 = arith.addi %mul3A_1142, %add3A_1143 : i32
    %mul3A_1145 = arith.constant 12800 : i32
    %mul3A_1146 = arith.muli %add3A_1144, %mul3A_1145 : i32
    %dma_start3A_1147 = arith.constant 104 : i32
    %dma_start3A_1148 = arith.constant 0 : i32
    %dma_start3A_1149 = tpu.memref_slice %arg3[%dma_start3A_1147, %dma_start3A_1148] : memref<128x12800xf32, #tpu.memory_space<vmem>> -> memref<1x12800xf32, #tpu.memory_space<vmem>>
    %dma_start3A_1150 = tpu.memref_squeeze %dma_start3A_1149 : memref<1x12800xf32, #tpu.memory_space<vmem>> -> memref<12800xf32, #tpu.memory_space<vmem>>
    %dma_start3A_1151 = tpu.memref_slice %arg1[%mul3A_1146] : memref<52428800xf32, #tpu.memory_space<any>> -> memref<12800xf32, #tpu.memory_space<any>>
    tpu.enqueue_dma source(%dma_start3A_1151 : memref<12800xf32, #tpu.memory_space<any>>) target(%dma_start3A_1150 : memref<12800xf32, #tpu.memory_space<vmem>>) target_semaphore(%arg4 : memref<!tpu.dma_semaphore, #tpu.memory_space<semaphore_mem>>)
    %mul3A_1152 = arith.constant 128 : i32
    %mul3A_1153 = arith.muli %arg0, %mul3A_1152 : i32
    %add3A_1154 = arith.constant 105 : i32
    %add3A_1155 = arith.addi %mul3A_1153, %add3A_1154 : i32
    %mul3A_1156 = arith.constant 12800 : i32
    %mul3A_1157 = arith.muli %add3A_1155, %mul3A_1156 : i32
    %dma_start3A_1158 = arith.constant 105 : i32
    %dma_start3A_1159 = arith.constant 0 : i32
    %dma_start3A_1160 = tpu.memref_slice %arg3[%dma_start3A_1158, %dma_start3A_1159] : memref<128x12800xf32, #tpu.memory_space<vmem>> -> memref<1x12800xf32, #tpu.memory_space<vmem>>
    %dma_start3A_1161 = tpu.memref_squeeze %dma_start3A_1160 : memref<1x12800xf32, #tpu.memory_space<vmem>> -> memref<12800xf32, #tpu.memory_space<vmem>>
    %dma_start3A_1162 = tpu.memref_slice %arg1[%mul3A_1157] : memref<52428800xf32, #tpu.memory_space<any>> -> memref<12800xf32, #tpu.memory_space<any>>
    tpu.enqueue_dma source(%dma_start3A_1162 : memref<12800xf32, #tpu.memory_space<any>>) target(%dma_start3A_1161 : memref<12800xf32, #tpu.memory_space<vmem>>) target_semaphore(%arg4 : memref<!tpu.dma_semaphore, #tpu.memory_space<semaphore_mem>>)
    %mul3A_1163 = arith.constant 128 : i32
    %mul3A_1164 = arith.muli %arg0, %mul3A_1163 : i32
    %add3A_1165 = arith.constant 106 : i32
    %add3A_1166 = arith.addi %mul3A_1164, %add3A_1165 : i32
    %mul3A_1167 = arith.constant 12800 : i32
    %mul3A_1168 = arith.muli %add3A_1166, %mul3A_1167 : i32
    %dma_start3A_1169 = arith.constant 106 : i32
    %dma_start3A_1170 = arith.constant 0 : i32
    %dma_start3A_1171 = tpu.memref_slice %arg3[%dma_start3A_1169, %dma_start3A_1170] : memref<128x12800xf32, #tpu.memory_space<vmem>> -> memref<1x12800xf32, #tpu.memory_space<vmem>>
    %dma_start3A_1172 = tpu.memref_squeeze %dma_start3A_1171 : memref<1x12800xf32, #tpu.memory_space<vmem>> -> memref<12800xf32, #tpu.memory_space<vmem>>
    %dma_start3A_1173 = tpu.memref_slice %arg1[%mul3A_1168] : memref<52428800xf32, #tpu.memory_space<any>> -> memref<12800xf32, #tpu.memory_space<any>>
    tpu.enqueue_dma source(%dma_start3A_1173 : memref<12800xf32, #tpu.memory_space<any>>) target(%dma_start3A_1172 : memref<12800xf32, #tpu.memory_space<vmem>>) target_semaphore(%arg4 : memref<!tpu.dma_semaphore, #tpu.memory_space<semaphore_mem>>)
    %mul3A_1174 = arith.constant 128 : i32
    %mul3A_1175 = arith.muli %arg0, %mul3A_1174 : i32
    %add3A_1176 = arith.constant 107 : i32
    %add3A_1177 = arith.addi %mul3A_1175, %add3A_1176 : i32
    %mul3A_1178 = arith.constant 12800 : i32
    %mul3A_1179 = arith.muli %add3A_1177, %mul3A_1178 : i32
    %dma_start3A_1180 = arith.constant 107 : i32
    %dma_start3A_1181 = arith.constant 0 : i32
    %dma_start3A_1182 = tpu.memref_slice %arg3[%dma_start3A_1180, %dma_start3A_1181] : memref<128x12800xf32, #tpu.memory_space<vmem>> -> memref<1x12800xf32, #tpu.memory_space<vmem>>
    %dma_start3A_1183 = tpu.memref_squeeze %dma_start3A_1182 : memref<1x12800xf32, #tpu.memory_space<vmem>> -> memref<12800xf32, #tpu.memory_space<vmem>>
    %dma_start3A_1184 = tpu.memref_slice %arg1[%mul3A_1179] : memref<52428800xf32, #tpu.memory_space<any>> -> memref<12800xf32, #tpu.memory_space<any>>
    tpu.enqueue_dma source(%dma_start3A_1184 : memref<12800xf32, #tpu.memory_space<any>>) target(%dma_start3A_1183 : memref<12800xf32, #tpu.memory_space<vmem>>) target_semaphore(%arg4 : memref<!tpu.dma_semaphore, #tpu.memory_space<semaphore_mem>>)
    %mul3A_1185 = arith.constant 128 : i32
    %mul3A_1186 = arith.muli %arg0, %mul3A_1185 : i32
    %add3A_1187 = arith.constant 108 : i32
    %add3A_1188 = arith.addi %mul3A_1186, %add3A_1187 : i32
    %mul3A_1189 = arith.constant 12800 : i32
    %mul3A_1190 = arith.muli %add3A_1188, %mul3A_1189 : i32
    %dma_start3A_1191 = arith.constant 108 : i32
    %dma_start3A_1192 = arith.constant 0 : i32
    %dma_start3A_1193 = tpu.memref_slice %arg3[%dma_start3A_1191, %dma_start3A_1192] : memref<128x12800xf32, #tpu.memory_space<vmem>> -> memref<1x12800xf32, #tpu.memory_space<vmem>>
    %dma_start3A_1194 = tpu.memref_squeeze %dma_start3A_1193 : memref<1x12800xf32, #tpu.memory_space<vmem>> -> memref<12800xf32, #tpu.memory_space<vmem>>
    %dma_start3A_1195 = tpu.memref_slice %arg1[%mul3A_1190] : memref<52428800xf32, #tpu.memory_space<any>> -> memref<12800xf32, #tpu.memory_space<any>>
    tpu.enqueue_dma source(%dma_start3A_1195 : memref<12800xf32, #tpu.memory_space<any>>) target(%dma_start3A_1194 : memref<12800xf32, #tpu.memory_space<vmem>>) target_semaphore(%arg4 : memref<!tpu.dma_semaphore, #tpu.memory_space<semaphore_mem>>)
    %mul3A_1196 = arith.constant 128 : i32
    %mul3A_1197 = arith.muli %arg0, %mul3A_1196 : i32
    %add3A_1198 = arith.constant 109 : i32
    %add3A_1199 = arith.addi %mul3A_1197, %add3A_1198 : i32
    %mul3A_1200 = arith.constant 12800 : i32
    %mul3A_1201 = arith.muli %add3A_1199, %mul3A_1200 : i32
    %dma_start3A_1202 = arith.constant 109 : i32
    %dma_start3A_1203 = arith.constant 0 : i32
    %dma_start3A_1204 = tpu.memref_slice %arg3[%dma_start3A_1202, %dma_start3A_1203] : memref<128x12800xf32, #tpu.memory_space<vmem>> -> memref<1x12800xf32, #tpu.memory_space<vmem>>
    %dma_start3A_1205 = tpu.memref_squeeze %dma_start3A_1204 : memref<1x12800xf32, #tpu.memory_space<vmem>> -> memref<12800xf32, #tpu.memory_space<vmem>>
    %dma_start3A_1206 = tpu.memref_slice %arg1[%mul3A_1201] : memref<52428800xf32, #tpu.memory_space<any>> -> memref<12800xf32, #tpu.memory_space<any>>
    tpu.enqueue_dma source(%dma_start3A_1206 : memref<12800xf32, #tpu.memory_space<any>>) target(%dma_start3A_1205 : memref<12800xf32, #tpu.memory_space<vmem>>) target_semaphore(%arg4 : memref<!tpu.dma_semaphore, #tpu.memory_space<semaphore_mem>>)
    %mul3A_1207 = arith.constant 128 : i32
    %mul3A_1208 = arith.muli %arg0, %mul3A_1207 : i32
    %add3A_1209 = arith.constant 110 : i32
    %add3A_1210 = arith.addi %mul3A_1208, %add3A_1209 : i32
    %mul3A_1211 = arith.constant 12800 : i32
    %mul3A_1212 = arith.muli %add3A_1210, %mul3A_1211 : i32
    %dma_start3A_1213 = arith.constant 110 : i32
    %dma_start3A_1214 = arith.constant 0 : i32
    %dma_start3A_1215 = tpu.memref_slice %arg3[%dma_start3A_1213, %dma_start3A_1214] : memref<128x12800xf32, #tpu.memory_space<vmem>> -> memref<1x12800xf32, #tpu.memory_space<vmem>>
    %dma_start3A_1216 = tpu.memref_squeeze %dma_start3A_1215 : memref<1x12800xf32, #tpu.memory_space<vmem>> -> memref<12800xf32, #tpu.memory_space<vmem>>
    %dma_start3A_1217 = tpu.memref_slice %arg1[%mul3A_1212] : memref<52428800xf32, #tpu.memory_space<any>> -> memref<12800xf32, #tpu.memory_space<any>>
    tpu.enqueue_dma source(%dma_start3A_1217 : memref<12800xf32, #tpu.memory_space<any>>) target(%dma_start3A_1216 : memref<12800xf32, #tpu.memory_space<vmem>>) target_semaphore(%arg4 : memref<!tpu.dma_semaphore, #tpu.memory_space<semaphore_mem>>)
    %mul3A_1218 = arith.constant 128 : i32
    %mul3A_1219 = arith.muli %arg0, %mul3A_1218 : i32
    %add3A_1220 = arith.constant 111 : i32
    %add3A_1221 = arith.addi %mul3A_1219, %add3A_1220 : i32
    %mul3A_1222 = arith.constant 12800 : i32
    %mul3A_1223 = arith.muli %add3A_1221, %mul3A_1222 : i32
    %dma_start3A_1224 = arith.constant 111 : i32
    %dma_start3A_1225 = arith.constant 0 : i32
    %dma_start3A_1226 = tpu.memref_slice %arg3[%dma_start3A_1224, %dma_start3A_1225] : memref<128x12800xf32, #tpu.memory_space<vmem>> -> memref<1x12800xf32, #tpu.memory_space<vmem>>
    %dma_start3A_1227 = tpu.memref_squeeze %dma_start3A_1226 : memref<1x12800xf32, #tpu.memory_space<vmem>> -> memref<12800xf32, #tpu.memory_space<vmem>>
    %dma_start3A_1228 = tpu.memref_slice %arg1[%mul3A_1223] : memref<52428800xf32, #tpu.memory_space<any>> -> memref<12800xf32, #tpu.memory_space<any>>
    tpu.enqueue_dma source(%dma_start3A_1228 : memref<12800xf32, #tpu.memory_space<any>>) target(%dma_start3A_1227 : memref<12800xf32, #tpu.memory_space<vmem>>) target_semaphore(%arg4 : memref<!tpu.dma_semaphore, #tpu.memory_space<semaphore_mem>>)
    %mul3A_1229 = arith.constant 128 : i32
    %mul3A_1230 = arith.muli %arg0, %mul3A_1229 : i32
    %add3A_1231 = arith.constant 112 : i32
    %add3A_1232 = arith.addi %mul3A_1230, %add3A_1231 : i32
    %mul3A_1233 = arith.constant 12800 : i32
    %mul3A_1234 = arith.muli %add3A_1232, %mul3A_1233 : i32
    %dma_start3A_1235 = arith.constant 112 : i32
    %dma_start3A_1236 = arith.constant 0 : i32
    %dma_start3A_1237 = tpu.memref_slice %arg3[%dma_start3A_1235, %dma_start3A_1236] : memref<128x12800xf32, #tpu.memory_space<vmem>> -> memref<1x12800xf32, #tpu.memory_space<vmem>>
    %dma_start3A_1238 = tpu.memref_squeeze %dma_start3A_1237 : memref<1x12800xf32, #tpu.memory_space<vmem>> -> memref<12800xf32, #tpu.memory_space<vmem>>
    %dma_start3A_1239 = tpu.memref_slice %arg1[%mul3A_1234] : memref<52428800xf32, #tpu.memory_space<any>> -> memref<12800xf32, #tpu.memory_space<any>>
    tpu.enqueue_dma source(%dma_start3A_1239 : memref<12800xf32, #tpu.memory_space<any>>) target(%dma_start3A_1238 : memref<12800xf32, #tpu.memory_space<vmem>>) target_semaphore(%arg4 : memref<!tpu.dma_semaphore, #tpu.memory_space<semaphore_mem>>)
    %mul3A_1240 = arith.constant 128 : i32
    %mul3A_1241 = arith.muli %arg0, %mul3A_1240 : i32
    %add3A_1242 = arith.constant 113 : i32
    %add3A_1243 = arith.addi %mul3A_1241, %add3A_1242 : i32
    %mul3A_1244 = arith.constant 12800 : i32
    %mul3A_1245 = arith.muli %add3A_1243, %mul3A_1244 : i32
    %dma_start3A_1246 = arith.constant 113 : i32
    %dma_start3A_1247 = arith.constant 0 : i32
    %dma_start3A_1248 = tpu.memref_slice %arg3[%dma_start3A_1246, %dma_start3A_1247] : memref<128x12800xf32, #tpu.memory_space<vmem>> -> memref<1x12800xf32, #tpu.memory_space<vmem>>
    %dma_start3A_1249 = tpu.memref_squeeze %dma_start3A_1248 : memref<1x12800xf32, #tpu.memory_space<vmem>> -> memref<12800xf32, #tpu.memory_space<vmem>>
    %dma_start3A_1250 = tpu.memref_slice %arg1[%mul3A_1245] : memref<52428800xf32, #tpu.memory_space<any>> -> memref<12800xf32, #tpu.memory_space<any>>
    tpu.enqueue_dma source(%dma_start3A_1250 : memref<12800xf32, #tpu.memory_space<any>>) target(%dma_start3A_1249 : memref<12800xf32, #tpu.memory_space<vmem>>) target_semaphore(%arg4 : memref<!tpu.dma_semaphore, #tpu.memory_space<semaphore_mem>>)
    %mul3A_1251 = arith.constant 128 : i32
    %mul3A_1252 = arith.muli %arg0, %mul3A_1251 : i32
    %add3A_1253 = arith.constant 114 : i32
    %add3A_1254 = arith.addi %mul3A_1252, %add3A_1253 : i32
    %mul3A_1255 = arith.constant 12800 : i32
    %mul3A_1256 = arith.muli %add3A_1254, %mul3A_1255 : i32
    %dma_start3A_1257 = arith.constant 114 : i32
    %dma_start3A_1258 = arith.constant 0 : i32
    %dma_start3A_1259 = tpu.memref_slice %arg3[%dma_start3A_1257, %dma_start3A_1258] : memref<128x12800xf32, #tpu.memory_space<vmem>> -> memref<1x12800xf32, #tpu.memory_space<vmem>>
    %dma_start3A_1260 = tpu.memref_squeeze %dma_start3A_1259 : memref<1x12800xf32, #tpu.memory_space<vmem>> -> memref<12800xf32, #tpu.memory_space<vmem>>
    %dma_start3A_1261 = tpu.memref_slice %arg1[%mul3A_1256] : memref<52428800xf32, #tpu.memory_space<any>> -> memref<12800xf32, #tpu.memory_space<any>>
    tpu.enqueue_dma source(%dma_start3A_1261 : memref<12800xf32, #tpu.memory_space<any>>) target(%dma_start3A_1260 : memref<12800xf32, #tpu.memory_space<vmem>>) target_semaphore(%arg4 : memref<!tpu.dma_semaphore, #tpu.memory_space<semaphore_mem>>)
    %mul3A_1262 = arith.constant 128 : i32
    %mul3A_1263 = arith.muli %arg0, %mul3A_1262 : i32
    %add3A_1264 = arith.constant 115 : i32
    %add3A_1265 = arith.addi %mul3A_1263, %add3A_1264 : i32
    %mul3A_1266 = arith.constant 12800 : i32
    %mul3A_1267 = arith.muli %add3A_1265, %mul3A_1266 : i32
    %dma_start3A_1268 = arith.constant 115 : i32
    %dma_start3A_1269 = arith.constant 0 : i32
    %dma_start3A_1270 = tpu.memref_slice %arg3[%dma_start3A_1268, %dma_start3A_1269] : memref<128x12800xf32, #tpu.memory_space<vmem>> -> memref<1x12800xf32, #tpu.memory_space<vmem>>
    %dma_start3A_1271 = tpu.memref_squeeze %dma_start3A_1270 : memref<1x12800xf32, #tpu.memory_space<vmem>> -> memref<12800xf32, #tpu.memory_space<vmem>>
    %dma_start3A_1272 = tpu.memref_slice %arg1[%mul3A_1267] : memref<52428800xf32, #tpu.memory_space<any>> -> memref<12800xf32, #tpu.memory_space<any>>
    tpu.enqueue_dma source(%dma_start3A_1272 : memref<12800xf32, #tpu.memory_space<any>>) target(%dma_start3A_1271 : memref<12800xf32, #tpu.memory_space<vmem>>) target_semaphore(%arg4 : memref<!tpu.dma_semaphore, #tpu.memory_space<semaphore_mem>>)
    %mul3A_1273 = arith.constant 128 : i32
    %mul3A_1274 = arith.muli %arg0, %mul3A_1273 : i32
    %add3A_1275 = arith.constant 116 : i32
    %add3A_1276 = arith.addi %mul3A_1274, %add3A_1275 : i32
    %mul3A_1277 = arith.constant 12800 : i32
    %mul3A_1278 = arith.muli %add3A_1276, %mul3A_1277 : i32
    %dma_start3A_1279 = arith.constant 116 : i32
    %dma_start3A_1280 = arith.constant 0 : i32
    %dma_start3A_1281 = tpu.memref_slice %arg3[%dma_start3A_1279, %dma_start3A_1280] : memref<128x12800xf32, #tpu.memory_space<vmem>> -> memref<1x12800xf32, #tpu.memory_space<vmem>>
    %dma_start3A_1282 = tpu.memref_squeeze %dma_start3A_1281 : memref<1x12800xf32, #tpu.memory_space<vmem>> -> memref<12800xf32, #tpu.memory_space<vmem>>
    %dma_start3A_1283 = tpu.memref_slice %arg1[%mul3A_1278] : memref<52428800xf32, #tpu.memory_space<any>> -> memref<12800xf32, #tpu.memory_space<any>>
    tpu.enqueue_dma source(%dma_start3A_1283 : memref<12800xf32, #tpu.memory_space<any>>) target(%dma_start3A_1282 : memref<12800xf32, #tpu.memory_space<vmem>>) target_semaphore(%arg4 : memref<!tpu.dma_semaphore, #tpu.memory_space<semaphore_mem>>)
    %mul3A_1284 = arith.constant 128 : i32
    %mul3A_1285 = arith.muli %arg0, %mul3A_1284 : i32
    %add3A_1286 = arith.constant 117 : i32
    %add3A_1287 = arith.addi %mul3A_1285, %add3A_1286 : i32
    %mul3A_1288 = arith.constant 12800 : i32
    %mul3A_1289 = arith.muli %add3A_1287, %mul3A_1288 : i32
    %dma_start3A_1290 = arith.constant 117 : i32
    %dma_start3A_1291 = arith.constant 0 : i32
    %dma_start3A_1292 = tpu.memref_slice %arg3[%dma_start3A_1290, %dma_start3A_1291] : memref<128x12800xf32, #tpu.memory_space<vmem>> -> memref<1x12800xf32, #tpu.memory_space<vmem>>
    %dma_start3A_1293 = tpu.memref_squeeze %dma_start3A_1292 : memref<1x12800xf32, #tpu.memory_space<vmem>> -> memref<12800xf32, #tpu.memory_space<vmem>>
    %dma_start3A_1294 = tpu.memref_slice %arg1[%mul3A_1289] : memref<52428800xf32, #tpu.memory_space<any>> -> memref<12800xf32, #tpu.memory_space<any>>
    tpu.enqueue_dma source(%dma_start3A_1294 : memref<12800xf32, #tpu.memory_space<any>>) target(%dma_start3A_1293 : memref<12800xf32, #tpu.memory_space<vmem>>) target_semaphore(%arg4 : memref<!tpu.dma_semaphore, #tpu.memory_space<semaphore_mem>>)
    %mul3A_1295 = arith.constant 128 : i32
    %mul3A_1296 = arith.muli %arg0, %mul3A_1295 : i32
    %add3A_1297 = arith.constant 118 : i32
    %add3A_1298 = arith.addi %mul3A_1296, %add3A_1297 : i32
    %mul3A_1299 = arith.constant 12800 : i32
    %mul3A_1300 = arith.muli %add3A_1298, %mul3A_1299 : i32
    %dma_start3A_1301 = arith.constant 118 : i32
    %dma_start3A_1302 = arith.constant 0 : i32
    %dma_start3A_1303 = tpu.memref_slice %arg3[%dma_start3A_1301, %dma_start3A_1302] : memref<128x12800xf32, #tpu.memory_space<vmem>> -> memref<1x12800xf32, #tpu.memory_space<vmem>>
    %dma_start3A_1304 = tpu.memref_squeeze %dma_start3A_1303 : memref<1x12800xf32, #tpu.memory_space<vmem>> -> memref<12800xf32, #tpu.memory_space<vmem>>
    %dma_start3A_1305 = tpu.memref_slice %arg1[%mul3A_1300] : memref<52428800xf32, #tpu.memory_space<any>> -> memref<12800xf32, #tpu.memory_space<any>>
    tpu.enqueue_dma source(%dma_start3A_1305 : memref<12800xf32, #tpu.memory_space<any>>) target(%dma_start3A_1304 : memref<12800xf32, #tpu.memory_space<vmem>>) target_semaphore(%arg4 : memref<!tpu.dma_semaphore, #tpu.memory_space<semaphore_mem>>)
    %mul3A_1306 = arith.constant 128 : i32
    %mul3A_1307 = arith.muli %arg0, %mul3A_1306 : i32
    %add3A_1308 = arith.constant 119 : i32
    %add3A_1309 = arith.addi %mul3A_1307, %add3A_1308 : i32
    %mul3A_1310 = arith.constant 12800 : i32
    %mul3A_1311 = arith.muli %add3A_1309, %mul3A_1310 : i32
    %dma_start3A_1312 = arith.constant 119 : i32
    %dma_start3A_1313 = arith.constant 0 : i32
    %dma_start3A_1314 = tpu.memref_slice %arg3[%dma_start3A_1312, %dma_start3A_1313] : memref<128x12800xf32, #tpu.memory_space<vmem>> -> memref<1x12800xf32, #tpu.memory_space<vmem>>
    %dma_start3A_1315 = tpu.memref_squeeze %dma_start3A_1314 : memref<1x12800xf32, #tpu.memory_space<vmem>> -> memref<12800xf32, #tpu.memory_space<vmem>>
    %dma_start3A_1316 = tpu.memref_slice %arg1[%mul3A_1311] : memref<52428800xf32, #tpu.memory_space<any>> -> memref<12800xf32, #tpu.memory_space<any>>
    tpu.enqueue_dma source(%dma_start3A_1316 : memref<12800xf32, #tpu.memory_space<any>>) target(%dma_start3A_1315 : memref<12800xf32, #tpu.memory_space<vmem>>) target_semaphore(%arg4 : memref<!tpu.dma_semaphore, #tpu.memory_space<semaphore_mem>>)
    %mul3A_1317 = arith.constant 128 : i32
    %mul3A_1318 = arith.muli %arg0, %mul3A_1317 : i32
    %add3A_1319 = arith.constant 120 : i32
    %add3A_1320 = arith.addi %mul3A_1318, %add3A_1319 : i32
    %mul3A_1321 = arith.constant 12800 : i32
    %mul3A_1322 = arith.muli %add3A_1320, %mul3A_1321 : i32
    %dma_start3A_1323 = arith.constant 120 : i32
    %dma_start3A_1324 = arith.constant 0 : i32
    %dma_start3A_1325 = tpu.memref_slice %arg3[%dma_start3A_1323, %dma_start3A_1324] : memref<128x12800xf32, #tpu.memory_space<vmem>> -> memref<1x12800xf32, #tpu.memory_space<vmem>>
    %dma_start3A_1326 = tpu.memref_squeeze %dma_start3A_1325 : memref<1x12800xf32, #tpu.memory_space<vmem>> -> memref<12800xf32, #tpu.memory_space<vmem>>
    %dma_start3A_1327 = tpu.memref_slice %arg1[%mul3A_1322] : memref<52428800xf32, #tpu.memory_space<any>> -> memref<12800xf32, #tpu.memory_space<any>>
    tpu.enqueue_dma source(%dma_start3A_1327 : memref<12800xf32, #tpu.memory_space<any>>) target(%dma_start3A_1326 : memref<12800xf32, #tpu.memory_space<vmem>>) target_semaphore(%arg4 : memref<!tpu.dma_semaphore, #tpu.memory_space<semaphore_mem>>)
    %mul3A_1328 = arith.constant 128 : i32
    %mul3A_1329 = arith.muli %arg0, %mul3A_1328 : i32
    %add3A_1330 = arith.constant 121 : i32
    %add3A_1331 = arith.addi %mul3A_1329, %add3A_1330 : i32
    %mul3A_1332 = arith.constant 12800 : i32
    %mul3A_1333 = arith.muli %add3A_1331, %mul3A_1332 : i32
    %dma_start3A_1334 = arith.constant 121 : i32
    %dma_start3A_1335 = arith.constant 0 : i32
    %dma_start3A_1336 = tpu.memref_slice %arg3[%dma_start3A_1334, %dma_start3A_1335] : memref<128x12800xf32, #tpu.memory_space<vmem>> -> memref<1x12800xf32, #tpu.memory_space<vmem>>
    %dma_start3A_1337 = tpu.memref_squeeze %dma_start3A_1336 : memref<1x12800xf32, #tpu.memory_space<vmem>> -> memref<12800xf32, #tpu.memory_space<vmem>>
    %dma_start3A_1338 = tpu.memref_slice %arg1[%mul3A_1333] : memref<52428800xf32, #tpu.memory_space<any>> -> memref<12800xf32, #tpu.memory_space<any>>
    tpu.enqueue_dma source(%dma_start3A_1338 : memref<12800xf32, #tpu.memory_space<any>>) target(%dma_start3A_1337 : memref<12800xf32, #tpu.memory_space<vmem>>) target_semaphore(%arg4 : memref<!tpu.dma_semaphore, #tpu.memory_space<semaphore_mem>>)
    %mul3A_1339 = arith.constant 128 : i32
    %mul3A_1340 = arith.muli %arg0, %mul3A_1339 : i32
    %add3A_1341 = arith.constant 122 : i32
    %add3A_1342 = arith.addi %mul3A_1340, %add3A_1341 : i32
    %mul3A_1343 = arith.constant 12800 : i32
    %mul3A_1344 = arith.muli %add3A_1342, %mul3A_1343 : i32
    %dma_start3A_1345 = arith.constant 122 : i32
    %dma_start3A_1346 = arith.constant 0 : i32
    %dma_start3A_1347 = tpu.memref_slice %arg3[%dma_start3A_1345, %dma_start3A_1346] : memref<128x12800xf32, #tpu.memory_space<vmem>> -> memref<1x12800xf32, #tpu.memory_space<vmem>>
    %dma_start3A_1348 = tpu.memref_squeeze %dma_start3A_1347 : memref<1x12800xf32, #tpu.memory_space<vmem>> -> memref<12800xf32, #tpu.memory_space<vmem>>
    %dma_start3A_1349 = tpu.memref_slice %arg1[%mul3A_1344] : memref<52428800xf32, #tpu.memory_space<any>> -> memref<12800xf32, #tpu.memory_space<any>>
    tpu.enqueue_dma source(%dma_start3A_1349 : memref<12800xf32, #tpu.memory_space<any>>) target(%dma_start3A_1348 : memref<12800xf32, #tpu.memory_space<vmem>>) target_semaphore(%arg4 : memref<!tpu.dma_semaphore, #tpu.memory_space<semaphore_mem>>)
    %mul3A_1350 = arith.constant 128 : i32
    %mul3A_1351 = arith.muli %arg0, %mul3A_1350 : i32
    %add3A_1352 = arith.constant 123 : i32
    %add3A_1353 = arith.addi %mul3A_1351, %add3A_1352 : i32
    %mul3A_1354 = arith.constant 12800 : i32
    %mul3A_1355 = arith.muli %add3A_1353, %mul3A_1354 : i32
    %dma_start3A_1356 = arith.constant 123 : i32
    %dma_start3A_1357 = arith.constant 0 : i32
    %dma_start3A_1358 = tpu.memref_slice %arg3[%dma_start3A_1356, %dma_start3A_1357] : memref<128x12800xf32, #tpu.memory_space<vmem>> -> memref<1x12800xf32, #tpu.memory_space<vmem>>
    %dma_start3A_1359 = tpu.memref_squeeze %dma_start3A_1358 : memref<1x12800xf32, #tpu.memory_space<vmem>> -> memref<12800xf32, #tpu.memory_space<vmem>>
    %dma_start3A_1360 = tpu.memref_slice %arg1[%mul3A_1355] : memref<52428800xf32, #tpu.memory_space<any>> -> memref<12800xf32, #tpu.memory_space<any>>
    tpu.enqueue_dma source(%dma_start3A_1360 : memref<12800xf32, #tpu.memory_space<any>>) target(%dma_start3A_1359 : memref<12800xf32, #tpu.memory_space<vmem>>) target_semaphore(%arg4 : memref<!tpu.dma_semaphore, #tpu.memory_space<semaphore_mem>>)
    %mul3A_1361 = arith.constant 128 : i32
    %mul3A_1362 = arith.muli %arg0, %mul3A_1361 : i32
    %add3A_1363 = arith.constant 124 : i32
    %add3A_1364 = arith.addi %mul3A_1362, %add3A_1363 : i32
    %mul3A_1365 = arith.constant 12800 : i32
    %mul3A_1366 = arith.muli %add3A_1364, %mul3A_1365 : i32
    %dma_start3A_1367 = arith.constant 124 : i32
    %dma_start3A_1368 = arith.constant 0 : i32
    %dma_start3A_1369 = tpu.memref_slice %arg3[%dma_start3A_1367, %dma_start3A_1368] : memref<128x12800xf32, #tpu.memory_space<vmem>> -> memref<1x12800xf32, #tpu.memory_space<vmem>>
    %dma_start3A_1370 = tpu.memref_squeeze %dma_start3A_1369 : memref<1x12800xf32, #tpu.memory_space<vmem>> -> memref<12800xf32, #tpu.memory_space<vmem>>
    %dma_start3A_1371 = tpu.memref_slice %arg1[%mul3A_1366] : memref<52428800xf32, #tpu.memory_space<any>> -> memref<12800xf32, #tpu.memory_space<any>>
    tpu.enqueue_dma source(%dma_start3A_1371 : memref<12800xf32, #tpu.memory_space<any>>) target(%dma_start3A_1370 : memref<12800xf32, #tpu.memory_space<vmem>>) target_semaphore(%arg4 : memref<!tpu.dma_semaphore, #tpu.memory_space<semaphore_mem>>)
    %mul3A_1372 = arith.constant 128 : i32
    %mul3A_1373 = arith.muli %arg0, %mul3A_1372 : i32
    %add3A_1374 = arith.constant 125 : i32
    %add3A_1375 = arith.addi %mul3A_1373, %add3A_1374 : i32
    %mul3A_1376 = arith.constant 12800 : i32
    %mul3A_1377 = arith.muli %add3A_1375, %mul3A_1376 : i32
    %dma_start3A_1378 = arith.constant 125 : i32
    %dma_start3A_1379 = arith.constant 0 : i32
    %dma_start3A_1380 = tpu.memref_slice %arg3[%dma_start3A_1378, %dma_start3A_1379] : memref<128x12800xf32, #tpu.memory_space<vmem>> -> memref<1x12800xf32, #tpu.memory_space<vmem>>
    %dma_start3A_1381 = tpu.memref_squeeze %dma_start3A_1380 : memref<1x12800xf32, #tpu.memory_space<vmem>> -> memref<12800xf32, #tpu.memory_space<vmem>>
    %dma_start3A_1382 = tpu.memref_slice %arg1[%mul3A_1377] : memref<52428800xf32, #tpu.memory_space<any>> -> memref<12800xf32, #tpu.memory_space<any>>
    tpu.enqueue_dma source(%dma_start3A_1382 : memref<12800xf32, #tpu.memory_space<any>>) target(%dma_start3A_1381 : memref<12800xf32, #tpu.memory_space<vmem>>) target_semaphore(%arg4 : memref<!tpu.dma_semaphore, #tpu.memory_space<semaphore_mem>>)
    %mul3A_1383 = arith.constant 128 : i32
    %mul3A_1384 = arith.muli %arg0, %mul3A_1383 : i32
    %add3A_1385 = arith.constant 126 : i32
    %add3A_1386 = arith.addi %mul3A_1384, %add3A_1385 : i32
    %mul3A_1387 = arith.constant 12800 : i32
    %mul3A_1388 = arith.muli %add3A_1386, %mul3A_1387 : i32
    %dma_start3A_1389 = arith.constant 126 : i32
    %dma_start3A_1390 = arith.constant 0 : i32
    %dma_start3A_1391 = tpu.memref_slice %arg3[%dma_start3A_1389, %dma_start3A_1390] : memref<128x12800xf32, #tpu.memory_space<vmem>> -> memref<1x12800xf32, #tpu.memory_space<vmem>>
    %dma_start3A_1392 = tpu.memref_squeeze %dma_start3A_1391 : memref<1x12800xf32, #tpu.memory_space<vmem>> -> memref<12800xf32, #tpu.memory_space<vmem>>
    %dma_start3A_1393 = tpu.memref_slice %arg1[%mul3A_1388] : memref<52428800xf32, #tpu.memory_space<any>> -> memref<12800xf32, #tpu.memory_space<any>>
    tpu.enqueue_dma source(%dma_start3A_1393 : memref<12800xf32, #tpu.memory_space<any>>) target(%dma_start3A_1392 : memref<12800xf32, #tpu.memory_space<vmem>>) target_semaphore(%arg4 : memref<!tpu.dma_semaphore, #tpu.memory_space<semaphore_mem>>)
    %mul3A_1394 = arith.constant 128 : i32
    %mul3A_1395 = arith.muli %arg0, %mul3A_1394 : i32
    %add3A_1396 = arith.constant 127 : i32
    %add3A_1397 = arith.addi %mul3A_1395, %add3A_1396 : i32
    %mul3A_1398 = arith.constant 12800 : i32
    %mul3A_1399 = arith.muli %add3A_1397, %mul3A_1398 : i32
    %dma_start3A_1400 = arith.constant 127 : i32
    %dma_start3A_1401 = arith.constant 0 : i32
    %dma_start3A_1402 = tpu.memref_slice %arg3[%dma_start3A_1400, %dma_start3A_1401] : memref<128x12800xf32, #tpu.memory_space<vmem>> -> memref<1x12800xf32, #tpu.memory_space<vmem>>
    %dma_start3A_1403 = tpu.memref_squeeze %dma_start3A_1402 : memref<1x12800xf32, #tpu.memory_space<vmem>> -> memref<12800xf32, #tpu.memory_space<vmem>>
    %dma_start3A_1404 = tpu.memref_slice %arg1[%mul3A_1399] : memref<52428800xf32, #tpu.memory_space<any>> -> memref<12800xf32, #tpu.memory_space<any>>
    tpu.enqueue_dma source(%dma_start3A_1404 : memref<12800xf32, #tpu.memory_space<any>>) target(%dma_start3A_1403 : memref<12800xf32, #tpu.memory_space<vmem>>) target_semaphore(%arg4 : memref<!tpu.dma_semaphore, #tpu.memory_space<semaphore_mem>>)
    %mul3A_1405 = arith.constant 128 : i32
    %mul3A_1406 = arith.muli %arg0, %mul3A_1405 : i32
    %add3A_1407 = arith.constant 0 : i32
    %add3A_1408 = arith.addi %mul3A_1406, %add3A_1407 : i32
    %mul3A_1409 = arith.constant 12800 : i32
    %mul3A_1410 = arith.muli %add3A_1408, %mul3A_1409 : i32
    %dma_wait3A = arith.constant 0 : i32
    %dma_wait3A_1411 = arith.constant 0 : i32
    %dma_wait3A_1412 = tpu.memref_slice %arg3[%dma_wait3A, %dma_wait3A_1411] : memref<128x12800xf32, #tpu.memory_space<vmem>> -> memref<1x12800xf32, #tpu.memory_space<vmem>>
    %dma_wait3A_1413 = tpu.memref_squeeze %dma_wait3A_1412 : memref<1x12800xf32, #tpu.memory_space<vmem>> -> memref<12800xf32, #tpu.memory_space<vmem>>
    %dma_wait3A_1414 = tpu.memref_slice %arg1[%mul3A_1410] : memref<52428800xf32, #tpu.memory_space<any>> -> memref<12800xf32, #tpu.memory_space<any>>
    tpu.wait_dma2 semaphore(%arg4 : memref<!tpu.dma_semaphore, #tpu.memory_space<semaphore_mem>>) src(%dma_wait3A_1414 : memref<12800xf32, #tpu.memory_space<any>>) dst(%dma_wait3A_1413 : memref<12800xf32, #tpu.memory_space<vmem>>)
    %mul3A_1415 = arith.constant 128 : i32
    %mul3A_1416 = arith.muli %arg0, %mul3A_1415 : i32
    %add3A_1417 = arith.constant 1 : i32
    %add3A_1418 = arith.addi %mul3A_1416, %add3A_1417 : i32
    %mul3A_1419 = arith.constant 12800 : i32
    %mul3A_1420 = arith.muli %add3A_1418, %mul3A_1419 : i32
    %dma_wait3A_1421 = arith.constant 1 : i32
    %dma_wait3A_1422 = arith.constant 0 : i32
    %dma_wait3A_1423 = tpu.memref_slice %arg3[%dma_wait3A_1421, %dma_wait3A_1422] : memref<128x12800xf32, #tpu.memory_space<vmem>> -> memref<1x12800xf32, #tpu.memory_space<vmem>>
    %dma_wait3A_1424 = tpu.memref_squeeze %dma_wait3A_1423 : memref<1x12800xf32, #tpu.memory_space<vmem>> -> memref<12800xf32, #tpu.memory_space<vmem>>
    %dma_wait3A_1425 = tpu.memref_slice %arg1[%mul3A_1420] : memref<52428800xf32, #tpu.memory_space<any>> -> memref<12800xf32, #tpu.memory_space<any>>
    tpu.wait_dma2 semaphore(%arg4 : memref<!tpu.dma_semaphore, #tpu.memory_space<semaphore_mem>>) src(%dma_wait3A_1425 : memref<12800xf32, #tpu.memory_space<any>>) dst(%dma_wait3A_1424 : memref<12800xf32, #tpu.memory_space<vmem>>)
    %mul3A_1426 = arith.constant 128 : i32
    %mul3A_1427 = arith.muli %arg0, %mul3A_1426 : i32
    %add3A_1428 = arith.constant 2 : i32
    %add3A_1429 = arith.addi %mul3A_1427, %add3A_1428 : i32
    %mul3A_1430 = arith.constant 12800 : i32
    %mul3A_1431 = arith.muli %add3A_1429, %mul3A_1430 : i32
    %dma_wait3A_1432 = arith.constant 2 : i32
    %dma_wait3A_1433 = arith.constant 0 : i32
    %dma_wait3A_1434 = tpu.memref_slice %arg3[%dma_wait3A_1432, %dma_wait3A_1433] : memref<128x12800xf32, #tpu.memory_space<vmem>> -> memref<1x12800xf32, #tpu.memory_space<vmem>>
    %dma_wait3A_1435 = tpu.memref_squeeze %dma_wait3A_1434 : memref<1x12800xf32, #tpu.memory_space<vmem>> -> memref<12800xf32, #tpu.memory_space<vmem>>
    %dma_wait3A_1436 = tpu.memref_slice %arg1[%mul3A_1431] : memref<52428800xf32, #tpu.memory_space<any>> -> memref<12800xf32, #tpu.memory_space<any>>
    tpu.wait_dma2 semaphore(%arg4 : memref<!tpu.dma_semaphore, #tpu.memory_space<semaphore_mem>>) src(%dma_wait3A_1436 : memref<12800xf32, #tpu.memory_space<any>>) dst(%dma_wait3A_1435 : memref<12800xf32, #tpu.memory_space<vmem>>)
    %mul3A_1437 = arith.constant 128 : i32
    %mul3A_1438 = arith.muli %arg0, %mul3A_1437 : i32
    %add3A_1439 = arith.constant 3 : i32
    %add3A_1440 = arith.addi %mul3A_1438, %add3A_1439 : i32
    %mul3A_1441 = arith.constant 12800 : i32
    %mul3A_1442 = arith.muli %add3A_1440, %mul3A_1441 : i32
    %dma_wait3A_1443 = arith.constant 3 : i32
    %dma_wait3A_1444 = arith.constant 0 : i32
    %dma_wait3A_1445 = tpu.memref_slice %arg3[%dma_wait3A_1443, %dma_wait3A_1444] : memref<128x12800xf32, #tpu.memory_space<vmem>> -> memref<1x12800xf32, #tpu.memory_space<vmem>>
    %dma_wait3A_1446 = tpu.memref_squeeze %dma_wait3A_1445 : memref<1x12800xf32, #tpu.memory_space<vmem>> -> memref<12800xf32, #tpu.memory_space<vmem>>
    %dma_wait3A_1447 = tpu.memref_slice %arg1[%mul3A_1442] : memref<52428800xf32, #tpu.memory_space<any>> -> memref<12800xf32, #tpu.memory_space<any>>
    tpu.wait_dma2 semaphore(%arg4 : memref<!tpu.dma_semaphore, #tpu.memory_space<semaphore_mem>>) src(%dma_wait3A_1447 : memref<12800xf32, #tpu.memory_space<any>>) dst(%dma_wait3A_1446 : memref<12800xf32, #tpu.memory_space<vmem>>)
    %mul3A_1448 = arith.constant 128 : i32
    %mul3A_1449 = arith.muli %arg0, %mul3A_1448 : i32
    %add3A_1450 = arith.constant 4 : i32
    %add3A_1451 = arith.addi %mul3A_1449, %add3A_1450 : i32
    %mul3A_1452 = arith.constant 12800 : i32
    %mul3A_1453 = arith.muli %add3A_1451, %mul3A_1452 : i32
    %dma_wait3A_1454 = arith.constant 4 : i32
    %dma_wait3A_1455 = arith.constant 0 : i32
    %dma_wait3A_1456 = tpu.memref_slice %arg3[%dma_wait3A_1454, %dma_wait3A_1455] : memref<128x12800xf32, #tpu.memory_space<vmem>> -> memref<1x12800xf32, #tpu.memory_space<vmem>>
    %dma_wait3A_1457 = tpu.memref_squeeze %dma_wait3A_1456 : memref<1x12800xf32, #tpu.memory_space<vmem>> -> memref<12800xf32, #tpu.memory_space<vmem>>
    %dma_wait3A_1458 = tpu.memref_slice %arg1[%mul3A_1453] : memref<52428800xf32, #tpu.memory_space<any>> -> memref<12800xf32, #tpu.memory_space<any>>
    tpu.wait_dma2 semaphore(%arg4 : memref<!tpu.dma_semaphore, #tpu.memory_space<semaphore_mem>>) src(%dma_wait3A_1458 : memref<12800xf32, #tpu.memory_space<any>>) dst(%dma_wait3A_1457 : memref<12800xf32, #tpu.memory_space<vmem>>)
    %mul3A_1459 = arith.constant 128 : i32
    %mul3A_1460 = arith.muli %arg0, %mul3A_1459 : i32
    %add3A_1461 = arith.constant 5 : i32
    %add3A_1462 = arith.addi %mul3A_1460, %add3A_1461 : i32
    %mul3A_1463 = arith.constant 12800 : i32
    %mul3A_1464 = arith.muli %add3A_1462, %mul3A_1463 : i32
    %dma_wait3A_1465 = arith.constant 5 : i32
    %dma_wait3A_1466 = arith.constant 0 : i32
    %dma_wait3A_1467 = tpu.memref_slice %arg3[%dma_wait3A_1465, %dma_wait3A_1466] : memref<128x12800xf32, #tpu.memory_space<vmem>> -> memref<1x12800xf32, #tpu.memory_space<vmem>>
    %dma_wait3A_1468 = tpu.memref_squeeze %dma_wait3A_1467 : memref<1x12800xf32, #tpu.memory_space<vmem>> -> memref<12800xf32, #tpu.memory_space<vmem>>
    %dma_wait3A_1469 = tpu.memref_slice %arg1[%mul3A_1464] : memref<52428800xf32, #tpu.memory_space<any>> -> memref<12800xf32, #tpu.memory_space<any>>
    tpu.wait_dma2 semaphore(%arg4 : memref<!tpu.dma_semaphore, #tpu.memory_space<semaphore_mem>>) src(%dma_wait3A_1469 : memref<12800xf32, #tpu.memory_space<any>>) dst(%dma_wait3A_1468 : memref<12800xf32, #tpu.memory_space<vmem>>)
    %mul3A_1470 = arith.constant 128 : i32
    %mul3A_1471 = arith.muli %arg0, %mul3A_1470 : i32
    %add3A_1472 = arith.constant 6 : i32
    %add3A_1473 = arith.addi %mul3A_1471, %add3A_1472 : i32
    %mul3A_1474 = arith.constant 12800 : i32
    %mul3A_1475 = arith.muli %add3A_1473, %mul3A_1474 : i32
    %dma_wait3A_1476 = arith.constant 6 : i32
    %dma_wait3A_1477 = arith.constant 0 : i32
    %dma_wait3A_1478 = tpu.memref_slice %arg3[%dma_wait3A_1476, %dma_wait3A_1477] : memref<128x12800xf32, #tpu.memory_space<vmem>> -> memref<1x12800xf32, #tpu.memory_space<vmem>>
    %dma_wait3A_1479 = tpu.memref_squeeze %dma_wait3A_1478 : memref<1x12800xf32, #tpu.memory_space<vmem>> -> memref<12800xf32, #tpu.memory_space<vmem>>
    %dma_wait3A_1480 = tpu.memref_slice %arg1[%mul3A_1475] : memref<52428800xf32, #tpu.memory_space<any>> -> memref<12800xf32, #tpu.memory_space<any>>
    tpu.wait_dma2 semaphore(%arg4 : memref<!tpu.dma_semaphore, #tpu.memory_space<semaphore_mem>>) src(%dma_wait3A_1480 : memref<12800xf32, #tpu.memory_space<any>>) dst(%dma_wait3A_1479 : memref<12800xf32, #tpu.memory_space<vmem>>)
    %mul3A_1481 = arith.constant 128 : i32
    %mul3A_1482 = arith.muli %arg0, %mul3A_1481 : i32
    %add3A_1483 = arith.constant 7 : i32
    %add3A_1484 = arith.addi %mul3A_1482, %add3A_1483 : i32
    %mul3A_1485 = arith.constant 12800 : i32
    %mul3A_1486 = arith.muli %add3A_1484, %mul3A_1485 : i32
    %dma_wait3A_1487 = arith.constant 7 : i32
    %dma_wait3A_1488 = arith.constant 0 : i32
    %dma_wait3A_1489 = tpu.memref_slice %arg3[%dma_wait3A_1487, %dma_wait3A_1488] : memref<128x12800xf32, #tpu.memory_space<vmem>> -> memref<1x12800xf32, #tpu.memory_space<vmem>>
    %dma_wait3A_1490 = tpu.memref_squeeze %dma_wait3A_1489 : memref<1x12800xf32, #tpu.memory_space<vmem>> -> memref<12800xf32, #tpu.memory_space<vmem>>
    %dma_wait3A_1491 = tpu.memref_slice %arg1[%mul3A_1486] : memref<52428800xf32, #tpu.memory_space<any>> -> memref<12800xf32, #tpu.memory_space<any>>
    tpu.wait_dma2 semaphore(%arg4 : memref<!tpu.dma_semaphore, #tpu.memory_space<semaphore_mem>>) src(%dma_wait3A_1491 : memref<12800xf32, #tpu.memory_space<any>>) dst(%dma_wait3A_1490 : memref<12800xf32, #tpu.memory_space<vmem>>)
    %mul3A_1492 = arith.constant 128 : i32
    %mul3A_1493 = arith.muli %arg0, %mul3A_1492 : i32
    %add3A_1494 = arith.constant 8 : i32
    %add3A_1495 = arith.addi %mul3A_1493, %add3A_1494 : i32
    %mul3A_1496 = arith.constant 12800 : i32
    %mul3A_1497 = arith.muli %add3A_1495, %mul3A_1496 : i32
    %dma_wait3A_1498 = arith.constant 8 : i32
    %dma_wait3A_1499 = arith.constant 0 : i32
    %dma_wait3A_1500 = tpu.memref_slice %arg3[%dma_wait3A_1498, %dma_wait3A_1499] : memref<128x12800xf32, #tpu.memory_space<vmem>> -> memref<1x12800xf32, #tpu.memory_space<vmem>>
    %dma_wait3A_1501 = tpu.memref_squeeze %dma_wait3A_1500 : memref<1x12800xf32, #tpu.memory_space<vmem>> -> memref<12800xf32, #tpu.memory_space<vmem>>
    %dma_wait3A_1502 = tpu.memref_slice %arg1[%mul3A_1497] : memref<52428800xf32, #tpu.memory_space<any>> -> memref<12800xf32, #tpu.memory_space<any>>
    tpu.wait_dma2 semaphore(%arg4 : memref<!tpu.dma_semaphore, #tpu.memory_space<semaphore_mem>>) src(%dma_wait3A_1502 : memref<12800xf32, #tpu.memory_space<any>>) dst(%dma_wait3A_1501 : memref<12800xf32, #tpu.memory_space<vmem>>)
    %mul3A_1503 = arith.constant 128 : i32
    %mul3A_1504 = arith.muli %arg0, %mul3A_1503 : i32
    %add3A_1505 = arith.constant 9 : i32
    %add3A_1506 = arith.addi %mul3A_1504, %add3A_1505 : i32
    %mul3A_1507 = arith.constant 12800 : i32
    %mul3A_1508 = arith.muli %add3A_1506, %mul3A_1507 : i32
    %dma_wait3A_1509 = arith.constant 9 : i32
    %dma_wait3A_1510 = arith.constant 0 : i32
    %dma_wait3A_1511 = tpu.memref_slice %arg3[%dma_wait3A_1509, %dma_wait3A_1510] : memref<128x12800xf32, #tpu.memory_space<vmem>> -> memref<1x12800xf32, #tpu.memory_space<vmem>>
    %dma_wait3A_1512 = tpu.memref_squeeze %dma_wait3A_1511 : memref<1x12800xf32, #tpu.memory_space<vmem>> -> memref<12800xf32, #tpu.memory_space<vmem>>
    %dma_wait3A_1513 = tpu.memref_slice %arg1[%mul3A_1508] : memref<52428800xf32, #tpu.memory_space<any>> -> memref<12800xf32, #tpu.memory_space<any>>
    tpu.wait_dma2 semaphore(%arg4 : memref<!tpu.dma_semaphore, #tpu.memory_space<semaphore_mem>>) src(%dma_wait3A_1513 : memref<12800xf32, #tpu.memory_space<any>>) dst(%dma_wait3A_1512 : memref<12800xf32, #tpu.memory_space<vmem>>)
    %mul3A_1514 = arith.constant 128 : i32
    %mul3A_1515 = arith.muli %arg0, %mul3A_1514 : i32
    %add3A_1516 = arith.constant 10 : i32
    %add3A_1517 = arith.addi %mul3A_1515, %add3A_1516 : i32
    %mul3A_1518 = arith.constant 12800 : i32
    %mul3A_1519 = arith.muli %add3A_1517, %mul3A_1518 : i32
    %dma_wait3A_1520 = arith.constant 10 : i32
    %dma_wait3A_1521 = arith.constant 0 : i32
    %dma_wait3A_1522 = tpu.memref_slice %arg3[%dma_wait3A_1520, %dma_wait3A_1521] : memref<128x12800xf32, #tpu.memory_space<vmem>> -> memref<1x12800xf32, #tpu.memory_space<vmem>>
    %dma_wait3A_1523 = tpu.memref_squeeze %dma_wait3A_1522 : memref<1x12800xf32, #tpu.memory_space<vmem>> -> memref<12800xf32, #tpu.memory_space<vmem>>
    %dma_wait3A_1524 = tpu.memref_slice %arg1[%mul3A_1519] : memref<52428800xf32, #tpu.memory_space<any>> -> memref<12800xf32, #tpu.memory_space<any>>
    tpu.wait_dma2 semaphore(%arg4 : memref<!tpu.dma_semaphore, #tpu.memory_space<semaphore_mem>>) src(%dma_wait3A_1524 : memref<12800xf32, #tpu.memory_space<any>>) dst(%dma_wait3A_1523 : memref<12800xf32, #tpu.memory_space<vmem>>)
    %mul3A_1525 = arith.constant 128 : i32
    %mul3A_1526 = arith.muli %arg0, %mul3A_1525 : i32
    %add3A_1527 = arith.constant 11 : i32
    %add3A_1528 = arith.addi %mul3A_1526, %add3A_1527 : i32
    %mul3A_1529 = arith.constant 12800 : i32
    %mul3A_1530 = arith.muli %add3A_1528, %mul3A_1529 : i32
    %dma_wait3A_1531 = arith.constant 11 : i32
    %dma_wait3A_1532 = arith.constant 0 : i32
    %dma_wait3A_1533 = tpu.memref_slice %arg3[%dma_wait3A_1531, %dma_wait3A_1532] : memref<128x12800xf32, #tpu.memory_space<vmem>> -> memref<1x12800xf32, #tpu.memory_space<vmem>>
    %dma_wait3A_1534 = tpu.memref_squeeze %dma_wait3A_1533 : memref<1x12800xf32, #tpu.memory_space<vmem>> -> memref<12800xf32, #tpu.memory_space<vmem>>
    %dma_wait3A_1535 = tpu.memref_slice %arg1[%mul3A_1530] : memref<52428800xf32, #tpu.memory_space<any>> -> memref<12800xf32, #tpu.memory_space<any>>
    tpu.wait_dma2 semaphore(%arg4 : memref<!tpu.dma_semaphore, #tpu.memory_space<semaphore_mem>>) src(%dma_wait3A_1535 : memref<12800xf32, #tpu.memory_space<any>>) dst(%dma_wait3A_1534 : memref<12800xf32, #tpu.memory_space<vmem>>)
    %mul3A_1536 = arith.constant 128 : i32
    %mul3A_1537 = arith.muli %arg0, %mul3A_1536 : i32
    %add3A_1538 = arith.constant 12 : i32
    %add3A_1539 = arith.addi %mul3A_1537, %add3A_1538 : i32
    %mul3A_1540 = arith.constant 12800 : i32
    %mul3A_1541 = arith.muli %add3A_1539, %mul3A_1540 : i32
    %dma_wait3A_1542 = arith.constant 12 : i32
    %dma_wait3A_1543 = arith.constant 0 : i32
    %dma_wait3A_1544 = tpu.memref_slice %arg3[%dma_wait3A_1542, %dma_wait3A_1543] : memref<128x12800xf32, #tpu.memory_space<vmem>> -> memref<1x12800xf32, #tpu.memory_space<vmem>>
    %dma_wait3A_1545 = tpu.memref_squeeze %dma_wait3A_1544 : memref<1x12800xf32, #tpu.memory_space<vmem>> -> memref<12800xf32, #tpu.memory_space<vmem>>
    %dma_wait3A_1546 = tpu.memref_slice %arg1[%mul3A_1541] : memref<52428800xf32, #tpu.memory_space<any>> -> memref<12800xf32, #tpu.memory_space<any>>
    tpu.wait_dma2 semaphore(%arg4 : memref<!tpu.dma_semaphore, #tpu.memory_space<semaphore_mem>>) src(%dma_wait3A_1546 : memref<12800xf32, #tpu.memory_space<any>>) dst(%dma_wait3A_1545 : memref<12800xf32, #tpu.memory_space<vmem>>)
    %mul3A_1547 = arith.constant 128 : i32
    %mul3A_1548 = arith.muli %arg0, %mul3A_1547 : i32
    %add3A_1549 = arith.constant 13 : i32
    %add3A_1550 = arith.addi %mul3A_1548, %add3A_1549 : i32
    %mul3A_1551 = arith.constant 12800 : i32
    %mul3A_1552 = arith.muli %add3A_1550, %mul3A_1551 : i32
    %dma_wait3A_1553 = arith.constant 13 : i32
    %dma_wait3A_1554 = arith.constant 0 : i32
    %dma_wait3A_1555 = tpu.memref_slice %arg3[%dma_wait3A_1553, %dma_wait3A_1554] : memref<128x12800xf32, #tpu.memory_space<vmem>> -> memref<1x12800xf32, #tpu.memory_space<vmem>>
    %dma_wait3A_1556 = tpu.memref_squeeze %dma_wait3A_1555 : memref<1x12800xf32, #tpu.memory_space<vmem>> -> memref<12800xf32, #tpu.memory_space<vmem>>
    %dma_wait3A_1557 = tpu.memref_slice %arg1[%mul3A_1552] : memref<52428800xf32, #tpu.memory_space<any>> -> memref<12800xf32, #tpu.memory_space<any>>
    tpu.wait_dma2 semaphore(%arg4 : memref<!tpu.dma_semaphore, #tpu.memory_space<semaphore_mem>>) src(%dma_wait3A_1557 : memref<12800xf32, #tpu.memory_space<any>>) dst(%dma_wait3A_1556 : memref<12800xf32, #tpu.memory_space<vmem>>)
    %mul3A_1558 = arith.constant 128 : i32
    %mul3A_1559 = arith.muli %arg0, %mul3A_1558 : i32
    %add3A_1560 = arith.constant 14 : i32
    %add3A_1561 = arith.addi %mul3A_1559, %add3A_1560 : i32
    %mul3A_1562 = arith.constant 12800 : i32
    %mul3A_1563 = arith.muli %add3A_1561, %mul3A_1562 : i32
    %dma_wait3A_1564 = arith.constant 14 : i32
    %dma_wait3A_1565 = arith.constant 0 : i32
    %dma_wait3A_1566 = tpu.memref_slice %arg3[%dma_wait3A_1564, %dma_wait3A_1565] : memref<128x12800xf32, #tpu.memory_space<vmem>> -> memref<1x12800xf32, #tpu.memory_space<vmem>>
    %dma_wait3A_1567 = tpu.memref_squeeze %dma_wait3A_1566 : memref<1x12800xf32, #tpu.memory_space<vmem>> -> memref<12800xf32, #tpu.memory_space<vmem>>
    %dma_wait3A_1568 = tpu.memref_slice %arg1[%mul3A_1563] : memref<52428800xf32, #tpu.memory_space<any>> -> memref<12800xf32, #tpu.memory_space<any>>
    tpu.wait_dma2 semaphore(%arg4 : memref<!tpu.dma_semaphore, #tpu.memory_space<semaphore_mem>>) src(%dma_wait3A_1568 : memref<12800xf32, #tpu.memory_space<any>>) dst(%dma_wait3A_1567 : memref<12800xf32, #tpu.memory_space<vmem>>)
    %mul3A_1569 = arith.constant 128 : i32
    %mul3A_1570 = arith.muli %arg0, %mul3A_1569 : i32
    %add3A_1571 = arith.constant 15 : i32
    %add3A_1572 = arith.addi %mul3A_1570, %add3A_1571 : i32
    %mul3A_1573 = arith.constant 12800 : i32
    %mul3A_1574 = arith.muli %add3A_1572, %mul3A_1573 : i32
    %dma_wait3A_1575 = arith.constant 15 : i32
    %dma_wait3A_1576 = arith.constant 0 : i32
    %dma_wait3A_1577 = tpu.memref_slice %arg3[%dma_wait3A_1575, %dma_wait3A_1576] : memref<128x12800xf32, #tpu.memory_space<vmem>> -> memref<1x12800xf32, #tpu.memory_space<vmem>>
    %dma_wait3A_1578 = tpu.memref_squeeze %dma_wait3A_1577 : memref<1x12800xf32, #tpu.memory_space<vmem>> -> memref<12800xf32, #tpu.memory_space<vmem>>
    %dma_wait3A_1579 = tpu.memref_slice %arg1[%mul3A_1574] : memref<52428800xf32, #tpu.memory_space<any>> -> memref<12800xf32, #tpu.memory_space<any>>
    tpu.wait_dma2 semaphore(%arg4 : memref<!tpu.dma_semaphore, #tpu.memory_space<semaphore_mem>>) src(%dma_wait3A_1579 : memref<12800xf32, #tpu.memory_space<any>>) dst(%dma_wait3A_1578 : memref<12800xf32, #tpu.memory_space<vmem>>)
    %mul3A_1580 = arith.constant 128 : i32
    %mul3A_1581 = arith.muli %arg0, %mul3A_1580 : i32
    %add3A_1582 = arith.constant 16 : i32
    %add3A_1583 = arith.addi %mul3A_1581, %add3A_1582 : i32
    %mul3A_1584 = arith.constant 12800 : i32
    %mul3A_1585 = arith.muli %add3A_1583, %mul3A_1584 : i32
    %dma_wait3A_1586 = arith.constant 16 : i32
    %dma_wait3A_1587 = arith.constant 0 : i32
    %dma_wait3A_1588 = tpu.memref_slice %arg3[%dma_wait3A_1586, %dma_wait3A_1587] : memref<128x12800xf32, #tpu.memory_space<vmem>> -> memref<1x12800xf32, #tpu.memory_space<vmem>>
    %dma_wait3A_1589 = tpu.memref_squeeze %dma_wait3A_1588 : memref<1x12800xf32, #tpu.memory_space<vmem>> -> memref<12800xf32, #tpu.memory_space<vmem>>
    %dma_wait3A_1590 = tpu.memref_slice %arg1[%mul3A_1585] : memref<52428800xf32, #tpu.memory_space<any>> -> memref<12800xf32, #tpu.memory_space<any>>
    tpu.wait_dma2 semaphore(%arg4 : memref<!tpu.dma_semaphore, #tpu.memory_space<semaphore_mem>>) src(%dma_wait3A_1590 : memref<12800xf32, #tpu.memory_space<any>>) dst(%dma_wait3A_1589 : memref<12800xf32, #tpu.memory_space<vmem>>)
    %mul3A_1591 = arith.constant 128 : i32
    %mul3A_1592 = arith.muli %arg0, %mul3A_1591 : i32
    %add3A_1593 = arith.constant 17 : i32
    %add3A_1594 = arith.addi %mul3A_1592, %add3A_1593 : i32
    %mul3A_1595 = arith.constant 12800 : i32
    %mul3A_1596 = arith.muli %add3A_1594, %mul3A_1595 : i32
    %dma_wait3A_1597 = arith.constant 17 : i32
    %dma_wait3A_1598 = arith.constant 0 : i32
    %dma_wait3A_1599 = tpu.memref_slice %arg3[%dma_wait3A_1597, %dma_wait3A_1598] : memref<128x12800xf32, #tpu.memory_space<vmem>> -> memref<1x12800xf32, #tpu.memory_space<vmem>>
    %dma_wait3A_1600 = tpu.memref_squeeze %dma_wait3A_1599 : memref<1x12800xf32, #tpu.memory_space<vmem>> -> memref<12800xf32, #tpu.memory_space<vmem>>
    %dma_wait3A_1601 = tpu.memref_slice %arg1[%mul3A_1596] : memref<52428800xf32, #tpu.memory_space<any>> -> memref<12800xf32, #tpu.memory_space<any>>
    tpu.wait_dma2 semaphore(%arg4 : memref<!tpu.dma_semaphore, #tpu.memory_space<semaphore_mem>>) src(%dma_wait3A_1601 : memref<12800xf32, #tpu.memory_space<any>>) dst(%dma_wait3A_1600 : memref<12800xf32, #tpu.memory_space<vmem>>)
    %mul3A_1602 = arith.constant 128 : i32
    %mul3A_1603 = arith.muli %arg0, %mul3A_1602 : i32
    %add3A_1604 = arith.constant 18 : i32
    %add3A_1605 = arith.addi %mul3A_1603, %add3A_1604 : i32
    %mul3A_1606 = arith.constant 12800 : i32
    %mul3A_1607 = arith.muli %add3A_1605, %mul3A_1606 : i32
    %dma_wait3A_1608 = arith.constant 18 : i32
    %dma_wait3A_1609 = arith.constant 0 : i32
    %dma_wait3A_1610 = tpu.memref_slice %arg3[%dma_wait3A_1608, %dma_wait3A_1609] : memref<128x12800xf32, #tpu.memory_space<vmem>> -> memref<1x12800xf32, #tpu.memory_space<vmem>>
    %dma_wait3A_1611 = tpu.memref_squeeze %dma_wait3A_1610 : memref<1x12800xf32, #tpu.memory_space<vmem>> -> memref<12800xf32, #tpu.memory_space<vmem>>
    %dma_wait3A_1612 = tpu.memref_slice %arg1[%mul3A_1607] : memref<52428800xf32, #tpu.memory_space<any>> -> memref<12800xf32, #tpu.memory_space<any>>
    tpu.wait_dma2 semaphore(%arg4 : memref<!tpu.dma_semaphore, #tpu.memory_space<semaphore_mem>>) src(%dma_wait3A_1612 : memref<12800xf32, #tpu.memory_space<any>>) dst(%dma_wait3A_1611 : memref<12800xf32, #tpu.memory_space<vmem>>)
    %mul3A_1613 = arith.constant 128 : i32
    %mul3A_1614 = arith.muli %arg0, %mul3A_1613 : i32
    %add3A_1615 = arith.constant 19 : i32
    %add3A_1616 = arith.addi %mul3A_1614, %add3A_1615 : i32
    %mul3A_1617 = arith.constant 12800 : i32
    %mul3A_1618 = arith.muli %add3A_1616, %mul3A_1617 : i32
    %dma_wait3A_1619 = arith.constant 19 : i32
    %dma_wait3A_1620 = arith.constant 0 : i32
    %dma_wait3A_1621 = tpu.memref_slice %arg3[%dma_wait3A_1619, %dma_wait3A_1620] : memref<128x12800xf32, #tpu.memory_space<vmem>> -> memref<1x12800xf32, #tpu.memory_space<vmem>>
    %dma_wait3A_1622 = tpu.memref_squeeze %dma_wait3A_1621 : memref<1x12800xf32, #tpu.memory_space<vmem>> -> memref<12800xf32, #tpu.memory_space<vmem>>
    %dma_wait3A_1623 = tpu.memref_slice %arg1[%mul3A_1618] : memref<52428800xf32, #tpu.memory_space<any>> -> memref<12800xf32, #tpu.memory_space<any>>
    tpu.wait_dma2 semaphore(%arg4 : memref<!tpu.dma_semaphore, #tpu.memory_space<semaphore_mem>>) src(%dma_wait3A_1623 : memref<12800xf32, #tpu.memory_space<any>>) dst(%dma_wait3A_1622 : memref<12800xf32, #tpu.memory_space<vmem>>)
    %mul3A_1624 = arith.constant 128 : i32
    %mul3A_1625 = arith.muli %arg0, %mul3A_1624 : i32
    %add3A_1626 = arith.constant 20 : i32
    %add3A_1627 = arith.addi %mul3A_1625, %add3A_1626 : i32
    %mul3A_1628 = arith.constant 12800 : i32
    %mul3A_1629 = arith.muli %add3A_1627, %mul3A_1628 : i32
    %dma_wait3A_1630 = arith.constant 20 : i32
    %dma_wait3A_1631 = arith.constant 0 : i32
    %dma_wait3A_1632 = tpu.memref_slice %arg3[%dma_wait3A_1630, %dma_wait3A_1631] : memref<128x12800xf32, #tpu.memory_space<vmem>> -> memref<1x12800xf32, #tpu.memory_space<vmem>>
    %dma_wait3A_1633 = tpu.memref_squeeze %dma_wait3A_1632 : memref<1x12800xf32, #tpu.memory_space<vmem>> -> memref<12800xf32, #tpu.memory_space<vmem>>
    %dma_wait3A_1634 = tpu.memref_slice %arg1[%mul3A_1629] : memref<52428800xf32, #tpu.memory_space<any>> -> memref<12800xf32, #tpu.memory_space<any>>
    tpu.wait_dma2 semaphore(%arg4 : memref<!tpu.dma_semaphore, #tpu.memory_space<semaphore_mem>>) src(%dma_wait3A_1634 : memref<12800xf32, #tpu.memory_space<any>>) dst(%dma_wait3A_1633 : memref<12800xf32, #tpu.memory_space<vmem>>)
    %mul3A_1635 = arith.constant 128 : i32
    %mul3A_1636 = arith.muli %arg0, %mul3A_1635 : i32
    %add3A_1637 = arith.constant 21 : i32
    %add3A_1638 = arith.addi %mul3A_1636, %add3A_1637 : i32
    %mul3A_1639 = arith.constant 12800 : i32
    %mul3A_1640 = arith.muli %add3A_1638, %mul3A_1639 : i32
    %dma_wait3A_1641 = arith.constant 21 : i32
    %dma_wait3A_1642 = arith.constant 0 : i32
    %dma_wait3A_1643 = tpu.memref_slice %arg3[%dma_wait3A_1641, %dma_wait3A_1642] : memref<128x12800xf32, #tpu.memory_space<vmem>> -> memref<1x12800xf32, #tpu.memory_space<vmem>>
    %dma_wait3A_1644 = tpu.memref_squeeze %dma_wait3A_1643 : memref<1x12800xf32, #tpu.memory_space<vmem>> -> memref<12800xf32, #tpu.memory_space<vmem>>
    %dma_wait3A_1645 = tpu.memref_slice %arg1[%mul3A_1640] : memref<52428800xf32, #tpu.memory_space<any>> -> memref<12800xf32, #tpu.memory_space<any>>
    tpu.wait_dma2 semaphore(%arg4 : memref<!tpu.dma_semaphore, #tpu.memory_space<semaphore_mem>>) src(%dma_wait3A_1645 : memref<12800xf32, #tpu.memory_space<any>>) dst(%dma_wait3A_1644 : memref<12800xf32, #tpu.memory_space<vmem>>)
    %mul3A_1646 = arith.constant 128 : i32
    %mul3A_1647 = arith.muli %arg0, %mul3A_1646 : i32
    %add3A_1648 = arith.constant 22 : i32
    %add3A_1649 = arith.addi %mul3A_1647, %add3A_1648 : i32
    %mul3A_1650 = arith.constant 12800 : i32
    %mul3A_1651 = arith.muli %add3A_1649, %mul3A_1650 : i32
    %dma_wait3A_1652 = arith.constant 22 : i32
    %dma_wait3A_1653 = arith.constant 0 : i32
    %dma_wait3A_1654 = tpu.memref_slice %arg3[%dma_wait3A_1652, %dma_wait3A_1653] : memref<128x12800xf32, #tpu.memory_space<vmem>> -> memref<1x12800xf32, #tpu.memory_space<vmem>>
    %dma_wait3A_1655 = tpu.memref_squeeze %dma_wait3A_1654 : memref<1x12800xf32, #tpu.memory_space<vmem>> -> memref<12800xf32, #tpu.memory_space<vmem>>
    %dma_wait3A_1656 = tpu.memref_slice %arg1[%mul3A_1651] : memref<52428800xf32, #tpu.memory_space<any>> -> memref<12800xf32, #tpu.memory_space<any>>
    tpu.wait_dma2 semaphore(%arg4 : memref<!tpu.dma_semaphore, #tpu.memory_space<semaphore_mem>>) src(%dma_wait3A_1656 : memref<12800xf32, #tpu.memory_space<any>>) dst(%dma_wait3A_1655 : memref<12800xf32, #tpu.memory_space<vmem>>)
    %mul3A_1657 = arith.constant 128 : i32
    %mul3A_1658 = arith.muli %arg0, %mul3A_1657 : i32
    %add3A_1659 = arith.constant 23 : i32
    %add3A_1660 = arith.addi %mul3A_1658, %add3A_1659 : i32
    %mul3A_1661 = arith.constant 12800 : i32
    %mul3A_1662 = arith.muli %add3A_1660, %mul3A_1661 : i32
    %dma_wait3A_1663 = arith.constant 23 : i32
    %dma_wait3A_1664 = arith.constant 0 : i32
    %dma_wait3A_1665 = tpu.memref_slice %arg3[%dma_wait3A_1663, %dma_wait3A_1664] : memref<128x12800xf32, #tpu.memory_space<vmem>> -> memref<1x12800xf32, #tpu.memory_space<vmem>>
    %dma_wait3A_1666 = tpu.memref_squeeze %dma_wait3A_1665 : memref<1x12800xf32, #tpu.memory_space<vmem>> -> memref<12800xf32, #tpu.memory_space<vmem>>
    %dma_wait3A_1667 = tpu.memref_slice %arg1[%mul3A_1662] : memref<52428800xf32, #tpu.memory_space<any>> -> memref<12800xf32, #tpu.memory_space<any>>
    tpu.wait_dma2 semaphore(%arg4 : memref<!tpu.dma_semaphore, #tpu.memory_space<semaphore_mem>>) src(%dma_wait3A_1667 : memref<12800xf32, #tpu.memory_space<any>>) dst(%dma_wait3A_1666 : memref<12800xf32, #tpu.memory_space<vmem>>)
    %mul3A_1668 = arith.constant 128 : i32
    %mul3A_1669 = arith.muli %arg0, %mul3A_1668 : i32
    %add3A_1670 = arith.constant 24 : i32
    %add3A_1671 = arith.addi %mul3A_1669, %add3A_1670 : i32
    %mul3A_1672 = arith.constant 12800 : i32
    %mul3A_1673 = arith.muli %add3A_1671, %mul3A_1672 : i32
    %dma_wait3A_1674 = arith.constant 24 : i32
    %dma_wait3A_1675 = arith.constant 0 : i32
    %dma_wait3A_1676 = tpu.memref_slice %arg3[%dma_wait3A_1674, %dma_wait3A_1675] : memref<128x12800xf32, #tpu.memory_space<vmem>> -> memref<1x12800xf32, #tpu.memory_space<vmem>>
    %dma_wait3A_1677 = tpu.memref_squeeze %dma_wait3A_1676 : memref<1x12800xf32, #tpu.memory_space<vmem>> -> memref<12800xf32, #tpu.memory_space<vmem>>
    %dma_wait3A_1678 = tpu.memref_slice %arg1[%mul3A_1673] : memref<52428800xf32, #tpu.memory_space<any>> -> memref<12800xf32, #tpu.memory_space<any>>
    tpu.wait_dma2 semaphore(%arg4 : memref<!tpu.dma_semaphore, #tpu.memory_space<semaphore_mem>>) src(%dma_wait3A_1678 : memref<12800xf32, #tpu.memory_space<any>>) dst(%dma_wait3A_1677 : memref<12800xf32, #tpu.memory_space<vmem>>)
    %mul3A_1679 = arith.constant 128 : i32
    %mul3A_1680 = arith.muli %arg0, %mul3A_1679 : i32
    %add3A_1681 = arith.constant 25 : i32
    %add3A_1682 = arith.addi %mul3A_1680, %add3A_1681 : i32
    %mul3A_1683 = arith.constant 12800 : i32
    %mul3A_1684 = arith.muli %add3A_1682, %mul3A_1683 : i32
    %dma_wait3A_1685 = arith.constant 25 : i32
    %dma_wait3A_1686 = arith.constant 0 : i32
    %dma_wait3A_1687 = tpu.memref_slice %arg3[%dma_wait3A_1685, %dma_wait3A_1686] : memref<128x12800xf32, #tpu.memory_space<vmem>> -> memref<1x12800xf32, #tpu.memory_space<vmem>>
    %dma_wait3A_1688 = tpu.memref_squeeze %dma_wait3A_1687 : memref<1x12800xf32, #tpu.memory_space<vmem>> -> memref<12800xf32, #tpu.memory_space<vmem>>
    %dma_wait3A_1689 = tpu.memref_slice %arg1[%mul3A_1684] : memref<52428800xf32, #tpu.memory_space<any>> -> memref<12800xf32, #tpu.memory_space<any>>
    tpu.wait_dma2 semaphore(%arg4 : memref<!tpu.dma_semaphore, #tpu.memory_space<semaphore_mem>>) src(%dma_wait3A_1689 : memref<12800xf32, #tpu.memory_space<any>>) dst(%dma_wait3A_1688 : memref<12800xf32, #tpu.memory_space<vmem>>)
    %mul3A_1690 = arith.constant 128 : i32
    %mul3A_1691 = arith.muli %arg0, %mul3A_1690 : i32
    %add3A_1692 = arith.constant 26 : i32
    %add3A_1693 = arith.addi %mul3A_1691, %add3A_1692 : i32
    %mul3A_1694 = arith.constant 12800 : i32
    %mul3A_1695 = arith.muli %add3A_1693, %mul3A_1694 : i32
    %dma_wait3A_1696 = arith.constant 26 : i32
    %dma_wait3A_1697 = arith.constant 0 : i32
    %dma_wait3A_1698 = tpu.memref_slice %arg3[%dma_wait3A_1696, %dma_wait3A_1697] : memref<128x12800xf32, #tpu.memory_space<vmem>> -> memref<1x12800xf32, #tpu.memory_space<vmem>>
    %dma_wait3A_1699 = tpu.memref_squeeze %dma_wait3A_1698 : memref<1x12800xf32, #tpu.memory_space<vmem>> -> memref<12800xf32, #tpu.memory_space<vmem>>
    %dma_wait3A_1700 = tpu.memref_slice %arg1[%mul3A_1695] : memref<52428800xf32, #tpu.memory_space<any>> -> memref<12800xf32, #tpu.memory_space<any>>
    tpu.wait_dma2 semaphore(%arg4 : memref<!tpu.dma_semaphore, #tpu.memory_space<semaphore_mem>>) src(%dma_wait3A_1700 : memref<12800xf32, #tpu.memory_space<any>>) dst(%dma_wait3A_1699 : memref<12800xf32, #tpu.memory_space<vmem>>)
    %mul3A_1701 = arith.constant 128 : i32
    %mul3A_1702 = arith.muli %arg0, %mul3A_1701 : i32
    %add3A_1703 = arith.constant 27 : i32
    %add3A_1704 = arith.addi %mul3A_1702, %add3A_1703 : i32
    %mul3A_1705 = arith.constant 12800 : i32
    %mul3A_1706 = arith.muli %add3A_1704, %mul3A_1705 : i32
    %dma_wait3A_1707 = arith.constant 27 : i32
    %dma_wait3A_1708 = arith.constant 0 : i32
    %dma_wait3A_1709 = tpu.memref_slice %arg3[%dma_wait3A_1707, %dma_wait3A_1708] : memref<128x12800xf32, #tpu.memory_space<vmem>> -> memref<1x12800xf32, #tpu.memory_space<vmem>>
    %dma_wait3A_1710 = tpu.memref_squeeze %dma_wait3A_1709 : memref<1x12800xf32, #tpu.memory_space<vmem>> -> memref<12800xf32, #tpu.memory_space<vmem>>
    %dma_wait3A_1711 = tpu.memref_slice %arg1[%mul3A_1706] : memref<52428800xf32, #tpu.memory_space<any>> -> memref<12800xf32, #tpu.memory_space<any>>
    tpu.wait_dma2 semaphore(%arg4 : memref<!tpu.dma_semaphore, #tpu.memory_space<semaphore_mem>>) src(%dma_wait3A_1711 : memref<12800xf32, #tpu.memory_space<any>>) dst(%dma_wait3A_1710 : memref<12800xf32, #tpu.memory_space<vmem>>)
    %mul3A_1712 = arith.constant 128 : i32
    %mul3A_1713 = arith.muli %arg0, %mul3A_1712 : i32
    %add3A_1714 = arith.constant 28 : i32
    %add3A_1715 = arith.addi %mul3A_1713, %add3A_1714 : i32
    %mul3A_1716 = arith.constant 12800 : i32
    %mul3A_1717 = arith.muli %add3A_1715, %mul3A_1716 : i32
    %dma_wait3A_1718 = arith.constant 28 : i32
    %dma_wait3A_1719 = arith.constant 0 : i32
    %dma_wait3A_1720 = tpu.memref_slice %arg3[%dma_wait3A_1718, %dma_wait3A_1719] : memref<128x12800xf32, #tpu.memory_space<vmem>> -> memref<1x12800xf32, #tpu.memory_space<vmem>>
    %dma_wait3A_1721 = tpu.memref_squeeze %dma_wait3A_1720 : memref<1x12800xf32, #tpu.memory_space<vmem>> -> memref<12800xf32, #tpu.memory_space<vmem>>
    %dma_wait3A_1722 = tpu.memref_slice %arg1[%mul3A_1717] : memref<52428800xf32, #tpu.memory_space<any>> -> memref<12800xf32, #tpu.memory_space<any>>
    tpu.wait_dma2 semaphore(%arg4 : memref<!tpu.dma_semaphore, #tpu.memory_space<semaphore_mem>>) src(%dma_wait3A_1722 : memref<12800xf32, #tpu.memory_space<any>>) dst(%dma_wait3A_1721 : memref<12800xf32, #tpu.memory_space<vmem>>)
    %mul3A_1723 = arith.constant 128 : i32
    %mul3A_1724 = arith.muli %arg0, %mul3A_1723 : i32
    %add3A_1725 = arith.constant 29 : i32
    %add3A_1726 = arith.addi %mul3A_1724, %add3A_1725 : i32
    %mul3A_1727 = arith.constant 12800 : i32
    %mul3A_1728 = arith.muli %add3A_1726, %mul3A_1727 : i32
    %dma_wait3A_1729 = arith.constant 29 : i32
    %dma_wait3A_1730 = arith.constant 0 : i32
    %dma_wait3A_1731 = tpu.memref_slice %arg3[%dma_wait3A_1729, %dma_wait3A_1730] : memref<128x12800xf32, #tpu.memory_space<vmem>> -> memref<1x12800xf32, #tpu.memory_space<vmem>>
    %dma_wait3A_1732 = tpu.memref_squeeze %dma_wait3A_1731 : memref<1x12800xf32, #tpu.memory_space<vmem>> -> memref<12800xf32, #tpu.memory_space<vmem>>
    %dma_wait3A_1733 = tpu.memref_slice %arg1[%mul3A_1728] : memref<52428800xf32, #tpu.memory_space<any>> -> memref<12800xf32, #tpu.memory_space<any>>
    tpu.wait_dma2 semaphore(%arg4 : memref<!tpu.dma_semaphore, #tpu.memory_space<semaphore_mem>>) src(%dma_wait3A_1733 : memref<12800xf32, #tpu.memory_space<any>>) dst(%dma_wait3A_1732 : memref<12800xf32, #tpu.memory_space<vmem>>)
    %mul3A_1734 = arith.constant 128 : i32
    %mul3A_1735 = arith.muli %arg0, %mul3A_1734 : i32
    %add3A_1736 = arith.constant 30 : i32
    %add3A_1737 = arith.addi %mul3A_1735, %add3A_1736 : i32
    %mul3A_1738 = arith.constant 12800 : i32
    %mul3A_1739 = arith.muli %add3A_1737, %mul3A_1738 : i32
    %dma_wait3A_1740 = arith.constant 30 : i32
    %dma_wait3A_1741 = arith.constant 0 : i32
    %dma_wait3A_1742 = tpu.memref_slice %arg3[%dma_wait3A_1740, %dma_wait3A_1741] : memref<128x12800xf32, #tpu.memory_space<vmem>> -> memref<1x12800xf32, #tpu.memory_space<vmem>>
    %dma_wait3A_1743 = tpu.memref_squeeze %dma_wait3A_1742 : memref<1x12800xf32, #tpu.memory_space<vmem>> -> memref<12800xf32, #tpu.memory_space<vmem>>
    %dma_wait3A_1744 = tpu.memref_slice %arg1[%mul3A_1739] : memref<52428800xf32, #tpu.memory_space<any>> -> memref<12800xf32, #tpu.memory_space<any>>
    tpu.wait_dma2 semaphore(%arg4 : memref<!tpu.dma_semaphore, #tpu.memory_space<semaphore_mem>>) src(%dma_wait3A_1744 : memref<12800xf32, #tpu.memory_space<any>>) dst(%dma_wait3A_1743 : memref<12800xf32, #tpu.memory_space<vmem>>)
    %mul3A_1745 = arith.constant 128 : i32
    %mul3A_1746 = arith.muli %arg0, %mul3A_1745 : i32
    %add3A_1747 = arith.constant 31 : i32
    %add3A_1748 = arith.addi %mul3A_1746, %add3A_1747 : i32
    %mul3A_1749 = arith.constant 12800 : i32
    %mul3A_1750 = arith.muli %add3A_1748, %mul3A_1749 : i32
    %dma_wait3A_1751 = arith.constant 31 : i32
    %dma_wait3A_1752 = arith.constant 0 : i32
    %dma_wait3A_1753 = tpu.memref_slice %arg3[%dma_wait3A_1751, %dma_wait3A_1752] : memref<128x12800xf32, #tpu.memory_space<vmem>> -> memref<1x12800xf32, #tpu.memory_space<vmem>>
    %dma_wait3A_1754 = tpu.memref_squeeze %dma_wait3A_1753 : memref<1x12800xf32, #tpu.memory_space<vmem>> -> memref<12800xf32, #tpu.memory_space<vmem>>
    %dma_wait3A_1755 = tpu.memref_slice %arg1[%mul3A_1750] : memref<52428800xf32, #tpu.memory_space<any>> -> memref<12800xf32, #tpu.memory_space<any>>
    tpu.wait_dma2 semaphore(%arg4 : memref<!tpu.dma_semaphore, #tpu.memory_space<semaphore_mem>>) src(%dma_wait3A_1755 : memref<12800xf32, #tpu.memory_space<any>>) dst(%dma_wait3A_1754 : memref<12800xf32, #tpu.memory_space<vmem>>)
    %mul3A_1756 = arith.constant 128 : i32
    %mul3A_1757 = arith.muli %arg0, %mul3A_1756 : i32
    %add3A_1758 = arith.constant 32 : i32
    %add3A_1759 = arith.addi %mul3A_1757, %add3A_1758 : i32
    %mul3A_1760 = arith.constant 12800 : i32
    %mul3A_1761 = arith.muli %add3A_1759, %mul3A_1760 : i32
    %dma_wait3A_1762 = arith.constant 32 : i32
    %dma_wait3A_1763 = arith.constant 0 : i32
    %dma_wait3A_1764 = tpu.memref_slice %arg3[%dma_wait3A_1762, %dma_wait3A_1763] : memref<128x12800xf32, #tpu.memory_space<vmem>> -> memref<1x12800xf32, #tpu.memory_space<vmem>>
    %dma_wait3A_1765 = tpu.memref_squeeze %dma_wait3A_1764 : memref<1x12800xf32, #tpu.memory_space<vmem>> -> memref<12800xf32, #tpu.memory_space<vmem>>
    %dma_wait3A_1766 = tpu.memref_slice %arg1[%mul3A_1761] : memref<52428800xf32, #tpu.memory_space<any>> -> memref<12800xf32, #tpu.memory_space<any>>
    tpu.wait_dma2 semaphore(%arg4 : memref<!tpu.dma_semaphore, #tpu.memory_space<semaphore_mem>>) src(%dma_wait3A_1766 : memref<12800xf32, #tpu.memory_space<any>>) dst(%dma_wait3A_1765 : memref<12800xf32, #tpu.memory_space<vmem>>)
    %mul3A_1767 = arith.constant 128 : i32
    %mul3A_1768 = arith.muli %arg0, %mul3A_1767 : i32
    %add3A_1769 = arith.constant 33 : i32
    %add3A_1770 = arith.addi %mul3A_1768, %add3A_1769 : i32
    %mul3A_1771 = arith.constant 12800 : i32
    %mul3A_1772 = arith.muli %add3A_1770, %mul3A_1771 : i32
    %dma_wait3A_1773 = arith.constant 33 : i32
    %dma_wait3A_1774 = arith.constant 0 : i32
    %dma_wait3A_1775 = tpu.memref_slice %arg3[%dma_wait3A_1773, %dma_wait3A_1774] : memref<128x12800xf32, #tpu.memory_space<vmem>> -> memref<1x12800xf32, #tpu.memory_space<vmem>>
    %dma_wait3A_1776 = tpu.memref_squeeze %dma_wait3A_1775 : memref<1x12800xf32, #tpu.memory_space<vmem>> -> memref<12800xf32, #tpu.memory_space<vmem>>
    %dma_wait3A_1777 = tpu.memref_slice %arg1[%mul3A_1772] : memref<52428800xf32, #tpu.memory_space<any>> -> memref<12800xf32, #tpu.memory_space<any>>
    tpu.wait_dma2 semaphore(%arg4 : memref<!tpu.dma_semaphore, #tpu.memory_space<semaphore_mem>>) src(%dma_wait3A_1777 : memref<12800xf32, #tpu.memory_space<any>>) dst(%dma_wait3A_1776 : memref<12800xf32, #tpu.memory_space<vmem>>)
    %mul3A_1778 = arith.constant 128 : i32
    %mul3A_1779 = arith.muli %arg0, %mul3A_1778 : i32
    %add3A_1780 = arith.constant 34 : i32
    %add3A_1781 = arith.addi %mul3A_1779, %add3A_1780 : i32
    %mul3A_1782 = arith.constant 12800 : i32
    %mul3A_1783 = arith.muli %add3A_1781, %mul3A_1782 : i32
    %dma_wait3A_1784 = arith.constant 34 : i32
    %dma_wait3A_1785 = arith.constant 0 : i32
    %dma_wait3A_1786 = tpu.memref_slice %arg3[%dma_wait3A_1784, %dma_wait3A_1785] : memref<128x12800xf32, #tpu.memory_space<vmem>> -> memref<1x12800xf32, #tpu.memory_space<vmem>>
    %dma_wait3A_1787 = tpu.memref_squeeze %dma_wait3A_1786 : memref<1x12800xf32, #tpu.memory_space<vmem>> -> memref<12800xf32, #tpu.memory_space<vmem>>
    %dma_wait3A_1788 = tpu.memref_slice %arg1[%mul3A_1783] : memref<52428800xf32, #tpu.memory_space<any>> -> memref<12800xf32, #tpu.memory_space<any>>
    tpu.wait_dma2 semaphore(%arg4 : memref<!tpu.dma_semaphore, #tpu.memory_space<semaphore_mem>>) src(%dma_wait3A_1788 : memref<12800xf32, #tpu.memory_space<any>>) dst(%dma_wait3A_1787 : memref<12800xf32, #tpu.memory_space<vmem>>)
    %mul3A_1789 = arith.constant 128 : i32
    %mul3A_1790 = arith.muli %arg0, %mul3A_1789 : i32
    %add3A_1791 = arith.constant 35 : i32
    %add3A_1792 = arith.addi %mul3A_1790, %add3A_1791 : i32
    %mul3A_1793 = arith.constant 12800 : i32
    %mul3A_1794 = arith.muli %add3A_1792, %mul3A_1793 : i32
    %dma_wait3A_1795 = arith.constant 35 : i32
    %dma_wait3A_1796 = arith.constant 0 : i32
    %dma_wait3A_1797 = tpu.memref_slice %arg3[%dma_wait3A_1795, %dma_wait3A_1796] : memref<128x12800xf32, #tpu.memory_space<vmem>> -> memref<1x12800xf32, #tpu.memory_space<vmem>>
    %dma_wait3A_1798 = tpu.memref_squeeze %dma_wait3A_1797 : memref<1x12800xf32, #tpu.memory_space<vmem>> -> memref<12800xf32, #tpu.memory_space<vmem>>
    %dma_wait3A_1799 = tpu.memref_slice %arg1[%mul3A_1794] : memref<52428800xf32, #tpu.memory_space<any>> -> memref<12800xf32, #tpu.memory_space<any>>
    tpu.wait_dma2 semaphore(%arg4 : memref<!tpu.dma_semaphore, #tpu.memory_space<semaphore_mem>>) src(%dma_wait3A_1799 : memref<12800xf32, #tpu.memory_space<any>>) dst(%dma_wait3A_1798 : memref<12800xf32, #tpu.memory_space<vmem>>)
    %mul3A_1800 = arith.constant 128 : i32
    %mul3A_1801 = arith.muli %arg0, %mul3A_1800 : i32
    %add3A_1802 = arith.constant 36 : i32
    %add3A_1803 = arith.addi %mul3A_1801, %add3A_1802 : i32
    %mul3A_1804 = arith.constant 12800 : i32
    %mul3A_1805 = arith.muli %add3A_1803, %mul3A_1804 : i32
    %dma_wait3A_1806 = arith.constant 36 : i32
    %dma_wait3A_1807 = arith.constant 0 : i32
    %dma_wait3A_1808 = tpu.memref_slice %arg3[%dma_wait3A_1806, %dma_wait3A_1807] : memref<128x12800xf32, #tpu.memory_space<vmem>> -> memref<1x12800xf32, #tpu.memory_space<vmem>>
    %dma_wait3A_1809 = tpu.memref_squeeze %dma_wait3A_1808 : memref<1x12800xf32, #tpu.memory_space<vmem>> -> memref<12800xf32, #tpu.memory_space<vmem>>
    %dma_wait3A_1810 = tpu.memref_slice %arg1[%mul3A_1805] : memref<52428800xf32, #tpu.memory_space<any>> -> memref<12800xf32, #tpu.memory_space<any>>
    tpu.wait_dma2 semaphore(%arg4 : memref<!tpu.dma_semaphore, #tpu.memory_space<semaphore_mem>>) src(%dma_wait3A_1810 : memref<12800xf32, #tpu.memory_space<any>>) dst(%dma_wait3A_1809 : memref<12800xf32, #tpu.memory_space<vmem>>)
    %mul3A_1811 = arith.constant 128 : i32
    %mul3A_1812 = arith.muli %arg0, %mul3A_1811 : i32
    %add3A_1813 = arith.constant 37 : i32
    %add3A_1814 = arith.addi %mul3A_1812, %add3A_1813 : i32
    %mul3A_1815 = arith.constant 12800 : i32
    %mul3A_1816 = arith.muli %add3A_1814, %mul3A_1815 : i32
    %dma_wait3A_1817 = arith.constant 37 : i32
    %dma_wait3A_1818 = arith.constant 0 : i32
    %dma_wait3A_1819 = tpu.memref_slice %arg3[%dma_wait3A_1817, %dma_wait3A_1818] : memref<128x12800xf32, #tpu.memory_space<vmem>> -> memref<1x12800xf32, #tpu.memory_space<vmem>>
    %dma_wait3A_1820 = tpu.memref_squeeze %dma_wait3A_1819 : memref<1x12800xf32, #tpu.memory_space<vmem>> -> memref<12800xf32, #tpu.memory_space<vmem>>
    %dma_wait3A_1821 = tpu.memref_slice %arg1[%mul3A_1816] : memref<52428800xf32, #tpu.memory_space<any>> -> memref<12800xf32, #tpu.memory_space<any>>
    tpu.wait_dma2 semaphore(%arg4 : memref<!tpu.dma_semaphore, #tpu.memory_space<semaphore_mem>>) src(%dma_wait3A_1821 : memref<12800xf32, #tpu.memory_space<any>>) dst(%dma_wait3A_1820 : memref<12800xf32, #tpu.memory_space<vmem>>)
    %mul3A_1822 = arith.constant 128 : i32
    %mul3A_1823 = arith.muli %arg0, %mul3A_1822 : i32
    %add3A_1824 = arith.constant 38 : i32
    %add3A_1825 = arith.addi %mul3A_1823, %add3A_1824 : i32
    %mul3A_1826 = arith.constant 12800 : i32
    %mul3A_1827 = arith.muli %add3A_1825, %mul3A_1826 : i32
    %dma_wait3A_1828 = arith.constant 38 : i32
    %dma_wait3A_1829 = arith.constant 0 : i32
    %dma_wait3A_1830 = tpu.memref_slice %arg3[%dma_wait3A_1828, %dma_wait3A_1829] : memref<128x12800xf32, #tpu.memory_space<vmem>> -> memref<1x12800xf32, #tpu.memory_space<vmem>>
    %dma_wait3A_1831 = tpu.memref_squeeze %dma_wait3A_1830 : memref<1x12800xf32, #tpu.memory_space<vmem>> -> memref<12800xf32, #tpu.memory_space<vmem>>
    %dma_wait3A_1832 = tpu.memref_slice %arg1[%mul3A_1827] : memref<52428800xf32, #tpu.memory_space<any>> -> memref<12800xf32, #tpu.memory_space<any>>
    tpu.wait_dma2 semaphore(%arg4 : memref<!tpu.dma_semaphore, #tpu.memory_space<semaphore_mem>>) src(%dma_wait3A_1832 : memref<12800xf32, #tpu.memory_space<any>>) dst(%dma_wait3A_1831 : memref<12800xf32, #tpu.memory_space<vmem>>)
    %mul3A_1833 = arith.constant 128 : i32
    %mul3A_1834 = arith.muli %arg0, %mul3A_1833 : i32
    %add3A_1835 = arith.constant 39 : i32
    %add3A_1836 = arith.addi %mul3A_1834, %add3A_1835 : i32
    %mul3A_1837 = arith.constant 12800 : i32
    %mul3A_1838 = arith.muli %add3A_1836, %mul3A_1837 : i32
    %dma_wait3A_1839 = arith.constant 39 : i32
    %dma_wait3A_1840 = arith.constant 0 : i32
    %dma_wait3A_1841 = tpu.memref_slice %arg3[%dma_wait3A_1839, %dma_wait3A_1840] : memref<128x12800xf32, #tpu.memory_space<vmem>> -> memref<1x12800xf32, #tpu.memory_space<vmem>>
    %dma_wait3A_1842 = tpu.memref_squeeze %dma_wait3A_1841 : memref<1x12800xf32, #tpu.memory_space<vmem>> -> memref<12800xf32, #tpu.memory_space<vmem>>
    %dma_wait3A_1843 = tpu.memref_slice %arg1[%mul3A_1838] : memref<52428800xf32, #tpu.memory_space<any>> -> memref<12800xf32, #tpu.memory_space<any>>
    tpu.wait_dma2 semaphore(%arg4 : memref<!tpu.dma_semaphore, #tpu.memory_space<semaphore_mem>>) src(%dma_wait3A_1843 : memref<12800xf32, #tpu.memory_space<any>>) dst(%dma_wait3A_1842 : memref<12800xf32, #tpu.memory_space<vmem>>)
    %mul3A_1844 = arith.constant 128 : i32
    %mul3A_1845 = arith.muli %arg0, %mul3A_1844 : i32
    %add3A_1846 = arith.constant 40 : i32
    %add3A_1847 = arith.addi %mul3A_1845, %add3A_1846 : i32
    %mul3A_1848 = arith.constant 12800 : i32
    %mul3A_1849 = arith.muli %add3A_1847, %mul3A_1848 : i32
    %dma_wait3A_1850 = arith.constant 40 : i32
    %dma_wait3A_1851 = arith.constant 0 : i32
    %dma_wait3A_1852 = tpu.memref_slice %arg3[%dma_wait3A_1850, %dma_wait3A_1851] : memref<128x12800xf32, #tpu.memory_space<vmem>> -> memref<1x12800xf32, #tpu.memory_space<vmem>>
    %dma_wait3A_1853 = tpu.memref_squeeze %dma_wait3A_1852 : memref<1x12800xf32, #tpu.memory_space<vmem>> -> memref<12800xf32, #tpu.memory_space<vmem>>
    %dma_wait3A_1854 = tpu.memref_slice %arg1[%mul3A_1849] : memref<52428800xf32, #tpu.memory_space<any>> -> memref<12800xf32, #tpu.memory_space<any>>
    tpu.wait_dma2 semaphore(%arg4 : memref<!tpu.dma_semaphore, #tpu.memory_space<semaphore_mem>>) src(%dma_wait3A_1854 : memref<12800xf32, #tpu.memory_space<any>>) dst(%dma_wait3A_1853 : memref<12800xf32, #tpu.memory_space<vmem>>)
    %mul3A_1855 = arith.constant 128 : i32
    %mul3A_1856 = arith.muli %arg0, %mul3A_1855 : i32
    %add3A_1857 = arith.constant 41 : i32
    %add3A_1858 = arith.addi %mul3A_1856, %add3A_1857 : i32
    %mul3A_1859 = arith.constant 12800 : i32
    %mul3A_1860 = arith.muli %add3A_1858, %mul3A_1859 : i32
    %dma_wait3A_1861 = arith.constant 41 : i32
    %dma_wait3A_1862 = arith.constant 0 : i32
    %dma_wait3A_1863 = tpu.memref_slice %arg3[%dma_wait3A_1861, %dma_wait3A_1862] : memref<128x12800xf32, #tpu.memory_space<vmem>> -> memref<1x12800xf32, #tpu.memory_space<vmem>>
    %dma_wait3A_1864 = tpu.memref_squeeze %dma_wait3A_1863 : memref<1x12800xf32, #tpu.memory_space<vmem>> -> memref<12800xf32, #tpu.memory_space<vmem>>
    %dma_wait3A_1865 = tpu.memref_slice %arg1[%mul3A_1860] : memref<52428800xf32, #tpu.memory_space<any>> -> memref<12800xf32, #tpu.memory_space<any>>
    tpu.wait_dma2 semaphore(%arg4 : memref<!tpu.dma_semaphore, #tpu.memory_space<semaphore_mem>>) src(%dma_wait3A_1865 : memref<12800xf32, #tpu.memory_space<any>>) dst(%dma_wait3A_1864 : memref<12800xf32, #tpu.memory_space<vmem>>)
    %mul3A_1866 = arith.constant 128 : i32
    %mul3A_1867 = arith.muli %arg0, %mul3A_1866 : i32
    %add3A_1868 = arith.constant 42 : i32
    %add3A_1869 = arith.addi %mul3A_1867, %add3A_1868 : i32
    %mul3A_1870 = arith.constant 12800 : i32
    %mul3A_1871 = arith.muli %add3A_1869, %mul3A_1870 : i32
    %dma_wait3A_1872 = arith.constant 42 : i32
    %dma_wait3A_1873 = arith.constant 0 : i32
    %dma_wait3A_1874 = tpu.memref_slice %arg3[%dma_wait3A_1872, %dma_wait3A_1873] : memref<128x12800xf32, #tpu.memory_space<vmem>> -> memref<1x12800xf32, #tpu.memory_space<vmem>>
    %dma_wait3A_1875 = tpu.memref_squeeze %dma_wait3A_1874 : memref<1x12800xf32, #tpu.memory_space<vmem>> -> memref<12800xf32, #tpu.memory_space<vmem>>
    %dma_wait3A_1876 = tpu.memref_slice %arg1[%mul3A_1871] : memref<52428800xf32, #tpu.memory_space<any>> -> memref<12800xf32, #tpu.memory_space<any>>
    tpu.wait_dma2 semaphore(%arg4 : memref<!tpu.dma_semaphore, #tpu.memory_space<semaphore_mem>>) src(%dma_wait3A_1876 : memref<12800xf32, #tpu.memory_space<any>>) dst(%dma_wait3A_1875 : memref<12800xf32, #tpu.memory_space<vmem>>)
    %mul3A_1877 = arith.constant 128 : i32
    %mul3A_1878 = arith.muli %arg0, %mul3A_1877 : i32
    %add3A_1879 = arith.constant 43 : i32
    %add3A_1880 = arith.addi %mul3A_1878, %add3A_1879 : i32
    %mul3A_1881 = arith.constant 12800 : i32
    %mul3A_1882 = arith.muli %add3A_1880, %mul3A_1881 : i32
    %dma_wait3A_1883 = arith.constant 43 : i32
    %dma_wait3A_1884 = arith.constant 0 : i32
    %dma_wait3A_1885 = tpu.memref_slice %arg3[%dma_wait3A_1883, %dma_wait3A_1884] : memref<128x12800xf32, #tpu.memory_space<vmem>> -> memref<1x12800xf32, #tpu.memory_space<vmem>>
    %dma_wait3A_1886 = tpu.memref_squeeze %dma_wait3A_1885 : memref<1x12800xf32, #tpu.memory_space<vmem>> -> memref<12800xf32, #tpu.memory_space<vmem>>
    %dma_wait3A_1887 = tpu.memref_slice %arg1[%mul3A_1882] : memref<52428800xf32, #tpu.memory_space<any>> -> memref<12800xf32, #tpu.memory_space<any>>
    tpu.wait_dma2 semaphore(%arg4 : memref<!tpu.dma_semaphore, #tpu.memory_space<semaphore_mem>>) src(%dma_wait3A_1887 : memref<12800xf32, #tpu.memory_space<any>>) dst(%dma_wait3A_1886 : memref<12800xf32, #tpu.memory_space<vmem>>)
    %mul3A_1888 = arith.constant 128 : i32
    %mul3A_1889 = arith.muli %arg0, %mul3A_1888 : i32
    %add3A_1890 = arith.constant 44 : i32
    %add3A_1891 = arith.addi %mul3A_1889, %add3A_1890 : i32
    %mul3A_1892 = arith.constant 12800 : i32
    %mul3A_1893 = arith.muli %add3A_1891, %mul3A_1892 : i32
    %dma_wait3A_1894 = arith.constant 44 : i32
    %dma_wait3A_1895 = arith.constant 0 : i32
    %dma_wait3A_1896 = tpu.memref_slice %arg3[%dma_wait3A_1894, %dma_wait3A_1895] : memref<128x12800xf32, #tpu.memory_space<vmem>> -> memref<1x12800xf32, #tpu.memory_space<vmem>>
    %dma_wait3A_1897 = tpu.memref_squeeze %dma_wait3A_1896 : memref<1x12800xf32, #tpu.memory_space<vmem>> -> memref<12800xf32, #tpu.memory_space<vmem>>
    %dma_wait3A_1898 = tpu.memref_slice %arg1[%mul3A_1893] : memref<52428800xf32, #tpu.memory_space<any>> -> memref<12800xf32, #tpu.memory_space<any>>
    tpu.wait_dma2 semaphore(%arg4 : memref<!tpu.dma_semaphore, #tpu.memory_space<semaphore_mem>>) src(%dma_wait3A_1898 : memref<12800xf32, #tpu.memory_space<any>>) dst(%dma_wait3A_1897 : memref<12800xf32, #tpu.memory_space<vmem>>)
    %mul3A_1899 = arith.constant 128 : i32
    %mul3A_1900 = arith.muli %arg0, %mul3A_1899 : i32
    %add3A_1901 = arith.constant 45 : i32
    %add3A_1902 = arith.addi %mul3A_1900, %add3A_1901 : i32
    %mul3A_1903 = arith.constant 12800 : i32
    %mul3A_1904 = arith.muli %add3A_1902, %mul3A_1903 : i32
    %dma_wait3A_1905 = arith.constant 45 : i32
    %dma_wait3A_1906 = arith.constant 0 : i32
    %dma_wait3A_1907 = tpu.memref_slice %arg3[%dma_wait3A_1905, %dma_wait3A_1906] : memref<128x12800xf32, #tpu.memory_space<vmem>> -> memref<1x12800xf32, #tpu.memory_space<vmem>>
    %dma_wait3A_1908 = tpu.memref_squeeze %dma_wait3A_1907 : memref<1x12800xf32, #tpu.memory_space<vmem>> -> memref<12800xf32, #tpu.memory_space<vmem>>
    %dma_wait3A_1909 = tpu.memref_slice %arg1[%mul3A_1904] : memref<52428800xf32, #tpu.memory_space<any>> -> memref<12800xf32, #tpu.memory_space<any>>
    tpu.wait_dma2 semaphore(%arg4 : memref<!tpu.dma_semaphore, #tpu.memory_space<semaphore_mem>>) src(%dma_wait3A_1909 : memref<12800xf32, #tpu.memory_space<any>>) dst(%dma_wait3A_1908 : memref<12800xf32, #tpu.memory_space<vmem>>)
    %mul3A_1910 = arith.constant 128 : i32
    %mul3A_1911 = arith.muli %arg0, %mul3A_1910 : i32
    %add3A_1912 = arith.constant 46 : i32
    %add3A_1913 = arith.addi %mul3A_1911, %add3A_1912 : i32
    %mul3A_1914 = arith.constant 12800 : i32
    %mul3A_1915 = arith.muli %add3A_1913, %mul3A_1914 : i32
    %dma_wait3A_1916 = arith.constant 46 : i32
    %dma_wait3A_1917 = arith.constant 0 : i32
    %dma_wait3A_1918 = tpu.memref_slice %arg3[%dma_wait3A_1916, %dma_wait3A_1917] : memref<128x12800xf32, #tpu.memory_space<vmem>> -> memref<1x12800xf32, #tpu.memory_space<vmem>>
    %dma_wait3A_1919 = tpu.memref_squeeze %dma_wait3A_1918 : memref<1x12800xf32, #tpu.memory_space<vmem>> -> memref<12800xf32, #tpu.memory_space<vmem>>
    %dma_wait3A_1920 = tpu.memref_slice %arg1[%mul3A_1915] : memref<52428800xf32, #tpu.memory_space<any>> -> memref<12800xf32, #tpu.memory_space<any>>
    tpu.wait_dma2 semaphore(%arg4 : memref<!tpu.dma_semaphore, #tpu.memory_space<semaphore_mem>>) src(%dma_wait3A_1920 : memref<12800xf32, #tpu.memory_space<any>>) dst(%dma_wait3A_1919 : memref<12800xf32, #tpu.memory_space<vmem>>)
    %mul3A_1921 = arith.constant 128 : i32
    %mul3A_1922 = arith.muli %arg0, %mul3A_1921 : i32
    %add3A_1923 = arith.constant 47 : i32
    %add3A_1924 = arith.addi %mul3A_1922, %add3A_1923 : i32
    %mul3A_1925 = arith.constant 12800 : i32
    %mul3A_1926 = arith.muli %add3A_1924, %mul3A_1925 : i32
    %dma_wait3A_1927 = arith.constant 47 : i32
    %dma_wait3A_1928 = arith.constant 0 : i32
    %dma_wait3A_1929 = tpu.memref_slice %arg3[%dma_wait3A_1927, %dma_wait3A_1928] : memref<128x12800xf32, #tpu.memory_space<vmem>> -> memref<1x12800xf32, #tpu.memory_space<vmem>>
    %dma_wait3A_1930 = tpu.memref_squeeze %dma_wait3A_1929 : memref<1x12800xf32, #tpu.memory_space<vmem>> -> memref<12800xf32, #tpu.memory_space<vmem>>
    %dma_wait3A_1931 = tpu.memref_slice %arg1[%mul3A_1926] : memref<52428800xf32, #tpu.memory_space<any>> -> memref<12800xf32, #tpu.memory_space<any>>
    tpu.wait_dma2 semaphore(%arg4 : memref<!tpu.dma_semaphore, #tpu.memory_space<semaphore_mem>>) src(%dma_wait3A_1931 : memref<12800xf32, #tpu.memory_space<any>>) dst(%dma_wait3A_1930 : memref<12800xf32, #tpu.memory_space<vmem>>)
    %mul3A_1932 = arith.constant 128 : i32
    %mul3A_1933 = arith.muli %arg0, %mul3A_1932 : i32
    %add3A_1934 = arith.constant 48 : i32
    %add3A_1935 = arith.addi %mul3A_1933, %add3A_1934 : i32
    %mul3A_1936 = arith.constant 12800 : i32
    %mul3A_1937 = arith.muli %add3A_1935, %mul3A_1936 : i32
    %dma_wait3A_1938 = arith.constant 48 : i32
    %dma_wait3A_1939 = arith.constant 0 : i32
    %dma_wait3A_1940 = tpu.memref_slice %arg3[%dma_wait3A_1938, %dma_wait3A_1939] : memref<128x12800xf32, #tpu.memory_space<vmem>> -> memref<1x12800xf32, #tpu.memory_space<vmem>>
    %dma_wait3A_1941 = tpu.memref_squeeze %dma_wait3A_1940 : memref<1x12800xf32, #tpu.memory_space<vmem>> -> memref<12800xf32, #tpu.memory_space<vmem>>
    %dma_wait3A_1942 = tpu.memref_slice %arg1[%mul3A_1937] : memref<52428800xf32, #tpu.memory_space<any>> -> memref<12800xf32, #tpu.memory_space<any>>
    tpu.wait_dma2 semaphore(%arg4 : memref<!tpu.dma_semaphore, #tpu.memory_space<semaphore_mem>>) src(%dma_wait3A_1942 : memref<12800xf32, #tpu.memory_space<any>>) dst(%dma_wait3A_1941 : memref<12800xf32, #tpu.memory_space<vmem>>)
    %mul3A_1943 = arith.constant 128 : i32
    %mul3A_1944 = arith.muli %arg0, %mul3A_1943 : i32
    %add3A_1945 = arith.constant 49 : i32
    %add3A_1946 = arith.addi %mul3A_1944, %add3A_1945 : i32
    %mul3A_1947 = arith.constant 12800 : i32
    %mul3A_1948 = arith.muli %add3A_1946, %mul3A_1947 : i32
    %dma_wait3A_1949 = arith.constant 49 : i32
    %dma_wait3A_1950 = arith.constant 0 : i32
    %dma_wait3A_1951 = tpu.memref_slice %arg3[%dma_wait3A_1949, %dma_wait3A_1950] : memref<128x12800xf32, #tpu.memory_space<vmem>> -> memref<1x12800xf32, #tpu.memory_space<vmem>>
    %dma_wait3A_1952 = tpu.memref_squeeze %dma_wait3A_1951 : memref<1x12800xf32, #tpu.memory_space<vmem>> -> memref<12800xf32, #tpu.memory_space<vmem>>
    %dma_wait3A_1953 = tpu.memref_slice %arg1[%mul3A_1948] : memref<52428800xf32, #tpu.memory_space<any>> -> memref<12800xf32, #tpu.memory_space<any>>
    tpu.wait_dma2 semaphore(%arg4 : memref<!tpu.dma_semaphore, #tpu.memory_space<semaphore_mem>>) src(%dma_wait3A_1953 : memref<12800xf32, #tpu.memory_space<any>>) dst(%dma_wait3A_1952 : memref<12800xf32, #tpu.memory_space<vmem>>)
    %mul3A_1954 = arith.constant 128 : i32
    %mul3A_1955 = arith.muli %arg0, %mul3A_1954 : i32
    %add3A_1956 = arith.constant 50 : i32
    %add3A_1957 = arith.addi %mul3A_1955, %add3A_1956 : i32
    %mul3A_1958 = arith.constant 12800 : i32
    %mul3A_1959 = arith.muli %add3A_1957, %mul3A_1958 : i32
    %dma_wait3A_1960 = arith.constant 50 : i32
    %dma_wait3A_1961 = arith.constant 0 : i32
    %dma_wait3A_1962 = tpu.memref_slice %arg3[%dma_wait3A_1960, %dma_wait3A_1961] : memref<128x12800xf32, #tpu.memory_space<vmem>> -> memref<1x12800xf32, #tpu.memory_space<vmem>>
    %dma_wait3A_1963 = tpu.memref_squeeze %dma_wait3A_1962 : memref<1x12800xf32, #tpu.memory_space<vmem>> -> memref<12800xf32, #tpu.memory_space<vmem>>
    %dma_wait3A_1964 = tpu.memref_slice %arg1[%mul3A_1959] : memref<52428800xf32, #tpu.memory_space<any>> -> memref<12800xf32, #tpu.memory_space<any>>
    tpu.wait_dma2 semaphore(%arg4 : memref<!tpu.dma_semaphore, #tpu.memory_space<semaphore_mem>>) src(%dma_wait3A_1964 : memref<12800xf32, #tpu.memory_space<any>>) dst(%dma_wait3A_1963 : memref<12800xf32, #tpu.memory_space<vmem>>)
    %mul3A_1965 = arith.constant 128 : i32
    %mul3A_1966 = arith.muli %arg0, %mul3A_1965 : i32
    %add3A_1967 = arith.constant 51 : i32
    %add3A_1968 = arith.addi %mul3A_1966, %add3A_1967 : i32
    %mul3A_1969 = arith.constant 12800 : i32
    %mul3A_1970 = arith.muli %add3A_1968, %mul3A_1969 : i32
    %dma_wait3A_1971 = arith.constant 51 : i32
    %dma_wait3A_1972 = arith.constant 0 : i32
    %dma_wait3A_1973 = tpu.memref_slice %arg3[%dma_wait3A_1971, %dma_wait3A_1972] : memref<128x12800xf32, #tpu.memory_space<vmem>> -> memref<1x12800xf32, #tpu.memory_space<vmem>>
    %dma_wait3A_1974 = tpu.memref_squeeze %dma_wait3A_1973 : memref<1x12800xf32, #tpu.memory_space<vmem>> -> memref<12800xf32, #tpu.memory_space<vmem>>
    %dma_wait3A_1975 = tpu.memref_slice %arg1[%mul3A_1970] : memref<52428800xf32, #tpu.memory_space<any>> -> memref<12800xf32, #tpu.memory_space<any>>
    tpu.wait_dma2 semaphore(%arg4 : memref<!tpu.dma_semaphore, #tpu.memory_space<semaphore_mem>>) src(%dma_wait3A_1975 : memref<12800xf32, #tpu.memory_space<any>>) dst(%dma_wait3A_1974 : memref<12800xf32, #tpu.memory_space<vmem>>)
    %mul3A_1976 = arith.constant 128 : i32
    %mul3A_1977 = arith.muli %arg0, %mul3A_1976 : i32
    %add3A_1978 = arith.constant 52 : i32
    %add3A_1979 = arith.addi %mul3A_1977, %add3A_1978 : i32
    %mul3A_1980 = arith.constant 12800 : i32
    %mul3A_1981 = arith.muli %add3A_1979, %mul3A_1980 : i32
    %dma_wait3A_1982 = arith.constant 52 : i32
    %dma_wait3A_1983 = arith.constant 0 : i32
    %dma_wait3A_1984 = tpu.memref_slice %arg3[%dma_wait3A_1982, %dma_wait3A_1983] : memref<128x12800xf32, #tpu.memory_space<vmem>> -> memref<1x12800xf32, #tpu.memory_space<vmem>>
    %dma_wait3A_1985 = tpu.memref_squeeze %dma_wait3A_1984 : memref<1x12800xf32, #tpu.memory_space<vmem>> -> memref<12800xf32, #tpu.memory_space<vmem>>
    %dma_wait3A_1986 = tpu.memref_slice %arg1[%mul3A_1981] : memref<52428800xf32, #tpu.memory_space<any>> -> memref<12800xf32, #tpu.memory_space<any>>
    tpu.wait_dma2 semaphore(%arg4 : memref<!tpu.dma_semaphore, #tpu.memory_space<semaphore_mem>>) src(%dma_wait3A_1986 : memref<12800xf32, #tpu.memory_space<any>>) dst(%dma_wait3A_1985 : memref<12800xf32, #tpu.memory_space<vmem>>)
    %mul3A_1987 = arith.constant 128 : i32
    %mul3A_1988 = arith.muli %arg0, %mul3A_1987 : i32
    %add3A_1989 = arith.constant 53 : i32
    %add3A_1990 = arith.addi %mul3A_1988, %add3A_1989 : i32
    %mul3A_1991 = arith.constant 12800 : i32
    %mul3A_1992 = arith.muli %add3A_1990, %mul3A_1991 : i32
    %dma_wait3A_1993 = arith.constant 53 : i32
    %dma_wait3A_1994 = arith.constant 0 : i32
    %dma_wait3A_1995 = tpu.memref_slice %arg3[%dma_wait3A_1993, %dma_wait3A_1994] : memref<128x12800xf32, #tpu.memory_space<vmem>> -> memref<1x12800xf32, #tpu.memory_space<vmem>>
    %dma_wait3A_1996 = tpu.memref_squeeze %dma_wait3A_1995 : memref<1x12800xf32, #tpu.memory_space<vmem>> -> memref<12800xf32, #tpu.memory_space<vmem>>
    %dma_wait3A_1997 = tpu.memref_slice %arg1[%mul3A_1992] : memref<52428800xf32, #tpu.memory_space<any>> -> memref<12800xf32, #tpu.memory_space<any>>
    tpu.wait_dma2 semaphore(%arg4 : memref<!tpu.dma_semaphore, #tpu.memory_space<semaphore_mem>>) src(%dma_wait3A_1997 : memref<12800xf32, #tpu.memory_space<any>>) dst(%dma_wait3A_1996 : memref<12800xf32, #tpu.memory_space<vmem>>)
    %mul3A_1998 = arith.constant 128 : i32
    %mul3A_1999 = arith.muli %arg0, %mul3A_1998 : i32
    %add3A_2000 = arith.constant 54 : i32
    %add3A_2001 = arith.addi %mul3A_1999, %add3A_2000 : i32
    %mul3A_2002 = arith.constant 12800 : i32
    %mul3A_2003 = arith.muli %add3A_2001, %mul3A_2002 : i32
    %dma_wait3A_2004 = arith.constant 54 : i32
    %dma_wait3A_2005 = arith.constant 0 : i32
    %dma_wait3A_2006 = tpu.memref_slice %arg3[%dma_wait3A_2004, %dma_wait3A_2005] : memref<128x12800xf32, #tpu.memory_space<vmem>> -> memref<1x12800xf32, #tpu.memory_space<vmem>>
    %dma_wait3A_2007 = tpu.memref_squeeze %dma_wait3A_2006 : memref<1x12800xf32, #tpu.memory_space<vmem>> -> memref<12800xf32, #tpu.memory_space<vmem>>
    %dma_wait3A_2008 = tpu.memref_slice %arg1[%mul3A_2003] : memref<52428800xf32, #tpu.memory_space<any>> -> memref<12800xf32, #tpu.memory_space<any>>
    tpu.wait_dma2 semaphore(%arg4 : memref<!tpu.dma_semaphore, #tpu.memory_space<semaphore_mem>>) src(%dma_wait3A_2008 : memref<12800xf32, #tpu.memory_space<any>>) dst(%dma_wait3A_2007 : memref<12800xf32, #tpu.memory_space<vmem>>)
    %mul3A_2009 = arith.constant 128 : i32
    %mul3A_2010 = arith.muli %arg0, %mul3A_2009 : i32
    %add3A_2011 = arith.constant 55 : i32
    %add3A_2012 = arith.addi %mul3A_2010, %add3A_2011 : i32
    %mul3A_2013 = arith.constant 12800 : i32
    %mul3A_2014 = arith.muli %add3A_2012, %mul3A_2013 : i32
    %dma_wait3A_2015 = arith.constant 55 : i32
    %dma_wait3A_2016 = arith.constant 0 : i32
    %dma_wait3A_2017 = tpu.memref_slice %arg3[%dma_wait3A_2015, %dma_wait3A_2016] : memref<128x12800xf32, #tpu.memory_space<vmem>> -> memref<1x12800xf32, #tpu.memory_space<vmem>>
    %dma_wait3A_2018 = tpu.memref_squeeze %dma_wait3A_2017 : memref<1x12800xf32, #tpu.memory_space<vmem>> -> memref<12800xf32, #tpu.memory_space<vmem>>
    %dma_wait3A_2019 = tpu.memref_slice %arg1[%mul3A_2014] : memref<52428800xf32, #tpu.memory_space<any>> -> memref<12800xf32, #tpu.memory_space<any>>
    tpu.wait_dma2 semaphore(%arg4 : memref<!tpu.dma_semaphore, #tpu.memory_space<semaphore_mem>>) src(%dma_wait3A_2019 : memref<12800xf32, #tpu.memory_space<any>>) dst(%dma_wait3A_2018 : memref<12800xf32, #tpu.memory_space<vmem>>)
    %mul3A_2020 = arith.constant 128 : i32
    %mul3A_2021 = arith.muli %arg0, %mul3A_2020 : i32
    %add3A_2022 = arith.constant 56 : i32
    %add3A_2023 = arith.addi %mul3A_2021, %add3A_2022 : i32
    %mul3A_2024 = arith.constant 12800 : i32
    %mul3A_2025 = arith.muli %add3A_2023, %mul3A_2024 : i32
    %dma_wait3A_2026 = arith.constant 56 : i32
    %dma_wait3A_2027 = arith.constant 0 : i32
    %dma_wait3A_2028 = tpu.memref_slice %arg3[%dma_wait3A_2026, %dma_wait3A_2027] : memref<128x12800xf32, #tpu.memory_space<vmem>> -> memref<1x12800xf32, #tpu.memory_space<vmem>>
    %dma_wait3A_2029 = tpu.memref_squeeze %dma_wait3A_2028 : memref<1x12800xf32, #tpu.memory_space<vmem>> -> memref<12800xf32, #tpu.memory_space<vmem>>
    %dma_wait3A_2030 = tpu.memref_slice %arg1[%mul3A_2025] : memref<52428800xf32, #tpu.memory_space<any>> -> memref<12800xf32, #tpu.memory_space<any>>
    tpu.wait_dma2 semaphore(%arg4 : memref<!tpu.dma_semaphore, #tpu.memory_space<semaphore_mem>>) src(%dma_wait3A_2030 : memref<12800xf32, #tpu.memory_space<any>>) dst(%dma_wait3A_2029 : memref<12800xf32, #tpu.memory_space<vmem>>)
    %mul3A_2031 = arith.constant 128 : i32
    %mul3A_2032 = arith.muli %arg0, %mul3A_2031 : i32
    %add3A_2033 = arith.constant 57 : i32
    %add3A_2034 = arith.addi %mul3A_2032, %add3A_2033 : i32
    %mul3A_2035 = arith.constant 12800 : i32
    %mul3A_2036 = arith.muli %add3A_2034, %mul3A_2035 : i32
    %dma_wait3A_2037 = arith.constant 57 : i32
    %dma_wait3A_2038 = arith.constant 0 : i32
    %dma_wait3A_2039 = tpu.memref_slice %arg3[%dma_wait3A_2037, %dma_wait3A_2038] : memref<128x12800xf32, #tpu.memory_space<vmem>> -> memref<1x12800xf32, #tpu.memory_space<vmem>>
    %dma_wait3A_2040 = tpu.memref_squeeze %dma_wait3A_2039 : memref<1x12800xf32, #tpu.memory_space<vmem>> -> memref<12800xf32, #tpu.memory_space<vmem>>
    %dma_wait3A_2041 = tpu.memref_slice %arg1[%mul3A_2036] : memref<52428800xf32, #tpu.memory_space<any>> -> memref<12800xf32, #tpu.memory_space<any>>
    tpu.wait_dma2 semaphore(%arg4 : memref<!tpu.dma_semaphore, #tpu.memory_space<semaphore_mem>>) src(%dma_wait3A_2041 : memref<12800xf32, #tpu.memory_space<any>>) dst(%dma_wait3A_2040 : memref<12800xf32, #tpu.memory_space<vmem>>)
    %mul3A_2042 = arith.constant 128 : i32
    %mul3A_2043 = arith.muli %arg0, %mul3A_2042 : i32
    %add3A_2044 = arith.constant 58 : i32
    %add3A_2045 = arith.addi %mul3A_2043, %add3A_2044 : i32
    %mul3A_2046 = arith.constant 12800 : i32
    %mul3A_2047 = arith.muli %add3A_2045, %mul3A_2046 : i32
    %dma_wait3A_2048 = arith.constant 58 : i32
    %dma_wait3A_2049 = arith.constant 0 : i32
    %dma_wait3A_2050 = tpu.memref_slice %arg3[%dma_wait3A_2048, %dma_wait3A_2049] : memref<128x12800xf32, #tpu.memory_space<vmem>> -> memref<1x12800xf32, #tpu.memory_space<vmem>>
    %dma_wait3A_2051 = tpu.memref_squeeze %dma_wait3A_2050 : memref<1x12800xf32, #tpu.memory_space<vmem>> -> memref<12800xf32, #tpu.memory_space<vmem>>
    %dma_wait3A_2052 = tpu.memref_slice %arg1[%mul3A_2047] : memref<52428800xf32, #tpu.memory_space<any>> -> memref<12800xf32, #tpu.memory_space<any>>
    tpu.wait_dma2 semaphore(%arg4 : memref<!tpu.dma_semaphore, #tpu.memory_space<semaphore_mem>>) src(%dma_wait3A_2052 : memref<12800xf32, #tpu.memory_space<any>>) dst(%dma_wait3A_2051 : memref<12800xf32, #tpu.memory_space<vmem>>)
    %mul3A_2053 = arith.constant 128 : i32
    %mul3A_2054 = arith.muli %arg0, %mul3A_2053 : i32
    %add3A_2055 = arith.constant 59 : i32
    %add3A_2056 = arith.addi %mul3A_2054, %add3A_2055 : i32
    %mul3A_2057 = arith.constant 12800 : i32
    %mul3A_2058 = arith.muli %add3A_2056, %mul3A_2057 : i32
    %dma_wait3A_2059 = arith.constant 59 : i32
    %dma_wait3A_2060 = arith.constant 0 : i32
    %dma_wait3A_2061 = tpu.memref_slice %arg3[%dma_wait3A_2059, %dma_wait3A_2060] : memref<128x12800xf32, #tpu.memory_space<vmem>> -> memref<1x12800xf32, #tpu.memory_space<vmem>>
    %dma_wait3A_2062 = tpu.memref_squeeze %dma_wait3A_2061 : memref<1x12800xf32, #tpu.memory_space<vmem>> -> memref<12800xf32, #tpu.memory_space<vmem>>
    %dma_wait3A_2063 = tpu.memref_slice %arg1[%mul3A_2058] : memref<52428800xf32, #tpu.memory_space<any>> -> memref<12800xf32, #tpu.memory_space<any>>
    tpu.wait_dma2 semaphore(%arg4 : memref<!tpu.dma_semaphore, #tpu.memory_space<semaphore_mem>>) src(%dma_wait3A_2063 : memref<12800xf32, #tpu.memory_space<any>>) dst(%dma_wait3A_2062 : memref<12800xf32, #tpu.memory_space<vmem>>)
    %mul3A_2064 = arith.constant 128 : i32
    %mul3A_2065 = arith.muli %arg0, %mul3A_2064 : i32
    %add3A_2066 = arith.constant 60 : i32
    %add3A_2067 = arith.addi %mul3A_2065, %add3A_2066 : i32
    %mul3A_2068 = arith.constant 12800 : i32
    %mul3A_2069 = arith.muli %add3A_2067, %mul3A_2068 : i32
    %dma_wait3A_2070 = arith.constant 60 : i32
    %dma_wait3A_2071 = arith.constant 0 : i32
    %dma_wait3A_2072 = tpu.memref_slice %arg3[%dma_wait3A_2070, %dma_wait3A_2071] : memref<128x12800xf32, #tpu.memory_space<vmem>> -> memref<1x12800xf32, #tpu.memory_space<vmem>>
    %dma_wait3A_2073 = tpu.memref_squeeze %dma_wait3A_2072 : memref<1x12800xf32, #tpu.memory_space<vmem>> -> memref<12800xf32, #tpu.memory_space<vmem>>
    %dma_wait3A_2074 = tpu.memref_slice %arg1[%mul3A_2069] : memref<52428800xf32, #tpu.memory_space<any>> -> memref<12800xf32, #tpu.memory_space<any>>
    tpu.wait_dma2 semaphore(%arg4 : memref<!tpu.dma_semaphore, #tpu.memory_space<semaphore_mem>>) src(%dma_wait3A_2074 : memref<12800xf32, #tpu.memory_space<any>>) dst(%dma_wait3A_2073 : memref<12800xf32, #tpu.memory_space<vmem>>)
    %mul3A_2075 = arith.constant 128 : i32
    %mul3A_2076 = arith.muli %arg0, %mul3A_2075 : i32
    %add3A_2077 = arith.constant 61 : i32
    %add3A_2078 = arith.addi %mul3A_2076, %add3A_2077 : i32
    %mul3A_2079 = arith.constant 12800 : i32
    %mul3A_2080 = arith.muli %add3A_2078, %mul3A_2079 : i32
    %dma_wait3A_2081 = arith.constant 61 : i32
    %dma_wait3A_2082 = arith.constant 0 : i32
    %dma_wait3A_2083 = tpu.memref_slice %arg3[%dma_wait3A_2081, %dma_wait3A_2082] : memref<128x12800xf32, #tpu.memory_space<vmem>> -> memref<1x12800xf32, #tpu.memory_space<vmem>>
    %dma_wait3A_2084 = tpu.memref_squeeze %dma_wait3A_2083 : memref<1x12800xf32, #tpu.memory_space<vmem>> -> memref<12800xf32, #tpu.memory_space<vmem>>
    %dma_wait3A_2085 = tpu.memref_slice %arg1[%mul3A_2080] : memref<52428800xf32, #tpu.memory_space<any>> -> memref<12800xf32, #tpu.memory_space<any>>
    tpu.wait_dma2 semaphore(%arg4 : memref<!tpu.dma_semaphore, #tpu.memory_space<semaphore_mem>>) src(%dma_wait3A_2085 : memref<12800xf32, #tpu.memory_space<any>>) dst(%dma_wait3A_2084 : memref<12800xf32, #tpu.memory_space<vmem>>)
    %mul3A_2086 = arith.constant 128 : i32
    %mul3A_2087 = arith.muli %arg0, %mul3A_2086 : i32
    %add3A_2088 = arith.constant 62 : i32
    %add3A_2089 = arith.addi %mul3A_2087, %add3A_2088 : i32
    %mul3A_2090 = arith.constant 12800 : i32
    %mul3A_2091 = arith.muli %add3A_2089, %mul3A_2090 : i32
    %dma_wait3A_2092 = arith.constant 62 : i32
    %dma_wait3A_2093 = arith.constant 0 : i32
    %dma_wait3A_2094 = tpu.memref_slice %arg3[%dma_wait3A_2092, %dma_wait3A_2093] : memref<128x12800xf32, #tpu.memory_space<vmem>> -> memref<1x12800xf32, #tpu.memory_space<vmem>>
    %dma_wait3A_2095 = tpu.memref_squeeze %dma_wait3A_2094 : memref<1x12800xf32, #tpu.memory_space<vmem>> -> memref<12800xf32, #tpu.memory_space<vmem>>
    %dma_wait3A_2096 = tpu.memref_slice %arg1[%mul3A_2091] : memref<52428800xf32, #tpu.memory_space<any>> -> memref<12800xf32, #tpu.memory_space<any>>
    tpu.wait_dma2 semaphore(%arg4 : memref<!tpu.dma_semaphore, #tpu.memory_space<semaphore_mem>>) src(%dma_wait3A_2096 : memref<12800xf32, #tpu.memory_space<any>>) dst(%dma_wait3A_2095 : memref<12800xf32, #tpu.memory_space<vmem>>)
    %mul3A_2097 = arith.constant 128 : i32
    %mul3A_2098 = arith.muli %arg0, %mul3A_2097 : i32
    %add3A_2099 = arith.constant 63 : i32
    %add3A_2100 = arith.addi %mul3A_2098, %add3A_2099 : i32
    %mul3A_2101 = arith.constant 12800 : i32
    %mul3A_2102 = arith.muli %add3A_2100, %mul3A_2101 : i32
    %dma_wait3A_2103 = arith.constant 63 : i32
    %dma_wait3A_2104 = arith.constant 0 : i32
    %dma_wait3A_2105 = tpu.memref_slice %arg3[%dma_wait3A_2103, %dma_wait3A_2104] : memref<128x12800xf32, #tpu.memory_space<vmem>> -> memref<1x12800xf32, #tpu.memory_space<vmem>>
    %dma_wait3A_2106 = tpu.memref_squeeze %dma_wait3A_2105 : memref<1x12800xf32, #tpu.memory_space<vmem>> -> memref<12800xf32, #tpu.memory_space<vmem>>
    %dma_wait3A_2107 = tpu.memref_slice %arg1[%mul3A_2102] : memref<52428800xf32, #tpu.memory_space<any>> -> memref<12800xf32, #tpu.memory_space<any>>
    tpu.wait_dma2 semaphore(%arg4 : memref<!tpu.dma_semaphore, #tpu.memory_space<semaphore_mem>>) src(%dma_wait3A_2107 : memref<12800xf32, #tpu.memory_space<any>>) dst(%dma_wait3A_2106 : memref<12800xf32, #tpu.memory_space<vmem>>)
    %mul3A_2108 = arith.constant 128 : i32
    %mul3A_2109 = arith.muli %arg0, %mul3A_2108 : i32
    %add3A_2110 = arith.constant 64 : i32
    %add3A_2111 = arith.addi %mul3A_2109, %add3A_2110 : i32
    %mul3A_2112 = arith.constant 12800 : i32
    %mul3A_2113 = arith.muli %add3A_2111, %mul3A_2112 : i32
    %dma_wait3A_2114 = arith.constant 64 : i32
    %dma_wait3A_2115 = arith.constant 0 : i32
    %dma_wait3A_2116 = tpu.memref_slice %arg3[%dma_wait3A_2114, %dma_wait3A_2115] : memref<128x12800xf32, #tpu.memory_space<vmem>> -> memref<1x12800xf32, #tpu.memory_space<vmem>>
    %dma_wait3A_2117 = tpu.memref_squeeze %dma_wait3A_2116 : memref<1x12800xf32, #tpu.memory_space<vmem>> -> memref<12800xf32, #tpu.memory_space<vmem>>
    %dma_wait3A_2118 = tpu.memref_slice %arg1[%mul3A_2113] : memref<52428800xf32, #tpu.memory_space<any>> -> memref<12800xf32, #tpu.memory_space<any>>
    tpu.wait_dma2 semaphore(%arg4 : memref<!tpu.dma_semaphore, #tpu.memory_space<semaphore_mem>>) src(%dma_wait3A_2118 : memref<12800xf32, #tpu.memory_space<any>>) dst(%dma_wait3A_2117 : memref<12800xf32, #tpu.memory_space<vmem>>)
    %mul3A_2119 = arith.constant 128 : i32
    %mul3A_2120 = arith.muli %arg0, %mul3A_2119 : i32
    %add3A_2121 = arith.constant 65 : i32
    %add3A_2122 = arith.addi %mul3A_2120, %add3A_2121 : i32
    %mul3A_2123 = arith.constant 12800 : i32
    %mul3A_2124 = arith.muli %add3A_2122, %mul3A_2123 : i32
    %dma_wait3A_2125 = arith.constant 65 : i32
    %dma_wait3A_2126 = arith.constant 0 : i32
    %dma_wait3A_2127 = tpu.memref_slice %arg3[%dma_wait3A_2125, %dma_wait3A_2126] : memref<128x12800xf32, #tpu.memory_space<vmem>> -> memref<1x12800xf32, #tpu.memory_space<vmem>>
    %dma_wait3A_2128 = tpu.memref_squeeze %dma_wait3A_2127 : memref<1x12800xf32, #tpu.memory_space<vmem>> -> memref<12800xf32, #tpu.memory_space<vmem>>
    %dma_wait3A_2129 = tpu.memref_slice %arg1[%mul3A_2124] : memref<52428800xf32, #tpu.memory_space<any>> -> memref<12800xf32, #tpu.memory_space<any>>
    tpu.wait_dma2 semaphore(%arg4 : memref<!tpu.dma_semaphore, #tpu.memory_space<semaphore_mem>>) src(%dma_wait3A_2129 : memref<12800xf32, #tpu.memory_space<any>>) dst(%dma_wait3A_2128 : memref<12800xf32, #tpu.memory_space<vmem>>)
    %mul3A_2130 = arith.constant 128 : i32
    %mul3A_2131 = arith.muli %arg0, %mul3A_2130 : i32
    %add3A_2132 = arith.constant 66 : i32
    %add3A_2133 = arith.addi %mul3A_2131, %add3A_2132 : i32
    %mul3A_2134 = arith.constant 12800 : i32
    %mul3A_2135 = arith.muli %add3A_2133, %mul3A_2134 : i32
    %dma_wait3A_2136 = arith.constant 66 : i32
    %dma_wait3A_2137 = arith.constant 0 : i32
    %dma_wait3A_2138 = tpu.memref_slice %arg3[%dma_wait3A_2136, %dma_wait3A_2137] : memref<128x12800xf32, #tpu.memory_space<vmem>> -> memref<1x12800xf32, #tpu.memory_space<vmem>>
    %dma_wait3A_2139 = tpu.memref_squeeze %dma_wait3A_2138 : memref<1x12800xf32, #tpu.memory_space<vmem>> -> memref<12800xf32, #tpu.memory_space<vmem>>
    %dma_wait3A_2140 = tpu.memref_slice %arg1[%mul3A_2135] : memref<52428800xf32, #tpu.memory_space<any>> -> memref<12800xf32, #tpu.memory_space<any>>
    tpu.wait_dma2 semaphore(%arg4 : memref<!tpu.dma_semaphore, #tpu.memory_space<semaphore_mem>>) src(%dma_wait3A_2140 : memref<12800xf32, #tpu.memory_space<any>>) dst(%dma_wait3A_2139 : memref<12800xf32, #tpu.memory_space<vmem>>)
    %mul3A_2141 = arith.constant 128 : i32
    %mul3A_2142 = arith.muli %arg0, %mul3A_2141 : i32
    %add3A_2143 = arith.constant 67 : i32
    %add3A_2144 = arith.addi %mul3A_2142, %add3A_2143 : i32
    %mul3A_2145 = arith.constant 12800 : i32
    %mul3A_2146 = arith.muli %add3A_2144, %mul3A_2145 : i32
    %dma_wait3A_2147 = arith.constant 67 : i32
    %dma_wait3A_2148 = arith.constant 0 : i32
    %dma_wait3A_2149 = tpu.memref_slice %arg3[%dma_wait3A_2147, %dma_wait3A_2148] : memref<128x12800xf32, #tpu.memory_space<vmem>> -> memref<1x12800xf32, #tpu.memory_space<vmem>>
    %dma_wait3A_2150 = tpu.memref_squeeze %dma_wait3A_2149 : memref<1x12800xf32, #tpu.memory_space<vmem>> -> memref<12800xf32, #tpu.memory_space<vmem>>
    %dma_wait3A_2151 = tpu.memref_slice %arg1[%mul3A_2146] : memref<52428800xf32, #tpu.memory_space<any>> -> memref<12800xf32, #tpu.memory_space<any>>
    tpu.wait_dma2 semaphore(%arg4 : memref<!tpu.dma_semaphore, #tpu.memory_space<semaphore_mem>>) src(%dma_wait3A_2151 : memref<12800xf32, #tpu.memory_space<any>>) dst(%dma_wait3A_2150 : memref<12800xf32, #tpu.memory_space<vmem>>)
    %mul3A_2152 = arith.constant 128 : i32
    %mul3A_2153 = arith.muli %arg0, %mul3A_2152 : i32
    %add3A_2154 = arith.constant 68 : i32
    %add3A_2155 = arith.addi %mul3A_2153, %add3A_2154 : i32
    %mul3A_2156 = arith.constant 12800 : i32
    %mul3A_2157 = arith.muli %add3A_2155, %mul3A_2156 : i32
    %dma_wait3A_2158 = arith.constant 68 : i32
    %dma_wait3A_2159 = arith.constant 0 : i32
    %dma_wait3A_2160 = tpu.memref_slice %arg3[%dma_wait3A_2158, %dma_wait3A_2159] : memref<128x12800xf32, #tpu.memory_space<vmem>> -> memref<1x12800xf32, #tpu.memory_space<vmem>>
    %dma_wait3A_2161 = tpu.memref_squeeze %dma_wait3A_2160 : memref<1x12800xf32, #tpu.memory_space<vmem>> -> memref<12800xf32, #tpu.memory_space<vmem>>
    %dma_wait3A_2162 = tpu.memref_slice %arg1[%mul3A_2157] : memref<52428800xf32, #tpu.memory_space<any>> -> memref<12800xf32, #tpu.memory_space<any>>
    tpu.wait_dma2 semaphore(%arg4 : memref<!tpu.dma_semaphore, #tpu.memory_space<semaphore_mem>>) src(%dma_wait3A_2162 : memref<12800xf32, #tpu.memory_space<any>>) dst(%dma_wait3A_2161 : memref<12800xf32, #tpu.memory_space<vmem>>)
    %mul3A_2163 = arith.constant 128 : i32
    %mul3A_2164 = arith.muli %arg0, %mul3A_2163 : i32
    %add3A_2165 = arith.constant 69 : i32
    %add3A_2166 = arith.addi %mul3A_2164, %add3A_2165 : i32
    %mul3A_2167 = arith.constant 12800 : i32
    %mul3A_2168 = arith.muli %add3A_2166, %mul3A_2167 : i32
    %dma_wait3A_2169 = arith.constant 69 : i32
    %dma_wait3A_2170 = arith.constant 0 : i32
    %dma_wait3A_2171 = tpu.memref_slice %arg3[%dma_wait3A_2169, %dma_wait3A_2170] : memref<128x12800xf32, #tpu.memory_space<vmem>> -> memref<1x12800xf32, #tpu.memory_space<vmem>>
    %dma_wait3A_2172 = tpu.memref_squeeze %dma_wait3A_2171 : memref<1x12800xf32, #tpu.memory_space<vmem>> -> memref<12800xf32, #tpu.memory_space<vmem>>
    %dma_wait3A_2173 = tpu.memref_slice %arg1[%mul3A_2168] : memref<52428800xf32, #tpu.memory_space<any>> -> memref<12800xf32, #tpu.memory_space<any>>
    tpu.wait_dma2 semaphore(%arg4 : memref<!tpu.dma_semaphore, #tpu.memory_space<semaphore_mem>>) src(%dma_wait3A_2173 : memref<12800xf32, #tpu.memory_space<any>>) dst(%dma_wait3A_2172 : memref<12800xf32, #tpu.memory_space<vmem>>)
    %mul3A_2174 = arith.constant 128 : i32
    %mul3A_2175 = arith.muli %arg0, %mul3A_2174 : i32
    %add3A_2176 = arith.constant 70 : i32
    %add3A_2177 = arith.addi %mul3A_2175, %add3A_2176 : i32
    %mul3A_2178 = arith.constant 12800 : i32
    %mul3A_2179 = arith.muli %add3A_2177, %mul3A_2178 : i32
    %dma_wait3A_2180 = arith.constant 70 : i32
    %dma_wait3A_2181 = arith.constant 0 : i32
    %dma_wait3A_2182 = tpu.memref_slice %arg3[%dma_wait3A_2180, %dma_wait3A_2181] : memref<128x12800xf32, #tpu.memory_space<vmem>> -> memref<1x12800xf32, #tpu.memory_space<vmem>>
    %dma_wait3A_2183 = tpu.memref_squeeze %dma_wait3A_2182 : memref<1x12800xf32, #tpu.memory_space<vmem>> -> memref<12800xf32, #tpu.memory_space<vmem>>
    %dma_wait3A_2184 = tpu.memref_slice %arg1[%mul3A_2179] : memref<52428800xf32, #tpu.memory_space<any>> -> memref<12800xf32, #tpu.memory_space<any>>
    tpu.wait_dma2 semaphore(%arg4 : memref<!tpu.dma_semaphore, #tpu.memory_space<semaphore_mem>>) src(%dma_wait3A_2184 : memref<12800xf32, #tpu.memory_space<any>>) dst(%dma_wait3A_2183 : memref<12800xf32, #tpu.memory_space<vmem>>)
    %mul3A_2185 = arith.constant 128 : i32
    %mul3A_2186 = arith.muli %arg0, %mul3A_2185 : i32
    %add3A_2187 = arith.constant 71 : i32
    %add3A_2188 = arith.addi %mul3A_2186, %add3A_2187 : i32
    %mul3A_2189 = arith.constant 12800 : i32
    %mul3A_2190 = arith.muli %add3A_2188, %mul3A_2189 : i32
    %dma_wait3A_2191 = arith.constant 71 : i32
    %dma_wait3A_2192 = arith.constant 0 : i32
    %dma_wait3A_2193 = tpu.memref_slice %arg3[%dma_wait3A_2191, %dma_wait3A_2192] : memref<128x12800xf32, #tpu.memory_space<vmem>> -> memref<1x12800xf32, #tpu.memory_space<vmem>>
    %dma_wait3A_2194 = tpu.memref_squeeze %dma_wait3A_2193 : memref<1x12800xf32, #tpu.memory_space<vmem>> -> memref<12800xf32, #tpu.memory_space<vmem>>
    %dma_wait3A_2195 = tpu.memref_slice %arg1[%mul3A_2190] : memref<52428800xf32, #tpu.memory_space<any>> -> memref<12800xf32, #tpu.memory_space<any>>
    tpu.wait_dma2 semaphore(%arg4 : memref<!tpu.dma_semaphore, #tpu.memory_space<semaphore_mem>>) src(%dma_wait3A_2195 : memref<12800xf32, #tpu.memory_space<any>>) dst(%dma_wait3A_2194 : memref<12800xf32, #tpu.memory_space<vmem>>)
    %mul3A_2196 = arith.constant 128 : i32
    %mul3A_2197 = arith.muli %arg0, %mul3A_2196 : i32
    %add3A_2198 = arith.constant 72 : i32
    %add3A_2199 = arith.addi %mul3A_2197, %add3A_2198 : i32
    %mul3A_2200 = arith.constant 12800 : i32
    %mul3A_2201 = arith.muli %add3A_2199, %mul3A_2200 : i32
    %dma_wait3A_2202 = arith.constant 72 : i32
    %dma_wait3A_2203 = arith.constant 0 : i32
    %dma_wait3A_2204 = tpu.memref_slice %arg3[%dma_wait3A_2202, %dma_wait3A_2203] : memref<128x12800xf32, #tpu.memory_space<vmem>> -> memref<1x12800xf32, #tpu.memory_space<vmem>>
    %dma_wait3A_2205 = tpu.memref_squeeze %dma_wait3A_2204 : memref<1x12800xf32, #tpu.memory_space<vmem>> -> memref<12800xf32, #tpu.memory_space<vmem>>
    %dma_wait3A_2206 = tpu.memref_slice %arg1[%mul3A_2201] : memref<52428800xf32, #tpu.memory_space<any>> -> memref<12800xf32, #tpu.memory_space<any>>
    tpu.wait_dma2 semaphore(%arg4 : memref<!tpu.dma_semaphore, #tpu.memory_space<semaphore_mem>>) src(%dma_wait3A_2206 : memref<12800xf32, #tpu.memory_space<any>>) dst(%dma_wait3A_2205 : memref<12800xf32, #tpu.memory_space<vmem>>)
    %mul3A_2207 = arith.constant 128 : i32
    %mul3A_2208 = arith.muli %arg0, %mul3A_2207 : i32
    %add3A_2209 = arith.constant 73 : i32
    %add3A_2210 = arith.addi %mul3A_2208, %add3A_2209 : i32
    %mul3A_2211 = arith.constant 12800 : i32
    %mul3A_2212 = arith.muli %add3A_2210, %mul3A_2211 : i32
    %dma_wait3A_2213 = arith.constant 73 : i32
    %dma_wait3A_2214 = arith.constant 0 : i32
    %dma_wait3A_2215 = tpu.memref_slice %arg3[%dma_wait3A_2213, %dma_wait3A_2214] : memref<128x12800xf32, #tpu.memory_space<vmem>> -> memref<1x12800xf32, #tpu.memory_space<vmem>>
    %dma_wait3A_2216 = tpu.memref_squeeze %dma_wait3A_2215 : memref<1x12800xf32, #tpu.memory_space<vmem>> -> memref<12800xf32, #tpu.memory_space<vmem>>
    %dma_wait3A_2217 = tpu.memref_slice %arg1[%mul3A_2212] : memref<52428800xf32, #tpu.memory_space<any>> -> memref<12800xf32, #tpu.memory_space<any>>
    tpu.wait_dma2 semaphore(%arg4 : memref<!tpu.dma_semaphore, #tpu.memory_space<semaphore_mem>>) src(%dma_wait3A_2217 : memref<12800xf32, #tpu.memory_space<any>>) dst(%dma_wait3A_2216 : memref<12800xf32, #tpu.memory_space<vmem>>)
    %mul3A_2218 = arith.constant 128 : i32
    %mul3A_2219 = arith.muli %arg0, %mul3A_2218 : i32
    %add3A_2220 = arith.constant 74 : i32
    %add3A_2221 = arith.addi %mul3A_2219, %add3A_2220 : i32
    %mul3A_2222 = arith.constant 12800 : i32
    %mul3A_2223 = arith.muli %add3A_2221, %mul3A_2222 : i32
    %dma_wait3A_2224 = arith.constant 74 : i32
    %dma_wait3A_2225 = arith.constant 0 : i32
    %dma_wait3A_2226 = tpu.memref_slice %arg3[%dma_wait3A_2224, %dma_wait3A_2225] : memref<128x12800xf32, #tpu.memory_space<vmem>> -> memref<1x12800xf32, #tpu.memory_space<vmem>>
    %dma_wait3A_2227 = tpu.memref_squeeze %dma_wait3A_2226 : memref<1x12800xf32, #tpu.memory_space<vmem>> -> memref<12800xf32, #tpu.memory_space<vmem>>
    %dma_wait3A_2228 = tpu.memref_slice %arg1[%mul3A_2223] : memref<52428800xf32, #tpu.memory_space<any>> -> memref<12800xf32, #tpu.memory_space<any>>
    tpu.wait_dma2 semaphore(%arg4 : memref<!tpu.dma_semaphore, #tpu.memory_space<semaphore_mem>>) src(%dma_wait3A_2228 : memref<12800xf32, #tpu.memory_space<any>>) dst(%dma_wait3A_2227 : memref<12800xf32, #tpu.memory_space<vmem>>)
    %mul3A_2229 = arith.constant 128 : i32
    %mul3A_2230 = arith.muli %arg0, %mul3A_2229 : i32
    %add3A_2231 = arith.constant 75 : i32
    %add3A_2232 = arith.addi %mul3A_2230, %add3A_2231 : i32
    %mul3A_2233 = arith.constant 12800 : i32
    %mul3A_2234 = arith.muli %add3A_2232, %mul3A_2233 : i32
    %dma_wait3A_2235 = arith.constant 75 : i32
    %dma_wait3A_2236 = arith.constant 0 : i32
    %dma_wait3A_2237 = tpu.memref_slice %arg3[%dma_wait3A_2235, %dma_wait3A_2236] : memref<128x12800xf32, #tpu.memory_space<vmem>> -> memref<1x12800xf32, #tpu.memory_space<vmem>>
    %dma_wait3A_2238 = tpu.memref_squeeze %dma_wait3A_2237 : memref<1x12800xf32, #tpu.memory_space<vmem>> -> memref<12800xf32, #tpu.memory_space<vmem>>
    %dma_wait3A_2239 = tpu.memref_slice %arg1[%mul3A_2234] : memref<52428800xf32, #tpu.memory_space<any>> -> memref<12800xf32, #tpu.memory_space<any>>
    tpu.wait_dma2 semaphore(%arg4 : memref<!tpu.dma_semaphore, #tpu.memory_space<semaphore_mem>>) src(%dma_wait3A_2239 : memref<12800xf32, #tpu.memory_space<any>>) dst(%dma_wait3A_2238 : memref<12800xf32, #tpu.memory_space<vmem>>)
    %mul3A_2240 = arith.constant 128 : i32
    %mul3A_2241 = arith.muli %arg0, %mul3A_2240 : i32
    %add3A_2242 = arith.constant 76 : i32
    %add3A_2243 = arith.addi %mul3A_2241, %add3A_2242 : i32
    %mul3A_2244 = arith.constant 12800 : i32
    %mul3A_2245 = arith.muli %add3A_2243, %mul3A_2244 : i32
    %dma_wait3A_2246 = arith.constant 76 : i32
    %dma_wait3A_2247 = arith.constant 0 : i32
    %dma_wait3A_2248 = tpu.memref_slice %arg3[%dma_wait3A_2246, %dma_wait3A_2247] : memref<128x12800xf32, #tpu.memory_space<vmem>> -> memref<1x12800xf32, #tpu.memory_space<vmem>>
    %dma_wait3A_2249 = tpu.memref_squeeze %dma_wait3A_2248 : memref<1x12800xf32, #tpu.memory_space<vmem>> -> memref<12800xf32, #tpu.memory_space<vmem>>
    %dma_wait3A_2250 = tpu.memref_slice %arg1[%mul3A_2245] : memref<52428800xf32, #tpu.memory_space<any>> -> memref<12800xf32, #tpu.memory_space<any>>
    tpu.wait_dma2 semaphore(%arg4 : memref<!tpu.dma_semaphore, #tpu.memory_space<semaphore_mem>>) src(%dma_wait3A_2250 : memref<12800xf32, #tpu.memory_space<any>>) dst(%dma_wait3A_2249 : memref<12800xf32, #tpu.memory_space<vmem>>)
    %mul3A_2251 = arith.constant 128 : i32
    %mul3A_2252 = arith.muli %arg0, %mul3A_2251 : i32
    %add3A_2253 = arith.constant 77 : i32
    %add3A_2254 = arith.addi %mul3A_2252, %add3A_2253 : i32
    %mul3A_2255 = arith.constant 12800 : i32
    %mul3A_2256 = arith.muli %add3A_2254, %mul3A_2255 : i32
    %dma_wait3A_2257 = arith.constant 77 : i32
    %dma_wait3A_2258 = arith.constant 0 : i32
    %dma_wait3A_2259 = tpu.memref_slice %arg3[%dma_wait3A_2257, %dma_wait3A_2258] : memref<128x12800xf32, #tpu.memory_space<vmem>> -> memref<1x12800xf32, #tpu.memory_space<vmem>>
    %dma_wait3A_2260 = tpu.memref_squeeze %dma_wait3A_2259 : memref<1x12800xf32, #tpu.memory_space<vmem>> -> memref<12800xf32, #tpu.memory_space<vmem>>
    %dma_wait3A_2261 = tpu.memref_slice %arg1[%mul3A_2256] : memref<52428800xf32, #tpu.memory_space<any>> -> memref<12800xf32, #tpu.memory_space<any>>
    tpu.wait_dma2 semaphore(%arg4 : memref<!tpu.dma_semaphore, #tpu.memory_space<semaphore_mem>>) src(%dma_wait3A_2261 : memref<12800xf32, #tpu.memory_space<any>>) dst(%dma_wait3A_2260 : memref<12800xf32, #tpu.memory_space<vmem>>)
    %mul3A_2262 = arith.constant 128 : i32
    %mul3A_2263 = arith.muli %arg0, %mul3A_2262 : i32
    %add3A_2264 = arith.constant 78 : i32
    %add3A_2265 = arith.addi %mul3A_2263, %add3A_2264 : i32
    %mul3A_2266 = arith.constant 12800 : i32
    %mul3A_2267 = arith.muli %add3A_2265, %mul3A_2266 : i32
    %dma_wait3A_2268 = arith.constant 78 : i32
    %dma_wait3A_2269 = arith.constant 0 : i32
    %dma_wait3A_2270 = tpu.memref_slice %arg3[%dma_wait3A_2268, %dma_wait3A_2269] : memref<128x12800xf32, #tpu.memory_space<vmem>> -> memref<1x12800xf32, #tpu.memory_space<vmem>>
    %dma_wait3A_2271 = tpu.memref_squeeze %dma_wait3A_2270 : memref<1x12800xf32, #tpu.memory_space<vmem>> -> memref<12800xf32, #tpu.memory_space<vmem>>
    %dma_wait3A_2272 = tpu.memref_slice %arg1[%mul3A_2267] : memref<52428800xf32, #tpu.memory_space<any>> -> memref<12800xf32, #tpu.memory_space<any>>
    tpu.wait_dma2 semaphore(%arg4 : memref<!tpu.dma_semaphore, #tpu.memory_space<semaphore_mem>>) src(%dma_wait3A_2272 : memref<12800xf32, #tpu.memory_space<any>>) dst(%dma_wait3A_2271 : memref<12800xf32, #tpu.memory_space<vmem>>)
    %mul3A_2273 = arith.constant 128 : i32
    %mul3A_2274 = arith.muli %arg0, %mul3A_2273 : i32
    %add3A_2275 = arith.constant 79 : i32
    %add3A_2276 = arith.addi %mul3A_2274, %add3A_2275 : i32
    %mul3A_2277 = arith.constant 12800 : i32
    %mul3A_2278 = arith.muli %add3A_2276, %mul3A_2277 : i32
    %dma_wait3A_2279 = arith.constant 79 : i32
    %dma_wait3A_2280 = arith.constant 0 : i32
    %dma_wait3A_2281 = tpu.memref_slice %arg3[%dma_wait3A_2279, %dma_wait3A_2280] : memref<128x12800xf32, #tpu.memory_space<vmem>> -> memref<1x12800xf32, #tpu.memory_space<vmem>>
    %dma_wait3A_2282 = tpu.memref_squeeze %dma_wait3A_2281 : memref<1x12800xf32, #tpu.memory_space<vmem>> -> memref<12800xf32, #tpu.memory_space<vmem>>
    %dma_wait3A_2283 = tpu.memref_slice %arg1[%mul3A_2278] : memref<52428800xf32, #tpu.memory_space<any>> -> memref<12800xf32, #tpu.memory_space<any>>
    tpu.wait_dma2 semaphore(%arg4 : memref<!tpu.dma_semaphore, #tpu.memory_space<semaphore_mem>>) src(%dma_wait3A_2283 : memref<12800xf32, #tpu.memory_space<any>>) dst(%dma_wait3A_2282 : memref<12800xf32, #tpu.memory_space<vmem>>)
    %mul3A_2284 = arith.constant 128 : i32
    %mul3A_2285 = arith.muli %arg0, %mul3A_2284 : i32
    %add3A_2286 = arith.constant 80 : i32
    %add3A_2287 = arith.addi %mul3A_2285, %add3A_2286 : i32
    %mul3A_2288 = arith.constant 12800 : i32
    %mul3A_2289 = arith.muli %add3A_2287, %mul3A_2288 : i32
    %dma_wait3A_2290 = arith.constant 80 : i32
    %dma_wait3A_2291 = arith.constant 0 : i32
    %dma_wait3A_2292 = tpu.memref_slice %arg3[%dma_wait3A_2290, %dma_wait3A_2291] : memref<128x12800xf32, #tpu.memory_space<vmem>> -> memref<1x12800xf32, #tpu.memory_space<vmem>>
    %dma_wait3A_2293 = tpu.memref_squeeze %dma_wait3A_2292 : memref<1x12800xf32, #tpu.memory_space<vmem>> -> memref<12800xf32, #tpu.memory_space<vmem>>
    %dma_wait3A_2294 = tpu.memref_slice %arg1[%mul3A_2289] : memref<52428800xf32, #tpu.memory_space<any>> -> memref<12800xf32, #tpu.memory_space<any>>
    tpu.wait_dma2 semaphore(%arg4 : memref<!tpu.dma_semaphore, #tpu.memory_space<semaphore_mem>>) src(%dma_wait3A_2294 : memref<12800xf32, #tpu.memory_space<any>>) dst(%dma_wait3A_2293 : memref<12800xf32, #tpu.memory_space<vmem>>)
    %mul3A_2295 = arith.constant 128 : i32
    %mul3A_2296 = arith.muli %arg0, %mul3A_2295 : i32
    %add3A_2297 = arith.constant 81 : i32
    %add3A_2298 = arith.addi %mul3A_2296, %add3A_2297 : i32
    %mul3A_2299 = arith.constant 12800 : i32
    %mul3A_2300 = arith.muli %add3A_2298, %mul3A_2299 : i32
    %dma_wait3A_2301 = arith.constant 81 : i32
    %dma_wait3A_2302 = arith.constant 0 : i32
    %dma_wait3A_2303 = tpu.memref_slice %arg3[%dma_wait3A_2301, %dma_wait3A_2302] : memref<128x12800xf32, #tpu.memory_space<vmem>> -> memref<1x12800xf32, #tpu.memory_space<vmem>>
    %dma_wait3A_2304 = tpu.memref_squeeze %dma_wait3A_2303 : memref<1x12800xf32, #tpu.memory_space<vmem>> -> memref<12800xf32, #tpu.memory_space<vmem>>
    %dma_wait3A_2305 = tpu.memref_slice %arg1[%mul3A_2300] : memref<52428800xf32, #tpu.memory_space<any>> -> memref<12800xf32, #tpu.memory_space<any>>
    tpu.wait_dma2 semaphore(%arg4 : memref<!tpu.dma_semaphore, #tpu.memory_space<semaphore_mem>>) src(%dma_wait3A_2305 : memref<12800xf32, #tpu.memory_space<any>>) dst(%dma_wait3A_2304 : memref<12800xf32, #tpu.memory_space<vmem>>)
    %mul3A_2306 = arith.constant 128 : i32
    %mul3A_2307 = arith.muli %arg0, %mul3A_2306 : i32
    %add3A_2308 = arith.constant 82 : i32
    %add3A_2309 = arith.addi %mul3A_2307, %add3A_2308 : i32
    %mul3A_2310 = arith.constant 12800 : i32
    %mul3A_2311 = arith.muli %add3A_2309, %mul3A_2310 : i32
    %dma_wait3A_2312 = arith.constant 82 : i32
    %dma_wait3A_2313 = arith.constant 0 : i32
    %dma_wait3A_2314 = tpu.memref_slice %arg3[%dma_wait3A_2312, %dma_wait3A_2313] : memref<128x12800xf32, #tpu.memory_space<vmem>> -> memref<1x12800xf32, #tpu.memory_space<vmem>>
    %dma_wait3A_2315 = tpu.memref_squeeze %dma_wait3A_2314 : memref<1x12800xf32, #tpu.memory_space<vmem>> -> memref<12800xf32, #tpu.memory_space<vmem>>
    %dma_wait3A_2316 = tpu.memref_slice %arg1[%mul3A_2311] : memref<52428800xf32, #tpu.memory_space<any>> -> memref<12800xf32, #tpu.memory_space<any>>
    tpu.wait_dma2 semaphore(%arg4 : memref<!tpu.dma_semaphore, #tpu.memory_space<semaphore_mem>>) src(%dma_wait3A_2316 : memref<12800xf32, #tpu.memory_space<any>>) dst(%dma_wait3A_2315 : memref<12800xf32, #tpu.memory_space<vmem>>)
    %mul3A_2317 = arith.constant 128 : i32
    %mul3A_2318 = arith.muli %arg0, %mul3A_2317 : i32
    %add3A_2319 = arith.constant 83 : i32
    %add3A_2320 = arith.addi %mul3A_2318, %add3A_2319 : i32
    %mul3A_2321 = arith.constant 12800 : i32
    %mul3A_2322 = arith.muli %add3A_2320, %mul3A_2321 : i32
    %dma_wait3A_2323 = arith.constant 83 : i32
    %dma_wait3A_2324 = arith.constant 0 : i32
    %dma_wait3A_2325 = tpu.memref_slice %arg3[%dma_wait3A_2323, %dma_wait3A_2324] : memref<128x12800xf32, #tpu.memory_space<vmem>> -> memref<1x12800xf32, #tpu.memory_space<vmem>>
    %dma_wait3A_2326 = tpu.memref_squeeze %dma_wait3A_2325 : memref<1x12800xf32, #tpu.memory_space<vmem>> -> memref<12800xf32, #tpu.memory_space<vmem>>
    %dma_wait3A_2327 = tpu.memref_slice %arg1[%mul3A_2322] : memref<52428800xf32, #tpu.memory_space<any>> -> memref<12800xf32, #tpu.memory_space<any>>
    tpu.wait_dma2 semaphore(%arg4 : memref<!tpu.dma_semaphore, #tpu.memory_space<semaphore_mem>>) src(%dma_wait3A_2327 : memref<12800xf32, #tpu.memory_space<any>>) dst(%dma_wait3A_2326 : memref<12800xf32, #tpu.memory_space<vmem>>)
    %mul3A_2328 = arith.constant 128 : i32
    %mul3A_2329 = arith.muli %arg0, %mul3A_2328 : i32
    %add3A_2330 = arith.constant 84 : i32
    %add3A_2331 = arith.addi %mul3A_2329, %add3A_2330 : i32
    %mul3A_2332 = arith.constant 12800 : i32
    %mul3A_2333 = arith.muli %add3A_2331, %mul3A_2332 : i32
    %dma_wait3A_2334 = arith.constant 84 : i32
    %dma_wait3A_2335 = arith.constant 0 : i32
    %dma_wait3A_2336 = tpu.memref_slice %arg3[%dma_wait3A_2334, %dma_wait3A_2335] : memref<128x12800xf32, #tpu.memory_space<vmem>> -> memref<1x12800xf32, #tpu.memory_space<vmem>>
    %dma_wait3A_2337 = tpu.memref_squeeze %dma_wait3A_2336 : memref<1x12800xf32, #tpu.memory_space<vmem>> -> memref<12800xf32, #tpu.memory_space<vmem>>
    %dma_wait3A_2338 = tpu.memref_slice %arg1[%mul3A_2333] : memref<52428800xf32, #tpu.memory_space<any>> -> memref<12800xf32, #tpu.memory_space<any>>
    tpu.wait_dma2 semaphore(%arg4 : memref<!tpu.dma_semaphore, #tpu.memory_space<semaphore_mem>>) src(%dma_wait3A_2338 : memref<12800xf32, #tpu.memory_space<any>>) dst(%dma_wait3A_2337 : memref<12800xf32, #tpu.memory_space<vmem>>)
    %mul3A_2339 = arith.constant 128 : i32
    %mul3A_2340 = arith.muli %arg0, %mul3A_2339 : i32
    %add3A_2341 = arith.constant 85 : i32
    %add3A_2342 = arith.addi %mul3A_2340, %add3A_2341 : i32
    %mul3A_2343 = arith.constant 12800 : i32
    %mul3A_2344 = arith.muli %add3A_2342, %mul3A_2343 : i32
    %dma_wait3A_2345 = arith.constant 85 : i32
    %dma_wait3A_2346 = arith.constant 0 : i32
    %dma_wait3A_2347 = tpu.memref_slice %arg3[%dma_wait3A_2345, %dma_wait3A_2346] : memref<128x12800xf32, #tpu.memory_space<vmem>> -> memref<1x12800xf32, #tpu.memory_space<vmem>>
    %dma_wait3A_2348 = tpu.memref_squeeze %dma_wait3A_2347 : memref<1x12800xf32, #tpu.memory_space<vmem>> -> memref<12800xf32, #tpu.memory_space<vmem>>
    %dma_wait3A_2349 = tpu.memref_slice %arg1[%mul3A_2344] : memref<52428800xf32, #tpu.memory_space<any>> -> memref<12800xf32, #tpu.memory_space<any>>
    tpu.wait_dma2 semaphore(%arg4 : memref<!tpu.dma_semaphore, #tpu.memory_space<semaphore_mem>>) src(%dma_wait3A_2349 : memref<12800xf32, #tpu.memory_space<any>>) dst(%dma_wait3A_2348 : memref<12800xf32, #tpu.memory_space<vmem>>)
    %mul3A_2350 = arith.constant 128 : i32
    %mul3A_2351 = arith.muli %arg0, %mul3A_2350 : i32
    %add3A_2352 = arith.constant 86 : i32
    %add3A_2353 = arith.addi %mul3A_2351, %add3A_2352 : i32
    %mul3A_2354 = arith.constant 12800 : i32
    %mul3A_2355 = arith.muli %add3A_2353, %mul3A_2354 : i32
    %dma_wait3A_2356 = arith.constant 86 : i32
    %dma_wait3A_2357 = arith.constant 0 : i32
    %dma_wait3A_2358 = tpu.memref_slice %arg3[%dma_wait3A_2356, %dma_wait3A_2357] : memref<128x12800xf32, #tpu.memory_space<vmem>> -> memref<1x12800xf32, #tpu.memory_space<vmem>>
    %dma_wait3A_2359 = tpu.memref_squeeze %dma_wait3A_2358 : memref<1x12800xf32, #tpu.memory_space<vmem>> -> memref<12800xf32, #tpu.memory_space<vmem>>
    %dma_wait3A_2360 = tpu.memref_slice %arg1[%mul3A_2355] : memref<52428800xf32, #tpu.memory_space<any>> -> memref<12800xf32, #tpu.memory_space<any>>
    tpu.wait_dma2 semaphore(%arg4 : memref<!tpu.dma_semaphore, #tpu.memory_space<semaphore_mem>>) src(%dma_wait3A_2360 : memref<12800xf32, #tpu.memory_space<any>>) dst(%dma_wait3A_2359 : memref<12800xf32, #tpu.memory_space<vmem>>)
    %mul3A_2361 = arith.constant 128 : i32
    %mul3A_2362 = arith.muli %arg0, %mul3A_2361 : i32
    %add3A_2363 = arith.constant 87 : i32
    %add3A_2364 = arith.addi %mul3A_2362, %add3A_2363 : i32
    %mul3A_2365 = arith.constant 12800 : i32
    %mul3A_2366 = arith.muli %add3A_2364, %mul3A_2365 : i32
    %dma_wait3A_2367 = arith.constant 87 : i32
    %dma_wait3A_2368 = arith.constant 0 : i32
    %dma_wait3A_2369 = tpu.memref_slice %arg3[%dma_wait3A_2367, %dma_wait3A_2368] : memref<128x12800xf32, #tpu.memory_space<vmem>> -> memref<1x12800xf32, #tpu.memory_space<vmem>>
    %dma_wait3A_2370 = tpu.memref_squeeze %dma_wait3A_2369 : memref<1x12800xf32, #tpu.memory_space<vmem>> -> memref<12800xf32, #tpu.memory_space<vmem>>
    %dma_wait3A_2371 = tpu.memref_slice %arg1[%mul3A_2366] : memref<52428800xf32, #tpu.memory_space<any>> -> memref<12800xf32, #tpu.memory_space<any>>
    tpu.wait_dma2 semaphore(%arg4 : memref<!tpu.dma_semaphore, #tpu.memory_space<semaphore_mem>>) src(%dma_wait3A_2371 : memref<12800xf32, #tpu.memory_space<any>>) dst(%dma_wait3A_2370 : memref<12800xf32, #tpu.memory_space<vmem>>)
    %mul3A_2372 = arith.constant 128 : i32
    %mul3A_2373 = arith.muli %arg0, %mul3A_2372 : i32
    %add3A_2374 = arith.constant 88 : i32
    %add3A_2375 = arith.addi %mul3A_2373, %add3A_2374 : i32
    %mul3A_2376 = arith.constant 12800 : i32
    %mul3A_2377 = arith.muli %add3A_2375, %mul3A_2376 : i32
    %dma_wait3A_2378 = arith.constant 88 : i32
    %dma_wait3A_2379 = arith.constant 0 : i32
    %dma_wait3A_2380 = tpu.memref_slice %arg3[%dma_wait3A_2378, %dma_wait3A_2379] : memref<128x12800xf32, #tpu.memory_space<vmem>> -> memref<1x12800xf32, #tpu.memory_space<vmem>>
    %dma_wait3A_2381 = tpu.memref_squeeze %dma_wait3A_2380 : memref<1x12800xf32, #tpu.memory_space<vmem>> -> memref<12800xf32, #tpu.memory_space<vmem>>
    %dma_wait3A_2382 = tpu.memref_slice %arg1[%mul3A_2377] : memref<52428800xf32, #tpu.memory_space<any>> -> memref<12800xf32, #tpu.memory_space<any>>
    tpu.wait_dma2 semaphore(%arg4 : memref<!tpu.dma_semaphore, #tpu.memory_space<semaphore_mem>>) src(%dma_wait3A_2382 : memref<12800xf32, #tpu.memory_space<any>>) dst(%dma_wait3A_2381 : memref<12800xf32, #tpu.memory_space<vmem>>)
    %mul3A_2383 = arith.constant 128 : i32
    %mul3A_2384 = arith.muli %arg0, %mul3A_2383 : i32
    %add3A_2385 = arith.constant 89 : i32
    %add3A_2386 = arith.addi %mul3A_2384, %add3A_2385 : i32
    %mul3A_2387 = arith.constant 12800 : i32
    %mul3A_2388 = arith.muli %add3A_2386, %mul3A_2387 : i32
    %dma_wait3A_2389 = arith.constant 89 : i32
    %dma_wait3A_2390 = arith.constant 0 : i32
    %dma_wait3A_2391 = tpu.memref_slice %arg3[%dma_wait3A_2389, %dma_wait3A_2390] : memref<128x12800xf32, #tpu.memory_space<vmem>> -> memref<1x12800xf32, #tpu.memory_space<vmem>>
    %dma_wait3A_2392 = tpu.memref_squeeze %dma_wait3A_2391 : memref<1x12800xf32, #tpu.memory_space<vmem>> -> memref<12800xf32, #tpu.memory_space<vmem>>
    %dma_wait3A_2393 = tpu.memref_slice %arg1[%mul3A_2388] : memref<52428800xf32, #tpu.memory_space<any>> -> memref<12800xf32, #tpu.memory_space<any>>
    tpu.wait_dma2 semaphore(%arg4 : memref<!tpu.dma_semaphore, #tpu.memory_space<semaphore_mem>>) src(%dma_wait3A_2393 : memref<12800xf32, #tpu.memory_space<any>>) dst(%dma_wait3A_2392 : memref<12800xf32, #tpu.memory_space<vmem>>)
    %mul3A_2394 = arith.constant 128 : i32
    %mul3A_2395 = arith.muli %arg0, %mul3A_2394 : i32
    %add3A_2396 = arith.constant 90 : i32
    %add3A_2397 = arith.addi %mul3A_2395, %add3A_2396 : i32
    %mul3A_2398 = arith.constant 12800 : i32
    %mul3A_2399 = arith.muli %add3A_2397, %mul3A_2398 : i32
    %dma_wait3A_2400 = arith.constant 90 : i32
    %dma_wait3A_2401 = arith.constant 0 : i32
    %dma_wait3A_2402 = tpu.memref_slice %arg3[%dma_wait3A_2400, %dma_wait3A_2401] : memref<128x12800xf32, #tpu.memory_space<vmem>> -> memref<1x12800xf32, #tpu.memory_space<vmem>>
    %dma_wait3A_2403 = tpu.memref_squeeze %dma_wait3A_2402 : memref<1x12800xf32, #tpu.memory_space<vmem>> -> memref<12800xf32, #tpu.memory_space<vmem>>
    %dma_wait3A_2404 = tpu.memref_slice %arg1[%mul3A_2399] : memref<52428800xf32, #tpu.memory_space<any>> -> memref<12800xf32, #tpu.memory_space<any>>
    tpu.wait_dma2 semaphore(%arg4 : memref<!tpu.dma_semaphore, #tpu.memory_space<semaphore_mem>>) src(%dma_wait3A_2404 : memref<12800xf32, #tpu.memory_space<any>>) dst(%dma_wait3A_2403 : memref<12800xf32, #tpu.memory_space<vmem>>)
    %mul3A_2405 = arith.constant 128 : i32
    %mul3A_2406 = arith.muli %arg0, %mul3A_2405 : i32
    %add3A_2407 = arith.constant 91 : i32
    %add3A_2408 = arith.addi %mul3A_2406, %add3A_2407 : i32
    %mul3A_2409 = arith.constant 12800 : i32
    %mul3A_2410 = arith.muli %add3A_2408, %mul3A_2409 : i32
    %dma_wait3A_2411 = arith.constant 91 : i32
    %dma_wait3A_2412 = arith.constant 0 : i32
    %dma_wait3A_2413 = tpu.memref_slice %arg3[%dma_wait3A_2411, %dma_wait3A_2412] : memref<128x12800xf32, #tpu.memory_space<vmem>> -> memref<1x12800xf32, #tpu.memory_space<vmem>>
    %dma_wait3A_2414 = tpu.memref_squeeze %dma_wait3A_2413 : memref<1x12800xf32, #tpu.memory_space<vmem>> -> memref<12800xf32, #tpu.memory_space<vmem>>
    %dma_wait3A_2415 = tpu.memref_slice %arg1[%mul3A_2410] : memref<52428800xf32, #tpu.memory_space<any>> -> memref<12800xf32, #tpu.memory_space<any>>
    tpu.wait_dma2 semaphore(%arg4 : memref<!tpu.dma_semaphore, #tpu.memory_space<semaphore_mem>>) src(%dma_wait3A_2415 : memref<12800xf32, #tpu.memory_space<any>>) dst(%dma_wait3A_2414 : memref<12800xf32, #tpu.memory_space<vmem>>)
    %mul3A_2416 = arith.constant 128 : i32
    %mul3A_2417 = arith.muli %arg0, %mul3A_2416 : i32
    %add3A_2418 = arith.constant 92 : i32
    %add3A_2419 = arith.addi %mul3A_2417, %add3A_2418 : i32
    %mul3A_2420 = arith.constant 12800 : i32
    %mul3A_2421 = arith.muli %add3A_2419, %mul3A_2420 : i32
    %dma_wait3A_2422 = arith.constant 92 : i32
    %dma_wait3A_2423 = arith.constant 0 : i32
    %dma_wait3A_2424 = tpu.memref_slice %arg3[%dma_wait3A_2422, %dma_wait3A_2423] : memref<128x12800xf32, #tpu.memory_space<vmem>> -> memref<1x12800xf32, #tpu.memory_space<vmem>>
    %dma_wait3A_2425 = tpu.memref_squeeze %dma_wait3A_2424 : memref<1x12800xf32, #tpu.memory_space<vmem>> -> memref<12800xf32, #tpu.memory_space<vmem>>
    %dma_wait3A_2426 = tpu.memref_slice %arg1[%mul3A_2421] : memref<52428800xf32, #tpu.memory_space<any>> -> memref<12800xf32, #tpu.memory_space<any>>
    tpu.wait_dma2 semaphore(%arg4 : memref<!tpu.dma_semaphore, #tpu.memory_space<semaphore_mem>>) src(%dma_wait3A_2426 : memref<12800xf32, #tpu.memory_space<any>>) dst(%dma_wait3A_2425 : memref<12800xf32, #tpu.memory_space<vmem>>)
    %mul3A_2427 = arith.constant 128 : i32
    %mul3A_2428 = arith.muli %arg0, %mul3A_2427 : i32
    %add3A_2429 = arith.constant 93 : i32
    %add3A_2430 = arith.addi %mul3A_2428, %add3A_2429 : i32
    %mul3A_2431 = arith.constant 12800 : i32
    %mul3A_2432 = arith.muli %add3A_2430, %mul3A_2431 : i32
    %dma_wait3A_2433 = arith.constant 93 : i32
    %dma_wait3A_2434 = arith.constant 0 : i32
    %dma_wait3A_2435 = tpu.memref_slice %arg3[%dma_wait3A_2433, %dma_wait3A_2434] : memref<128x12800xf32, #tpu.memory_space<vmem>> -> memref<1x12800xf32, #tpu.memory_space<vmem>>
    %dma_wait3A_2436 = tpu.memref_squeeze %dma_wait3A_2435 : memref<1x12800xf32, #tpu.memory_space<vmem>> -> memref<12800xf32, #tpu.memory_space<vmem>>
    %dma_wait3A_2437 = tpu.memref_slice %arg1[%mul3A_2432] : memref<52428800xf32, #tpu.memory_space<any>> -> memref<12800xf32, #tpu.memory_space<any>>
    tpu.wait_dma2 semaphore(%arg4 : memref<!tpu.dma_semaphore, #tpu.memory_space<semaphore_mem>>) src(%dma_wait3A_2437 : memref<12800xf32, #tpu.memory_space<any>>) dst(%dma_wait3A_2436 : memref<12800xf32, #tpu.memory_space<vmem>>)
    %mul3A_2438 = arith.constant 128 : i32
    %mul3A_2439 = arith.muli %arg0, %mul3A_2438 : i32
    %add3A_2440 = arith.constant 94 : i32
    %add3A_2441 = arith.addi %mul3A_2439, %add3A_2440 : i32
    %mul3A_2442 = arith.constant 12800 : i32
    %mul3A_2443 = arith.muli %add3A_2441, %mul3A_2442 : i32
    %dma_wait3A_2444 = arith.constant 94 : i32
    %dma_wait3A_2445 = arith.constant 0 : i32
    %dma_wait3A_2446 = tpu.memref_slice %arg3[%dma_wait3A_2444, %dma_wait3A_2445] : memref<128x12800xf32, #tpu.memory_space<vmem>> -> memref<1x12800xf32, #tpu.memory_space<vmem>>
    %dma_wait3A_2447 = tpu.memref_squeeze %dma_wait3A_2446 : memref<1x12800xf32, #tpu.memory_space<vmem>> -> memref<12800xf32, #tpu.memory_space<vmem>>
    %dma_wait3A_2448 = tpu.memref_slice %arg1[%mul3A_2443] : memref<52428800xf32, #tpu.memory_space<any>> -> memref<12800xf32, #tpu.memory_space<any>>
    tpu.wait_dma2 semaphore(%arg4 : memref<!tpu.dma_semaphore, #tpu.memory_space<semaphore_mem>>) src(%dma_wait3A_2448 : memref<12800xf32, #tpu.memory_space<any>>) dst(%dma_wait3A_2447 : memref<12800xf32, #tpu.memory_space<vmem>>)
    %mul3A_2449 = arith.constant 128 : i32
    %mul3A_2450 = arith.muli %arg0, %mul3A_2449 : i32
    %add3A_2451 = arith.constant 95 : i32
    %add3A_2452 = arith.addi %mul3A_2450, %add3A_2451 : i32
    %mul3A_2453 = arith.constant 12800 : i32
    %mul3A_2454 = arith.muli %add3A_2452, %mul3A_2453 : i32
    %dma_wait3A_2455 = arith.constant 95 : i32
    %dma_wait3A_2456 = arith.constant 0 : i32
    %dma_wait3A_2457 = tpu.memref_slice %arg3[%dma_wait3A_2455, %dma_wait3A_2456] : memref<128x12800xf32, #tpu.memory_space<vmem>> -> memref<1x12800xf32, #tpu.memory_space<vmem>>
    %dma_wait3A_2458 = tpu.memref_squeeze %dma_wait3A_2457 : memref<1x12800xf32, #tpu.memory_space<vmem>> -> memref<12800xf32, #tpu.memory_space<vmem>>
    %dma_wait3A_2459 = tpu.memref_slice %arg1[%mul3A_2454] : memref<52428800xf32, #tpu.memory_space<any>> -> memref<12800xf32, #tpu.memory_space<any>>
    tpu.wait_dma2 semaphore(%arg4 : memref<!tpu.dma_semaphore, #tpu.memory_space<semaphore_mem>>) src(%dma_wait3A_2459 : memref<12800xf32, #tpu.memory_space<any>>) dst(%dma_wait3A_2458 : memref<12800xf32, #tpu.memory_space<vmem>>)
    %mul3A_2460 = arith.constant 128 : i32
    %mul3A_2461 = arith.muli %arg0, %mul3A_2460 : i32
    %add3A_2462 = arith.constant 96 : i32
    %add3A_2463 = arith.addi %mul3A_2461, %add3A_2462 : i32
    %mul3A_2464 = arith.constant 12800 : i32
    %mul3A_2465 = arith.muli %add3A_2463, %mul3A_2464 : i32
    %dma_wait3A_2466 = arith.constant 96 : i32
    %dma_wait3A_2467 = arith.constant 0 : i32
    %dma_wait3A_2468 = tpu.memref_slice %arg3[%dma_wait3A_2466, %dma_wait3A_2467] : memref<128x12800xf32, #tpu.memory_space<vmem>> -> memref<1x12800xf32, #tpu.memory_space<vmem>>
    %dma_wait3A_2469 = tpu.memref_squeeze %dma_wait3A_2468 : memref<1x12800xf32, #tpu.memory_space<vmem>> -> memref<12800xf32, #tpu.memory_space<vmem>>
    %dma_wait3A_2470 = tpu.memref_slice %arg1[%mul3A_2465] : memref<52428800xf32, #tpu.memory_space<any>> -> memref<12800xf32, #tpu.memory_space<any>>
    tpu.wait_dma2 semaphore(%arg4 : memref<!tpu.dma_semaphore, #tpu.memory_space<semaphore_mem>>) src(%dma_wait3A_2470 : memref<12800xf32, #tpu.memory_space<any>>) dst(%dma_wait3A_2469 : memref<12800xf32, #tpu.memory_space<vmem>>)
    %mul3A_2471 = arith.constant 128 : i32
    %mul3A_2472 = arith.muli %arg0, %mul3A_2471 : i32
    %add3A_2473 = arith.constant 97 : i32
    %add3A_2474 = arith.addi %mul3A_2472, %add3A_2473 : i32
    %mul3A_2475 = arith.constant 12800 : i32
    %mul3A_2476 = arith.muli %add3A_2474, %mul3A_2475 : i32
    %dma_wait3A_2477 = arith.constant 97 : i32
    %dma_wait3A_2478 = arith.constant 0 : i32
    %dma_wait3A_2479 = tpu.memref_slice %arg3[%dma_wait3A_2477, %dma_wait3A_2478] : memref<128x12800xf32, #tpu.memory_space<vmem>> -> memref<1x12800xf32, #tpu.memory_space<vmem>>
    %dma_wait3A_2480 = tpu.memref_squeeze %dma_wait3A_2479 : memref<1x12800xf32, #tpu.memory_space<vmem>> -> memref<12800xf32, #tpu.memory_space<vmem>>
    %dma_wait3A_2481 = tpu.memref_slice %arg1[%mul3A_2476] : memref<52428800xf32, #tpu.memory_space<any>> -> memref<12800xf32, #tpu.memory_space<any>>
    tpu.wait_dma2 semaphore(%arg4 : memref<!tpu.dma_semaphore, #tpu.memory_space<semaphore_mem>>) src(%dma_wait3A_2481 : memref<12800xf32, #tpu.memory_space<any>>) dst(%dma_wait3A_2480 : memref<12800xf32, #tpu.memory_space<vmem>>)
    %mul3A_2482 = arith.constant 128 : i32
    %mul3A_2483 = arith.muli %arg0, %mul3A_2482 : i32
    %add3A_2484 = arith.constant 98 : i32
    %add3A_2485 = arith.addi %mul3A_2483, %add3A_2484 : i32
    %mul3A_2486 = arith.constant 12800 : i32
    %mul3A_2487 = arith.muli %add3A_2485, %mul3A_2486 : i32
    %dma_wait3A_2488 = arith.constant 98 : i32
    %dma_wait3A_2489 = arith.constant 0 : i32
    %dma_wait3A_2490 = tpu.memref_slice %arg3[%dma_wait3A_2488, %dma_wait3A_2489] : memref<128x12800xf32, #tpu.memory_space<vmem>> -> memref<1x12800xf32, #tpu.memory_space<vmem>>
    %dma_wait3A_2491 = tpu.memref_squeeze %dma_wait3A_2490 : memref<1x12800xf32, #tpu.memory_space<vmem>> -> memref<12800xf32, #tpu.memory_space<vmem>>
    %dma_wait3A_2492 = tpu.memref_slice %arg1[%mul3A_2487] : memref<52428800xf32, #tpu.memory_space<any>> -> memref<12800xf32, #tpu.memory_space<any>>
    tpu.wait_dma2 semaphore(%arg4 : memref<!tpu.dma_semaphore, #tpu.memory_space<semaphore_mem>>) src(%dma_wait3A_2492 : memref<12800xf32, #tpu.memory_space<any>>) dst(%dma_wait3A_2491 : memref<12800xf32, #tpu.memory_space<vmem>>)
    %mul3A_2493 = arith.constant 128 : i32
    %mul3A_2494 = arith.muli %arg0, %mul3A_2493 : i32
    %add3A_2495 = arith.constant 99 : i32
    %add3A_2496 = arith.addi %mul3A_2494, %add3A_2495 : i32
    %mul3A_2497 = arith.constant 12800 : i32
    %mul3A_2498 = arith.muli %add3A_2496, %mul3A_2497 : i32
    %dma_wait3A_2499 = arith.constant 99 : i32
    %dma_wait3A_2500 = arith.constant 0 : i32
    %dma_wait3A_2501 = tpu.memref_slice %arg3[%dma_wait3A_2499, %dma_wait3A_2500] : memref<128x12800xf32, #tpu.memory_space<vmem>> -> memref<1x12800xf32, #tpu.memory_space<vmem>>
    %dma_wait3A_2502 = tpu.memref_squeeze %dma_wait3A_2501 : memref<1x12800xf32, #tpu.memory_space<vmem>> -> memref<12800xf32, #tpu.memory_space<vmem>>
    %dma_wait3A_2503 = tpu.memref_slice %arg1[%mul3A_2498] : memref<52428800xf32, #tpu.memory_space<any>> -> memref<12800xf32, #tpu.memory_space<any>>
    tpu.wait_dma2 semaphore(%arg4 : memref<!tpu.dma_semaphore, #tpu.memory_space<semaphore_mem>>) src(%dma_wait3A_2503 : memref<12800xf32, #tpu.memory_space<any>>) dst(%dma_wait3A_2502 : memref<12800xf32, #tpu.memory_space<vmem>>)
    %mul3A_2504 = arith.constant 128 : i32
    %mul3A_2505 = arith.muli %arg0, %mul3A_2504 : i32
    %add3A_2506 = arith.constant 100 : i32
    %add3A_2507 = arith.addi %mul3A_2505, %add3A_2506 : i32
    %mul3A_2508 = arith.constant 12800 : i32
    %mul3A_2509 = arith.muli %add3A_2507, %mul3A_2508 : i32
    %dma_wait3A_2510 = arith.constant 100 : i32
    %dma_wait3A_2511 = arith.constant 0 : i32
    %dma_wait3A_2512 = tpu.memref_slice %arg3[%dma_wait3A_2510, %dma_wait3A_2511] : memref<128x12800xf32, #tpu.memory_space<vmem>> -> memref<1x12800xf32, #tpu.memory_space<vmem>>
    %dma_wait3A_2513 = tpu.memref_squeeze %dma_wait3A_2512 : memref<1x12800xf32, #tpu.memory_space<vmem>> -> memref<12800xf32, #tpu.memory_space<vmem>>
    %dma_wait3A_2514 = tpu.memref_slice %arg1[%mul3A_2509] : memref<52428800xf32, #tpu.memory_space<any>> -> memref<12800xf32, #tpu.memory_space<any>>
    tpu.wait_dma2 semaphore(%arg4 : memref<!tpu.dma_semaphore, #tpu.memory_space<semaphore_mem>>) src(%dma_wait3A_2514 : memref<12800xf32, #tpu.memory_space<any>>) dst(%dma_wait3A_2513 : memref<12800xf32, #tpu.memory_space<vmem>>)
    %mul3A_2515 = arith.constant 128 : i32
    %mul3A_2516 = arith.muli %arg0, %mul3A_2515 : i32
    %add3A_2517 = arith.constant 101 : i32
    %add3A_2518 = arith.addi %mul3A_2516, %add3A_2517 : i32
    %mul3A_2519 = arith.constant 12800 : i32
    %mul3A_2520 = arith.muli %add3A_2518, %mul3A_2519 : i32
    %dma_wait3A_2521 = arith.constant 101 : i32
    %dma_wait3A_2522 = arith.constant 0 : i32
    %dma_wait3A_2523 = tpu.memref_slice %arg3[%dma_wait3A_2521, %dma_wait3A_2522] : memref<128x12800xf32, #tpu.memory_space<vmem>> -> memref<1x12800xf32, #tpu.memory_space<vmem>>
    %dma_wait3A_2524 = tpu.memref_squeeze %dma_wait3A_2523 : memref<1x12800xf32, #tpu.memory_space<vmem>> -> memref<12800xf32, #tpu.memory_space<vmem>>
    %dma_wait3A_2525 = tpu.memref_slice %arg1[%mul3A_2520] : memref<52428800xf32, #tpu.memory_space<any>> -> memref<12800xf32, #tpu.memory_space<any>>
    tpu.wait_dma2 semaphore(%arg4 : memref<!tpu.dma_semaphore, #tpu.memory_space<semaphore_mem>>) src(%dma_wait3A_2525 : memref<12800xf32, #tpu.memory_space<any>>) dst(%dma_wait3A_2524 : memref<12800xf32, #tpu.memory_space<vmem>>)
    %mul3A_2526 = arith.constant 128 : i32
    %mul3A_2527 = arith.muli %arg0, %mul3A_2526 : i32
    %add3A_2528 = arith.constant 102 : i32
    %add3A_2529 = arith.addi %mul3A_2527, %add3A_2528 : i32
    %mul3A_2530 = arith.constant 12800 : i32
    %mul3A_2531 = arith.muli %add3A_2529, %mul3A_2530 : i32
    %dma_wait3A_2532 = arith.constant 102 : i32
    %dma_wait3A_2533 = arith.constant 0 : i32
    %dma_wait3A_2534 = tpu.memref_slice %arg3[%dma_wait3A_2532, %dma_wait3A_2533] : memref<128x12800xf32, #tpu.memory_space<vmem>> -> memref<1x12800xf32, #tpu.memory_space<vmem>>
    %dma_wait3A_2535 = tpu.memref_squeeze %dma_wait3A_2534 : memref<1x12800xf32, #tpu.memory_space<vmem>> -> memref<12800xf32, #tpu.memory_space<vmem>>
    %dma_wait3A_2536 = tpu.memref_slice %arg1[%mul3A_2531] : memref<52428800xf32, #tpu.memory_space<any>> -> memref<12800xf32, #tpu.memory_space<any>>
    tpu.wait_dma2 semaphore(%arg4 : memref<!tpu.dma_semaphore, #tpu.memory_space<semaphore_mem>>) src(%dma_wait3A_2536 : memref<12800xf32, #tpu.memory_space<any>>) dst(%dma_wait3A_2535 : memref<12800xf32, #tpu.memory_space<vmem>>)
    %mul3A_2537 = arith.constant 128 : i32
    %mul3A_2538 = arith.muli %arg0, %mul3A_2537 : i32
    %add3A_2539 = arith.constant 103 : i32
    %add3A_2540 = arith.addi %mul3A_2538, %add3A_2539 : i32
    %mul3A_2541 = arith.constant 12800 : i32
    %mul3A_2542 = arith.muli %add3A_2540, %mul3A_2541 : i32
    %dma_wait3A_2543 = arith.constant 103 : i32
    %dma_wait3A_2544 = arith.constant 0 : i32
    %dma_wait3A_2545 = tpu.memref_slice %arg3[%dma_wait3A_2543, %dma_wait3A_2544] : memref<128x12800xf32, #tpu.memory_space<vmem>> -> memref<1x12800xf32, #tpu.memory_space<vmem>>
    %dma_wait3A_2546 = tpu.memref_squeeze %dma_wait3A_2545 : memref<1x12800xf32, #tpu.memory_space<vmem>> -> memref<12800xf32, #tpu.memory_space<vmem>>
    %dma_wait3A_2547 = tpu.memref_slice %arg1[%mul3A_2542] : memref<52428800xf32, #tpu.memory_space<any>> -> memref<12800xf32, #tpu.memory_space<any>>
    tpu.wait_dma2 semaphore(%arg4 : memref<!tpu.dma_semaphore, #tpu.memory_space<semaphore_mem>>) src(%dma_wait3A_2547 : memref<12800xf32, #tpu.memory_space<any>>) dst(%dma_wait3A_2546 : memref<12800xf32, #tpu.memory_space<vmem>>)
    %mul3A_2548 = arith.constant 128 : i32
    %mul3A_2549 = arith.muli %arg0, %mul3A_2548 : i32
    %add3A_2550 = arith.constant 104 : i32
    %add3A_2551 = arith.addi %mul3A_2549, %add3A_2550 : i32
    %mul3A_2552 = arith.constant 12800 : i32
    %mul3A_2553 = arith.muli %add3A_2551, %mul3A_2552 : i32
    %dma_wait3A_2554 = arith.constant 104 : i32
    %dma_wait3A_2555 = arith.constant 0 : i32
    %dma_wait3A_2556 = tpu.memref_slice %arg3[%dma_wait3A_2554, %dma_wait3A_2555] : memref<128x12800xf32, #tpu.memory_space<vmem>> -> memref<1x12800xf32, #tpu.memory_space<vmem>>
    %dma_wait3A_2557 = tpu.memref_squeeze %dma_wait3A_2556 : memref<1x12800xf32, #tpu.memory_space<vmem>> -> memref<12800xf32, #tpu.memory_space<vmem>>
    %dma_wait3A_2558 = tpu.memref_slice %arg1[%mul3A_2553] : memref<52428800xf32, #tpu.memory_space<any>> -> memref<12800xf32, #tpu.memory_space<any>>
    tpu.wait_dma2 semaphore(%arg4 : memref<!tpu.dma_semaphore, #tpu.memory_space<semaphore_mem>>) src(%dma_wait3A_2558 : memref<12800xf32, #tpu.memory_space<any>>) dst(%dma_wait3A_2557 : memref<12800xf32, #tpu.memory_space<vmem>>)
    %mul3A_2559 = arith.constant 128 : i32
    %mul3A_2560 = arith.muli %arg0, %mul3A_2559 : i32
    %add3A_2561 = arith.constant 105 : i32
    %add3A_2562 = arith.addi %mul3A_2560, %add3A_2561 : i32
    %mul3A_2563 = arith.constant 12800 : i32
    %mul3A_2564 = arith.muli %add3A_2562, %mul3A_2563 : i32
    %dma_wait3A_2565 = arith.constant 105 : i32
    %dma_wait3A_2566 = arith.constant 0 : i32
    %dma_wait3A_2567 = tpu.memref_slice %arg3[%dma_wait3A_2565, %dma_wait3A_2566] : memref<128x12800xf32, #tpu.memory_space<vmem>> -> memref<1x12800xf32, #tpu.memory_space<vmem>>
    %dma_wait3A_2568 = tpu.memref_squeeze %dma_wait3A_2567 : memref<1x12800xf32, #tpu.memory_space<vmem>> -> memref<12800xf32, #tpu.memory_space<vmem>>
    %dma_wait3A_2569 = tpu.memref_slice %arg1[%mul3A_2564] : memref<52428800xf32, #tpu.memory_space<any>> -> memref<12800xf32, #tpu.memory_space<any>>
    tpu.wait_dma2 semaphore(%arg4 : memref<!tpu.dma_semaphore, #tpu.memory_space<semaphore_mem>>) src(%dma_wait3A_2569 : memref<12800xf32, #tpu.memory_space<any>>) dst(%dma_wait3A_2568 : memref<12800xf32, #tpu.memory_space<vmem>>)
    %mul3A_2570 = arith.constant 128 : i32
    %mul3A_2571 = arith.muli %arg0, %mul3A_2570 : i32
    %add3A_2572 = arith.constant 106 : i32
    %add3A_2573 = arith.addi %mul3A_2571, %add3A_2572 : i32
    %mul3A_2574 = arith.constant 12800 : i32
    %mul3A_2575 = arith.muli %add3A_2573, %mul3A_2574 : i32
    %dma_wait3A_2576 = arith.constant 106 : i32
    %dma_wait3A_2577 = arith.constant 0 : i32
    %dma_wait3A_2578 = tpu.memref_slice %arg3[%dma_wait3A_2576, %dma_wait3A_2577] : memref<128x12800xf32, #tpu.memory_space<vmem>> -> memref<1x12800xf32, #tpu.memory_space<vmem>>
    %dma_wait3A_2579 = tpu.memref_squeeze %dma_wait3A_2578 : memref<1x12800xf32, #tpu.memory_space<vmem>> -> memref<12800xf32, #tpu.memory_space<vmem>>
    %dma_wait3A_2580 = tpu.memref_slice %arg1[%mul3A_2575] : memref<52428800xf32, #tpu.memory_space<any>> -> memref<12800xf32, #tpu.memory_space<any>>
    tpu.wait_dma2 semaphore(%arg4 : memref<!tpu.dma_semaphore, #tpu.memory_space<semaphore_mem>>) src(%dma_wait3A_2580 : memref<12800xf32, #tpu.memory_space<any>>) dst(%dma_wait3A_2579 : memref<12800xf32, #tpu.memory_space<vmem>>)
    %mul3A_2581 = arith.constant 128 : i32
    %mul3A_2582 = arith.muli %arg0, %mul3A_2581 : i32
    %add3A_2583 = arith.constant 107 : i32
    %add3A_2584 = arith.addi %mul3A_2582, %add3A_2583 : i32
    %mul3A_2585 = arith.constant 12800 : i32
    %mul3A_2586 = arith.muli %add3A_2584, %mul3A_2585 : i32
    %dma_wait3A_2587 = arith.constant 107 : i32
    %dma_wait3A_2588 = arith.constant 0 : i32
    %dma_wait3A_2589 = tpu.memref_slice %arg3[%dma_wait3A_2587, %dma_wait3A_2588] : memref<128x12800xf32, #tpu.memory_space<vmem>> -> memref<1x12800xf32, #tpu.memory_space<vmem>>
    %dma_wait3A_2590 = tpu.memref_squeeze %dma_wait3A_2589 : memref<1x12800xf32, #tpu.memory_space<vmem>> -> memref<12800xf32, #tpu.memory_space<vmem>>
    %dma_wait3A_2591 = tpu.memref_slice %arg1[%mul3A_2586] : memref<52428800xf32, #tpu.memory_space<any>> -> memref<12800xf32, #tpu.memory_space<any>>
    tpu.wait_dma2 semaphore(%arg4 : memref<!tpu.dma_semaphore, #tpu.memory_space<semaphore_mem>>) src(%dma_wait3A_2591 : memref<12800xf32, #tpu.memory_space<any>>) dst(%dma_wait3A_2590 : memref<12800xf32, #tpu.memory_space<vmem>>)
    %mul3A_2592 = arith.constant 128 : i32
    %mul3A_2593 = arith.muli %arg0, %mul3A_2592 : i32
    %add3A_2594 = arith.constant 108 : i32
    %add3A_2595 = arith.addi %mul3A_2593, %add3A_2594 : i32
    %mul3A_2596 = arith.constant 12800 : i32
    %mul3A_2597 = arith.muli %add3A_2595, %mul3A_2596 : i32
    %dma_wait3A_2598 = arith.constant 108 : i32
    %dma_wait3A_2599 = arith.constant 0 : i32
    %dma_wait3A_2600 = tpu.memref_slice %arg3[%dma_wait3A_2598, %dma_wait3A_2599] : memref<128x12800xf32, #tpu.memory_space<vmem>> -> memref<1x12800xf32, #tpu.memory_space<vmem>>
    %dma_wait3A_2601 = tpu.memref_squeeze %dma_wait3A_2600 : memref<1x12800xf32, #tpu.memory_space<vmem>> -> memref<12800xf32, #tpu.memory_space<vmem>>
    %dma_wait3A_2602 = tpu.memref_slice %arg1[%mul3A_2597] : memref<52428800xf32, #tpu.memory_space<any>> -> memref<12800xf32, #tpu.memory_space<any>>
    tpu.wait_dma2 semaphore(%arg4 : memref<!tpu.dma_semaphore, #tpu.memory_space<semaphore_mem>>) src(%dma_wait3A_2602 : memref<12800xf32, #tpu.memory_space<any>>) dst(%dma_wait3A_2601 : memref<12800xf32, #tpu.memory_space<vmem>>)
    %mul3A_2603 = arith.constant 128 : i32
    %mul3A_2604 = arith.muli %arg0, %mul3A_2603 : i32
    %add3A_2605 = arith.constant 109 : i32
    %add3A_2606 = arith.addi %mul3A_2604, %add3A_2605 : i32
    %mul3A_2607 = arith.constant 12800 : i32
    %mul3A_2608 = arith.muli %add3A_2606, %mul3A_2607 : i32
    %dma_wait3A_2609 = arith.constant 109 : i32
    %dma_wait3A_2610 = arith.constant 0 : i32
    %dma_wait3A_2611 = tpu.memref_slice %arg3[%dma_wait3A_2609, %dma_wait3A_2610] : memref<128x12800xf32, #tpu.memory_space<vmem>> -> memref<1x12800xf32, #tpu.memory_space<vmem>>
    %dma_wait3A_2612 = tpu.memref_squeeze %dma_wait3A_2611 : memref<1x12800xf32, #tpu.memory_space<vmem>> -> memref<12800xf32, #tpu.memory_space<vmem>>
    %dma_wait3A_2613 = tpu.memref_slice %arg1[%mul3A_2608] : memref<52428800xf32, #tpu.memory_space<any>> -> memref<12800xf32, #tpu.memory_space<any>>
    tpu.wait_dma2 semaphore(%arg4 : memref<!tpu.dma_semaphore, #tpu.memory_space<semaphore_mem>>) src(%dma_wait3A_2613 : memref<12800xf32, #tpu.memory_space<any>>) dst(%dma_wait3A_2612 : memref<12800xf32, #tpu.memory_space<vmem>>)
    %mul3A_2614 = arith.constant 128 : i32
    %mul3A_2615 = arith.muli %arg0, %mul3A_2614 : i32
    %add3A_2616 = arith.constant 110 : i32
    %add3A_2617 = arith.addi %mul3A_2615, %add3A_2616 : i32
    %mul3A_2618 = arith.constant 12800 : i32
    %mul3A_2619 = arith.muli %add3A_2617, %mul3A_2618 : i32
    %dma_wait3A_2620 = arith.constant 110 : i32
    %dma_wait3A_2621 = arith.constant 0 : i32
    %dma_wait3A_2622 = tpu.memref_slice %arg3[%dma_wait3A_2620, %dma_wait3A_2621] : memref<128x12800xf32, #tpu.memory_space<vmem>> -> memref<1x12800xf32, #tpu.memory_space<vmem>>
    %dma_wait3A_2623 = tpu.memref_squeeze %dma_wait3A_2622 : memref<1x12800xf32, #tpu.memory_space<vmem>> -> memref<12800xf32, #tpu.memory_space<vmem>>
    %dma_wait3A_2624 = tpu.memref_slice %arg1[%mul3A_2619] : memref<52428800xf32, #tpu.memory_space<any>> -> memref<12800xf32, #tpu.memory_space<any>>
    tpu.wait_dma2 semaphore(%arg4 : memref<!tpu.dma_semaphore, #tpu.memory_space<semaphore_mem>>) src(%dma_wait3A_2624 : memref<12800xf32, #tpu.memory_space<any>>) dst(%dma_wait3A_2623 : memref<12800xf32, #tpu.memory_space<vmem>>)
    %mul3A_2625 = arith.constant 128 : i32
    %mul3A_2626 = arith.muli %arg0, %mul3A_2625 : i32
    %add3A_2627 = arith.constant 111 : i32
    %add3A_2628 = arith.addi %mul3A_2626, %add3A_2627 : i32
    %mul3A_2629 = arith.constant 12800 : i32
    %mul3A_2630 = arith.muli %add3A_2628, %mul3A_2629 : i32
    %dma_wait3A_2631 = arith.constant 111 : i32
    %dma_wait3A_2632 = arith.constant 0 : i32
    %dma_wait3A_2633 = tpu.memref_slice %arg3[%dma_wait3A_2631, %dma_wait3A_2632] : memref<128x12800xf32, #tpu.memory_space<vmem>> -> memref<1x12800xf32, #tpu.memory_space<vmem>>
    %dma_wait3A_2634 = tpu.memref_squeeze %dma_wait3A_2633 : memref<1x12800xf32, #tpu.memory_space<vmem>> -> memref<12800xf32, #tpu.memory_space<vmem>>
    %dma_wait3A_2635 = tpu.memref_slice %arg1[%mul3A_2630] : memref<52428800xf32, #tpu.memory_space<any>> -> memref<12800xf32, #tpu.memory_space<any>>
    tpu.wait_dma2 semaphore(%arg4 : memref<!tpu.dma_semaphore, #tpu.memory_space<semaphore_mem>>) src(%dma_wait3A_2635 : memref<12800xf32, #tpu.memory_space<any>>) dst(%dma_wait3A_2634 : memref<12800xf32, #tpu.memory_space<vmem>>)
    %mul3A_2636 = arith.constant 128 : i32
    %mul3A_2637 = arith.muli %arg0, %mul3A_2636 : i32
    %add3A_2638 = arith.constant 112 : i32
    %add3A_2639 = arith.addi %mul3A_2637, %add3A_2638 : i32
    %mul3A_2640 = arith.constant 12800 : i32
    %mul3A_2641 = arith.muli %add3A_2639, %mul3A_2640 : i32
    %dma_wait3A_2642 = arith.constant 112 : i32
    %dma_wait3A_2643 = arith.constant 0 : i32
    %dma_wait3A_2644 = tpu.memref_slice %arg3[%dma_wait3A_2642, %dma_wait3A_2643] : memref<128x12800xf32, #tpu.memory_space<vmem>> -> memref<1x12800xf32, #tpu.memory_space<vmem>>
    %dma_wait3A_2645 = tpu.memref_squeeze %dma_wait3A_2644 : memref<1x12800xf32, #tpu.memory_space<vmem>> -> memref<12800xf32, #tpu.memory_space<vmem>>
    %dma_wait3A_2646 = tpu.memref_slice %arg1[%mul3A_2641] : memref<52428800xf32, #tpu.memory_space<any>> -> memref<12800xf32, #tpu.memory_space<any>>
    tpu.wait_dma2 semaphore(%arg4 : memref<!tpu.dma_semaphore, #tpu.memory_space<semaphore_mem>>) src(%dma_wait3A_2646 : memref<12800xf32, #tpu.memory_space<any>>) dst(%dma_wait3A_2645 : memref<12800xf32, #tpu.memory_space<vmem>>)
    %mul3A_2647 = arith.constant 128 : i32
    %mul3A_2648 = arith.muli %arg0, %mul3A_2647 : i32
    %add3A_2649 = arith.constant 113 : i32
    %add3A_2650 = arith.addi %mul3A_2648, %add3A_2649 : i32
    %mul3A_2651 = arith.constant 12800 : i32
    %mul3A_2652 = arith.muli %add3A_2650, %mul3A_2651 : i32
    %dma_wait3A_2653 = arith.constant 113 : i32
    %dma_wait3A_2654 = arith.constant 0 : i32
    %dma_wait3A_2655 = tpu.memref_slice %arg3[%dma_wait3A_2653, %dma_wait3A_2654] : memref<128x12800xf32, #tpu.memory_space<vmem>> -> memref<1x12800xf32, #tpu.memory_space<vmem>>
    %dma_wait3A_2656 = tpu.memref_squeeze %dma_wait3A_2655 : memref<1x12800xf32, #tpu.memory_space<vmem>> -> memref<12800xf32, #tpu.memory_space<vmem>>
    %dma_wait3A_2657 = tpu.memref_slice %arg1[%mul3A_2652] : memref<52428800xf32, #tpu.memory_space<any>> -> memref<12800xf32, #tpu.memory_space<any>>
    tpu.wait_dma2 semaphore(%arg4 : memref<!tpu.dma_semaphore, #tpu.memory_space<semaphore_mem>>) src(%dma_wait3A_2657 : memref<12800xf32, #tpu.memory_space<any>>) dst(%dma_wait3A_2656 : memref<12800xf32, #tpu.memory_space<vmem>>)
    %mul3A_2658 = arith.constant 128 : i32
    %mul3A_2659 = arith.muli %arg0, %mul3A_2658 : i32
    %add3A_2660 = arith.constant 114 : i32
    %add3A_2661 = arith.addi %mul3A_2659, %add3A_2660 : i32
    %mul3A_2662 = arith.constant 12800 : i32
    %mul3A_2663 = arith.muli %add3A_2661, %mul3A_2662 : i32
    %dma_wait3A_2664 = arith.constant 114 : i32
    %dma_wait3A_2665 = arith.constant 0 : i32
    %dma_wait3A_2666 = tpu.memref_slice %arg3[%dma_wait3A_2664, %dma_wait3A_2665] : memref<128x12800xf32, #tpu.memory_space<vmem>> -> memref<1x12800xf32, #tpu.memory_space<vmem>>
    %dma_wait3A_2667 = tpu.memref_squeeze %dma_wait3A_2666 : memref<1x12800xf32, #tpu.memory_space<vmem>> -> memref<12800xf32, #tpu.memory_space<vmem>>
    %dma_wait3A_2668 = tpu.memref_slice %arg1[%mul3A_2663] : memref<52428800xf32, #tpu.memory_space<any>> -> memref<12800xf32, #tpu.memory_space<any>>
    tpu.wait_dma2 semaphore(%arg4 : memref<!tpu.dma_semaphore, #tpu.memory_space<semaphore_mem>>) src(%dma_wait3A_2668 : memref<12800xf32, #tpu.memory_space<any>>) dst(%dma_wait3A_2667 : memref<12800xf32, #tpu.memory_space<vmem>>)
    %mul3A_2669 = arith.constant 128 : i32
    %mul3A_2670 = arith.muli %arg0, %mul3A_2669 : i32
    %add3A_2671 = arith.constant 115 : i32
    %add3A_2672 = arith.addi %mul3A_2670, %add3A_2671 : i32
    %mul3A_2673 = arith.constant 12800 : i32
    %mul3A_2674 = arith.muli %add3A_2672, %mul3A_2673 : i32
    %dma_wait3A_2675 = arith.constant 115 : i32
    %dma_wait3A_2676 = arith.constant 0 : i32
    %dma_wait3A_2677 = tpu.memref_slice %arg3[%dma_wait3A_2675, %dma_wait3A_2676] : memref<128x12800xf32, #tpu.memory_space<vmem>> -> memref<1x12800xf32, #tpu.memory_space<vmem>>
    %dma_wait3A_2678 = tpu.memref_squeeze %dma_wait3A_2677 : memref<1x12800xf32, #tpu.memory_space<vmem>> -> memref<12800xf32, #tpu.memory_space<vmem>>
    %dma_wait3A_2679 = tpu.memref_slice %arg1[%mul3A_2674] : memref<52428800xf32, #tpu.memory_space<any>> -> memref<12800xf32, #tpu.memory_space<any>>
    tpu.wait_dma2 semaphore(%arg4 : memref<!tpu.dma_semaphore, #tpu.memory_space<semaphore_mem>>) src(%dma_wait3A_2679 : memref<12800xf32, #tpu.memory_space<any>>) dst(%dma_wait3A_2678 : memref<12800xf32, #tpu.memory_space<vmem>>)
    %mul3A_2680 = arith.constant 128 : i32
    %mul3A_2681 = arith.muli %arg0, %mul3A_2680 : i32
    %add3A_2682 = arith.constant 116 : i32
    %add3A_2683 = arith.addi %mul3A_2681, %add3A_2682 : i32
    %mul3A_2684 = arith.constant 12800 : i32
    %mul3A_2685 = arith.muli %add3A_2683, %mul3A_2684 : i32
    %dma_wait3A_2686 = arith.constant 116 : i32
    %dma_wait3A_2687 = arith.constant 0 : i32
    %dma_wait3A_2688 = tpu.memref_slice %arg3[%dma_wait3A_2686, %dma_wait3A_2687] : memref<128x12800xf32, #tpu.memory_space<vmem>> -> memref<1x12800xf32, #tpu.memory_space<vmem>>
    %dma_wait3A_2689 = tpu.memref_squeeze %dma_wait3A_2688 : memref<1x12800xf32, #tpu.memory_space<vmem>> -> memref<12800xf32, #tpu.memory_space<vmem>>
    %dma_wait3A_2690 = tpu.memref_slice %arg1[%mul3A_2685] : memref<52428800xf32, #tpu.memory_space<any>> -> memref<12800xf32, #tpu.memory_space<any>>
    tpu.wait_dma2 semaphore(%arg4 : memref<!tpu.dma_semaphore, #tpu.memory_space<semaphore_mem>>) src(%dma_wait3A_2690 : memref<12800xf32, #tpu.memory_space<any>>) dst(%dma_wait3A_2689 : memref<12800xf32, #tpu.memory_space<vmem>>)
    %mul3A_2691 = arith.constant 128 : i32
    %mul3A_2692 = arith.muli %arg0, %mul3A_2691 : i32
    %add3A_2693 = arith.constant 117 : i32
    %add3A_2694 = arith.addi %mul3A_2692, %add3A_2693 : i32
    %mul3A_2695 = arith.constant 12800 : i32
    %mul3A_2696 = arith.muli %add3A_2694, %mul3A_2695 : i32
    %dma_wait3A_2697 = arith.constant 117 : i32
    %dma_wait3A_2698 = arith.constant 0 : i32
    %dma_wait3A_2699 = tpu.memref_slice %arg3[%dma_wait3A_2697, %dma_wait3A_2698] : memref<128x12800xf32, #tpu.memory_space<vmem>> -> memref<1x12800xf32, #tpu.memory_space<vmem>>
    %dma_wait3A_2700 = tpu.memref_squeeze %dma_wait3A_2699 : memref<1x12800xf32, #tpu.memory_space<vmem>> -> memref<12800xf32, #tpu.memory_space<vmem>>
    %dma_wait3A_2701 = tpu.memref_slice %arg1[%mul3A_2696] : memref<52428800xf32, #tpu.memory_space<any>> -> memref<12800xf32, #tpu.memory_space<any>>
    tpu.wait_dma2 semaphore(%arg4 : memref<!tpu.dma_semaphore, #tpu.memory_space<semaphore_mem>>) src(%dma_wait3A_2701 : memref<12800xf32, #tpu.memory_space<any>>) dst(%dma_wait3A_2700 : memref<12800xf32, #tpu.memory_space<vmem>>)
    %mul3A_2702 = arith.constant 128 : i32
    %mul3A_2703 = arith.muli %arg0, %mul3A_2702 : i32
    %add3A_2704 = arith.constant 118 : i32
    %add3A_2705 = arith.addi %mul3A_2703, %add3A_2704 : i32
    %mul3A_2706 = arith.constant 12800 : i32
    %mul3A_2707 = arith.muli %add3A_2705, %mul3A_2706 : i32
    %dma_wait3A_2708 = arith.constant 118 : i32
    %dma_wait3A_2709 = arith.constant 0 : i32
    %dma_wait3A_2710 = tpu.memref_slice %arg3[%dma_wait3A_2708, %dma_wait3A_2709] : memref<128x12800xf32, #tpu.memory_space<vmem>> -> memref<1x12800xf32, #tpu.memory_space<vmem>>
    %dma_wait3A_2711 = tpu.memref_squeeze %dma_wait3A_2710 : memref<1x12800xf32, #tpu.memory_space<vmem>> -> memref<12800xf32, #tpu.memory_space<vmem>>
    %dma_wait3A_2712 = tpu.memref_slice %arg1[%mul3A_2707] : memref<52428800xf32, #tpu.memory_space<any>> -> memref<12800xf32, #tpu.memory_space<any>>
    tpu.wait_dma2 semaphore(%arg4 : memref<!tpu.dma_semaphore, #tpu.memory_space<semaphore_mem>>) src(%dma_wait3A_2712 : memref<12800xf32, #tpu.memory_space<any>>) dst(%dma_wait3A_2711 : memref<12800xf32, #tpu.memory_space<vmem>>)
    %mul3A_2713 = arith.constant 128 : i32
    %mul3A_2714 = arith.muli %arg0, %mul3A_2713 : i32
    %add3A_2715 = arith.constant 119 : i32
    %add3A_2716 = arith.addi %mul3A_2714, %add3A_2715 : i32
    %mul3A_2717 = arith.constant 12800 : i32
    %mul3A_2718 = arith.muli %add3A_2716, %mul3A_2717 : i32
    %dma_wait3A_2719 = arith.constant 119 : i32
    %dma_wait3A_2720 = arith.constant 0 : i32
    %dma_wait3A_2721 = tpu.memref_slice %arg3[%dma_wait3A_2719, %dma_wait3A_2720] : memref<128x12800xf32, #tpu.memory_space<vmem>> -> memref<1x12800xf32, #tpu.memory_space<vmem>>
    %dma_wait3A_2722 = tpu.memref_squeeze %dma_wait3A_2721 : memref<1x12800xf32, #tpu.memory_space<vmem>> -> memref<12800xf32, #tpu.memory_space<vmem>>
    %dma_wait3A_2723 = tpu.memref_slice %arg1[%mul3A_2718] : memref<52428800xf32, #tpu.memory_space<any>> -> memref<12800xf32, #tpu.memory_space<any>>
    tpu.wait_dma2 semaphore(%arg4 : memref<!tpu.dma_semaphore, #tpu.memory_space<semaphore_mem>>) src(%dma_wait3A_2723 : memref<12800xf32, #tpu.memory_space<any>>) dst(%dma_wait3A_2722 : memref<12800xf32, #tpu.memory_space<vmem>>)
    %mul3A_2724 = arith.constant 128 : i32
    %mul3A_2725 = arith.muli %arg0, %mul3A_2724 : i32
    %add3A_2726 = arith.constant 120 : i32
    %add3A_2727 = arith.addi %mul3A_2725, %add3A_2726 : i32
    %mul3A_2728 = arith.constant 12800 : i32
    %mul3A_2729 = arith.muli %add3A_2727, %mul3A_2728 : i32
    %dma_wait3A_2730 = arith.constant 120 : i32
    %dma_wait3A_2731 = arith.constant 0 : i32
    %dma_wait3A_2732 = tpu.memref_slice %arg3[%dma_wait3A_2730, %dma_wait3A_2731] : memref<128x12800xf32, #tpu.memory_space<vmem>> -> memref<1x12800xf32, #tpu.memory_space<vmem>>
    %dma_wait3A_2733 = tpu.memref_squeeze %dma_wait3A_2732 : memref<1x12800xf32, #tpu.memory_space<vmem>> -> memref<12800xf32, #tpu.memory_space<vmem>>
    %dma_wait3A_2734 = tpu.memref_slice %arg1[%mul3A_2729] : memref<52428800xf32, #tpu.memory_space<any>> -> memref<12800xf32, #tpu.memory_space<any>>
    tpu.wait_dma2 semaphore(%arg4 : memref<!tpu.dma_semaphore, #tpu.memory_space<semaphore_mem>>) src(%dma_wait3A_2734 : memref<12800xf32, #tpu.memory_space<any>>) dst(%dma_wait3A_2733 : memref<12800xf32, #tpu.memory_space<vmem>>)
    %mul3A_2735 = arith.constant 128 : i32
    %mul3A_2736 = arith.muli %arg0, %mul3A_2735 : i32
    %add3A_2737 = arith.constant 121 : i32
    %add3A_2738 = arith.addi %mul3A_2736, %add3A_2737 : i32
    %mul3A_2739 = arith.constant 12800 : i32
    %mul3A_2740 = arith.muli %add3A_2738, %mul3A_2739 : i32
    %dma_wait3A_2741 = arith.constant 121 : i32
    %dma_wait3A_2742 = arith.constant 0 : i32
    %dma_wait3A_2743 = tpu.memref_slice %arg3[%dma_wait3A_2741, %dma_wait3A_2742] : memref<128x12800xf32, #tpu.memory_space<vmem>> -> memref<1x12800xf32, #tpu.memory_space<vmem>>
    %dma_wait3A_2744 = tpu.memref_squeeze %dma_wait3A_2743 : memref<1x12800xf32, #tpu.memory_space<vmem>> -> memref<12800xf32, #tpu.memory_space<vmem>>
    %dma_wait3A_2745 = tpu.memref_slice %arg1[%mul3A_2740] : memref<52428800xf32, #tpu.memory_space<any>> -> memref<12800xf32, #tpu.memory_space<any>>
    tpu.wait_dma2 semaphore(%arg4 : memref<!tpu.dma_semaphore, #tpu.memory_space<semaphore_mem>>) src(%dma_wait3A_2745 : memref<12800xf32, #tpu.memory_space<any>>) dst(%dma_wait3A_2744 : memref<12800xf32, #tpu.memory_space<vmem>>)
    %mul3A_2746 = arith.constant 128 : i32
    %mul3A_2747 = arith.muli %arg0, %mul3A_2746 : i32
    %add3A_2748 = arith.constant 122 : i32
    %add3A_2749 = arith.addi %mul3A_2747, %add3A_2748 : i32
    %mul3A_2750 = arith.constant 12800 : i32
    %mul3A_2751 = arith.muli %add3A_2749, %mul3A_2750 : i32
    %dma_wait3A_2752 = arith.constant 122 : i32
    %dma_wait3A_2753 = arith.constant 0 : i32
    %dma_wait3A_2754 = tpu.memref_slice %arg3[%dma_wait3A_2752, %dma_wait3A_2753] : memref<128x12800xf32, #tpu.memory_space<vmem>> -> memref<1x12800xf32, #tpu.memory_space<vmem>>
    %dma_wait3A_2755 = tpu.memref_squeeze %dma_wait3A_2754 : memref<1x12800xf32, #tpu.memory_space<vmem>> -> memref<12800xf32, #tpu.memory_space<vmem>>
    %dma_wait3A_2756 = tpu.memref_slice %arg1[%mul3A_2751] : memref<52428800xf32, #tpu.memory_space<any>> -> memref<12800xf32, #tpu.memory_space<any>>
    tpu.wait_dma2 semaphore(%arg4 : memref<!tpu.dma_semaphore, #tpu.memory_space<semaphore_mem>>) src(%dma_wait3A_2756 : memref<12800xf32, #tpu.memory_space<any>>) dst(%dma_wait3A_2755 : memref<12800xf32, #tpu.memory_space<vmem>>)
    %mul3A_2757 = arith.constant 128 : i32
    %mul3A_2758 = arith.muli %arg0, %mul3A_2757 : i32
    %add3A_2759 = arith.constant 123 : i32
    %add3A_2760 = arith.addi %mul3A_2758, %add3A_2759 : i32
    %mul3A_2761 = arith.constant 12800 : i32
    %mul3A_2762 = arith.muli %add3A_2760, %mul3A_2761 : i32
    %dma_wait3A_2763 = arith.constant 123 : i32
    %dma_wait3A_2764 = arith.constant 0 : i32
    %dma_wait3A_2765 = tpu.memref_slice %arg3[%dma_wait3A_2763, %dma_wait3A_2764] : memref<128x12800xf32, #tpu.memory_space<vmem>> -> memref<1x12800xf32, #tpu.memory_space<vmem>>
    %dma_wait3A_2766 = tpu.memref_squeeze %dma_wait3A_2765 : memref<1x12800xf32, #tpu.memory_space<vmem>> -> memref<12800xf32, #tpu.memory_space<vmem>>
    %dma_wait3A_2767 = tpu.memref_slice %arg1[%mul3A_2762] : memref<52428800xf32, #tpu.memory_space<any>> -> memref<12800xf32, #tpu.memory_space<any>>
    tpu.wait_dma2 semaphore(%arg4 : memref<!tpu.dma_semaphore, #tpu.memory_space<semaphore_mem>>) src(%dma_wait3A_2767 : memref<12800xf32, #tpu.memory_space<any>>) dst(%dma_wait3A_2766 : memref<12800xf32, #tpu.memory_space<vmem>>)
    %mul3A_2768 = arith.constant 128 : i32
    %mul3A_2769 = arith.muli %arg0, %mul3A_2768 : i32
    %add3A_2770 = arith.constant 124 : i32
    %add3A_2771 = arith.addi %mul3A_2769, %add3A_2770 : i32
    %mul3A_2772 = arith.constant 12800 : i32
    %mul3A_2773 = arith.muli %add3A_2771, %mul3A_2772 : i32
    %dma_wait3A_2774 = arith.constant 124 : i32
    %dma_wait3A_2775 = arith.constant 0 : i32
    %dma_wait3A_2776 = tpu.memref_slice %arg3[%dma_wait3A_2774, %dma_wait3A_2775] : memref<128x12800xf32, #tpu.memory_space<vmem>> -> memref<1x12800xf32, #tpu.memory_space<vmem>>
    %dma_wait3A_2777 = tpu.memref_squeeze %dma_wait3A_2776 : memref<1x12800xf32, #tpu.memory_space<vmem>> -> memref<12800xf32, #tpu.memory_space<vmem>>
    %dma_wait3A_2778 = tpu.memref_slice %arg1[%mul3A_2773] : memref<52428800xf32, #tpu.memory_space<any>> -> memref<12800xf32, #tpu.memory_space<any>>
    tpu.wait_dma2 semaphore(%arg4 : memref<!tpu.dma_semaphore, #tpu.memory_space<semaphore_mem>>) src(%dma_wait3A_2778 : memref<12800xf32, #tpu.memory_space<any>>) dst(%dma_wait3A_2777 : memref<12800xf32, #tpu.memory_space<vmem>>)
    %mul3A_2779 = arith.constant 128 : i32
    %mul3A_2780 = arith.muli %arg0, %mul3A_2779 : i32
    %add3A_2781 = arith.constant 125 : i32
    %add3A_2782 = arith.addi %mul3A_2780, %add3A_2781 : i32
    %mul3A_2783 = arith.constant 12800 : i32
    %mul3A_2784 = arith.muli %add3A_2782, %mul3A_2783 : i32
    %dma_wait3A_2785 = arith.constant 125 : i32
    %dma_wait3A_2786 = arith.constant 0 : i32
    %dma_wait3A_2787 = tpu.memref_slice %arg3[%dma_wait3A_2785, %dma_wait3A_2786] : memref<128x12800xf32, #tpu.memory_space<vmem>> -> memref<1x12800xf32, #tpu.memory_space<vmem>>
    %dma_wait3A_2788 = tpu.memref_squeeze %dma_wait3A_2787 : memref<1x12800xf32, #tpu.memory_space<vmem>> -> memref<12800xf32, #tpu.memory_space<vmem>>
    %dma_wait3A_2789 = tpu.memref_slice %arg1[%mul3A_2784] : memref<52428800xf32, #tpu.memory_space<any>> -> memref<12800xf32, #tpu.memory_space<any>>
    tpu.wait_dma2 semaphore(%arg4 : memref<!tpu.dma_semaphore, #tpu.memory_space<semaphore_mem>>) src(%dma_wait3A_2789 : memref<12800xf32, #tpu.memory_space<any>>) dst(%dma_wait3A_2788 : memref<12800xf32, #tpu.memory_space<vmem>>)
    %mul3A_2790 = arith.constant 128 : i32
    %mul3A_2791 = arith.muli %arg0, %mul3A_2790 : i32
    %add3A_2792 = arith.constant 126 : i32
    %add3A_2793 = arith.addi %mul3A_2791, %add3A_2792 : i32
    %mul3A_2794 = arith.constant 12800 : i32
    %mul3A_2795 = arith.muli %add3A_2793, %mul3A_2794 : i32
    %dma_wait3A_2796 = arith.constant 126 : i32
    %dma_wait3A_2797 = arith.constant 0 : i32
    %dma_wait3A_2798 = tpu.memref_slice %arg3[%dma_wait3A_2796, %dma_wait3A_2797] : memref<128x12800xf32, #tpu.memory_space<vmem>> -> memref<1x12800xf32, #tpu.memory_space<vmem>>
    %dma_wait3A_2799 = tpu.memref_squeeze %dma_wait3A_2798 : memref<1x12800xf32, #tpu.memory_space<vmem>> -> memref<12800xf32, #tpu.memory_space<vmem>>
    %dma_wait3A_2800 = tpu.memref_slice %arg1[%mul3A_2795] : memref<52428800xf32, #tpu.memory_space<any>> -> memref<12800xf32, #tpu.memory_space<any>>
    tpu.wait_dma2 semaphore(%arg4 : memref<!tpu.dma_semaphore, #tpu.memory_space<semaphore_mem>>) src(%dma_wait3A_2800 : memref<12800xf32, #tpu.memory_space<any>>) dst(%dma_wait3A_2799 : memref<12800xf32, #tpu.memory_space<vmem>>)
    %mul3A_2801 = arith.constant 128 : i32
    %mul3A_2802 = arith.muli %arg0, %mul3A_2801 : i32
    %add3A_2803 = arith.constant 127 : i32
    %add3A_2804 = arith.addi %mul3A_2802, %add3A_2803 : i32
    %mul3A_2805 = arith.constant 12800 : i32
    %mul3A_2806 = arith.muli %add3A_2804, %mul3A_2805 : i32
    %dma_wait3A_2807 = arith.constant 127 : i32
    %dma_wait3A_2808 = arith.constant 0 : i32
    %dma_wait3A_2809 = tpu.memref_slice %arg3[%dma_wait3A_2807, %dma_wait3A_2808] : memref<128x12800xf32, #tpu.memory_space<vmem>> -> memref<1x12800xf32, #tpu.memory_space<vmem>>
    %dma_wait3A_2810 = tpu.memref_squeeze %dma_wait3A_2809 : memref<1x12800xf32, #tpu.memory_space<vmem>> -> memref<12800xf32, #tpu.memory_space<vmem>>
    %dma_wait3A_2811 = tpu.memref_slice %arg1[%mul3A_2806] : memref<52428800xf32, #tpu.memory_space<any>> -> memref<12800xf32, #tpu.memory_space<any>>
    tpu.wait_dma2 semaphore(%arg4 : memref<!tpu.dma_semaphore, #tpu.memory_space<semaphore_mem>>) src(%dma_wait3A_2811 : memref<12800xf32, #tpu.memory_space<any>>) dst(%dma_wait3A_2810 : memref<12800xf32, #tpu.memory_space<vmem>>)
    %get3A = arith.constant 0 : index
    %get3A_2812 = arith.constant 0 : index
    %get3A_2813 = vector.load %arg3[%get3A, %get3A_2812] : memref<128x12800xf32, #tpu.memory_space<vmem>>, vector<128x12800xf32>
    %transpose3A = tpu.transpose %get3A_2813, [1, 0] : vector<128x12800xf32> -> vector<12800x128xf32>
    %swap3A = arith.constant 0 : index
    %swap3A_2814 = arith.constant 0 : index
    %swap3A_2815 = vector.load %arg2[%swap3A, %swap3A_2814] : memref<12800x128xf32, #tpu.memory_space<vmem>>, vector<12800x128xf32>
    tpu.vector_store %arg2[%swap3A, %swap3A_2814], %transpose3A {strides = array<i32>} : memref<12800x128xf32, #tpu.memory_space<vmem>>, vector<12800x128xf32>,
    return
  }
  func.func @transform_1(%arg0: i32) -> (i32, i32) {
    %c0_i32 = arith.constant 0 : i32
    %c0_i32_0 = arith.constant 0 : i32
    return %c0_i32, %arg0 : i32, i32
  }
}

</mosaic_0001>

<sc_bundles>
// kernel: kernel.5.cloned.1.call-start
scs
__scs_entry_jumppad:
0x0: {  	(pc) =	sbr.rel $0x88, $3  }
0x1: {  	(tag) =	ssettag $0x0;
	lr =	simm.s32 $0x1  }
0x2: {  	[smem:$0x3F9D] =	sst lr;
	_ =	strace $0xD0000000  }
0x3: {  	_ = 	snop  }
0x4: {  	_ = 	snop  }
0x5: {  	_ = 	snop  }
0x6: {  	_ = 	snop  }
0x7: {  	_ = 	snop  }
__scs_overlays_trampoline_lowered:
0x8: {  	[smem:$0x3FAC] =	sst s0  }
0x9: {  	[smem:$0x3FAD] =	sst s1  }
0xa: {  	[smem:$0x3FAE] =	sst s2  }
0xb: {  	[smem:$0x3FAF] =	sst s3  }
0xc: {  	[smem:$0x3FB0] =	sst s4  }
0xd: {  	[smem:$0x3FB1] =	sst s5  }
0xe: {  	[smem:$0x3FB2] =	sst s6  }
0xf: {  	[smem:$0x3FB3] =	sst s7  }
0x10: {  	[smem:$0x3FB4] =	sst s8  }
0x11: {  	[smem:$0x3FB5] =	sst s9;
	s0 =	simm.s32 @!p0 $0x0  }
0x12: {  	s1 =	sld [smem:$0x3F9B];
	s0 =	simm.s32 @p0 $0x1  }
0x13: {  	[smem:$0x3FB6] =	sst s0;
	s0 =	simm.s32 @!p1 $0x0  }
0x14: {  	s2 =	sld [smem:$0x3F9A];
	s0 =	simm.s32 @p1 $0x1  }
0x15: {  	[smem:$0x3FB7] =	sst s0;
	s0 =	simm.s32 @!p2 $0x0  }
0x16: {  	s3 =	sld [smem:$0x3FDB];
	s0 =	simm.s32 @p2 $0x1  }
0x17: {  	s4 =	simm.s32 $0x1BF5;
	[smem:$0x3FB9] =	sst s0  }
0x18: {  	s0 =	sld [smem:$0x3F9C];
	_ =	swait.ge [sflag:s4], $0x0  }
0x19: {  	s7 =	sld [smem:$0x3F9D]  }
0x1a: {  	s8 =	sadd.s32 $0xFFFFE003, lr  }
0x1b: {  	s9 =	sadd.s32 $0xFFFFFEF7, lr;
	s5 =	simm.s32 $0xFFFFFFFF;
	p2 =	slt.u32 s8, $0xFFFFF086  }
0x1c: {  	p1 =	slt.u32 s9, $0xF7A;
	s5 =	simm.s32 @!p2 $0x0  }
0x1d: {  	s5 =	simm.s32 @p1 $0x1;
	p0 =	seq.s32 s7, s2  }
0x1e: {  	s7 =	smul.u32 @!p0 $0xF7A, s2;
	p2 =	seq.s32 @!p0 s5, $0x0  }
0x1f: {  	s9 =	smul.u32 $0xF7A, s1;
	s8 =	simm.s32 @!p0 $0x1BF5;
	p2 =	por !p2, p0  }
0x20: {  	[sflag:s8] =	ssyncset.s32 @!p0 $0xFFFFF086;
	s6 =	sadd.s32 @!p0 s3, s7;
	s7 =	simm.s32 @!p0 $0x108  }
0x21: {  	s3 =	sadd.s32 s3, s9;
	s6 =	sadd.s32 @!p0 $0x88, s6;
	s7 =	simm.s32 @p2 $0x1082  }
0x22: {  	[simem:s7], [sflag:s8] =	dma.local @!p0 [hbm:s6], $0xF7A  }
0x23: {  	s9 =	sor.u32 $0xD0000000, s2;
	s6 =	simm.s32 $0x108;
	_ =	swait.ge @!p0 [sflag:s8], $0x0  }
0x24: {  	s3 =	sadd.s32 $0x88, s3;
	s6 =	simm.s32 @!p1 $0x1082;
	[sflag:s4] =	ssyncset.s32 $0xFFFFF086  }
0x25: {  	[simem:s6], [sflag:s4] =	dma.local [hbm:s3], $0xF7A  }
0x26: {  	[smem:$0x3F9D] =	sst s1;
	(tag) =	ssettag s2;
	_ =	strace s9  }
0x27: {  	s1 =	sld [smem:$0x3FAD]  }
0x28: {  	s2 =	sld [smem:$0x3FAE]  }
0x29: {  	s4 =	sld [smem:$0x3FB0]  }
0x2a: {  	p0 =	seq.s32 s5, $0x0;
	s5 =	sld [smem:$0x3FB1]  }
0x2b: {  	s6 =	sld [smem:$0x3FB2]  }
0x2c: {  	s7 =	sld [smem:$0x3FB3]  }
0x2d: {  	s3 =	simm.s32 $0x108;
	s8 =	sld [smem:$0x3FB4]  }
0x2e: {  	s3 =	simm.s32 @!p0 $0x1082;
	s9 =	sld [smem:$0x3FB5]  }
0x2f: {  	lr =	sadd.s32 s0, s3;
	s0 =	sld [smem:$0x3FAC]  }
0x30: {  	s3 =	sld [smem:$0x3FAF]  }
0x31: {  	[smem:$0x3FB8] =	sst s10  }
0x32: {  	s10 =	sld [smem:$0x3FB6];
	_ =	sdelay $0x3  }
0x33: {  	p0 =	seq.s32 s10, $0x1;
	s10 =	sld [smem:$0x3FB8];
	_ =	sdelay $0x3  }
0x34: {  	[smem:$0x3FB8] =	sst s10  }
0x35: {  	s10 =	sld [smem:$0x3FB7];
	_ =	sdelay $0x3  }
0x36: {  	p1 =	seq.s32 s10, $0x1;
	s10 =	sld [smem:$0x3FB8];
	_ =	sdelay $0x3  }
0x37: {  	[smem:$0x3FB8] =	sst s10  }
0x38: {  	s10 =	sld [smem:$0x3FB9]  }
0x39: {  	_ = 	snop;
	(pc) =	sbr.ind lr, $3  }
0x3a: {  	_ = 	snop  }
0x3b: {  	_ = 	snop  }
0x3c: {  	p2 =	seq.s32 s10, $0x1;
	s10 =	sld [smem:$0x3FB8]  }
0x3d: {  	_ =	shalt  }
0x3e: {  	_ =	shalt  }
0x3f: {  	_ =	shalt  }
0x40: {  	_ =	shalt  }
0x41: {  	_ =	shalt  }
0x42: {  	_ =	shalt  }
0x43: {  	_ =	shalt  }
0x44: {  	_ =	shalt  }
0x45: {  	_ =	shalt  }
0x46: {  	_ =	shalt  }
0x47: {  	_ =	shalt  }
0x48: {  	_ =	shalt  }
0x49: {  	_ =	shalt  }
0x4a: {  	_ =	shalt  }
0x4b: {  	_ =	shalt  }
0x4c: {  	_ =	shalt  }
0x4d: {  	_ =	shalt  }
0x4e: {  	_ =	shalt  }
0x4f: {  	_ =	shalt  }
0x50: {  	_ =	shalt  }
0x51: {  	_ =	shalt  }
0x52: {  	_ =	shalt  }
0x53: {  	_ =	shalt  }
0x54: {  	_ =	shalt  }
0x55: {  	_ =	shalt  }
0x56: {  	_ =	shalt  }
0x57: {  	_ =	shalt  }
0x58: {  	_ =	shalt  }
0x59: {  	_ =	shalt  }
0x5a: {  	_ =	shalt  }
0x5b: {  	_ =	shalt  }
0x5c: {  	_ =	shalt  }
0x5d: {  	_ =	shalt  }
0x5e: {  	_ =	shalt  }
0x5f: {  	_ =	shalt  }
0x60: {  	_ =	shalt  }
0x61: {  	_ =	shalt  }
0x62: {  	_ =	shalt  }
0x63: {  	_ =	shalt  }
0x64: {  	_ =	shalt  }
0x65: {  	_ =	shalt  }
0x66: {  	_ =	shalt  }
0x67: {  	_ =	shalt  }
0x68: {  	_ =	shalt  }
0x69: {  	_ =	shalt  }
0x6a: {  	_ =	shalt  }
0x6b: {  	_ =	shalt  }
0x6c: {  	_ =	shalt  }
0x6d: {  	_ =	shalt  }
0x6e: {  	_ =	shalt  }
0x6f: {  	_ =	shalt  }
0x70: {  	_ =	shalt  }
0x71: {  	_ =	shalt  }
0x72: {  	_ =	shalt  }
0x73: {  	_ =	shalt  }
0x74: {  	_ =	shalt  }
0x75: {  	_ =	shalt  }
0x76: {  	_ =	shalt  }
0x77: {  	_ =	shalt  }
0x78: {  	_ =	shalt  }
0x79: {  	_ =	shalt  }
0x7a: {  	_ =	shalt  }
0x7b: {  	_ =	shalt  }
0x7c: {  	_ =	shalt  }
0x7d: {  	_ =	shalt  }
0x7e: {  	_ =	shalt  }
0x7f: {  	_ =	shalt  }
0x80: {  	_ =	shalt  }
0x81: {  	_ =	shalt  }
0x82: {  	_ =	shalt  }
0x83: {  	_ =	shalt  }
0x84: {  	_ =	shalt  }
0x85: {  	_ =	shalt  }
0x86: {  	_ =	shalt  }
0x87: {  	_ =	shalt  }
.Lfunc_end0:
.L_simem_size_0:
called_computation_lowered:
.L_overlay_start_0:
0x88: {  	s2 =	sld [smem:$0x3FD9]  }
0x89: {  	s3 =	sld [smem:$0x3FFE];
	_ =	sdelay $0x1  }
0x8a: {  	s1 =	srdreg.scid  }
0x8b: {  	s0 =	sand.u32 $0x1, s1  }
0x8c: {  	s14 =	sshll.u32 s0, $0xA;
	s2 =	sadd.s32 s3, s2  }
0x8d: {  	s2 =	sadd.s32 s2, s14  }
0x8e: {  	[smem:$0x3FC4] =	sst s2  }
0x8f: {  	_ = 	snop  }
0x90: {  	s2 =	sld [smem:$0x3FD0];
	_ =	sdelay $0x2  }
0x91: {  	s15 =	simm.s32 $0xA;
	s4 =	simm.s32 $0x10  }
0x92: {  	[smem:s4], [sflag:s15] =	dma.local [hbm:s2], $0x1  }
0x93: {  	_ =	swait.eq [sflag:s15], $0x1  }
0x94: {  	[sflag:s15] =	ssyncset.done $0x0  }
0x95: {  	s16 =	sld [smem:$0x10];
	[sflag:s15] =	ssyncadd.s32 $0xFFFFFFFF  }
0x96: {  	s17 =	sld [smem:$0x11];
	(tm) =	ssettm $0x1  }
0x97: {  	s18 =	sld [smem:$0x3FFB];
	_ =	sdelay $0x3  }
0x98: {  	_ =	strace s18  }
0x99: {  	s4 =	sld [smem:$0x3FFC];
	_ =	sdelay $0x3  }
0x9a: {  	_ =	strace s4  }
0x9b: {  	s4 =	sld [smem:$0x3FFD];
	_ =	sdelay $0x3  }
0x9c: {  	_ =	strace s4  }
0x9d: {  	_ =	strace $0x8FFFFFFF  }
0x9e: {  	s19 =	sld [smem:$0x3FDB];
	_ =	sdelay $0x1  }
0x9f: {  	s5 =	simm.s32 $_scs_section_size  }
0xa0: {  	s6 =	simm.s32 $_size__tile_overlayer_lowered;
	s7 =	simm.s32 $_tile_overlayer_lowered  }
0xa1: {  	s22 =	simm.s32 $0x1BFF;
	s21 =	sshll.u32 s7, $0x1;
	s4 =	sadd.s32 s5, s19  }
0xa2: {  	s8 =	simm.s32 $0x0;
	s20 =	sshll.u32 s6, $0x1;
	s6 =	sadd.s32 s21, s4  }
0xa3: {  	[timem:s8], [sflag:s22] =	dma.local [hbm:s6], s20  }
0xa4: {  	_ =	swait.ge [sflag:s22], s20  }
0xa5: {  	s5 =	ssub.s32 $0x0, s20;
	[sflag:s22] =	ssyncset.done $0x0  }
0xa6: {  	[sflag:s22] =	ssyncadd.s32 s5;
	_ =	sdelay $0x1  }
0xa7: {  	s23 =	simm.s32 $0x1B8B  }
0xa8: {  	_ =	swait.ge [sflag:s23], $0x1  }
0xa9: {  	[sflag:s23] =	ssyncset.done $0x0  }
0xaa: {  	s25 =	simm.s32 $0x1B8E;
	s24 =	sld [smem:$0x3FFE];
	[sflag:s23] =	ssyncadd.s32 $0xFFFFFFFF  }
0xab: {  	s26 =	simm.s32 $execute0_lowered;
	[smem:$0x3FD2] =	sst s25  }
0xac: {  	s6 =	sshll.u32 s26, $0x1;
	_ =	strace $0x80000046;
	[dreg:$0x1] =	wrdreg $0xFFFFFFFF  }
0xad: {  	s28 =	simm.s32 $_size_execute0_lowered;
	s4 =	sadd.s32 s4, s6;
	[dreg:$0x0] =	wrdreg $0x0  }
0xae: {  	s6 =	sshll.u32 s28, $0x1;
	[dreg:$0x2] =	wrdreg s4  }
0xaf: {  	[dreg:$0x3] =	wrdreg s6  }
0xb0: {  	[dreg:$0x4] =	wrdreg $0xC0  }
0xb1: {  	_ =	task [dreg:s8], $0x5FFFF  }
0xb2: {  	[dreg:$0x1] =	wrdreg $0xFFFFFFFF  }
0xb3: {  	[dreg:$0x0] =	wrdreg $0x60  }
0xb4: {  	[dreg:$0x2] =	wrdreg s17  }
0xb5: {  	[dreg:$0x3] =	wrdreg s16  }
0xb6: {  	[dreg:$0x4] =	wrdreg s24  }
0xb7: {  	[dreg:$0x5] =	wrdreg $0x9  }
0xb8: {  	_ =	task.clear_ibuf [dreg:s8], $0x6FFFF;
	_ =	strace $0x90000046  }
0xb9: {  	s29 =	simm.s32 $0x9;
	_ =	strace $0x80000048  }
0xba: {  	_ =	swait.ge [sflag:s29], $0x1  }
0xbb: {  	[sflag:s29] =	ssyncadd.s32 $0xFFFFFFFF  }
0xbc: {  	_ =	strace $0x90000048  }
0xbd: {  	_ =	sfence  }
0xbe: {  	s30 =	sld [smem:$0x0];
	_ =	sdelay $0x2  }
0xbf: {  	s31 =	sshll.u32 s1, $0xD;
	s1 =	sshrl.u32 s1, $0x2  }
0xc0: {  	s3 =	sand.u32 $0x4000, s31;
	s1 =	sadd.s32 s1, s30  }
0xc1: {  	s0 =	sor.u32 s3, s0;
	s1 =	sshll.u32 s1, $0x11  }
0xc2: {  	s0 =	sor.u32 s1, s0  }
0xc3: {  	s0 =	sadd.s32 $0x8F2B, s0  }
0xc4: {  	[sflag:s0] =	ssyncadd.remote.s32 $0x1  }
0xc5: {  	_ =	sfence.sel $0xFFFF  }
0xc6: {  	[dreg:$0x0] =	wrdreg $0xFFFFFFFF;
	(pc) =	sbr.abs _section_cstart, $3  }
0xc7: {  	[dreg:$0x1] =	wrdreg $0xFFFFFFFF  }
0xc8: {  	_ =	task.clear_ibuf [dreg:s8], $0x2FFFF;
	_ =	strace $0x9FFFFFFF  }
0xc9: {  	(tm) =	ssettm $0x7FFFFFFF  }
tec
execute0_lowered:
.L_overlay_start_1:
0x0: {  	(tag) =	ssettag $0x1  }
0x1: {  	s7 =	rddreg [dreg:$0x0]  }
0x2: {  	s2 =	rddreg [dreg:$0x1]  }
0x3: {  	s4 =	rddreg [dreg:$0x2]  }
0x4: {  	s0 =	rddreg [dreg:$0x3]  }
0x5: {  	s1 =	stileid.u32;
	s6 =	srdreg.scid  }
0x6: {  	s3 =	simm.s32 $0x0;
	s11 =	simm.s32 $0x2400;
	s12 =	simm.s32 $0x100  }
0x7: {  	s13 =	simm.s32 $0x4400;
	s14 =	simm.s32 $0x180;
	s15 =	simm.s32 $0x6400  }
0x8: {  	s16 =	simm.s32 $0x200;
	s17 =	simm.s32 $0x8400;
	s18 =	simm.s32 $0x280  }
0x9: {  	s19 =	simm.s32 $0xA400;
	s20 =	simm.s32 $0x300;
	s21 =	simm.s32 $0xC400  }
0xa: {  	s22 =	simm.s32 $0x380;
	s23 =	simm.s32 $0xE400;
	s5 =	smul.u32 $0x64000, s1  }
0xb: {  	s24 =	simm.s32 $0x10400;
	s6 =	sand.u32 $0x1, s6;
	s8 =	smul.u32 $0xC800, s1  }
0xc: {  	s25 =	simm.s32 $0x1;
	s26 =	simm.s32 $0x0;
	s9 =	smul.u32 $0x6400, s6  }
0xd: {  	[smem:$0x7FF] =	sst s3;
	s10 =	ssub.s32 $0x2, s6;
	s6 =	smul.u32 $0x32000, s6  }
0xe: {  	_ =	strace $0x80000047;
	s5 =	sadd.s32 s5, s4;
	s30 =	sshrl.u32 s10, $0x1  }
0xf: {  	s8 =	sadd.s32 s9, s8;
	s9 =	ssub.s32 s10, s30;
	s5 =	sadd.s32 s6, s5  }
0x10: {  	s10 =	simm.s32 $0x400;
	s8 =	sshrl.u32 s8, $0x3;
	s5 =	sadd.s32 $0x2800, s5  }
0x11: {  	s31 =	sadd.s32 s8, s4;
	s4 =	smax.u32 s9, $0x1;
	s7 =	sadd.s32 s8, s7  }
0x12: {  	s8 =	simm.s32 $0x2;
	s9 =	simm.s32 $0x80;
	s6 =	sadd.s32 $0x642800, s31  }
.LBB2_1:
0x13: {  	s28 =	smov.u32 s5;
	s29 =	simm.s32 $0x0  }
.LBB2_2:
0x14: {  	s30 =	sadd.s32 s29, s7  }
0x15: {  	[tilespmem:s3], [sflag:$0x2] =	stream.linear.gather [hbm4b:s30+s3], $0x400, $0x38;
	[tilespmem:$0x10800] =	vst v63  }
0x16: {  	_ =	swait.ge [sflag:s8], $0x400  }
0x17: {  	[sflag:s8] =	ssyncset.done $0x0  }
0x18: {  	[sflag:s8] =	ssyncadd.s32 $0xFFFFFC00  }
0x19: {  	[tilespmem:s10], [sflag:$0x1] =	stream.indirect.gather [hbm4b:s2+s9], $0x40, s3, s9, $0xb8;
	[tilespmem:$0x10800] =	vst v63  }
0x1a: {  	_ = 	snop  }
0x1b: {  	[tilespmem:s11], [sflag:$0x1] =	stream.indirect.gather [hbm4b:s2+s9], $0x40, s9, s9, $0xb8;
	[tilespmem:$0x10800] =	vst v63  }
0x1c: {  	_ = 	snop  }
0x1d: {  	[tilespmem:s13], [sflag:$0x1] =	stream.indirect.gather [hbm4b:s2+s9], $0x40, s12, s9, $0xb8;
	[tilespmem:$0x10800] =	vst v63  }
0x1e: {  	_ = 	snop  }
0x1f: {  	[tilespmem:s15], [sflag:$0x1] =	stream.indirect.gather [hbm4b:s2+s9], $0x40, s14, s9, $0xb8;
	[tilespmem:$0x10800] =	vst v63  }
0x20: {  	_ = 	snop  }
0x21: {  	[tilespmem:s17], [sflag:$0x1] =	stream.indirect.gather [hbm4b:s2+s9], $0x40, s16, s9, $0xb8;
	[tilespmem:$0x10800] =	vst v63  }
0x22: {  	_ = 	snop  }
0x23: {  	[tilespmem:s19], [sflag:$0x1] =	stream.indirect.gather [hbm4b:s2+s9], $0x40, s18, s9, $0xb8;
	[tilespmem:$0x10800] =	vst v63  }
0x24: {  	_ = 	snop  }
0x25: {  	[tilespmem:s21], [sflag:$0x1] =	stream.indirect.gather [hbm4b:s2+s9], $0x40, s20, s9, $0xb8;
	[tilespmem:$0x10800] =	vst v63  }
0x26: {  	_ = 	snop  }
0x27: {  	[tilespmem:s23], [sflag:$0x1] =	stream.indirect.gather [hbm4b:s2+s9], $0x40, s22, s9, $0xb8;
	[tilespmem:$0x10800] =	vst v63  }
0x28: {  	v0 =	vld [tilespmem:$0x0]  }
0x29: {  	v1 =	vld [tilespmem:$0x10]  }
0x2a: {  	v2 =	vld [tilespmem:$0x20]  }
0x2b: {  	v3 =	vld [tilespmem:$0x30]  }
0x2c: {  	v4 =	vld [tilespmem:$0x40]  }
0x2d: {  	v5 =	vld [tilespmem:$0x50];
	vm0 =	vlt.s32 v0, $0x1  }
0x2e: {  	v6 =	vld [tilespmem:$0x60];
	vm13 =	vlt.s32 v1, $0x1;
	v0 =	vnsel vm0, $0x1, v0  }
0x2f: {  	v57 =	vld [tilespmem:$0x70];
	vm14 =	vlt.s32 v2, $0x1;
	v56 =	vnsel vm13, $0x1, v1;
	[tilespmem:$0x10400] =	vst v0  }
0x30: {  	v59 =	vld [tilespmem:$0x80];
	vm15 =	vlt.s32 v3, $0x1;
	v58 =	vnsel vm14, $0x1, v2;
	[tilespmem:$0x10410] =	vst v56  }
0x31: {  	v61 =	vld [tilespmem:$0x90];
	vm4 =	vlt.s32 v4, $0x1;
	v60 =	vnsel vm15, $0x1, v3;
	[tilespmem:$0x10420] =	vst v58  }
0x32: {  	v63 =	vld [tilespmem:$0xA0];
	vm5 =	vlt.s32 v5, $0x1;
	v62 =	vnsel vm4, $0x1, v4;
	[tilespmem:$0x10430] =	vst v60  }
0x33: {  	v9 =	vld [tilespmem:$0xB0];
	vm6 =	vlt.s32 v6, $0x1;
	v8 =	vnsel vm5, $0x1, v5;
	[tilespmem:$0x10440] =	vst v62  }
0x34: {  	v11 =	vld [tilespmem:$0xC0];
	vm7 =	vlt.s32 v57, $0x1;
	v10 =	vnsel vm6, $0x1, v6;
	[tilespmem:$0x10450] =	vst v8  }
0x35: {  	v13 =	vld [tilespmem:$0xD0];
	vm8 =	vlt.s32 v59, $0x1;
	v12 =	vnsel vm7, $0x1, v57;
	[tilespmem:$0x10460] =	vst v10  }
0x36: {  	v15 =	vld [tilespmem:$0xE0];
	vm9 =	vlt.s32 v61, $0x1;
	v14 =	vnsel vm8, $0x1, v59;
	[tilespmem:$0x10470] =	vst v12  }
0x37: {  	v17 =	vld [tilespmem:$0xF0];
	vm10 =	vlt.s32 v63, $0x1;
	v16 =	vnsel vm9, $0x1, v61;
	[tilespmem:$0x10480] =	vst v14  }
0x38: {  	v19 =	vld [tilespmem:$0x100];
	vm11 =	vlt.s32 v9, $0x1;
	v18 =	vnsel vm10, $0x1, v63;
	[tilespmem:$0x10490] =	vst v16  }
0x39: {  	v21 =	vld [tilespmem:$0x110];
	vm12 =	vlt.s32 v11, $0x1;
	v20 =	vnsel vm11, $0x1, v9;
	[tilespmem:$0x104A0] =	vst v18  }
0x3a: {  	v23 =	vld [tilespmem:$0x120];
	v22 =	vnsel vm12, $0x1, v11;
	vm13 =	vlt.s32 v13, $0x1;
	[tilespmem:$0x104B0] =	vst v20  }
0x3b: {  	v25 =	vld [tilespmem:$0x130];
	vm14 =	vlt.s32 v15, $0x1;
	[tilespmem:$0x104C0] =	vst v22;
	v24 =	vnsel vm13, $0x1, v13  }
0x3c: {  	v27 =	vld [tilespmem:$0x140];
	vm15 =	vlt.s32 v17, $0x1;
	v26 =	vnsel vm14, $0x1, v15;
	[tilespmem:$0x104D0] =	vst v24  }
0x3d: {  	v29 =	vld [tilespmem:$0x150];
	vm4 =	vlt.s32 v19, $0x1;
	v28 =	vnsel vm15, $0x1, v17;
	[tilespmem:$0x104E0] =	vst v26  }
0x3e: {  	v31 =	vld [tilespmem:$0x160];
	vm5 =	vlt.s32 v21, $0x1;
	v30 =	vnsel vm4, $0x1, v19;
	[tilespmem:$0x104F0] =	vst v28  }
0x3f: {  	v33 =	vld [tilespmem:$0x170];
	vm6 =	vlt.s32 v23, $0x1;
	v32 =	vnsel vm5, $0x1, v21;
	[tilespmem:$0x10500] =	vst v30  }
0x40: {  	v35 =	vld [tilespmem:$0x180];
	vm7 =	vlt.s32 v25, $0x1;
	v34 =	vnsel vm6, $0x1, v23;
	[tilespmem:$0x10510] =	vst v32  }
0x41: {  	v37 =	vld [tilespmem:$0x190];
	vm8 =	vlt.s32 v27, $0x1;
	v36 =	vnsel vm7, $0x1, v25;
	[tilespmem:$0x10520] =	vst v34  }
0x42: {  	v39 =	vld [tilespmem:$0x1A0];
	vm9 =	vlt.s32 v29, $0x1;
	v38 =	vnsel vm8, $0x1, v27;
	[tilespmem:$0x10530] =	vst v36  }
0x43: {  	v41 =	vld [tilespmem:$0x1B0];
	vm10 =	vlt.s32 v31, $0x1;
	v40 =	vnsel vm9, $0x1, v29;
	[tilespmem:$0x10540] =	vst v38  }
0x44: {  	v43 =	vld [tilespmem:$0x1C0];
	vm11 =	vlt.s32 v33, $0x1;
	v42 =	vnsel vm10, $0x1, v31;
	[tilespmem:$0x10550] =	vst v40  }
0x45: {  	v45 =	vld [tilespmem:$0x1D0];
	vm12 =	vlt.s32 v35, $0x1;
	v44 =	vnsel vm11, $0x1, v33;
	[tilespmem:$0x10560] =	vst v42  }
0x46: {  	v47 =	vld [tilespmem:$0x1E0];
	v46 =	vnsel vm12, $0x1, v35;
	vm13 =	vlt.s32 v37, $0x1;
	[tilespmem:$0x10570] =	vst v44  }
0x47: {  	v49 =	vld [tilespmem:$0x1F0];
	vm14 =	vlt.s32 v39, $0x1;
	[tilespmem:$0x10580] =	vst v46;
	v48 =	vnsel vm13, $0x1, v37  }
0x48: {  	v51 =	vld [tilespmem:$0x200];
	vm15 =	vlt.s32 v41, $0x1;
	v50 =	vnsel vm14, $0x1, v39;
	[tilespmem:$0x10590] =	vst v48  }
0x49: {  	v53 =	vld [tilespmem:$0x210];
	vm4 =	vlt.s32 v43, $0x1;
	v52 =	vnsel vm15, $0x1, v41;
	[tilespmem:$0x105A0] =	vst v50  }
0x4a: {  	v55 =	vld [tilespmem:$0x220];
	vm5 =	vlt.s32 v45, $0x1;
	v54 =	vnsel vm4, $0x1, v43;
	[tilespmem:$0x105B0] =	vst v52  }
0x4b: {  	v57 =	vld [tilespmem:$0x230];
	vm6 =	vlt.s32 v47, $0x1;
	v56 =	vnsel vm5, $0x1, v45;
	[tilespmem:$0x105C0] =	vst v54  }
0x4c: {  	v59 =	vld [tilespmem:$0x240];
	vm7 =	vlt.s32 v49, $0x1;
	v58 =	vnsel vm6, $0x1, v47;
	[tilespmem:$0x105D0] =	vst v56  }
0x4d: {  	v61 =	vld [tilespmem:$0x250];
	vm8 =	vlt.s32 v51, $0x1;
	v60 =	vnsel vm7, $0x1, v49;
	[tilespmem:$0x105E0] =	vst v58  }
0x4e: {  	v63 =	vld [tilespmem:$0x260];
	vm9 =	vlt.s32 v53, $0x1;
	v62 =	vnsel vm8, $0x1, v51;
	[tilespmem:$0x105F0] =	vst v60  }
0x4f: {  	v9 =	vld [tilespmem:$0x270];
	vm10 =	vlt.s32 v55, $0x1;
	v8 =	vnsel vm9, $0x1, v53;
	[tilespmem:$0x10600] =	vst v62  }
0x50: {  	v11 =	vld [tilespmem:$0x280];
	v10 =	vnsel vm10, $0x1, v55;
	[tilespmem:$0x10610] =	vst v8;
	vm11 =	vlt.s32 v57, $0x1  }
0x51: {  	v13 =	vld [tilespmem:$0x290];
	[tilespmem:$0x10620] =	vst v10;
	vm12 =	vlt.s32 v59, $0x1;
	v12 =	vnsel vm11, $0x1, v57  }
0x52: {  	v15 =	vld [tilespmem:$0x2A0];
	vm13 =	vlt.s32 v61, $0x1;
	v14 =	vnsel vm12, $0x1, v59;
	[tilespmem:$0x10630] =	vst v12  }
0x53: {  	v17 =	vld [tilespmem:$0x2B0];
	vm14 =	vlt.s32 v63, $0x1;
	v16 =	vnsel vm13, $0x1, v61;
	[tilespmem:$0x10640] =	vst v14  }
0x54: {  	v19 =	vld [tilespmem:$0x2C0];
	vm15 =	vlt.s32 v9, $0x1;
	v18 =	vnsel vm14, $0x1, v63;
	[tilespmem:$0x10650] =	vst v16  }
0x55: {  	v21 =	vld [tilespmem:$0x2D0];
	vm4 =	vlt.s32 v11, $0x1;
	v20 =	vnsel vm15, $0x1, v9;
	[tilespmem:$0x10660] =	vst v18  }
0x56: {  	v23 =	vld [tilespmem:$0x2E0];
	v22 =	vnsel vm4, $0x1, v11;
	vm5 =	vlt.s32 v13, $0x1;
	[tilespmem:$0x10670] =	vst v20  }
0x57: {  	v25 =	vld [tilespmem:$0x2F0];
	vm6 =	vlt.s32 v15, $0x1;
	[tilespmem:$0x10680] =	vst v22;
	v24 =	vnsel vm5, $0x1, v13  }
0x58: {  	v27 =	vld [tilespmem:$0x300];
	vm7 =	vlt.s32 v17, $0x1;
	v26 =	vnsel vm6, $0x1, v15;
	[tilespmem:$0x10690] =	vst v24  }
0x59: {  	v29 =	vld [tilespmem:$0x310];
	vm8 =	vlt.s32 v19, $0x1;
	v28 =	vnsel vm7, $0x1, v17;
	[tilespmem:$0x106A0] =	vst v26  }
0x5a: {  	v31 =	vld [tilespmem:$0x320];
	vm9 =	vlt.s32 v21, $0x1;
	v30 =	vnsel vm8, $0x1, v19;
	[tilespmem:$0x106B0] =	vst v28  }
0x5b: {  	v33 =	vld [tilespmem:$0x330];
	vm10 =	vlt.s32 v23, $0x1;
	v32 =	vnsel vm9, $0x1, v21;
	[tilespmem:$0x106C0] =	vst v30  }
0x5c: {  	v35 =	vld [tilespmem:$0x340];
	vm11 =	vlt.s32 v25, $0x1;
	v34 =	vnsel vm10, $0x1, v23;
	[tilespmem:$0x106D0] =	vst v32  }
0x5d: {  	v37 =	vld [tilespmem:$0x350];
	vm12 =	vlt.s32 v27, $0x1;
	v36 =	vnsel vm11, $0x1, v25;
	[tilespmem:$0x106E0] =	vst v34  }
0x5e: {  	v39 =	vld [tilespmem:$0x360];
	vm13 =	vlt.s32 v29, $0x1;
	v38 =	vnsel vm12, $0x1, v27;
	[tilespmem:$0x106F0] =	vst v36  }
0x5f: {  	v41 =	vld [tilespmem:$0x370];
	vm14 =	vlt.s32 v31, $0x1;
	v40 =	vnsel vm13, $0x1, v29;
	[tilespmem:$0x10700] =	vst v38  }
0x60: {  	v43 =	vld [tilespmem:$0x380];
	vm15 =	vlt.s32 v33, $0x1;
	v42 =	vnsel vm14, $0x1, v31;
	[tilespmem:$0x10710] =	vst v40  }
0x61: {  	v45 =	vld [tilespmem:$0x390];
	vm4 =	vlt.s32 v35, $0x1;
	v44 =	vnsel vm15, $0x1, v33;
	[tilespmem:$0x10720] =	vst v42  }
0x62: {  	v47 =	vld [tilespmem:$0x3A0];
	v46 =	vnsel vm4, $0x1, v35;
	vm5 =	vlt.s32 v37, $0x1;
	[tilespmem:$0x10730] =	vst v44  }
0x63: {  	v49 =	vld [tilespmem:$0x3B0];
	vm6 =	vlt.s32 v39, $0x1;
	[tilespmem:$0x10740] =	vst v46;
	v48 =	vnsel vm5, $0x1, v37  }
0x64: {  	v51 =	vld [tilespmem:$0x3C0];
	vm7 =	vlt.s32 v41, $0x1;
	v50 =	vnsel vm6, $0x1, v39;
	[tilespmem:$0x10750] =	vst v48  }
0x65: {  	v53 =	vld [tilespmem:$0x3D0];
	vm8 =	vlt.s32 v43, $0x1;
	v52 =	vnsel vm7, $0x1, v41;
	[tilespmem:$0x10760] =	vst v50  }
0x66: {  	v55 =	vld [tilespmem:$0x3E0];
	vm9 =	vlt.s32 v45, $0x1;
	v54 =	vnsel vm8, $0x1, v43;
	[tilespmem:$0x10770] =	vst v52  }
0x67: {  	v57 =	vld [tilespmem:$0x3F0];
	vm10 =	vlt.s32 v47, $0x1;
	v56 =	vnsel vm9, $0x1, v45;
	[tilespmem:$0x10780] =	vst v54  }
0x68: {  	vm11 =	vlt.s32 v49, $0x1;
	v58 =	vnsel vm10, $0x1, v47;
	[tilespmem:$0x10790] =	vst v56  }
0x69: {  	vm12 =	vlt.s32 v51, $0x1;
	v59 =	vnsel vm11, $0x1, v49;
	[tilespmem:$0x107A0] =	vst v58  }
0x6a: {  	vm13 =	vlt.s32 v53, $0x1;
	v60 =	vnsel vm12, $0x1, v51;
	[tilespmem:$0x107B0] =	vst v59  }
0x6b: {  	vm14 =	vlt.s32 v55, $0x1;
	v61 =	vnsel vm13, $0x1, v53;
	[tilespmem:$0x107C0] =	vst v60  }
0x6c: {  	v62 =	vnsel vm14, $0x1, v55;
	[tilespmem:$0x107D0] =	vst v61;
	vm15 =	vlt.s32 v57, $0x1  }
0x6d: {  	[tilespmem:$0x107E0] =	vst v62;
	v63 =	vnsel vm15, $0x1, v57  }
0x6e: {  	s31 =	sadd.s32 s29, s6;
	[tilespmem:$0x107F0] =	vst v63  }
0x6f: {  	[hbm4b:s31+s3] =	stream.linear.scatter [tilespmem:s24], [sflag:$0x2], $0x400, $0x38;
	[tilespmem:$0x10800] =	vst v63  }
0x70: {  	_ =	swait.ge [sflag:s8], $0x400  }
0x71: {  	[sflag:s8] =	ssyncset.done $0x0  }
0x72: {  	[sflag:s8] =	ssyncadd.s32 $0xFFFFFC00  }
0x73: {  	_ =	swait.ge [sflag:s25], $0x2000  }
0x74: {  	[sflag:s25] =	ssyncset.done $0x0  }
0x75: {  	[sflag:s25] =	ssyncadd.s32 $0xFFFFE000  }
0x76: {  	_ =	swait.ge [sflag:s25], $0x2000  }
0x77: {  	[sflag:s25] =	ssyncset.done $0x0  }
0x78: {  	[sflag:s25] =	ssyncadd.s32 $0xFFFFE000  }
0x79: {  	_ =	swait.ge [sflag:s25], $0x2000  }
0x7a: {  	[sflag:s25] =	ssyncset.done $0x0  }
0x7b: {  	[sflag:s25] =	ssyncadd.s32 $0xFFFFE000  }
0x7c: {  	_ =	swait.ge [sflag:s25], $0x2000  }
0x7d: {  	[sflag:s25] =	ssyncset.done $0x0  }
0x7e: {  	[sflag:s25] =	ssyncadd.s32 $0xFFFFE000  }
0x7f: {  	_ =	swait.ge [sflag:s25], $0x2000  }
0x80: {  	[sflag:s25] =	ssyncset.done $0x0  }
0x81: {  	[sflag:s25] =	ssyncadd.s32 $0xFFFFE000  }
0x82: {  	_ =	swait.ge [sflag:s25], $0x2000  }
0x83: {  	[sflag:s25] =	ssyncset.done $0x0  }
0x84: {  	[sflag:s25] =	ssyncadd.s32 $0xFFFFE000  }
0x85: {  	_ =	swait.ge [sflag:s25], $0x2000  }
0x86: {  	[sflag:s25] =	ssyncset.done $0x0  }
0x87: {  	[sflag:s25] =	ssyncadd.s32 $0xFFFFE000  }
0x88: {  	_ =	swait.ge [sflag:s25], $0x2000  }
0x89: {  	p0 =	sne.s32 s29, $0xC00;
	[sflag:s25] =	ssyncset.done $0x0  }
.Ltmp0:
0x8a: {  	[sflag:s25] =	ssyncadd.s32 $0xFFFFE000;
	(pc) =	sbr.rel @p0 .LBB2_2-.Ltmp0, $4  }
0x8b: {  	[hbm4b:s28+s3] =	stream.linear.scatter [tilespmem:s10], [sflag:$0x2], $0x10000, $0x38;
	[tilespmem:$0x10800] =	vst v63  }
0x8c: {  	_ =	swait.ge [sflag:s8], $0x10000  }
0x8d: {  	[sflag:s8] =	ssyncset.done $0x0  }
0x8e: {  	s29 =	sadd.s32 $0x80, s29;
	s28 =	sadd.s32 $0x2000, s28;
	[sflag:s8] =	ssyncadd.s32 $0xFFFF0000  }
0x8f: {  	s26 =	sadd.s32 $0x1, s26  }
0x90: {  	p0 =	sne.s32 s26, s4  }
.Ltmp1:
0x91: {  	_ = 	snop;
	(pc) =	sbr.rel @p0 .LBB2_1-.Ltmp1, $1  }
0x92: {  	_ =	sdelay $0x3  }
0x93: {  	_ =	sfence.sel $0x180000  }
0x94: {  	[bflag:$0x0] =	sbarrier.arrive $0xFFFF  }
0x95: {  	p0 =	sne.s32 s1, $0x0;
	_ =	strace $0x90000047  }
0x96: {  	s0 =	sadd.s32 @!p0 $0x100000, s0;
	[bflag:$0x2] =	sbarrier.arrive $0xFFFF  }
0x97: {  	[sflag:s0] =	ssyncadd.tile.s32 @!p0 $0x1;
	_ =	shalt  }
.Lfunc_end2:
_tile_overlayer_lowered:
.L_overlay_start_2:
0x98: {  	(tag) =	ssettag $0x2  }
0x99: {  	s0 =	rddreg [dreg:$0x0];
	s2 =	stileid.u32  }
0x9a: {  	s1 =	rddreg [dreg:$0x1];
	p0 =	sne.s32 s2, $0x0  }
0x9b: {  	s3 =	rddreg [dreg:$0x2];
	[bflag:$0x3] =	sbarrier.arrive $0xFFFF;
	s2 =	simm.s32 @!p0 $0x1C02  }
0x9c: {  	[timem:s3], [sflag:s2] =	dma.local @!p0 [hbm:s0], s1  }
0x9d: {  	s0 =	simm.s32 @!p0 $0x2  }
0x9e: {  	_ =	swait.ge @!p0 [sflag:s0], s1  }
0x9f: {  	s1 =	ssub.s32 @!p0 $0x0, s1;
	[sflag:s0] =	ssyncset.done @!p0 $0x0  }
0xa0: {  	[sflag:s0] =	ssyncadd.s32 @!p0 s1  }
0xa1: {  	[bflag:$0x3] =	sbarrier.arrive $0xFFFF  }
0xa2: {  	_ =	shalt  }

</sc_bundles>
